<compile_context>
chip_gen: v7x
topology: tpu7x:2x2x1
jax: 0.10.2.dev20260603
libtpu: 0.0.44.dev20260713+nightly
codegen_flags: <defaults>
</compile_context>

<pallas_src>
import functools

import jax
import jax.numpy as jnp
from jax import lax
from jax.experimental import pallas as pl
from jax.experimental.pallas import tpu as pltpu
from jax.experimental.pallas import tpu_sc as plsc

B, C, H, W = 8, 128, 48, 160
HW = H * W
N = 64
GH, GW = 32, 100
P = GH * GW
GWP = 128
PP = GH * GWP
NC, NS, L = 2, 16, 16
NW = NC * NS
IPW = N // NW
KCH = 4
KPAIR = KCH // 2
CPAIR = C // 2
NCHUNK = C // KCH
NGRP = P // L


def _sc_body(fm_hbm, gxy_hbm, bidx_hbm, out_hbm,
             gxy_v, idx_v, wgt_v, addr_v, bidx_v,
             plane0_v, plane1_v, out0_v, out1_v,
             psem0, psem1, osem0, osem1):
    wid = lax.axis_index("s") * NC + lax.axis_index("c")
    pltpu.sync_copy(bidx_hbm, bidx_v)
    iota = lax.iota(jnp.int32, L)
    himask = jnp.full((L,), -65536, jnp.int32)

    for inst in range(IPW):
        n = wid * IPW + inst
        pltpu.sync_copy(gxy_hbm.at[pl.ds(n * (2 * P), 2 * P)], gxy_v)

        base = (n // L) * L
        bwin = bidx_v[pl.ds(base, L)]
        b = jnp.sum(jnp.where(iota == n - base, bwin, 0))

        def start_plane(c0, plane_ref, sem):
            return pltpu.async_copy(
                fm_hbm.at[pl.ds(b * CPAIR + c0 * KPAIR, KPAIR)], plane_ref, sem)

        start_plane(0, plane0_v, psem0)
        start_plane(1, plane1_v, psem1)

        @plsc.parallel_loop(0, NGRP, unroll=2)
        def ph1(g):
            s = pl.ds(g * L, L)
            gi = g * (2 * L) + iota * 2
            x = plsc.load_gather(gxy_v, [gi])
            y = plsc.load_gather(gxy_v, [gi + 1])
            ix = (x + 1.0) * (W * 0.5) - 0.5
            iy = (y + 1.0) * (H * 0.5) - 0.5
            tx = ix.astype(jnp.int32)
            ty = iy.astype(jnp.int32)
            ix0 = tx - (ix < tx.astype(jnp.float32)).astype(jnp.int32)
            iy0 = ty - (iy < ty.astype(jnp.float32)).astype(jnp.int32)
            wx1 = ix - ix0.astype(jnp.float32)
            wx0 = 1.0 - wx1
            wy1 = iy - iy0.astype(jnp.float32)
            wy0 = 1.0 - wy1
            ix1 = ix0 + 1
            iy1 = iy0 + 1
            vx0 = (ix0 >= 0) & (ix0 <= W - 1)
            vx1 = (ix1 >= 0) & (ix1 <= W - 1)
            vy0 = (iy0 >= 0) & (iy0 <= H - 1)
            vy1 = (iy1 >= 0) & (iy1 <= H - 1)
            cx0 = jnp.clip(ix0, 0, W - 1)
            cx1 = jnp.clip(ix1, 0, W - 1)
            cy0 = jnp.clip(iy0, 0, H - 1)
            cy1 = jnp.clip(iy1, 0, H - 1)
            zero = jnp.zeros((L,), jnp.float32)
            idx_v[0, s] = cy0 * W + cx0
            idx_v[1, s] = cy0 * W + cx1
            idx_v[2, s] = cy1 * W + cx0
            idx_v[3, s] = cy1 * W + cx1
            wgt_v[0, s] = jnp.where(vx0 & vy0, wx0 * wy0, zero)
            wgt_v[1, s] = jnp.where(vx1 & vy0, wx1 * wy0, zero)
            wgt_v[2, s] = jnp.where(vx0 & vy1, wx0 * wy1, zero)
            wgt_v[3, s] = jnp.where(vx1 & vy1, wx1 * wy1, zero)
            p = g * L + iota
            hh = (p * 20972) >> 21
            addr_v[0, s] = hh
            addr_v[1, s] = p - hh * GW

        def wait_plane(plane_ref, sem):
            pltpu.make_async_copy(
                fm_hbm.at[pl.ds(0, KPAIR)], plane_ref, sem).wait()

        def process(plane_ref, out_ref):
            @plsc.parallel_loop(0, NGRP, unroll=2)
            def grp(g):
                s = pl.ds(g * L, L)
                i0 = idx_v[0, s]
                i1 = idx_v[1, s]
                i2 = idx_v[2, s]
                i3 = idx_v[3, s]
                w0 = wgt_v[0, s]
                w1 = wgt_v[1, s]
                w2 = wgt_v[2, s]
                w3 = wgt_v[3, s]
                oh = addr_v[0, s]
                ow = addr_v[1, s]
                for k in range(KPAIR):
                    kk = jnp.full((L,), k, jnp.int32)
                    q0 = plsc.load_gather(plane_ref, [kk, i0])
                    q1 = plsc.load_gather(plane_ref, [kk, i1])
                    q2 = plsc.load_gather(plane_ref, [kk, i2])
                    q3 = plsc.load_gather(plane_ref, [kk, i3])
                    lo0 = plsc.bitcast(q0 << 16, jnp.float32)
                    lo1 = plsc.bitcast(q1 << 16, jnp.float32)
                    lo2 = plsc.bitcast(q2 << 16, jnp.float32)
                    lo3 = plsc.bitcast(q3 << 16, jnp.float32)
                    hi0 = plsc.bitcast(q0 & himask, jnp.float32)
                    hi1 = plsc.bitcast(q1 & himask, jnp.float32)
                    hi2 = plsc.bitcast(q2 & himask, jnp.float32)
                    hi3 = plsc.bitcast(q3 & himask, jnp.float32)
                    acc_lo = lo0 * w0 + lo1 * w1 + lo2 * w2 + lo3 * w3
                    acc_hi = hi0 * w0 + hi1 * w1 + hi2 * w2 + hi3 * w3
                    plsc.store_scatter(
                        out_ref, [jnp.full((L,), k, jnp.int32), oh, ow],
                        acc_lo)
                    plsc.store_scatter(
                        out_ref, [jnp.full((L,), KPAIR + k, jnp.int32), oh, ow],
                        acc_hi)

        def start_out(c0, out_ref, sem):
            pltpu.async_copy(
                out_ref.at[pl.ds(0, KPAIR)],
                out_hbm.at[n].at[pl.ds(c0 * KPAIR, KPAIR)], sem)
            pltpu.async_copy(
                out_ref.at[pl.ds(KPAIR, KPAIR)],
                out_hbm.at[n].at[pl.ds(CPAIR + c0 * KPAIR, KPAIR)], sem)

        def wait_out(out_ref, sem):
            pltpu.make_async_copy(
                out_ref.at[pl.ds(0, KPAIR)],
                out_hbm.at[0].at[pl.ds(0, KPAIR)], sem).wait()
            pltpu.make_async_copy(
                out_ref.at[pl.ds(0, KPAIR)],
                out_hbm.at[0].at[pl.ds(0, KPAIR)], sem).wait()

        def chunk_pair(cc2, _):
            c0 = cc2 * 2
            c1 = c0 + 1

            @pl.when(cc2 > 0)
            def _():
                start_plane(c1, plane1_v, psem1)

            wait_plane(plane0_v, psem0)

            @pl.when(cc2 > 0)
            def _():
                wait_out(out0_v, osem0)

            process(plane0_v, out0_v)
            start_out(c0, out0_v, osem0)

            @pl.when(cc2 < NCHUNK // 2 - 1)
            def _():
                start_plane(c0 + 2, plane0_v, psem0)

            wait_plane(plane1_v, psem1)

            @pl.when(cc2 > 0)
            def _():
                wait_out(out1_v, osem1)

            process(plane1_v, out1_v)
            start_out(c1, out1_v, osem1)
            return 0

        lax.fori_loop(0, NCHUNK // 2, chunk_pair, 0)
        wait_out(out0_v, osem0)
        wait_out(out1_v, osem1)


@jax.jit
def _tps_align_sc(fmp, gxy, batch_idx):
    mesh = plsc.VectorSubcoreMesh(core_axis_name="c", subcore_axis_name="s")
    f = functools.partial(
        pl.kernel,
        out_type=jax.ShapeDtypeStruct((N, C, GH, GWP), jnp.float32),
        mesh=mesh,
        compiler_params=pltpu.CompilerParams(needs_layout_passes=False),
        scratch_types=[
            pltpu.VMEM((2 * P,), jnp.float32),
            pltpu.VMEM((4, P), jnp.int32),
            pltpu.VMEM((4, P), jnp.float32),
            pltpu.VMEM((2, P), jnp.int32),
            pltpu.VMEM((N,), jnp.int32),
            pltpu.VMEM((KPAIR, HW), jnp.int32),
            pltpu.VMEM((KPAIR, HW), jnp.int32),
            pltpu.VMEM((KCH, GH, GWP), jnp.float32),
            pltpu.VMEM((KCH, GH, GWP), jnp.float32),
            pltpu.SemaphoreType.DMA,
            pltpu.SemaphoreType.DMA,
            pltpu.SemaphoreType.DMA,
            pltpu.SemaphoreType.DMA,
        ],
    )(_sc_body)
    return f(fmp, gxy, batch_idx)


def kernel(feature_map, grids, batch_idx, texts):
    grids = jax.lax.stop_gradient(grids)
    fmi = lax.bitcast_convert_type(feature_map, jnp.uint32)
    ev = fmi[:, :CPAIR]
    od = fmi[:, CPAIR:]

    def rne(u):
        return (u + jnp.uint32(0x7FFF) + ((u >> 16) & jnp.uint32(1))) >> 16

    packed = (rne(od) << 16) | rne(ev)
    fmp = lax.bitcast_convert_type(packed, jnp.int32).reshape(B * CPAIR, HW)
    gxy = grids.reshape(N * P * 2)
    outp = _tps_align_sc(fmp, gxy, batch_idx)
    feats = outp[:, :, :, :GW]
    return (feats, texts)

# --- scband reference (transcript-rebuilt; emitter-appended) ---
"""Pipeline reference for scband-tpsalign-4922032521570 (READ-ONLY COPY).

The authoritative reference and input builder live on the scoring server;
editing this copy changes nothing except your own understanding.
"""

import jax, jax.numpy as jnp
import numpy as np

GRID_H, GRID_W = 32, 100


def setup_inputs(seed: int = 0) -> dict:
    key = jax.random.key(seed)
    k1, k2, k3, k4 = jax.random.split(key, 4)
    B, C, H, W = 8, 128, 48, 160
    N = 64
    feature_map = jax.random.normal(k1, (B, C, H, W), dtype=jnp.float32)
    grids = jax.random.uniform(k2, (N, GRID_H, GRID_W, 2), minval=-1.0, maxval=1.0, dtype=jnp.float32)
    batch_idx = jax.random.randint(k3, (N,), 0, B, dtype=jnp.int32)
    texts = jax.random.randint(k4, (N, 25), 0, 96, dtype=jnp.int32)
    return {"feature_map": feature_map, "grids": grids, "batch_idx": batch_idx, "texts": texts}


def _grid_sample_bilinear(img, grid):
    # img: [N, C, H, W]; grid: [N, Hg, Wg, 2] in [-1, 1]; align_corners=False, zero padding
    N, C, H, W = img.shape
    x = grid[..., 0]
    y = grid[..., 1]
    ix = ((x + 1.0) * W - 1.0) / 2.0
    iy = ((y + 1.0) * H - 1.0) / 2.0
    ix0 = jnp.floor(ix)
    iy0 = jnp.floor(iy)
    ix1 = ix0 + 1.0
    iy1 = iy0 + 1.0
    wx1 = ix - ix0
    wx0 = 1.0 - wx1
    wy1 = iy - iy0
    wy0 = 1.0 - wy1

    def gather(ixi, iyi):
        valid = ((ixi >= 0) & (ixi <= W - 1) & (iyi >= 0) & (iyi <= H - 1)).astype(img.dtype)
        ixc = jnp.clip(ixi, 0, W - 1).astype(jnp.int32)
        iyc = jnp.clip(iyi, 0, H - 1).astype(jnp.int32)
        vals = jax.vmap(lambda im, yy, xx: im[:, yy, xx])(img, iyc, ixc)  # [N, C, Hg, Wg]
        return vals * valid[:, None, :, :]

    v00 = gather(ix0, iy0)
    v01 = gather(ix1, iy0)
    v10 = gather(ix0, iy1)
    v11 = gather(ix1, iy1)
    out = (v00 * (wx0 * wy0)[:, None, :, :]
           + v01 * (wx1 * wy0)[:, None, :, :]
           + v10 * (wx0 * wy1)[:, None, :, :]
           + v11 * (wx1 * wy1)[:, None, :, :])
    return out


def reference(feature_map, grids, batch_idx, texts):
    # grids.detach() in torch -> stop_gradient
    grids = jax.lax.stop_gradient(grids)
    g = grids.reshape(-1, GRID_H, GRID_W, 2)
    # grid_sample_batch: per-instance sample from feature_map[batch_idx]
    img = jnp.take(feature_map, batch_idx, axis=0)
    feats = _grid_sample_bilinear(img, g)
    aligned_texts = texts
    return (feats, aligned_texts)

if __name__ == "__main__":
    import jax
    _d = setup_inputs()
    print(jax.jit(kernel)(*tuple(_d.values())))

</pallas_src>

<mosaic_0001>
#map = affine_map<(d0, d1) -> (0, 0)>
#map1 = affine_map<(d0, d1) -> (0)>
#map2 = affine_map<(d0, d1) -> (0, 0, 0, 0)>
module attributes {stable_mosaic.version = 14 : i64} {
  func.func @_sc_body(%arg0: i32, %arg1: i32, %arg2: memref<512x7680xi32, #tpu.memory_space<hbm>>, %arg3: memref<409600xf32, #tpu.memory_space<hbm>>, %arg4: memref<64xi32, #tpu.memory_space<hbm>>, %arg5: memref<64x128x32x128xf32, #tpu.memory_space<hbm>>, %arg6: memref<6400xf32, #tpu.memory_space<vmem>>, %arg7: memref<4x3200xi32, #tpu.memory_space<vmem>>, %arg8: memref<4x3200xf32, #tpu.memory_space<vmem>>, %arg9: memref<2x3200xi32, #tpu.memory_space<vmem>>, %arg10: memref<64xi32, #tpu.memory_space<vmem>>, %arg11: memref<2x7680xi32, #tpu.memory_space<vmem>>, %arg12: memref<2x7680xi32, #tpu.memory_space<vmem>>, %arg13: memref<4x32x128xf32, #tpu.memory_space<vmem>>, %arg14: memref<4x32x128xf32, #tpu.memory_space<vmem>>, %arg15: memref<!tpu.dma_semaphore, #tpu.memory_space<semaphore_mem>>, %arg16: memref<!tpu.dma_semaphore, #tpu.memory_space<semaphore_mem>>, %arg17: memref<!tpu.dma_semaphore, #tpu.memory_space<semaphore_mem>>, %arg18: memref<!tpu.dma_semaphore, #tpu.memory_space<semaphore_mem>>) attributes {dimension_semantics = [#tpu.dimension_semantics<core_parallel>, #tpu.dimension_semantics<subcore_parallel>], iteration_bounds = array<i64: 2, 16>, scalar_prefetch = 0 : i64, scratch_operands = 13 : i64, tpu.core_type = #tpu.core_type<sc_vector_subcore>, window_params = [{transform_indices = #map}, {transform_indices = #map1}, {transform_indices = #map1}, {transform_indices = #map2}]} {
    %mul3A = arith.constant 2 : i32
    %mul3A_0 = arith.muli %arg1, %mul3A : i32
    %add3A = arith.addi %mul3A_0, %arg0 : i32
    "tpu.region"() ({
      %run_scoped3A = tpu.sem_alloc : memref<!tpu.dma_semaphore, #tpu.memory_space<semaphore_mem>>
      tpu.enqueue_dma source(%arg4 : memref<64xi32, #tpu.memory_space<hbm>>) target(%arg10 : memref<64xi32, #tpu.memory_space<vmem>>) target_semaphore(%run_scoped3A : memref<!tpu.dma_semaphore, #tpu.memory_space<semaphore_mem>>)
      tpu.wait_dma2 semaphore(%run_scoped3A : memref<!tpu.dma_semaphore, #tpu.memory_space<semaphore_mem>>) src(%arg4 : memref<64xi32, #tpu.memory_space<hbm>>) dst(%arg10 : memref<64xi32, #tpu.memory_space<vmem>>)
      tpu.yield
    }) : () -> ()
    %iota3A = tpu.iota {dimensions = array<i32: 0>} : vector<16xi32>
    %broadcast_in_dim3A = arith.constant -65536 : i32
    %broadcast_in_dim3A_1 = vector.broadcast %broadcast_in_dim3A : i32 to vector<16xi32>
    %mul3A_2 = arith.constant 2 : i32
    %mul3A_3 = arith.muli %add3A, %mul3A_2 : i32
    %add3A_4 = arith.constant 0 : i32
    %add3A_5 = arith.addi %mul3A_3, %add3A_4 : i32
    %mul3A_6 = arith.constant 6400 : i32
    %mul3A_7 = arith.muli %add3A_5, %mul3A_6 : i32
    "tpu.region"() ({
      %run_scoped3A = tpu.sem_alloc : memref<!tpu.dma_semaphore, #tpu.memory_space<semaphore_mem>>
      %dma_start3A_343 = tpu.memref_slice %arg3[%mul3A_7] : memref<409600xf32, #tpu.memory_space<hbm>> -> memref<6400xf32, #tpu.memory_space<hbm>>
      %dma_start3A_344 = tpu.memref_slice %arg3[%mul3A_7] : memref<409600xf32, #tpu.memory_space<hbm>> -> memref<6400xf32, #tpu.memory_space<hbm>>
      tpu.enqueue_dma source(%dma_start3A_344 : memref<6400xf32, #tpu.memory_space<hbm>>) target(%arg6 : memref<6400xf32, #tpu.memory_space<vmem>>) target_semaphore(%run_scoped3A : memref<!tpu.dma_semaphore, #tpu.memory_space<semaphore_mem>>)
      %dma_wait3A_345 = tpu.memref_slice %arg3[%mul3A_7] : memref<409600xf32, #tpu.memory_space<hbm>> -> memref<6400xf32, #tpu.memory_space<hbm>>
      %dma_wait3A_346 = tpu.memref_slice %arg3[%mul3A_7] : memref<409600xf32, #tpu.memory_space<hbm>> -> memref<6400xf32, #tpu.memory_space<hbm>>
      tpu.wait_dma2 semaphore(%run_scoped3A : memref<!tpu.dma_semaphore, #tpu.memory_space<semaphore_mem>>) src(%dma_wait3A_346 : memref<6400xf32, #tpu.memory_space<hbm>>) dst(%arg6 : memref<6400xf32, #tpu.memory_space<vmem>>)
      tpu.yield
    }) : () -> ()
    %jit3A = arith.constant 16 : i32
    %div3A = arith.divsi %add3A_5, %jit3A : i32
    %sign3A = arith.constant 0 : i32
    %sign3A_8 = arith.cmpi sgt, %add3A_5, %sign3A : i32
    %sign3A_9 = arith.extui %sign3A_8 : i1 to i32
    %sign3A_10 = arith.constant 0 : i32
    %sign3A_11 = arith.cmpi slt, %add3A_5, %sign3A_10 : i32
    %sign3A_12 = arith.extui %sign3A_11 : i1 to i32
    %sign3A_13 = arith.subi %sign3A_9, %sign3A_12 : i32
    %sign3A_14 = arith.constant 0 : i32
    %sign3A_15 = arith.cmpi sgt, %jit3A, %sign3A_14 : i32
    %sign3A_16 = arith.extui %sign3A_15 : i1 to i32
    %sign3A_17 = arith.constant 0 : i32
    %sign3A_18 = arith.cmpi slt, %jit3A, %sign3A_17 : i32
    %sign3A_19 = arith.extui %sign3A_18 : i1 to i32
    %sign3A_20 = arith.subi %sign3A_16, %sign3A_19 : i32
    %ne3A = arith.cmpi ne, %sign3A_13, %sign3A_20 : i32
    %rem3A = arith.remsi %add3A_5, %jit3A : i32
    %ne3A_21 = arith.constant 0 : i32
    %ne3A_22 = arith.cmpi ne, %rem3A, %ne3A_21 : i32
    %and3A = arith.andi %ne3A, %ne3A_22 : i1
    %sub3A = arith.constant 1 : i32
    %sub3A_23 = arith.subi %div3A, %sub3A : i32
    %select_n3A = arith.select %and3A, %sub3A_23, %div3A : i32
    %mul3A_24 = arith.constant 16 : i32
    %mul3A_25 = arith.muli %select_n3A, %mul3A_24 : i32
    %get3A = arith.index_cast %mul3A_25 : i32 to index
    %get3A_26 = tpu.vector_load %arg10[%get3A] {strides = array<i32>} : memref<64xi32, #tpu.memory_space<vmem>>, vector<16xi32>,
    %sub3A_27 = arith.subi %add3A_5, %mul3A_25 : i32
    %eq3A = vector.broadcast %sub3A_27 : i32 to vector<16xi32>
    %eq3A_28 = arith.cmpi eq, %iota3A, %eq3A : vector<16xi32>
    %jit3A_29 = arith.constant 0 : i32
    %broadcast_in_dim3A_30 = vector.broadcast %jit3A_29 : i32 to vector<16xi32>
    %select_n3A_31 = arith.select %eq3A_28, %get3A_26, %broadcast_in_dim3A_30 : vector<16xi1>, vector<16xi32>
    %reduce_sum3A = arith.constant true
    %reduce_sum3A_32 = vector.broadcast %reduce_sum3A : i1 to vector<16xi1>
    %reduce_sum3A_33 = tpu.scan <sum>, %select_n3A_31 masked %reduce_sum3A_32 : vector<16xi32>, vector<16xi1> -> vector<16xi32>
    %reduce_sum3A_34 = vector.extract %reduce_sum3A_33[15] : i32 from vector<16xi32>
    %mul3A_35 = arith.constant 64 : i32
    %mul3A_36 = arith.muli %reduce_sum3A_34, %mul3A_35 : i32
    %add3A_37 = arith.constant 0 : i32
    %add3A_38 = arith.addi %mul3A_36, %add3A_37 : i32
    %dma_start3A = arith.constant 0 : i32
    %dma_start3A_39 = tpu.memref_slice %arg2[%add3A_38, %dma_start3A] : memref<512x7680xi32, #tpu.memory_space<hbm>> -> memref<2x7680xi32, #tpu.memory_space<hbm>>
    %dma_start3A_40 = arith.constant 0 : i32
    %dma_start3A_41 = tpu.memref_slice %arg2[%add3A_38, %dma_start3A_40] : memref<512x7680xi32, #tpu.memory_space<hbm>> -> memref<2x7680xi32, #tpu.memory_space<hbm>>
    tpu.enqueue_dma source(%dma_start3A_41 : memref<2x7680xi32, #tpu.memory_space<hbm>>) target(%arg11 : memref<2x7680xi32, #tpu.memory_space<vmem>>) target_semaphore(%arg15 : memref<!tpu.dma_semaphore, #tpu.memory_space<semaphore_mem>>)
    %mul3A_42 = arith.constant 64 : i32
    %mul3A_43 = arith.muli %reduce_sum3A_34, %mul3A_42 : i32
    %add3A_44 = arith.constant 2 : i32
    %add3A_45 = arith.addi %mul3A_43, %add3A_44 : i32
    %dma_start3A_46 = arith.constant 0 : i32
    %dma_start3A_47 = tpu.memref_slice %arg2[%add3A_45, %dma_start3A_46] : memref<512x7680xi32, #tpu.memory_space<hbm>> -> memref<2x7680xi32, #tpu.memory_space<hbm>>
    %dma_start3A_48 = arith.constant 0 : i32
    %dma_start3A_49 = tpu.memref_slice %arg2[%add3A_45, %dma_start3A_48] : memref<512x7680xi32, #tpu.memory_space<hbm>> -> memref<2x7680xi32, #tpu.memory_space<hbm>>
    tpu.enqueue_dma source(%dma_start3A_49 : memref<2x7680xi32, #tpu.memory_space<hbm>>) target(%arg12 : memref<2x7680xi32, #tpu.memory_space<vmem>>) target_semaphore(%arg16 : memref<!tpu.dma_semaphore, #tpu.memory_space<semaphore_mem>>)
    %parallel_loop3A = arith.constant 0 : i32
    %parallel_loop3A_50 = arith.constant 200 : i32
    %parallel_loop3A_51 = arith.constant 1 : i32
    scf.for %parallel_loop3A_343 = %parallel_loop3A to %parallel_loop3A_50 step %parallel_loop3A_51  : i32 {
      %parallel_loop3A_344 = arith.constant 16 : i32
      %parallel_loop3A_345 = arith.muli %parallel_loop3A_343, %parallel_loop3A_344 : i32
      %parallel_loop3A_346 = arith.constant 32 : i32
      %parallel_loop3A_347 = arith.muli %parallel_loop3A_343, %parallel_loop3A_346 : i32
      %parallel_loop3A_348 = arith.constant 2 : i32
      %parallel_loop3A_349 = vector.broadcast %parallel_loop3A_348 : i32 to vector<16xi32>
      %parallel_loop3A_350 = arith.muli %iota3A, %parallel_loop3A_349 : vector<16xi32>
      %parallel_loop3A_351 = vector.broadcast %parallel_loop3A_347 : i32 to vector<16xi32>
      %parallel_loop3A_352 = arith.addi %parallel_loop3A_351, %parallel_loop3A_350 : vector<16xi32>
      %parallel_loop3A_353 = tpu.vector_load_idx %arg6[%parallel_loop3A_352] : memref<6400xf32, #tpu.memory_space<vmem>>[vector<16xi32>], vector<16xf32>,
      %parallel_loop3A_354 = arith.constant 1 : i32
      %parallel_loop3A_355 = vector.broadcast %parallel_loop3A_354 : i32 to vector<16xi32>
      %parallel_loop3A_356 = arith.addi %parallel_loop3A_352, %parallel_loop3A_355 : vector<16xi32>
      %parallel_loop3A_357 = tpu.vector_load_idx %arg6[%parallel_loop3A_356] : memref<6400xf32, #tpu.memory_space<vmem>>[vector<16xi32>], vector<16xf32>,
      %parallel_loop3A_358 = arith.constant 1.000000e+00 : f32
      %parallel_loop3A_359 = vector.broadcast %parallel_loop3A_358 : f32 to vector<16xf32>
      %parallel_loop3A_360 = arith.addf %parallel_loop3A_353, %parallel_loop3A_359 : vector<16xf32>
      %parallel_loop3A_361 = arith.constant 8.000000e+01 : f32
      %parallel_loop3A_362 = vector.broadcast %parallel_loop3A_361 : f32 to vector<16xf32>
      %parallel_loop3A_363 = arith.mulf %parallel_loop3A_360, %parallel_loop3A_362 : vector<16xf32>
      %parallel_loop3A_364 = arith.constant 5.000000e-01 : f32
      %parallel_loop3A_365 = vector.broadcast %parallel_loop3A_364 : f32 to vector<16xf32>
      %parallel_loop3A_366 = arith.subf %parallel_loop3A_363, %parallel_loop3A_365 : vector<16xf32>
      %parallel_loop3A_367 = arith.constant 1.000000e+00 : f32
      %parallel_loop3A_368 = vector.broadcast %parallel_loop3A_367 : f32 to vector<16xf32>
      %parallel_loop3A_369 = arith.addf %parallel_loop3A_357, %parallel_loop3A_368 : vector<16xf32>
      %parallel_loop3A_370 = arith.constant 2.400000e+01 : f32
      %parallel_loop3A_371 = vector.broadcast %parallel_loop3A_370 : f32 to vector<16xf32>
      %parallel_loop3A_372 = arith.mulf %parallel_loop3A_369, %parallel_loop3A_371 : vector<16xf32>
      %parallel_loop3A_373 = arith.constant 5.000000e-01 : f32
      %parallel_loop3A_374 = vector.broadcast %parallel_loop3A_373 : f32 to vector<16xf32>
      %parallel_loop3A_375 = arith.subf %parallel_loop3A_372, %parallel_loop3A_374 : vector<16xf32>
      %parallel_loop3A_376 = arith.fptosi %parallel_loop3A_366 : vector<16xf32> to vector<16xi32>
      %parallel_loop3A_377 = arith.fptosi %parallel_loop3A_375 : vector<16xf32> to vector<16xi32>
      %parallel_loop3A_378 = arith.sitofp %parallel_loop3A_376 : vector<16xi32> to vector<16xf32>
      %parallel_loop3A_379 = arith.cmpf olt, %parallel_loop3A_366, %parallel_loop3A_378 : vector<16xf32>
      %parallel_loop3A_380 = arith.extui %parallel_loop3A_379 : vector<16xi1> to vector<16xi32>
      %parallel_loop3A_381 = arith.subi %parallel_loop3A_376, %parallel_loop3A_380 : vector<16xi32>
      %parallel_loop3A_382 = arith.sitofp %parallel_loop3A_377 : vector<16xi32> to vector<16xf32>
      %parallel_loop3A_383 = arith.cmpf olt, %parallel_loop3A_375, %parallel_loop3A_382 : vector<16xf32>
      %parallel_loop3A_384 = arith.extui %parallel_loop3A_383 : vector<16xi1> to vector<16xi32>
      %parallel_loop3A_385 = arith.subi %parallel_loop3A_377, %parallel_loop3A_384 : vector<16xi32>
      %parallel_loop3A_386 = arith.sitofp %parallel_loop3A_381 : vector<16xi32> to vector<16xf32>
      %parallel_loop3A_387 = arith.subf %parallel_loop3A_366, %parallel_loop3A_386 : vector<16xf32>
      %parallel_loop3A_388 = arith.constant 1.000000e+00 : f32
      %parallel_loop3A_389 = vector.broadcast %parallel_loop3A_388 : f32 to vector<16xf32>
      %parallel_loop3A_390 = arith.subf %parallel_loop3A_389, %parallel_loop3A_387 : vector<16xf32>
      %parallel_loop3A_391 = arith.sitofp %parallel_loop3A_385 : vector<16xi32> to vector<16xf32>
      %parallel_loop3A_392 = arith.subf %parallel_loop3A_375, %parallel_loop3A_391 : vector<16xf32>
      %parallel_loop3A_393 = arith.constant 1.000000e+00 : f32
      %parallel_loop3A_394 = vector.broadcast %parallel_loop3A_393 : f32 to vector<16xf32>
      %parallel_loop3A_395 = arith.subf %parallel_loop3A_394, %parallel_loop3A_392 : vector<16xf32>
      %parallel_loop3A_396 = arith.constant 1 : i32
      %parallel_loop3A_397 = vector.broadcast %parallel_loop3A_396 : i32 to vector<16xi32>
      %parallel_loop3A_398 = arith.addi %parallel_loop3A_381, %parallel_loop3A_397 : vector<16xi32>
      %parallel_loop3A_399 = arith.constant 1 : i32
      %parallel_loop3A_400 = vector.broadcast %parallel_loop3A_399 : i32 to vector<16xi32>
      %parallel_loop3A_401 = arith.addi %parallel_loop3A_385, %parallel_loop3A_400 : vector<16xi32>
      %parallel_loop3A_402 = arith.constant 0 : i32
      %parallel_loop3A_403 = vector.broadcast %parallel_loop3A_402 : i32 to vector<16xi32>
      %parallel_loop3A_404 = arith.cmpi sge, %parallel_loop3A_381, %parallel_loop3A_403 : vector<16xi32>
      %parallel_loop3A_405 = arith.constant 159 : i32
      %parallel_loop3A_406 = vector.broadcast %parallel_loop3A_405 : i32 to vector<16xi32>
      %parallel_loop3A_407 = arith.cmpi sle, %parallel_loop3A_381, %parallel_loop3A_406 : vector<16xi32>
      %parallel_loop3A_408 = arith.andi %parallel_loop3A_404, %parallel_loop3A_407 : vector<16xi1>
      %parallel_loop3A_409 = arith.constant 0 : i32
      %parallel_loop3A_410 = vector.broadcast %parallel_loop3A_409 : i32 to vector<16xi32>
      %parallel_loop3A_411 = arith.cmpi sge, %parallel_loop3A_398, %parallel_loop3A_410 : vector<16xi32>
      %parallel_loop3A_412 = arith.constant 159 : i32
      %parallel_loop3A_413 = vector.broadcast %parallel_loop3A_412 : i32 to vector<16xi32>
      %parallel_loop3A_414 = arith.cmpi sle, %parallel_loop3A_398, %parallel_loop3A_413 : vector<16xi32>
      %parallel_loop3A_415 = arith.andi %parallel_loop3A_411, %parallel_loop3A_414 : vector<16xi1>
      %parallel_loop3A_416 = arith.constant 0 : i32
      %parallel_loop3A_417 = vector.broadcast %parallel_loop3A_416 : i32 to vector<16xi32>
      %parallel_loop3A_418 = arith.cmpi sge, %parallel_loop3A_385, %parallel_loop3A_417 : vector<16xi32>
      %parallel_loop3A_419 = arith.constant 47 : i32
      %parallel_loop3A_420 = vector.broadcast %parallel_loop3A_419 : i32 to vector<16xi32>
      %parallel_loop3A_421 = arith.cmpi sle, %parallel_loop3A_385, %parallel_loop3A_420 : vector<16xi32>
      %parallel_loop3A_422 = arith.andi %parallel_loop3A_418, %parallel_loop3A_421 : vector<16xi1>
      %parallel_loop3A_423 = arith.constant 0 : i32
      %parallel_loop3A_424 = vector.broadcast %parallel_loop3A_423 : i32 to vector<16xi32>
      %parallel_loop3A_425 = arith.cmpi sge, %parallel_loop3A_401, %parallel_loop3A_424 : vector<16xi32>
      %parallel_loop3A_426 = arith.constant 47 : i32
      %parallel_loop3A_427 = vector.broadcast %parallel_loop3A_426 : i32 to vector<16xi32>
      %parallel_loop3A_428 = arith.cmpi sle, %parallel_loop3A_401, %parallel_loop3A_427 : vector<16xi32>
      %parallel_loop3A_429 = arith.andi %parallel_loop3A_425, %parallel_loop3A_428 : vector<16xi1>
      %parallel_loop3A_430 = arith.constant 0 : i32
      %parallel_loop3A_431 = arith.constant 159 : i32
      %parallel_loop3A_432 = vector.broadcast %parallel_loop3A_430 : i32 to vector<16xi32>
      %parallel_loop3A_433 = arith.maxsi %parallel_loop3A_432, %parallel_loop3A_381 : vector<16xi32>
      %parallel_loop3A_434 = vector.broadcast %parallel_loop3A_431 : i32 to vector<16xi32>
      %parallel_loop3A_435 = arith.minsi %parallel_loop3A_434, %parallel_loop3A_433 : vector<16xi32>
      %parallel_loop3A_436 = arith.constant 0 : i32
      %parallel_loop3A_437 = arith.constant 159 : i32
      %parallel_loop3A_438 = vector.broadcast %parallel_loop3A_436 : i32 to vector<16xi32>
      %parallel_loop3A_439 = arith.maxsi %parallel_loop3A_438, %parallel_loop3A_398 : vector<16xi32>
      %parallel_loop3A_440 = vector.broadcast %parallel_loop3A_437 : i32 to vector<16xi32>
      %parallel_loop3A_441 = arith.minsi %parallel_loop3A_440, %parallel_loop3A_439 : vector<16xi32>
      %parallel_loop3A_442 = arith.constant 0 : i32
      %parallel_loop3A_443 = arith.constant 47 : i32
      %parallel_loop3A_444 = vector.broadcast %parallel_loop3A_442 : i32 to vector<16xi32>
      %parallel_loop3A_445 = arith.maxsi %parallel_loop3A_444, %parallel_loop3A_385 : vector<16xi32>
      %parallel_loop3A_446 = vector.broadcast %parallel_loop3A_443 : i32 to vector<16xi32>
      %parallel_loop3A_447 = arith.minsi %parallel_loop3A_446, %parallel_loop3A_445 : vector<16xi32>
      %parallel_loop3A_448 = arith.constant 0 : i32
      %parallel_loop3A_449 = arith.constant 47 : i32
      %parallel_loop3A_450 = vector.broadcast %parallel_loop3A_448 : i32 to vector<16xi32>
      %parallel_loop3A_451 = arith.maxsi %parallel_loop3A_450, %parallel_loop3A_401 : vector<16xi32>
      %parallel_loop3A_452 = vector.broadcast %parallel_loop3A_449 : i32 to vector<16xi32>
      %parallel_loop3A_453 = arith.minsi %parallel_loop3A_452, %parallel_loop3A_451 : vector<16xi32>
      %parallel_loop3A_454 = arith.constant 0.000000e+00 : f32
      %parallel_loop3A_455 = vector.broadcast %parallel_loop3A_454 : f32 to vector<16xf32>
      %parallel_loop3A_456 = arith.constant 160 : i32
      %parallel_loop3A_457 = vector.broadcast %parallel_loop3A_456 : i32 to vector<16xi32>
      %parallel_loop3A_458 = arith.muli %parallel_loop3A_447, %parallel_loop3A_457 : vector<16xi32>
      %parallel_loop3A_459 = arith.addi %parallel_loop3A_458, %parallel_loop3A_435 : vector<16xi32>
      %parallel_loop3A_460 = arith.constant 0 : i32
      %parallel_loop3A_461 = arith.index_cast %parallel_loop3A_460 : i32 to index
      %parallel_loop3A_462 = arith.index_cast %parallel_loop3A_345 : i32 to index
      %parallel_loop3A_463 = tpu.vector_load %arg7[%parallel_loop3A_461, %parallel_loop3A_462] {strides = array<i32>} : memref<4x3200xi32, #tpu.memory_space<vmem>>, vector<16xi32>,
      tpu.vector_store %arg7[%parallel_loop3A_461, %parallel_loop3A_462], %parallel_loop3A_459 {strides = array<i32>} : memref<4x3200xi32, #tpu.memory_space<vmem>>, vector<16xi32>,
      %parallel_loop3A_464 = arith.constant 160 : i32
      %parallel_loop3A_465 = vector.broadcast %parallel_loop3A_464 : i32 to vector<16xi32>
      %parallel_loop3A_466 = arith.muli %parallel_loop3A_447, %parallel_loop3A_465 : vector<16xi32>
      %parallel_loop3A_467 = arith.addi %parallel_loop3A_466, %parallel_loop3A_441 : vector<16xi32>
      %parallel_loop3A_468 = arith.constant 1 : i32
      %parallel_loop3A_469 = arith.index_cast %parallel_loop3A_468 : i32 to index
      %parallel_loop3A_470 = arith.index_cast %parallel_loop3A_345 : i32 to index
      %parallel_loop3A_471 = tpu.vector_load %arg7[%parallel_loop3A_469, %parallel_loop3A_470] {strides = array<i32>} : memref<4x3200xi32, #tpu.memory_space<vmem>>, vector<16xi32>,
      tpu.vector_store %arg7[%parallel_loop3A_469, %parallel_loop3A_470], %parallel_loop3A_467 {strides = array<i32>} : memref<4x3200xi32, #tpu.memory_space<vmem>>, vector<16xi32>,
      %parallel_loop3A_472 = arith.constant 160 : i32
      %parallel_loop3A_473 = vector.broadcast %parallel_loop3A_472 : i32 to vector<16xi32>
      %parallel_loop3A_474 = arith.muli %parallel_loop3A_453, %parallel_loop3A_473 : vector<16xi32>
      %parallel_loop3A_475 = arith.addi %parallel_loop3A_474, %parallel_loop3A_435 : vector<16xi32>
      %parallel_loop3A_476 = arith.constant 2 : i32
      %parallel_loop3A_477 = arith.index_cast %parallel_loop3A_476 : i32 to index
      %parallel_loop3A_478 = arith.index_cast %parallel_loop3A_345 : i32 to index
      %parallel_loop3A_479 = tpu.vector_load %arg7[%parallel_loop3A_477, %parallel_loop3A_478] {strides = array<i32>} : memref<4x3200xi32, #tpu.memory_space<vmem>>, vector<16xi32>,
      tpu.vector_store %arg7[%parallel_loop3A_477, %parallel_loop3A_478], %parallel_loop3A_475 {strides = array<i32>} : memref<4x3200xi32, #tpu.memory_space<vmem>>, vector<16xi32>,
      %parallel_loop3A_480 = arith.constant 160 : i32
      %parallel_loop3A_481 = vector.broadcast %parallel_loop3A_480 : i32 to vector<16xi32>
      %parallel_loop3A_482 = arith.muli %parallel_loop3A_453, %parallel_loop3A_481 : vector<16xi32>
      %parallel_loop3A_483 = arith.addi %parallel_loop3A_482, %parallel_loop3A_441 : vector<16xi32>
      %parallel_loop3A_484 = arith.constant 3 : i32
      %parallel_loop3A_485 = arith.index_cast %parallel_loop3A_484 : i32 to index
      %parallel_loop3A_486 = arith.index_cast %parallel_loop3A_345 : i32 to index
      %parallel_loop3A_487 = tpu.vector_load %arg7[%parallel_loop3A_485, %parallel_loop3A_486] {strides = array<i32>} : memref<4x3200xi32, #tpu.memory_space<vmem>>, vector<16xi32>,
      tpu.vector_store %arg7[%parallel_loop3A_485, %parallel_loop3A_486], %parallel_loop3A_483 {strides = array<i32>} : memref<4x3200xi32, #tpu.memory_space<vmem>>, vector<16xi32>,
      %parallel_loop3A_488 = arith.andi %parallel_loop3A_408, %parallel_loop3A_422 : vector<16xi1>
      %parallel_loop3A_489 = arith.mulf %parallel_loop3A_390, %parallel_loop3A_395 : vector<16xf32>
      %parallel_loop3A_490 = arith.select %parallel_loop3A_488, %parallel_loop3A_489, %parallel_loop3A_455 : vector<16xi1>, vector<16xf32>
      %parallel_loop3A_491 = arith.constant 0 : i32
      %parallel_loop3A_492 = arith.index_cast %parallel_loop3A_491 : i32 to index
      %parallel_loop3A_493 = arith.index_cast %parallel_loop3A_345 : i32 to index
      %parallel_loop3A_494 = tpu.vector_load %arg8[%parallel_loop3A_492, %parallel_loop3A_493] {strides = array<i32>} : memref<4x3200xf32, #tpu.memory_space<vmem>>, vector<16xf32>,
      tpu.vector_store %arg8[%parallel_loop3A_492, %parallel_loop3A_493], %parallel_loop3A_490 {strides = array<i32>} : memref<4x3200xf32, #tpu.memory_space<vmem>>, vector<16xf32>,
      %parallel_loop3A_495 = arith.andi %parallel_loop3A_415, %parallel_loop3A_422 : vector<16xi1>
      %parallel_loop3A_496 = arith.mulf %parallel_loop3A_387, %parallel_loop3A_395 : vector<16xf32>
      %parallel_loop3A_497 = arith.select %parallel_loop3A_495, %parallel_loop3A_496, %parallel_loop3A_455 : vector<16xi1>, vector<16xf32>
      %parallel_loop3A_498 = arith.constant 1 : i32
      %parallel_loop3A_499 = arith.index_cast %parallel_loop3A_498 : i32 to index
      %parallel_loop3A_500 = arith.index_cast %parallel_loop3A_345 : i32 to index
      %parallel_loop3A_501 = tpu.vector_load %arg8[%parallel_loop3A_499, %parallel_loop3A_500] {strides = array<i32>} : memref<4x3200xf32, #tpu.memory_space<vmem>>, vector<16xf32>,
      tpu.vector_store %arg8[%parallel_loop3A_499, %parallel_loop3A_500], %parallel_loop3A_497 {strides = array<i32>} : memref<4x3200xf32, #tpu.memory_space<vmem>>, vector<16xf32>,
      %parallel_loop3A_502 = arith.andi %parallel_loop3A_408, %parallel_loop3A_429 : vector<16xi1>
      %parallel_loop3A_503 = arith.mulf %parallel_loop3A_390, %parallel_loop3A_392 : vector<16xf32>
      %parallel_loop3A_504 = arith.select %parallel_loop3A_502, %parallel_loop3A_503, %parallel_loop3A_455 : vector<16xi1>, vector<16xf32>
      %parallel_loop3A_505 = arith.constant 2 : i32
      %parallel_loop3A_506 = arith.index_cast %parallel_loop3A_505 : i32 to index
      %parallel_loop3A_507 = arith.index_cast %parallel_loop3A_345 : i32 to index
      %parallel_loop3A_508 = tpu.vector_load %arg8[%parallel_loop3A_506, %parallel_loop3A_507] {strides = array<i32>} : memref<4x3200xf32, #tpu.memory_space<vmem>>, vector<16xf32>,
      tpu.vector_store %arg8[%parallel_loop3A_506, %parallel_loop3A_507], %parallel_loop3A_504 {strides = array<i32>} : memref<4x3200xf32, #tpu.memory_space<vmem>>, vector<16xf32>,
      %parallel_loop3A_509 = arith.andi %parallel_loop3A_415, %parallel_loop3A_429 : vector<16xi1>
      %parallel_loop3A_510 = arith.mulf %parallel_loop3A_387, %parallel_loop3A_392 : vector<16xf32>
      %parallel_loop3A_511 = arith.select %parallel_loop3A_509, %parallel_loop3A_510, %parallel_loop3A_455 : vector<16xi1>, vector<16xf32>
      %parallel_loop3A_512 = arith.constant 3 : i32
      %parallel_loop3A_513 = arith.index_cast %parallel_loop3A_512 : i32 to index
      %parallel_loop3A_514 = arith.index_cast %parallel_loop3A_345 : i32 to index
      %parallel_loop3A_515 = tpu.vector_load %arg8[%parallel_loop3A_513, %parallel_loop3A_514] {strides = array<i32>} : memref<4x3200xf32, #tpu.memory_space<vmem>>, vector<16xf32>,
      tpu.vector_store %arg8[%parallel_loop3A_513, %parallel_loop3A_514], %parallel_loop3A_511 {strides = array<i32>} : memref<4x3200xf32, #tpu.memory_space<vmem>>, vector<16xf32>,
      %parallel_loop3A_516 = arith.constant 16 : i32
      %parallel_loop3A_517 = arith.muli %parallel_loop3A_343, %parallel_loop3A_516 : i32
      %parallel_loop3A_518 = vector.broadcast %parallel_loop3A_517 : i32 to vector<16xi32>
      %parallel_loop3A_519 = arith.addi %parallel_loop3A_518, %iota3A : vector<16xi32>
      %parallel_loop3A_520 = arith.constant 20972 : i32
      %parallel_loop3A_521 = vector.broadcast %parallel_loop3A_520 : i32 to vector<16xi32>
      %parallel_loop3A_522 = arith.muli %parallel_loop3A_519, %parallel_loop3A_521 : vector<16xi32>
      %parallel_loop3A_523 = arith.constant 21 : i32
      %parallel_loop3A_524 = vector.broadcast %parallel_loop3A_523 : i32 to vector<16xi32>
      %parallel_loop3A_525 = arith.shrsi %parallel_loop3A_522, %parallel_loop3A_524 : vector<16xi32>
      %parallel_loop3A_526 = arith.constant 0 : i32
      %parallel_loop3A_527 = arith.index_cast %parallel_loop3A_526 : i32 to index
      %parallel_loop3A_528 = arith.index_cast %parallel_loop3A_345 : i32 to index
      %parallel_loop3A_529 = tpu.vector_load %arg9[%parallel_loop3A_527, %parallel_loop3A_528] {strides = array<i32>} : memref<2x3200xi32, #tpu.memory_space<vmem>>, vector<16xi32>,
      tpu.vector_store %arg9[%parallel_loop3A_527, %parallel_loop3A_528], %parallel_loop3A_525 {strides = array<i32>} : memref<2x3200xi32, #tpu.memory_space<vmem>>, vector<16xi32>,
      %parallel_loop3A_530 = arith.constant 100 : i32
      %parallel_loop3A_531 = vector.broadcast %parallel_loop3A_530 : i32 to vector<16xi32>
      %parallel_loop3A_532 = arith.muli %parallel_loop3A_525, %parallel_loop3A_531 : vector<16xi32>
      %parallel_loop3A_533 = arith.subi %parallel_loop3A_519, %parallel_loop3A_532 : vector<16xi32>
      %parallel_loop3A_534 = arith.constant 1 : i32
      %parallel_loop3A_535 = arith.index_cast %parallel_loop3A_534 : i32 to index
      %parallel_loop3A_536 = arith.index_cast %parallel_loop3A_345 : i32 to index
      %parallel_loop3A_537 = tpu.vector_load %arg9[%parallel_loop3A_535, %parallel_loop3A_536] {strides = array<i32>} : memref<2x3200xi32, #tpu.memory_space<vmem>>, vector<16xi32>,
      tpu.vector_store %arg9[%parallel_loop3A_535, %parallel_loop3A_536], %parallel_loop3A_533 {strides = array<i32>} : memref<2x3200xi32, #tpu.memory_space<vmem>>, vector<16xi32>,
    } {sc.loop_unroll_factor = 2 : i64, sc.parallel_access}
    %scan3A = arith.constant 0 : i32
    %scan3A_52 = arith.constant 0 : i32
    %scan3A_53 = arith.constant 16 : i32
    %scan3A_54 = arith.addi %scan3A_52, %scan3A_53 : i32
    %scan3A_55 = arith.constant 1 : i32
    %scan3A_56 = scf.for %scan3A_343 = %scan3A_52 to %scan3A_54 step %scan3A_55 iter_args(%scan3A_344 = %scan3A) -> (i32)  : i32 {
      %mul3A_345 = arith.constant 2 : i32
      %mul3A_346 = arith.muli %scan3A_343, %mul3A_345 : i32
      %add3A_347 = arith.constant 1 : i32
      %add3A_348 = arith.addi %mul3A_346, %add3A_347 : i32
      %gt3A = arith.constant 0 : i32
      %gt3A_349 = arith.cmpi sgt, %scan3A_343, %gt3A : i32
      %convert_element_type3A = arith.extui %gt3A_349 : i1 to i32
      %cond3A = arith.constant 0 : i32
      %cond3A_350 = arith.cmpi ne, %convert_element_type3A, %cond3A : i32
      scf.if %cond3A_350 {
        %mul3A_492 = arith.constant 64 : i32
        %mul3A_493 = arith.muli %reduce_sum3A_34, %mul3A_492 : i32
        %mul3A_494 = arith.constant 2 : i32
        %mul3A_495 = arith.muli %add3A_348, %mul3A_494 : i32
        %add3A_496 = arith.addi %mul3A_493, %mul3A_495 : i32
        %dma_start3A_497 = arith.constant 0 : i32
        %dma_start3A_498 = tpu.memref_slice %arg2[%add3A_496, %dma_start3A_497] : memref<512x7680xi32, #tpu.memory_space<hbm>> -> memref<2x7680xi32, #tpu.memory_space<hbm>>
        %dma_start3A_499 = arith.constant 0 : i32
        %dma_start3A_500 = tpu.memref_slice %arg2[%add3A_496, %dma_start3A_499] : memref<512x7680xi32, #tpu.memory_space<hbm>> -> memref<2x7680xi32, #tpu.memory_space<hbm>>
        tpu.enqueue_dma source(%dma_start3A_500 : memref<2x7680xi32, #tpu.memory_space<hbm>>) target(%arg12 : memref<2x7680xi32, #tpu.memory_space<vmem>>) target_semaphore(%arg16 : memref<!tpu.dma_semaphore, #tpu.memory_space<semaphore_mem>>)
      } else {
      }
      %dma_wait3A_351 = arith.constant 0 : i32
      %dma_wait3A_352 = arith.constant 0 : i32
      %dma_wait3A_353 = tpu.memref_slice %arg2[%dma_wait3A_351, %dma_wait3A_352] : memref<512x7680xi32, #tpu.memory_space<hbm>> -> memref<2x7680xi32, #tpu.memory_space<hbm>>
      %dma_wait3A_354 = arith.constant 0 : i32
      %dma_wait3A_355 = arith.constant 0 : i32
      %dma_wait3A_356 = tpu.memref_slice %arg2[%dma_wait3A_354, %dma_wait3A_355] : memref<512x7680xi32, #tpu.memory_space<hbm>> -> memref<2x7680xi32, #tpu.memory_space<hbm>>
      tpu.wait_dma2 semaphore(%arg15 : memref<!tpu.dma_semaphore, #tpu.memory_space<semaphore_mem>>) src(%dma_wait3A_356 : memref<2x7680xi32, #tpu.memory_space<hbm>>) dst(%arg11 : memref<2x7680xi32, #tpu.memory_space<vmem>>)
      %gt3A_357 = arith.constant 0 : i32
      %gt3A_358 = arith.cmpi sgt, %scan3A_343, %gt3A_357 : i32
      %convert_element_type3A_359 = arith.extui %gt3A_358 : i1 to i32
      %cond3A_360 = arith.constant 0 : i32
      %cond3A_361 = arith.cmpi ne, %convert_element_type3A_359, %cond3A_360 : i32
      scf.if %cond3A_361 {
        %dma_wait3A_492 = arith.constant 0 : i32
        %dma_wait3A_493 = arith.constant 0 : i32
        %dma_wait3A_494 = arith.constant 0 : i32
        %dma_wait3A_495 = arith.constant 0 : i32
        %dma_wait3A_496 = tpu.memref_slice %arg13[%dma_wait3A_493, %dma_wait3A_494, %dma_wait3A_495] : memref<4x32x128xf32, #tpu.memory_space<vmem>> -> memref<2x32x128xf32, #tpu.memory_space<vmem>>
        %dma_wait3A_497 = arith.constant 0 : i32
        %dma_wait3A_498 = arith.constant 0 : i32
        %dma_wait3A_499 = arith.constant 0 : i32
        %dma_wait3A_500 = tpu.memref_slice %arg5[%dma_wait3A_492, %dma_wait3A_497, %dma_wait3A_498, %dma_wait3A_499] : memref<64x128x32x128xf32, #tpu.memory_space<hbm>> -> memref<1x128x32x128xf32, #tpu.memory_space<hbm>>
        %dma_wait3A_501 = tpu.memref_squeeze %dma_wait3A_500 : memref<1x128x32x128xf32, #tpu.memory_space<hbm>> -> memref<128x32x128xf32, #tpu.memory_space<hbm>>
        %dma_wait3A_502 = arith.constant 0 : i32
        %dma_wait3A_503 = arith.constant 0 : i32
        %dma_wait3A_504 = arith.constant 0 : i32
        %dma_wait3A_505 = tpu.memref_slice %dma_wait3A_501[%dma_wait3A_502, %dma_wait3A_503, %dma_wait3A_504] : memref<128x32x128xf32, #tpu.memory_space<hbm>> -> memref<2x32x128xf32, #tpu.memory_space<hbm>>
        %dma_wait3A_506 = arith.constant 0 : i32
        %dma_wait3A_507 = arith.constant 0 : i32
        %dma_wait3A_508 = arith.constant 0 : i32
        %dma_wait3A_509 = tpu.memref_slice %arg5[%dma_wait3A_492, %dma_wait3A_506, %dma_wait3A_507, %dma_wait3A_508] : memref<64x128x32x128xf32, #tpu.memory_space<hbm>> -> memref<1x128x32x128xf32, #tpu.memory_space<hbm>>
        %dma_wait3A_510 = tpu.memref_squeeze %dma_wait3A_509 : memref<1x128x32x128xf32, #tpu.memory_space<hbm>> -> memref<128x32x128xf32, #tpu.memory_space<hbm>>
        %dma_wait3A_511 = arith.constant 0 : i32
        %dma_wait3A_512 = arith.constant 0 : i32
        %dma_wait3A_513 = arith.constant 0 : i32
        %dma_wait3A_514 = tpu.memref_slice %dma_wait3A_510[%dma_wait3A_511, %dma_wait3A_512, %dma_wait3A_513] : memref<128x32x128xf32, #tpu.memory_space<hbm>> -> memref<2x32x128xf32, #tpu.memory_space<hbm>>
        %dma_wait3A_515 = arith.constant 0 : i32
        %dma_wait3A_516 = arith.constant 0 : i32
        %dma_wait3A_517 = arith.constant 0 : i32
        %dma_wait3A_518 = tpu.memref_slice %arg13[%dma_wait3A_515, %dma_wait3A_516, %dma_wait3A_517] : memref<4x32x128xf32, #tpu.memory_space<vmem>> -> memref<2x32x128xf32, #tpu.memory_space<vmem>>
        tpu.wait_dma2 semaphore(%arg17 : memref<!tpu.dma_semaphore, #tpu.memory_space<semaphore_mem>>) src(%dma_wait3A_518 : memref<2x32x128xf32, #tpu.memory_space<vmem>>) dst(%dma_wait3A_514 : memref<2x32x128xf32, #tpu.memory_space<hbm>>)
        %dma_wait3A_519 = arith.constant 0 : i32
        %dma_wait3A_520 = arith.constant 0 : i32
        %dma_wait3A_521 = arith.constant 0 : i32
        %dma_wait3A_522 = arith.constant 0 : i32
        %dma_wait3A_523 = tpu.memref_slice %arg13[%dma_wait3A_520, %dma_wait3A_521, %dma_wait3A_522] : memref<4x32x128xf32, #tpu.memory_space<vmem>> -> memref<2x32x128xf32, #tpu.memory_space<vmem>>
        %dma_wait3A_524 = arith.constant 0 : i32
        %dma_wait3A_525 = arith.constant 0 : i32
        %dma_wait3A_526 = arith.constant 0 : i32
        %dma_wait3A_527 = tpu.memref_slice %arg5[%dma_wait3A_519, %dma_wait3A_524, %dma_wait3A_525, %dma_wait3A_526] : memref<64x128x32x128xf32, #tpu.memory_space<hbm>> -> memref<1x128x32x128xf32, #tpu.memory_space<hbm>>
        %dma_wait3A_528 = tpu.memref_squeeze %dma_wait3A_527 : memref<1x128x32x128xf32, #tpu.memory_space<hbm>> -> memref<128x32x128xf32, #tpu.memory_space<hbm>>
        %dma_wait3A_529 = arith.constant 0 : i32
        %dma_wait3A_530 = arith.constant 0 : i32
        %dma_wait3A_531 = arith.constant 0 : i32
        %dma_wait3A_532 = tpu.memref_slice %dma_wait3A_528[%dma_wait3A_529, %dma_wait3A_530, %dma_wait3A_531] : memref<128x32x128xf32, #tpu.memory_space<hbm>> -> memref<2x32x128xf32, #tpu.memory_space<hbm>>
        %dma_wait3A_533 = arith.constant 0 : i32
        %dma_wait3A_534 = arith.constant 0 : i32
        %dma_wait3A_535 = arith.constant 0 : i32
        %dma_wait3A_536 = tpu.memref_slice %arg5[%dma_wait3A_519, %dma_wait3A_533, %dma_wait3A_534, %dma_wait3A_535] : memref<64x128x32x128xf32, #tpu.memory_space<hbm>> -> memref<1x128x32x128xf32, #tpu.memory_space<hbm>>
        %dma_wait3A_537 = tpu.memref_squeeze %dma_wait3A_536 : memref<1x128x32x128xf32, #tpu.memory_space<hbm>> -> memref<128x32x128xf32, #tpu.memory_space<hbm>>
        %dma_wait3A_538 = arith.constant 0 : i32
        %dma_wait3A_539 = arith.constant 0 : i32
        %dma_wait3A_540 = arith.constant 0 : i32
        %dma_wait3A_541 = tpu.memref_slice %dma_wait3A_537[%dma_wait3A_538, %dma_wait3A_539, %dma_wait3A_540] : memref<128x32x128xf32, #tpu.memory_space<hbm>> -> memref<2x32x128xf32, #tpu.memory_space<hbm>>
        %dma_wait3A_542 = arith.constant 0 : i32
        %dma_wait3A_543 = arith.constant 0 : i32
        %dma_wait3A_544 = arith.constant 0 : i32
        %dma_wait3A_545 = tpu.memref_slice %arg13[%dma_wait3A_542, %dma_wait3A_543, %dma_wait3A_544] : memref<4x32x128xf32, #tpu.memory_space<vmem>> -> memref<2x32x128xf32, #tpu.memory_space<vmem>>
        tpu.wait_dma2 semaphore(%arg17 : memref<!tpu.dma_semaphore, #tpu.memory_space<semaphore_mem>>) src(%dma_wait3A_545 : memref<2x32x128xf32, #tpu.memory_space<vmem>>) dst(%dma_wait3A_541 : memref<2x32x128xf32, #tpu.memory_space<hbm>>)
      } else {
      }
      %parallel_loop3A_362 = arith.constant 0 : i32
      %parallel_loop3A_363 = arith.constant 200 : i32
      %parallel_loop3A_364 = arith.constant 1 : i32
      scf.for %parallel_loop3A_492 = %parallel_loop3A_362 to %parallel_loop3A_363 step %parallel_loop3A_364  : i32 {
        %parallel_loop3A_493 = arith.constant 16 : i32
        %parallel_loop3A_494 = arith.muli %parallel_loop3A_492, %parallel_loop3A_493 : i32
        %parallel_loop3A_495 = arith.constant 0 : i32
        %parallel_loop3A_496 = arith.index_cast %parallel_loop3A_495 : i32 to index
        %parallel_loop3A_497 = arith.index_cast %parallel_loop3A_494 : i32 to index
        %parallel_loop3A_498 = tpu.vector_load %arg7[%parallel_loop3A_496, %parallel_loop3A_497] {strides = array<i32>} : memref<4x3200xi32, #tpu.memory_space<vmem>>, vector<16xi32>,
        %parallel_loop3A_499 = arith.constant 1 : i32
        %parallel_loop3A_500 = arith.index_cast %parallel_loop3A_499 : i32 to index
        %parallel_loop3A_501 = arith.index_cast %parallel_loop3A_494 : i32 to index
        %parallel_loop3A_502 = tpu.vector_load %arg7[%parallel_loop3A_500, %parallel_loop3A_501] {strides = array<i32>} : memref<4x3200xi32, #tpu.memory_space<vmem>>, vector<16xi32>,
        %parallel_loop3A_503 = arith.constant 2 : i32
        %parallel_loop3A_504 = arith.index_cast %parallel_loop3A_503 : i32 to index
        %parallel_loop3A_505 = arith.index_cast %parallel_loop3A_494 : i32 to index
        %parallel_loop3A_506 = tpu.vector_load %arg7[%parallel_loop3A_504, %parallel_loop3A_505] {strides = array<i32>} : memref<4x3200xi32, #tpu.memory_space<vmem>>, vector<16xi32>,
        %parallel_loop3A_507 = arith.constant 3 : i32
        %parallel_loop3A_508 = arith.index_cast %parallel_loop3A_507 : i32 to index
        %parallel_loop3A_509 = arith.index_cast %parallel_loop3A_494 : i32 to index
        %parallel_loop3A_510 = tpu.vector_load %arg7[%parallel_loop3A_508, %parallel_loop3A_509] {strides = array<i32>} : memref<4x3200xi32, #tpu.memory_space<vmem>>, vector<16xi32>,
        %parallel_loop3A_511 = arith.constant 0 : i32
        %parallel_loop3A_512 = arith.index_cast %parallel_loop3A_511 : i32 to index
        %parallel_loop3A_513 = arith.index_cast %parallel_loop3A_494 : i32 to index
        %parallel_loop3A_514 = tpu.vector_load %arg8[%parallel_loop3A_512, %parallel_loop3A_513] {strides = array<i32>} : memref<4x3200xf32, #tpu.memory_space<vmem>>, vector<16xf32>,
        %parallel_loop3A_515 = arith.constant 1 : i32
        %parallel_loop3A_516 = arith.index_cast %parallel_loop3A_515 : i32 to index
        %parallel_loop3A_517 = arith.index_cast %parallel_loop3A_494 : i32 to index
        %parallel_loop3A_518 = tpu.vector_load %arg8[%parallel_loop3A_516, %parallel_loop3A_517] {strides = array<i32>} : memref<4x3200xf32, #tpu.memory_space<vmem>>, vector<16xf32>,
        %parallel_loop3A_519 = arith.constant 2 : i32
        %parallel_loop3A_520 = arith.index_cast %parallel_loop3A_519 : i32 to index
        %parallel_loop3A_521 = arith.index_cast %parallel_loop3A_494 : i32 to index
        %parallel_loop3A_522 = tpu.vector_load %arg8[%parallel_loop3A_520, %parallel_loop3A_521] {strides = array<i32>} : memref<4x3200xf32, #tpu.memory_space<vmem>>, vector<16xf32>,
        %parallel_loop3A_523 = arith.constant 3 : i32
        %parallel_loop3A_524 = arith.index_cast %parallel_loop3A_523 : i32 to index
        %parallel_loop3A_525 = arith.index_cast %parallel_loop3A_494 : i32 to index
        %parallel_loop3A_526 = tpu.vector_load %arg8[%parallel_loop3A_524, %parallel_loop3A_525] {strides = array<i32>} : memref<4x3200xf32, #tpu.memory_space<vmem>>, vector<16xf32>,
        %parallel_loop3A_527 = arith.constant 0 : i32
        %parallel_loop3A_528 = arith.index_cast %parallel_loop3A_527 : i32 to index
        %parallel_loop3A_529 = arith.index_cast %parallel_loop3A_494 : i32 to index
        %parallel_loop3A_530 = tpu.vector_load %arg9[%parallel_loop3A_528, %parallel_loop3A_529] {strides = array<i32>} : memref<2x3200xi32, #tpu.memory_space<vmem>>, vector<16xi32>,
        %parallel_loop3A_531 = arith.constant 1 : i32
        %parallel_loop3A_532 = arith.index_cast %parallel_loop3A_531 : i32 to index
        %parallel_loop3A_533 = arith.index_cast %parallel_loop3A_494 : i32 to index
        %parallel_loop3A_534 = tpu.vector_load %arg9[%parallel_loop3A_532, %parallel_loop3A_533] {strides = array<i32>} : memref<2x3200xi32, #tpu.memory_space<vmem>>, vector<16xi32>,
        %parallel_loop3A_535 = arith.constant 0 : i32
        %parallel_loop3A_536 = vector.broadcast %parallel_loop3A_535 : i32 to vector<16xi32>
        %parallel_loop3A_537 = tpu.vector_load_idx %arg11[%parallel_loop3A_536, %parallel_loop3A_498] : memref<2x7680xi32, #tpu.memory_space<vmem>>[vector<16xi32>, vector<16xi32>], vector<16xi32>,
        %parallel_loop3A_538 = tpu.vector_load_idx %arg11[%parallel_loop3A_536, %parallel_loop3A_502] : memref<2x7680xi32, #tpu.memory_space<vmem>>[vector<16xi32>, vector<16xi32>], vector<16xi32>,
        %parallel_loop3A_539 = tpu.vector_load_idx %arg11[%parallel_loop3A_536, %parallel_loop3A_506] : memref<2x7680xi32, #tpu.memory_space<vmem>>[vector<16xi32>, vector<16xi32>], vector<16xi32>,
        %parallel_loop3A_540 = tpu.vector_load_idx %arg11[%parallel_loop3A_536, %parallel_loop3A_510] : memref<2x7680xi32, #tpu.memory_space<vmem>>[vector<16xi32>, vector<16xi32>], vector<16xi32>,
        %parallel_loop3A_541 = arith.constant 16 : i32
        %parallel_loop3A_542 = vector.broadcast %parallel_loop3A_541 : i32 to vector<16xi32>
        %parallel_loop3A_543 = arith.shli %parallel_loop3A_537, %parallel_loop3A_542 : vector<16xi32>
        %parallel_loop3A_544 = vector.bitcast %parallel_loop3A_543 : vector<16xi32> to vector<16xf32>
        %parallel_loop3A_545 = arith.constant 16 : i32
        %parallel_loop3A_546 = vector.broadcast %parallel_loop3A_545 : i32 to vector<16xi32>
        %parallel_loop3A_547 = arith.shli %parallel_loop3A_538, %parallel_loop3A_546 : vector<16xi32>
        %parallel_loop3A_548 = vector.bitcast %parallel_loop3A_547 : vector<16xi32> to vector<16xf32>
        %parallel_loop3A_549 = arith.constant 16 : i32
        %parallel_loop3A_550 = vector.broadcast %parallel_loop3A_549 : i32 to vector<16xi32>
        %parallel_loop3A_551 = arith.shli %parallel_loop3A_539, %parallel_loop3A_550 : vector<16xi32>
        %parallel_loop3A_552 = vector.bitcast %parallel_loop3A_551 : vector<16xi32> to vector<16xf32>
        %parallel_loop3A_553 = arith.constant 16 : i32
        %parallel_loop3A_554 = vector.broadcast %parallel_loop3A_553 : i32 to vector<16xi32>
        %parallel_loop3A_555 = arith.shli %parallel_loop3A_540, %parallel_loop3A_554 : vector<16xi32>
        %parallel_loop3A_556 = vector.bitcast %parallel_loop3A_555 : vector<16xi32> to vector<16xf32>
        %parallel_loop3A_557 = arith.andi %parallel_loop3A_537, %broadcast_in_dim3A_1 : vector<16xi32>
        %parallel_loop3A_558 = vector.bitcast %parallel_loop3A_557 : vector<16xi32> to vector<16xf32>
        %parallel_loop3A_559 = arith.andi %parallel_loop3A_538, %broadcast_in_dim3A_1 : vector<16xi32>
        %parallel_loop3A_560 = vector.bitcast %parallel_loop3A_559 : vector<16xi32> to vector<16xf32>
        %parallel_loop3A_561 = arith.andi %parallel_loop3A_539, %broadcast_in_dim3A_1 : vector<16xi32>
        %parallel_loop3A_562 = vector.bitcast %parallel_loop3A_561 : vector<16xi32> to vector<16xf32>
        %parallel_loop3A_563 = arith.andi %parallel_loop3A_540, %broadcast_in_dim3A_1 : vector<16xi32>
        %parallel_loop3A_564 = vector.bitcast %parallel_loop3A_563 : vector<16xi32> to vector<16xf32>
        %parallel_loop3A_565 = arith.mulf %parallel_loop3A_544, %parallel_loop3A_514 : vector<16xf32>
        %parallel_loop3A_566 = arith.mulf %parallel_loop3A_548, %parallel_loop3A_518 : vector<16xf32>
        %parallel_loop3A_567 = arith.addf %parallel_loop3A_565, %parallel_loop3A_566 : vector<16xf32>
        %parallel_loop3A_568 = arith.mulf %parallel_loop3A_552, %parallel_loop3A_522 : vector<16xf32>
        %parallel_loop3A_569 = arith.addf %parallel_loop3A_567, %parallel_loop3A_568 : vector<16xf32>
        %parallel_loop3A_570 = arith.mulf %parallel_loop3A_556, %parallel_loop3A_526 : vector<16xf32>
        %parallel_loop3A_571 = arith.addf %parallel_loop3A_569, %parallel_loop3A_570 : vector<16xf32>
        %parallel_loop3A_572 = arith.mulf %parallel_loop3A_558, %parallel_loop3A_514 : vector<16xf32>
        %parallel_loop3A_573 = arith.mulf %parallel_loop3A_560, %parallel_loop3A_518 : vector<16xf32>
        %parallel_loop3A_574 = arith.addf %parallel_loop3A_572, %parallel_loop3A_573 : vector<16xf32>
        %parallel_loop3A_575 = arith.mulf %parallel_loop3A_562, %parallel_loop3A_522 : vector<16xf32>
        %parallel_loop3A_576 = arith.addf %parallel_loop3A_574, %parallel_loop3A_575 : vector<16xf32>
        %parallel_loop3A_577 = arith.mulf %parallel_loop3A_564, %parallel_loop3A_526 : vector<16xf32>
        %parallel_loop3A_578 = arith.addf %parallel_loop3A_576, %parallel_loop3A_577 : vector<16xf32>
        %parallel_loop3A_579 = arith.constant 0 : i32
        %parallel_loop3A_580 = vector.broadcast %parallel_loop3A_579 : i32 to vector<16xi32>
        tpu.vector_store_idx %arg13[%parallel_loop3A_580, %parallel_loop3A_530, %parallel_loop3A_534], %parallel_loop3A_571 : memref<4x32x128xf32, #tpu.memory_space<vmem>>[vector<16xi32>, vector<16xi32>, vector<16xi32>], vector<16xf32>,
        %parallel_loop3A_581 = arith.constant 2 : i32
        %parallel_loop3A_582 = vector.broadcast %parallel_loop3A_581 : i32 to vector<16xi32>
        tpu.vector_store_idx %arg13[%parallel_loop3A_582, %parallel_loop3A_530, %parallel_loop3A_534], %parallel_loop3A_578 : memref<4x32x128xf32, #tpu.memory_space<vmem>>[vector<16xi32>, vector<16xi32>, vector<16xi32>], vector<16xf32>,
        %parallel_loop3A_583 = arith.constant 1 : i32
        %parallel_loop3A_584 = vector.broadcast %parallel_loop3A_583 : i32 to vector<16xi32>
        %parallel_loop3A_585 = tpu.vector_load_idx %arg11[%parallel_loop3A_584, %parallel_loop3A_498] : memref<2x7680xi32, #tpu.memory_space<vmem>>[vector<16xi32>, vector<16xi32>], vector<16xi32>,
        %parallel_loop3A_586 = tpu.vector_load_idx %arg11[%parallel_loop3A_584, %parallel_loop3A_502] : memref<2x7680xi32, #tpu.memory_space<vmem>>[vector<16xi32>, vector<16xi32>], vector<16xi32>,
        %parallel_loop3A_587 = tpu.vector_load_idx %arg11[%parallel_loop3A_584, %parallel_loop3A_506] : memref<2x7680xi32, #tpu.memory_space<vmem>>[vector<16xi32>, vector<16xi32>], vector<16xi32>,
        %parallel_loop3A_588 = tpu.vector_load_idx %arg11[%parallel_loop3A_584, %parallel_loop3A_510] : memref<2x7680xi32, #tpu.memory_space<vmem>>[vector<16xi32>, vector<16xi32>], vector<16xi32>,
        %parallel_loop3A_589 = arith.constant 16 : i32
        %parallel_loop3A_590 = vector.broadcast %parallel_loop3A_589 : i32 to vector<16xi32>
        %parallel_loop3A_591 = arith.shli %parallel_loop3A_585, %parallel_loop3A_590 : vector<16xi32>
        %parallel_loop3A_592 = vector.bitcast %parallel_loop3A_591 : vector<16xi32> to vector<16xf32>
        %parallel_loop3A_593 = arith.constant 16 : i32
        %parallel_loop3A_594 = vector.broadcast %parallel_loop3A_593 : i32 to vector<16xi32>
        %parallel_loop3A_595 = arith.shli %parallel_loop3A_586, %parallel_loop3A_594 : vector<16xi32>
        %parallel_loop3A_596 = vector.bitcast %parallel_loop3A_595 : vector<16xi32> to vector<16xf32>
        %parallel_loop3A_597 = arith.constant 16 : i32
        %parallel_loop3A_598 = vector.broadcast %parallel_loop3A_597 : i32 to vector<16xi32>
        %parallel_loop3A_599 = arith.shli %parallel_loop3A_587, %parallel_loop3A_598 : vector<16xi32>
        %parallel_loop3A_600 = vector.bitcast %parallel_loop3A_599 : vector<16xi32> to vector<16xf32>
        %parallel_loop3A_601 = arith.constant 16 : i32
        %parallel_loop3A_602 = vector.broadcast %parallel_loop3A_601 : i32 to vector<16xi32>
        %parallel_loop3A_603 = arith.shli %parallel_loop3A_588, %parallel_loop3A_602 : vector<16xi32>
        %parallel_loop3A_604 = vector.bitcast %parallel_loop3A_603 : vector<16xi32> to vector<16xf32>
        %parallel_loop3A_605 = arith.andi %parallel_loop3A_585, %broadcast_in_dim3A_1 : vector<16xi32>
        %parallel_loop3A_606 = vector.bitcast %parallel_loop3A_605 : vector<16xi32> to vector<16xf32>
        %parallel_loop3A_607 = arith.andi %parallel_loop3A_586, %broadcast_in_dim3A_1 : vector<16xi32>
        %parallel_loop3A_608 = vector.bitcast %parallel_loop3A_607 : vector<16xi32> to vector<16xf32>
        %parallel_loop3A_609 = arith.andi %parallel_loop3A_587, %broadcast_in_dim3A_1 : vector<16xi32>
        %parallel_loop3A_610 = vector.bitcast %parallel_loop3A_609 : vector<16xi32> to vector<16xf32>
        %parallel_loop3A_611 = arith.andi %parallel_loop3A_588, %broadcast_in_dim3A_1 : vector<16xi32>
        %parallel_loop3A_612 = vector.bitcast %parallel_loop3A_611 : vector<16xi32> to vector<16xf32>
        %parallel_loop3A_613 = arith.mulf %parallel_loop3A_592, %parallel_loop3A_514 : vector<16xf32>
        %parallel_loop3A_614 = arith.mulf %parallel_loop3A_596, %parallel_loop3A_518 : vector<16xf32>
        %parallel_loop3A_615 = arith.addf %parallel_loop3A_613, %parallel_loop3A_614 : vector<16xf32>
        %parallel_loop3A_616 = arith.mulf %parallel_loop3A_600, %parallel_loop3A_522 : vector<16xf32>
        %parallel_loop3A_617 = arith.addf %parallel_loop3A_615, %parallel_loop3A_616 : vector<16xf32>
        %parallel_loop3A_618 = arith.mulf %parallel_loop3A_604, %parallel_loop3A_526 : vector<16xf32>
        %parallel_loop3A_619 = arith.addf %parallel_loop3A_617, %parallel_loop3A_618 : vector<16xf32>
        %parallel_loop3A_620 = arith.mulf %parallel_loop3A_606, %parallel_loop3A_514 : vector<16xf32>
        %parallel_loop3A_621 = arith.mulf %parallel_loop3A_608, %parallel_loop3A_518 : vector<16xf32>
        %parallel_loop3A_622 = arith.addf %parallel_loop3A_620, %parallel_loop3A_621 : vector<16xf32>
        %parallel_loop3A_623 = arith.mulf %parallel_loop3A_610, %parallel_loop3A_522 : vector<16xf32>
        %parallel_loop3A_624 = arith.addf %parallel_loop3A_622, %parallel_loop3A_623 : vector<16xf32>
        %parallel_loop3A_625 = arith.mulf %parallel_loop3A_612, %parallel_loop3A_526 : vector<16xf32>
        %parallel_loop3A_626 = arith.addf %parallel_loop3A_624, %parallel_loop3A_625 : vector<16xf32>
        %parallel_loop3A_627 = arith.constant 1 : i32
        %parallel_loop3A_628 = vector.broadcast %parallel_loop3A_627 : i32 to vector<16xi32>
        tpu.vector_store_idx %arg13[%parallel_loop3A_628, %parallel_loop3A_530, %parallel_loop3A_534], %parallel_loop3A_619 : memref<4x32x128xf32, #tpu.memory_space<vmem>>[vector<16xi32>, vector<16xi32>, vector<16xi32>], vector<16xf32>,
        %parallel_loop3A_629 = arith.constant 3 : i32
        %parallel_loop3A_630 = vector.broadcast %parallel_loop3A_629 : i32 to vector<16xi32>
        tpu.vector_store_idx %arg13[%parallel_loop3A_630, %parallel_loop3A_530, %parallel_loop3A_534], %parallel_loop3A_626 : memref<4x32x128xf32, #tpu.memory_space<vmem>>[vector<16xi32>, vector<16xi32>, vector<16xi32>], vector<16xf32>,
      } {sc.loop_unroll_factor = 2 : i64, sc.parallel_access}
      %mul3A_365 = arith.constant 2 : i32
      %mul3A_366 = arith.muli %mul3A_346, %mul3A_365 : i32
      %dma_start3A_367 = arith.constant 0 : i32
      %dma_start3A_368 = arith.constant 0 : i32
      %dma_start3A_369 = arith.constant 0 : i32
      %dma_start3A_370 = tpu.memref_slice %arg13[%dma_start3A_367, %dma_start3A_368, %dma_start3A_369] : memref<4x32x128xf32, #tpu.memory_space<vmem>> -> memref<2x32x128xf32, #tpu.memory_space<vmem>>
      %dma_start3A_371 = arith.constant 0 : i32
      %dma_start3A_372 = arith.constant 0 : i32
      %dma_start3A_373 = arith.constant 0 : i32
      %dma_start3A_374 = tpu.memref_slice %arg5[%add3A_5, %dma_start3A_371, %dma_start3A_372, %dma_start3A_373] : memref<64x128x32x128xf32, #tpu.memory_space<hbm>> -> memref<1x128x32x128xf32, #tpu.memory_space<hbm>>
      %dma_start3A_375 = tpu.memref_squeeze %dma_start3A_374 : memref<1x128x32x128xf32, #tpu.memory_space<hbm>> -> memref<128x32x128xf32, #tpu.memory_space<hbm>>
      %dma_start3A_376 = arith.constant 0 : i32
      %dma_start3A_377 = arith.constant 0 : i32
      %dma_start3A_378 = tpu.memref_slice %dma_start3A_375[%mul3A_366, %dma_start3A_376, %dma_start3A_377] : memref<128x32x128xf32, #tpu.memory_space<hbm>> -> memref<2x32x128xf32, #tpu.memory_space<hbm>>
      %dma_start3A_379 = arith.constant 0 : i32
      %dma_start3A_380 = arith.constant 0 : i32
      %dma_start3A_381 = arith.constant 0 : i32
      %dma_start3A_382 = tpu.memref_slice %arg5[%add3A_5, %dma_start3A_379, %dma_start3A_380, %dma_start3A_381] : memref<64x128x32x128xf32, #tpu.memory_space<hbm>> -> memref<1x128x32x128xf32, #tpu.memory_space<hbm>>
      %dma_start3A_383 = tpu.memref_squeeze %dma_start3A_382 : memref<1x128x32x128xf32, #tpu.memory_space<hbm>> -> memref<128x32x128xf32, #tpu.memory_space<hbm>>
      %dma_start3A_384 = arith.constant 0 : i32
      %dma_start3A_385 = arith.constant 0 : i32
      %dma_start3A_386 = tpu.memref_slice %dma_start3A_383[%mul3A_366, %dma_start3A_384, %dma_start3A_385] : memref<128x32x128xf32, #tpu.memory_space<hbm>> -> memref<2x32x128xf32, #tpu.memory_space<hbm>>
      %dma_start3A_387 = arith.constant 0 : i32
      %dma_start3A_388 = arith.constant 0 : i32
      %dma_start3A_389 = arith.constant 0 : i32
      %dma_start3A_390 = tpu.memref_slice %arg13[%dma_start3A_387, %dma_start3A_388, %dma_start3A_389] : memref<4x32x128xf32, #tpu.memory_space<vmem>> -> memref<2x32x128xf32, #tpu.memory_space<vmem>>
      tpu.enqueue_dma source(%dma_start3A_390 : memref<2x32x128xf32, #tpu.memory_space<vmem>>) target(%dma_start3A_386 : memref<2x32x128xf32, #tpu.memory_space<hbm>>) target_semaphore(%arg17 : memref<!tpu.dma_semaphore, #tpu.memory_space<semaphore_mem>>)
      %mul3A_391 = arith.constant 2 : i32
      %mul3A_392 = arith.muli %mul3A_346, %mul3A_391 : i32
      %add3A_393 = arith.constant 64 : i32
      %add3A_394 = arith.addi %add3A_393, %mul3A_392 : i32
      %dma_start3A_395 = arith.constant 2 : i32
      %dma_start3A_396 = arith.constant 0 : i32
      %dma_start3A_397 = arith.constant 0 : i32
      %dma_start3A_398 = tpu.memref_slice %arg13[%dma_start3A_395, %dma_start3A_396, %dma_start3A_397] : memref<4x32x128xf32, #tpu.memory_space<vmem>> -> memref<2x32x128xf32, #tpu.memory_space<vmem>>
      %dma_start3A_399 = arith.constant 0 : i32
      %dma_start3A_400 = arith.constant 0 : i32
      %dma_start3A_401 = arith.constant 0 : i32
      %dma_start3A_402 = tpu.memref_slice %arg5[%add3A_5, %dma_start3A_399, %dma_start3A_400, %dma_start3A_401] : memref<64x128x32x128xf32, #tpu.memory_space<hbm>> -> memref<1x128x32x128xf32, #tpu.memory_space<hbm>>
      %dma_start3A_403 = tpu.memref_squeeze %dma_start3A_402 : memref<1x128x32x128xf32, #tpu.memory_space<hbm>> -> memref<128x32x128xf32, #tpu.memory_space<hbm>>
      %dma_start3A_404 = arith.constant 0 : i32
      %dma_start3A_405 = arith.constant 0 : i32
      %dma_start3A_406 = tpu.memref_slice %dma_start3A_403[%add3A_394, %dma_start3A_404, %dma_start3A_405] : memref<128x32x128xf32, #tpu.memory_space<hbm>> -> memref<2x32x128xf32, #tpu.memory_space<hbm>>
      %dma_start3A_407 = arith.constant 0 : i32
      %dma_start3A_408 = arith.constant 0 : i32
      %dma_start3A_409 = arith.constant 0 : i32
      %dma_start3A_410 = tpu.memref_slice %arg5[%add3A_5, %dma_start3A_407, %dma_start3A_408, %dma_start3A_409] : memref<64x128x32x128xf32, #tpu.memory_space<hbm>> -> memref<1x128x32x128xf32, #tpu.memory_space<hbm>>
      %dma_start3A_411 = tpu.memref_squeeze %dma_start3A_410 : memref<1x128x32x128xf32, #tpu.memory_space<hbm>> -> memref<128x32x128xf32, #tpu.memory_space<hbm>>
      %dma_start3A_412 = arith.constant 0 : i32
      %dma_start3A_413 = arith.constant 0 : i32
      %dma_start3A_414 = tpu.memref_slice %dma_start3A_411[%add3A_394, %dma_start3A_412, %dma_start3A_413] : memref<128x32x128xf32, #tpu.memory_space<hbm>> -> memref<2x32x128xf32, #tpu.memory_space<hbm>>
      %dma_start3A_415 = arith.constant 2 : i32
      %dma_start3A_416 = arith.constant 0 : i32
      %dma_start3A_417 = arith.constant 0 : i32
      %dma_start3A_418 = tpu.memref_slice %arg13[%dma_start3A_415, %dma_start3A_416, %dma_start3A_417] : memref<4x32x128xf32, #tpu.memory_space<vmem>> -> memref<2x32x128xf32, #tpu.memory_space<vmem>>
      tpu.enqueue_dma source(%dma_start3A_418 : memref<2x32x128xf32, #tpu.memory_space<vmem>>) target(%dma_start3A_414 : memref<2x32x128xf32, #tpu.memory_space<hbm>>) target_semaphore(%arg17 : memref<!tpu.dma_semaphore, #tpu.memory_space<semaphore_mem>>)
      %lt3A = arith.constant 15 : i32
      %lt3A_419 = arith.cmpi slt, %scan3A_343, %lt3A : i32
      %convert_element_type3A_420 = arith.extui %lt3A_419 : i1 to i32
      %cond3A_421 = arith.constant 0 : i32
      %cond3A_422 = arith.cmpi ne, %convert_element_type3A_420, %cond3A_421 : i32
      scf.if %cond3A_422 {
        %add3A_492 = arith.constant 2 : i32
        %add3A_493 = arith.addi %mul3A_346, %add3A_492 : i32
        %mul3A_494 = arith.constant 64 : i32
        %mul3A_495 = arith.muli %reduce_sum3A_34, %mul3A_494 : i32
        %mul3A_496 = arith.constant 2 : i32
        %mul3A_497 = arith.muli %add3A_493, %mul3A_496 : i32
        %add3A_498 = arith.addi %mul3A_495, %mul3A_497 : i32
        %dma_start3A_499 = arith.constant 0 : i32
        %dma_start3A_500 = tpu.memref_slice %arg2[%add3A_498, %dma_start3A_499] : memref<512x7680xi32, #tpu.memory_space<hbm>> -> memref<2x7680xi32, #tpu.memory_space<hbm>>
        %dma_start3A_501 = arith.constant 0 : i32
        %dma_start3A_502 = tpu.memref_slice %arg2[%add3A_498, %dma_start3A_501] : memref<512x7680xi32, #tpu.memory_space<hbm>> -> memref<2x7680xi32, #tpu.memory_space<hbm>>
        tpu.enqueue_dma source(%dma_start3A_502 : memref<2x7680xi32, #tpu.memory_space<hbm>>) target(%arg11 : memref<2x7680xi32, #tpu.memory_space<vmem>>) target_semaphore(%arg15 : memref<!tpu.dma_semaphore, #tpu.memory_space<semaphore_mem>>)
      } else {
      }
      %dma_wait3A_423 = arith.constant 0 : i32
      %dma_wait3A_424 = arith.constant 0 : i32
      %dma_wait3A_425 = tpu.memref_slice %arg2[%dma_wait3A_423, %dma_wait3A_424] : memref<512x7680xi32, #tpu.memory_space<hbm>> -> memref<2x7680xi32, #tpu.memory_space<hbm>>
      %dma_wait3A_426 = arith.constant 0 : i32
      %dma_wait3A_427 = arith.constant 0 : i32
      %dma_wait3A_428 = tpu.memref_slice %arg2[%dma_wait3A_426, %dma_wait3A_427] : memref<512x7680xi32, #tpu.memory_space<hbm>> -> memref<2x7680xi32, #tpu.memory_space<hbm>>
      tpu.wait_dma2 semaphore(%arg16 : memref<!tpu.dma_semaphore, #tpu.memory_space<semaphore_mem>>) src(%dma_wait3A_428 : memref<2x7680xi32, #tpu.memory_space<hbm>>) dst(%arg12 : memref<2x7680xi32, #tpu.memory_space<vmem>>)
      %gt3A_429 = arith.constant 0 : i32
      %gt3A_430 = arith.cmpi sgt, %scan3A_343, %gt3A_429 : i32
      %convert_element_type3A_431 = arith.extui %gt3A_430 : i1 to i32
      %cond3A_432 = arith.constant 0 : i32
      %cond3A_433 = arith.cmpi ne, %convert_element_type3A_431, %cond3A_432 : i32
      scf.if %cond3A_433 {
        %dma_wait3A_492 = arith.constant 0 : i32
        %dma_wait3A_493 = arith.constant 0 : i32
        %dma_wait3A_494 = arith.constant 0 : i32
        %dma_wait3A_495 = arith.constant 0 : i32
        %dma_wait3A_496 = tpu.memref_slice %arg14[%dma_wait3A_493, %dma_wait3A_494, %dma_wait3A_495] : memref<4x32x128xf32, #tpu.memory_space<vmem>> -> memref<2x32x128xf32, #tpu.memory_space<vmem>>
        %dma_wait3A_497 = arith.constant 0 : i32
        %dma_wait3A_498 = arith.constant 0 : i32
        %dma_wait3A_499 = arith.constant 0 : i32
        %dma_wait3A_500 = tpu.memref_slice %arg5[%dma_wait3A_492, %dma_wait3A_497, %dma_wait3A_498, %dma_wait3A_499] : memref<64x128x32x128xf32, #tpu.memory_space<hbm>> -> memref<1x128x32x128xf32, #tpu.memory_space<hbm>>
        %dma_wait3A_501 = tpu.memref_squeeze %dma_wait3A_500 : memref<1x128x32x128xf32, #tpu.memory_space<hbm>> -> memref<128x32x128xf32, #tpu.memory_space<hbm>>
        %dma_wait3A_502 = arith.constant 0 : i32
        %dma_wait3A_503 = arith.constant 0 : i32
        %dma_wait3A_504 = arith.constant 0 : i32
        %dma_wait3A_505 = tpu.memref_slice %dma_wait3A_501[%dma_wait3A_502, %dma_wait3A_503, %dma_wait3A_504] : memref<128x32x128xf32, #tpu.memory_space<hbm>> -> memref<2x32x128xf32, #tpu.memory_space<hbm>>
        %dma_wait3A_506 = arith.constant 0 : i32
        %dma_wait3A_507 = arith.constant 0 : i32
        %dma_wait3A_508 = arith.constant 0 : i32
        %dma_wait3A_509 = tpu.memref_slice %arg5[%dma_wait3A_492, %dma_wait3A_506, %dma_wait3A_507, %dma_wait3A_508] : memref<64x128x32x128xf32, #tpu.memory_space<hbm>> -> memref<1x128x32x128xf32, #tpu.memory_space<hbm>>
        %dma_wait3A_510 = tpu.memref_squeeze %dma_wait3A_509 : memref<1x128x32x128xf32, #tpu.memory_space<hbm>> -> memref<128x32x128xf32, #tpu.memory_space<hbm>>
        %dma_wait3A_511 = arith.constant 0 : i32
        %dma_wait3A_512 = arith.constant 0 : i32
        %dma_wait3A_513 = arith.constant 0 : i32
        %dma_wait3A_514 = tpu.memref_slice %dma_wait3A_510[%dma_wait3A_511, %dma_wait3A_512, %dma_wait3A_513] : memref<128x32x128xf32, #tpu.memory_space<hbm>> -> memref<2x32x128xf32, #tpu.memory_space<hbm>>
        %dma_wait3A_515 = arith.constant 0 : i32
        %dma_wait3A_516 = arith.constant 0 : i32
        %dma_wait3A_517 = arith.constant 0 : i32
        %dma_wait3A_518 = tpu.memref_slice %arg14[%dma_wait3A_515, %dma_wait3A_516, %dma_wait3A_517] : memref<4x32x128xf32, #tpu.memory_space<vmem>> -> memref<2x32x128xf32, #tpu.memory_space<vmem>>
        tpu.wait_dma2 semaphore(%arg18 : memref<!tpu.dma_semaphore, #tpu.memory_space<semaphore_mem>>) src(%dma_wait3A_518 : memref<2x32x128xf32, #tpu.memory_space<vmem>>) dst(%dma_wait3A_514 : memref<2x32x128xf32, #tpu.memory_space<hbm>>)
        %dma_wait3A_519 = arith.constant 0 : i32
        %dma_wait3A_520 = arith.constant 0 : i32
        %dma_wait3A_521 = arith.constant 0 : i32
        %dma_wait3A_522 = arith.constant 0 : i32
        %dma_wait3A_523 = tpu.memref_slice %arg14[%dma_wait3A_520, %dma_wait3A_521, %dma_wait3A_522] : memref<4x32x128xf32, #tpu.memory_space<vmem>> -> memref<2x32x128xf32, #tpu.memory_space<vmem>>
        %dma_wait3A_524 = arith.constant 0 : i32
        %dma_wait3A_525 = arith.constant 0 : i32
        %dma_wait3A_526 = arith.constant 0 : i32
        %dma_wait3A_527 = tpu.memref_slice %arg5[%dma_wait3A_519, %dma_wait3A_524, %dma_wait3A_525, %dma_wait3A_526] : memref<64x128x32x128xf32, #tpu.memory_space<hbm>> -> memref<1x128x32x128xf32, #tpu.memory_space<hbm>>
        %dma_wait3A_528 = tpu.memref_squeeze %dma_wait3A_527 : memref<1x128x32x128xf32, #tpu.memory_space<hbm>> -> memref<128x32x128xf32, #tpu.memory_space<hbm>>
        %dma_wait3A_529 = arith.constant 0 : i32
        %dma_wait3A_530 = arith.constant 0 : i32
        %dma_wait3A_531 = arith.constant 0 : i32
        %dma_wait3A_532 = tpu.memref_slice %dma_wait3A_528[%dma_wait3A_529, %dma_wait3A_530, %dma_wait3A_531] : memref<128x32x128xf32, #tpu.memory_space<hbm>> -> memref<2x32x128xf32, #tpu.memory_space<hbm>>
        %dma_wait3A_533 = arith.constant 0 : i32
        %dma_wait3A_534 = arith.constant 0 : i32
        %dma_wait3A_535 = arith.constant 0 : i32
        %dma_wait3A_536 = tpu.memref_slice %arg5[%dma_wait3A_519, %dma_wait3A_533, %dma_wait3A_534, %dma_wait3A_535] : memref<64x128x32x128xf32, #tpu.memory_space<hbm>> -> memref<1x128x32x128xf32, #tpu.memory_space<hbm>>
        %dma_wait3A_537 = tpu.memref_squeeze %dma_wait3A_536 : memref<1x128x32x128xf32, #tpu.memory_space<hbm>> -> memref<128x32x128xf32, #tpu.memory_space<hbm>>
        %dma_wait3A_538 = arith.constant 0 : i32
        %dma_wait3A_539 = arith.constant 0 : i32
        %dma_wait3A_540 = arith.constant 0 : i32
        %dma_wait3A_541 = tpu.memref_slice %dma_wait3A_537[%dma_wait3A_538, %dma_wait3A_539, %dma_wait3A_540] : memref<128x32x128xf32, #tpu.memory_space<hbm>> -> memref<2x32x128xf32, #tpu.memory_space<hbm>>
        %dma_wait3A_542 = arith.constant 0 : i32
        %dma_wait3A_543 = arith.constant 0 : i32
        %dma_wait3A_544 = arith.constant 0 : i32
        %dma_wait3A_545 = tpu.memref_slice %arg14[%dma_wait3A_542, %dma_wait3A_543, %dma_wait3A_544] : memref<4x32x128xf32, #tpu.memory_space<vmem>> -> memref<2x32x128xf32, #tpu.memory_space<vmem>>
        tpu.wait_dma2 semaphore(%arg18 : memref<!tpu.dma_semaphore, #tpu.memory_space<semaphore_mem>>) src(%dma_wait3A_545 : memref<2x32x128xf32, #tpu.memory_space<vmem>>) dst(%dma_wait3A_541 : memref<2x32x128xf32, #tpu.memory_space<hbm>>)
      } else {
      }
      %parallel_loop3A_434 = arith.constant 0 : i32
      %parallel_loop3A_435 = arith.constant 200 : i32
      %parallel_loop3A_436 = arith.constant 1 : i32
      scf.for %parallel_loop3A_492 = %parallel_loop3A_434 to %parallel_loop3A_435 step %parallel_loop3A_436  : i32 {
        %parallel_loop3A_493 = arith.constant 16 : i32
        %parallel_loop3A_494 = arith.muli %parallel_loop3A_492, %parallel_loop3A_493 : i32
        %parallel_loop3A_495 = arith.constant 0 : i32
        %parallel_loop3A_496 = arith.index_cast %parallel_loop3A_495 : i32 to index
        %parallel_loop3A_497 = arith.index_cast %parallel_loop3A_494 : i32 to index
        %parallel_loop3A_498 = tpu.vector_load %arg7[%parallel_loop3A_496, %parallel_loop3A_497] {strides = array<i32>} : memref<4x3200xi32, #tpu.memory_space<vmem>>, vector<16xi32>,
        %parallel_loop3A_499 = arith.constant 1 : i32
        %parallel_loop3A_500 = arith.index_cast %parallel_loop3A_499 : i32 to index
        %parallel_loop3A_501 = arith.index_cast %parallel_loop3A_494 : i32 to index
        %parallel_loop3A_502 = tpu.vector_load %arg7[%parallel_loop3A_500, %parallel_loop3A_501] {strides = array<i32>} : memref<4x3200xi32, #tpu.memory_space<vmem>>, vector<16xi32>,
        %parallel_loop3A_503 = arith.constant 2 : i32
        %parallel_loop3A_504 = arith.index_cast %parallel_loop3A_503 : i32 to index
        %parallel_loop3A_505 = arith.index_cast %parallel_loop3A_494 : i32 to index
        %parallel_loop3A_506 = tpu.vector_load %arg7[%parallel_loop3A_504, %parallel_loop3A_505] {strides = array<i32>} : memref<4x3200xi32, #tpu.memory_space<vmem>>, vector<16xi32>,
        %parallel_loop3A_507 = arith.constant 3 : i32
        %parallel_loop3A_508 = arith.index_cast %parallel_loop3A_507 : i32 to index
        %parallel_loop3A_509 = arith.index_cast %parallel_loop3A_494 : i32 to index
        %parallel_loop3A_510 = tpu.vector_load %arg7[%parallel_loop3A_508, %parallel_loop3A_509] {strides = array<i32>} : memref<4x3200xi32, #tpu.memory_space<vmem>>, vector<16xi32>,
        %parallel_loop3A_511 = arith.constant 0 : i32
        %parallel_loop3A_512 = arith.index_cast %parallel_loop3A_511 : i32 to index
        %parallel_loop3A_513 = arith.index_cast %parallel_loop3A_494 : i32 to index
        %parallel_loop3A_514 = tpu.vector_load %arg8[%parallel_loop3A_512, %parallel_loop3A_513] {strides = array<i32>} : memref<4x3200xf32, #tpu.memory_space<vmem>>, vector<16xf32>,
        %parallel_loop3A_515 = arith.constant 1 : i32
        %parallel_loop3A_516 = arith.index_cast %parallel_loop3A_515 : i32 to index
        %parallel_loop3A_517 = arith.index_cast %parallel_loop3A_494 : i32 to index
        %parallel_loop3A_518 = tpu.vector_load %arg8[%parallel_loop3A_516, %parallel_loop3A_517] {strides = array<i32>} : memref<4x3200xf32, #tpu.memory_space<vmem>>, vector<16xf32>,
        %parallel_loop3A_519 = arith.constant 2 : i32
        %parallel_loop3A_520 = arith.index_cast %parallel_loop3A_519 : i32 to index
        %parallel_loop3A_521 = arith.index_cast %parallel_loop3A_494 : i32 to index
        %parallel_loop3A_522 = tpu.vector_load %arg8[%parallel_loop3A_520, %parallel_loop3A_521] {strides = array<i32>} : memref<4x3200xf32, #tpu.memory_space<vmem>>, vector<16xf32>,
        %parallel_loop3A_523 = arith.constant 3 : i32
        %parallel_loop3A_524 = arith.index_cast %parallel_loop3A_523 : i32 to index
        %parallel_loop3A_525 = arith.index_cast %parallel_loop3A_494 : i32 to index
        %parallel_loop3A_526 = tpu.vector_load %arg8[%parallel_loop3A_524, %parallel_loop3A_525] {strides = array<i32>} : memref<4x3200xf32, #tpu.memory_space<vmem>>, vector<16xf32>,
        %parallel_loop3A_527 = arith.constant 0 : i32
        %parallel_loop3A_528 = arith.index_cast %parallel_loop3A_527 : i32 to index
        %parallel_loop3A_529 = arith.index_cast %parallel_loop3A_494 : i32 to index
        %parallel_loop3A_530 = tpu.vector_load %arg9[%parallel_loop3A_528, %parallel_loop3A_529] {strides = array<i32>} : memref<2x3200xi32, #tpu.memory_space<vmem>>, vector<16xi32>,
        %parallel_loop3A_531 = arith.constant 1 : i32
        %parallel_loop3A_532 = arith.index_cast %parallel_loop3A_531 : i32 to index
        %parallel_loop3A_533 = arith.index_cast %parallel_loop3A_494 : i32 to index
        %parallel_loop3A_534 = tpu.vector_load %arg9[%parallel_loop3A_532, %parallel_loop3A_533] {strides = array<i32>} : memref<2x3200xi32, #tpu.memory_space<vmem>>, vector<16xi32>,
        %parallel_loop3A_535 = arith.constant 0 : i32
        %parallel_loop3A_536 = vector.broadcast %parallel_loop3A_535 : i32 to vector<16xi32>
        %parallel_loop3A_537 = tpu.vector_load_idx %arg12[%parallel_loop3A_536, %parallel_loop3A_498] : memref<2x7680xi32, #tpu.memory_space<vmem>>[vector<16xi32>, vector<16xi32>], vector<16xi32>,
        %parallel_loop3A_538 = tpu.vector_load_idx %arg12[%parallel_loop3A_536, %parallel_loop3A_502] : memref<2x7680xi32, #tpu.memory_space<vmem>>[vector<16xi32>, vector<16xi32>], vector<16xi32>,
        %parallel_loop3A_539 = tpu.vector_load_idx %arg12[%parallel_loop3A_536, %parallel_loop3A_506] : memref<2x7680xi32, #tpu.memory_space<vmem>>[vector<16xi32>, vector<16xi32>], vector<16xi32>,
        %parallel_loop3A_540 = tpu.vector_load_idx %arg12[%parallel_loop3A_536, %parallel_loop3A_510] : memref<2x7680xi32, #tpu.memory_space<vmem>>[vector<16xi32>, vector<16xi32>], vector<16xi32>,
        %parallel_loop3A_541 = arith.constant 16 : i32
        %parallel_loop3A_542 = vector.broadcast %parallel_loop3A_541 : i32 to vector<16xi32>
        %parallel_loop3A_543 = arith.shli %parallel_loop3A_537, %parallel_loop3A_542 : vector<16xi32>
        %parallel_loop3A_544 = vector.bitcast %parallel_loop3A_543 : vector<16xi32> to vector<16xf32>
        %parallel_loop3A_545 = arith.constant 16 : i32
        %parallel_loop3A_546 = vector.broadcast %parallel_loop3A_545 : i32 to vector<16xi32>
        %parallel_loop3A_547 = arith.shli %parallel_loop3A_538, %parallel_loop3A_546 : vector<16xi32>
        %parallel_loop3A_548 = vector.bitcast %parallel_loop3A_547 : vector<16xi32> to vector<16xf32>
        %parallel_loop3A_549 = arith.constant 16 : i32
        %parallel_loop3A_550 = vector.broadcast %parallel_loop3A_549 : i32 to vector<16xi32>
        %parallel_loop3A_551 = arith.shli %parallel_loop3A_539, %parallel_loop3A_550 : vector<16xi32>
        %parallel_loop3A_552 = vector.bitcast %parallel_loop3A_551 : vector<16xi32> to vector<16xf32>
        %parallel_loop3A_553 = arith.constant 16 : i32
        %parallel_loop3A_554 = vector.broadcast %parallel_loop3A_553 : i32 to vector<16xi32>
        %parallel_loop3A_555 = arith.shli %parallel_loop3A_540, %parallel_loop3A_554 : vector<16xi32>
        %parallel_loop3A_556 = vector.bitcast %parallel_loop3A_555 : vector<16xi32> to vector<16xf32>
        %parallel_loop3A_557 = arith.andi %parallel_loop3A_537, %broadcast_in_dim3A_1 : vector<16xi32>
        %parallel_loop3A_558 = vector.bitcast %parallel_loop3A_557 : vector<16xi32> to vector<16xf32>
        %parallel_loop3A_559 = arith.andi %parallel_loop3A_538, %broadcast_in_dim3A_1 : vector<16xi32>
        %parallel_loop3A_560 = vector.bitcast %parallel_loop3A_559 : vector<16xi32> to vector<16xf32>
        %parallel_loop3A_561 = arith.andi %parallel_loop3A_539, %broadcast_in_dim3A_1 : vector<16xi32>
        %parallel_loop3A_562 = vector.bitcast %parallel_loop3A_561 : vector<16xi32> to vector<16xf32>
        %parallel_loop3A_563 = arith.andi %parallel_loop3A_540, %broadcast_in_dim3A_1 : vector<16xi32>
        %parallel_loop3A_564 = vector.bitcast %parallel_loop3A_563 : vector<16xi32> to vector<16xf32>
        %parallel_loop3A_565 = arith.mulf %parallel_loop3A_544, %parallel_loop3A_514 : vector<16xf32>
        %parallel_loop3A_566 = arith.mulf %parallel_loop3A_548, %parallel_loop3A_518 : vector<16xf32>
        %parallel_loop3A_567 = arith.addf %parallel_loop3A_565, %parallel_loop3A_566 : vector<16xf32>
        %parallel_loop3A_568 = arith.mulf %parallel_loop3A_552, %parallel_loop3A_522 : vector<16xf32>
        %parallel_loop3A_569 = arith.addf %parallel_loop3A_567, %parallel_loop3A_568 : vector<16xf32>
        %parallel_loop3A_570 = arith.mulf %parallel_loop3A_556, %parallel_loop3A_526 : vector<16xf32>
        %parallel_loop3A_571 = arith.addf %parallel_loop3A_569, %parallel_loop3A_570 : vector<16xf32>
        %parallel_loop3A_572 = arith.mulf %parallel_loop3A_558, %parallel_loop3A_514 : vector<16xf32>
        %parallel_loop3A_573 = arith.mulf %parallel_loop3A_560, %parallel_loop3A_518 : vector<16xf32>
        %parallel_loop3A_574 = arith.addf %parallel_loop3A_572, %parallel_loop3A_573 : vector<16xf32>
        %parallel_loop3A_575 = arith.mulf %parallel_loop3A_562, %parallel_loop3A_522 : vector<16xf32>
        %parallel_loop3A_576 = arith.addf %parallel_loop3A_574, %parallel_loop3A_575 : vector<16xf32>
        %parallel_loop3A_577 = arith.mulf %parallel_loop3A_564, %parallel_loop3A_526 : vector<16xf32>
        %parallel_loop3A_578 = arith.addf %parallel_loop3A_576, %parallel_loop3A_577 : vector<16xf32>
        %parallel_loop3A_579 = arith.constant 0 : i32
        %parallel_loop3A_580 = vector.broadcast %parallel_loop3A_579 : i32 to vector<16xi32>
        tpu.vector_store_idx %arg14[%parallel_loop3A_580, %parallel_loop3A_530, %parallel_loop3A_534], %parallel_loop3A_571 : memref<4x32x128xf32, #tpu.memory_space<vmem>>[vector<16xi32>, vector<16xi32>, vector<16xi32>], vector<16xf32>,
        %parallel_loop3A_581 = arith.constant 2 : i32
        %parallel_loop3A_582 = vector.broadcast %parallel_loop3A_581 : i32 to vector<16xi32>
        tpu.vector_store_idx %arg14[%parallel_loop3A_582, %parallel_loop3A_530, %parallel_loop3A_534], %parallel_loop3A_578 : memref<4x32x128xf32, #tpu.memory_space<vmem>>[vector<16xi32>, vector<16xi32>, vector<16xi32>], vector<16xf32>,
        %parallel_loop3A_583 = arith.constant 1 : i32
        %parallel_loop3A_584 = vector.broadcast %parallel_loop3A_583 : i32 to vector<16xi32>
        %parallel_loop3A_585 = tpu.vector_load_idx %arg12[%parallel_loop3A_584, %parallel_loop3A_498] : memref<2x7680xi32, #tpu.memory_space<vmem>>[vector<16xi32>, vector<16xi32>], vector<16xi32>,
        %parallel_loop3A_586 = tpu.vector_load_idx %arg12[%parallel_loop3A_584, %parallel_loop3A_502] : memref<2x7680xi32, #tpu.memory_space<vmem>>[vector<16xi32>, vector<16xi32>], vector<16xi32>,
        %parallel_loop3A_587 = tpu.vector_load_idx %arg12[%parallel_loop3A_584, %parallel_loop3A_506] : memref<2x7680xi32, #tpu.memory_space<vmem>>[vector<16xi32>, vector<16xi32>], vector<16xi32>,
        %parallel_loop3A_588 = tpu.vector_load_idx %arg12[%parallel_loop3A_584, %parallel_loop3A_510] : memref<2x7680xi32, #tpu.memory_space<vmem>>[vector<16xi32>, vector<16xi32>], vector<16xi32>,
        %parallel_loop3A_589 = arith.constant 16 : i32
        %parallel_loop3A_590 = vector.broadcast %parallel_loop3A_589 : i32 to vector<16xi32>
        %parallel_loop3A_591 = arith.shli %parallel_loop3A_585, %parallel_loop3A_590 : vector<16xi32>
        %parallel_loop3A_592 = vector.bitcast %parallel_loop3A_591 : vector<16xi32> to vector<16xf32>
        %parallel_loop3A_593 = arith.constant 16 : i32
        %parallel_loop3A_594 = vector.broadcast %parallel_loop3A_593 : i32 to vector<16xi32>
        %parallel_loop3A_595 = arith.shli %parallel_loop3A_586, %parallel_loop3A_594 : vector<16xi32>
        %parallel_loop3A_596 = vector.bitcast %parallel_loop3A_595 : vector<16xi32> to vector<16xf32>
        %parallel_loop3A_597 = arith.constant 16 : i32
        %parallel_loop3A_598 = vector.broadcast %parallel_loop3A_597 : i32 to vector<16xi32>
        %parallel_loop3A_599 = arith.shli %parallel_loop3A_587, %parallel_loop3A_598 : vector<16xi32>
        %parallel_loop3A_600 = vector.bitcast %parallel_loop3A_599 : vector<16xi32> to vector<16xf32>
        %parallel_loop3A_601 = arith.constant 16 : i32
        %parallel_loop3A_602 = vector.broadcast %parallel_loop3A_601 : i32 to vector<16xi32>
        %parallel_loop3A_603 = arith.shli %parallel_loop3A_588, %parallel_loop3A_602 : vector<16xi32>
        %parallel_loop3A_604 = vector.bitcast %parallel_loop3A_603 : vector<16xi32> to vector<16xf32>
        %parallel_loop3A_605 = arith.andi %parallel_loop3A_585, %broadcast_in_dim3A_1 : vector<16xi32>
        %parallel_loop3A_606 = vector.bitcast %parallel_loop3A_605 : vector<16xi32> to vector<16xf32>
        %parallel_loop3A_607 = arith.andi %parallel_loop3A_586, %broadcast_in_dim3A_1 : vector<16xi32>
        %parallel_loop3A_608 = vector.bitcast %parallel_loop3A_607 : vector<16xi32> to vector<16xf32>
        %parallel_loop3A_609 = arith.andi %parallel_loop3A_587, %broadcast_in_dim3A_1 : vector<16xi32>
        %parallel_loop3A_610 = vector.bitcast %parallel_loop3A_609 : vector<16xi32> to vector<16xf32>
        %parallel_loop3A_611 = arith.andi %parallel_loop3A_588, %broadcast_in_dim3A_1 : vector<16xi32>
        %parallel_loop3A_612 = vector.bitcast %parallel_loop3A_611 : vector<16xi32> to vector<16xf32>
        %parallel_loop3A_613 = arith.mulf %parallel_loop3A_592, %parallel_loop3A_514 : vector<16xf32>
        %parallel_loop3A_614 = arith.mulf %parallel_loop3A_596, %parallel_loop3A_518 : vector<16xf32>
        %parallel_loop3A_615 = arith.addf %parallel_loop3A_613, %parallel_loop3A_614 : vector<16xf32>
        %parallel_loop3A_616 = arith.mulf %parallel_loop3A_600, %parallel_loop3A_522 : vector<16xf32>
        %parallel_loop3A_617 = arith.addf %parallel_loop3A_615, %parallel_loop3A_616 : vector<16xf32>
        %parallel_loop3A_618 = arith.mulf %parallel_loop3A_604, %parallel_loop3A_526 : vector<16xf32>
        %parallel_loop3A_619 = arith.addf %parallel_loop3A_617, %parallel_loop3A_618 : vector<16xf32>
        %parallel_loop3A_620 = arith.mulf %parallel_loop3A_606, %parallel_loop3A_514 : vector<16xf32>
        %parallel_loop3A_621 = arith.mulf %parallel_loop3A_608, %parallel_loop3A_518 : vector<16xf32>
        %parallel_loop3A_622 = arith.addf %parallel_loop3A_620, %parallel_loop3A_621 : vector<16xf32>
        %parallel_loop3A_623 = arith.mulf %parallel_loop3A_610, %parallel_loop3A_522 : vector<16xf32>
        %parallel_loop3A_624 = arith.addf %parallel_loop3A_622, %parallel_loop3A_623 : vector<16xf32>
        %parallel_loop3A_625 = arith.mulf %parallel_loop3A_612, %parallel_loop3A_526 : vector<16xf32>
        %parallel_loop3A_626 = arith.addf %parallel_loop3A_624, %parallel_loop3A_625 : vector<16xf32>
        %parallel_loop3A_627 = arith.constant 1 : i32
        %parallel_loop3A_628 = vector.broadcast %parallel_loop3A_627 : i32 to vector<16xi32>
        tpu.vector_store_idx %arg14[%parallel_loop3A_628, %parallel_loop3A_530, %parallel_loop3A_534], %parallel_loop3A_619 : memref<4x32x128xf32, #tpu.memory_space<vmem>>[vector<16xi32>, vector<16xi32>, vector<16xi32>], vector<16xf32>,
        %parallel_loop3A_629 = arith.constant 3 : i32
        %parallel_loop3A_630 = vector.broadcast %parallel_loop3A_629 : i32 to vector<16xi32>
        tpu.vector_store_idx %arg14[%parallel_loop3A_630, %parallel_loop3A_530, %parallel_loop3A_534], %parallel_loop3A_626 : memref<4x32x128xf32, #tpu.memory_space<vmem>>[vector<16xi32>, vector<16xi32>, vector<16xi32>], vector<16xf32>,
      } {sc.loop_unroll_factor = 2 : i64, sc.parallel_access}
      %mul3A_437 = arith.constant 2 : i32
      %mul3A_438 = arith.muli %add3A_348, %mul3A_437 : i32
      %dma_start3A_439 = arith.constant 0 : i32
      %dma_start3A_440 = arith.constant 0 : i32
      %dma_start3A_441 = arith.constant 0 : i32
      %dma_start3A_442 = tpu.memref_slice %arg14[%dma_start3A_439, %dma_start3A_440, %dma_start3A_441] : memref<4x32x128xf32, #tpu.memory_space<vmem>> -> memref<2x32x128xf32, #tpu.memory_space<vmem>>
      %dma_start3A_443 = arith.constant 0 : i32
      %dma_start3A_444 = arith.constant 0 : i32
      %dma_start3A_445 = arith.constant 0 : i32
      %dma_start3A_446 = tpu.memref_slice %arg5[%add3A_5, %dma_start3A_443, %dma_start3A_444, %dma_start3A_445] : memref<64x128x32x128xf32, #tpu.memory_space<hbm>> -> memref<1x128x32x128xf32, #tpu.memory_space<hbm>>
      %dma_start3A_447 = tpu.memref_squeeze %dma_start3A_446 : memref<1x128x32x128xf32, #tpu.memory_space<hbm>> -> memref<128x32x128xf32, #tpu.memory_space<hbm>>
      %dma_start3A_448 = arith.constant 0 : i32
      %dma_start3A_449 = arith.constant 0 : i32
      %dma_start3A_450 = tpu.memref_slice %dma_start3A_447[%mul3A_438, %dma_start3A_448, %dma_start3A_449] : memref<128x32x128xf32, #tpu.memory_space<hbm>> -> memref<2x32x128xf32, #tpu.memory_space<hbm>>
      %dma_start3A_451 = arith.constant 0 : i32
      %dma_start3A_452 = arith.constant 0 : i32
      %dma_start3A_453 = arith.constant 0 : i32
      %dma_start3A_454 = tpu.memref_slice %arg5[%add3A_5, %dma_start3A_451, %dma_start3A_452, %dma_start3A_453] : memref<64x128x32x128xf32, #tpu.memory_space<hbm>> -> memref<1x128x32x128xf32, #tpu.memory_space<hbm>>
      %dma_start3A_455 = tpu.memref_squeeze %dma_start3A_454 : memref<1x128x32x128xf32, #tpu.memory_space<hbm>> -> memref<128x32x128xf32, #tpu.memory_space<hbm>>
      %dma_start3A_456 = arith.constant 0 : i32
      %dma_start3A_457 = arith.constant 0 : i32
      %dma_start3A_458 = tpu.memref_slice %dma_start3A_455[%mul3A_438, %dma_start3A_456, %dma_start3A_457] : memref<128x32x128xf32, #tpu.memory_space<hbm>> -> memref<2x32x128xf32, #tpu.memory_space<hbm>>
      %dma_start3A_459 = arith.constant 0 : i32
      %dma_start3A_460 = arith.constant 0 : i32
      %dma_start3A_461 = arith.constant 0 : i32
      %dma_start3A_462 = tpu.memref_slice %arg14[%dma_start3A_459, %dma_start3A_460, %dma_start3A_461] : memref<4x32x128xf32, #tpu.memory_space<vmem>> -> memref<2x32x128xf32, #tpu.memory_space<vmem>>
      tpu.enqueue_dma source(%dma_start3A_462 : memref<2x32x128xf32, #tpu.memory_space<vmem>>) target(%dma_start3A_458 : memref<2x32x128xf32, #tpu.memory_space<hbm>>) target_semaphore(%arg18 : memref<!tpu.dma_semaphore, #tpu.memory_space<semaphore_mem>>)
      %mul3A_463 = arith.constant 2 : i32
      %mul3A_464 = arith.muli %add3A_348, %mul3A_463 : i32
      %add3A_465 = arith.constant 64 : i32
      %add3A_466 = arith.addi %add3A_465, %mul3A_464 : i32
      %dma_start3A_467 = arith.constant 2 : i32
      %dma_start3A_468 = arith.constant 0 : i32
      %dma_start3A_469 = arith.constant 0 : i32
      %dma_start3A_470 = tpu.memref_slice %arg14[%dma_start3A_467, %dma_start3A_468, %dma_start3A_469] : memref<4x32x128xf32, #tpu.memory_space<vmem>> -> memref<2x32x128xf32, #tpu.memory_space<vmem>>
      %dma_start3A_471 = arith.constant 0 : i32
      %dma_start3A_472 = arith.constant 0 : i32
      %dma_start3A_473 = arith.constant 0 : i32
      %dma_start3A_474 = tpu.memref_slice %arg5[%add3A_5, %dma_start3A_471, %dma_start3A_472, %dma_start3A_473] : memref<64x128x32x128xf32, #tpu.memory_space<hbm>> -> memref<1x128x32x128xf32, #tpu.memory_space<hbm>>
      %dma_start3A_475 = tpu.memref_squeeze %dma_start3A_474 : memref<1x128x32x128xf32, #tpu.memory_space<hbm>> -> memref<128x32x128xf32, #tpu.memory_space<hbm>>
      %dma_start3A_476 = arith.constant 0 : i32
      %dma_start3A_477 = arith.constant 0 : i32
      %dma_start3A_478 = tpu.memref_slice %dma_start3A_475[%add3A_466, %dma_start3A_476, %dma_start3A_477] : memref<128x32x128xf32, #tpu.memory_space<hbm>> -> memref<2x32x128xf32, #tpu.memory_space<hbm>>
      %dma_start3A_479 = arith.constant 0 : i32
      %dma_start3A_480 = arith.constant 0 : i32
      %dma_start3A_481 = arith.constant 0 : i32
      %dma_start3A_482 = tpu.memref_slice %arg5[%add3A_5, %dma_start3A_479, %dma_start3A_480, %dma_start3A_481] : memref<64x128x32x128xf32, #tpu.memory_space<hbm>> -> memref<1x128x32x128xf32, #tpu.memory_space<hbm>>
      %dma_start3A_483 = tpu.memref_squeeze %dma_start3A_482 : memref<1x128x32x128xf32, #tpu.memory_space<hbm>> -> memref<128x32x128xf32, #tpu.memory_space<hbm>>
      %dma_start3A_484 = arith.constant 0 : i32
      %dma_start3A_485 = arith.constant 0 : i32
      %dma_start3A_486 = tpu.memref_slice %dma_start3A_483[%add3A_466, %dma_start3A_484, %dma_start3A_485] : memref<128x32x128xf32, #tpu.memory_space<hbm>> -> memref<2x32x128xf32, #tpu.memory_space<hbm>>
      %dma_start3A_487 = arith.constant 2 : i32
      %dma_start3A_488 = arith.constant 0 : i32
      %dma_start3A_489 = arith.constant 0 : i32
      %dma_start3A_490 = tpu.memref_slice %arg14[%dma_start3A_487, %dma_start3A_488, %dma_start3A_489] : memref<4x32x128xf32, #tpu.memory_space<vmem>> -> memref<2x32x128xf32, #tpu.memory_space<vmem>>
      tpu.enqueue_dma source(%dma_start3A_490 : memref<2x32x128xf32, #tpu.memory_space<vmem>>) target(%dma_start3A_486 : memref<2x32x128xf32, #tpu.memory_space<hbm>>) target_semaphore(%arg18 : memref<!tpu.dma_semaphore, #tpu.memory_space<semaphore_mem>>)
      %scan3A_491 = arith.constant 0 : i32
      scf.yield %scan3A_491 : i32
    }
    %scan3A_57 = arith.constant 16 : i32
    %dma_wait3A = arith.constant 0 : i32
    %dma_wait3A_58 = arith.constant 0 : i32
    %dma_wait3A_59 = arith.constant 0 : i32
    %dma_wait3A_60 = arith.constant 0 : i32
    %dma_wait3A_61 = tpu.memref_slice %arg13[%dma_wait3A_58, %dma_wait3A_59, %dma_wait3A_60] : memref<4x32x128xf32, #tpu.memory_space<vmem>> -> memref<2x32x128xf32, #tpu.memory_space<vmem>>
    %dma_wait3A_62 = arith.constant 0 : i32
    %dma_wait3A_63 = arith.constant 0 : i32
    %dma_wait3A_64 = arith.constant 0 : i32
    %dma_wait3A_65 = tpu.memref_slice %arg5[%dma_wait3A, %dma_wait3A_62, %dma_wait3A_63, %dma_wait3A_64] : memref<64x128x32x128xf32, #tpu.memory_space<hbm>> -> memref<1x128x32x128xf32, #tpu.memory_space<hbm>>
    %dma_wait3A_66 = tpu.memref_squeeze %dma_wait3A_65 : memref<1x128x32x128xf32, #tpu.memory_space<hbm>> -> memref<128x32x128xf32, #tpu.memory_space<hbm>>
    %dma_wait3A_67 = arith.constant 0 : i32
    %dma_wait3A_68 = arith.constant 0 : i32
    %dma_wait3A_69 = arith.constant 0 : i32
    %dma_wait3A_70 = tpu.memref_slice %dma_wait3A_66[%dma_wait3A_67, %dma_wait3A_68, %dma_wait3A_69] : memref<128x32x128xf32, #tpu.memory_space<hbm>> -> memref<2x32x128xf32, #tpu.memory_space<hbm>>
    %dma_wait3A_71 = arith.constant 0 : i32
    %dma_wait3A_72 = arith.constant 0 : i32
    %dma_wait3A_73 = arith.constant 0 : i32
    %dma_wait3A_74 = tpu.memref_slice %arg5[%dma_wait3A, %dma_wait3A_71, %dma_wait3A_72, %dma_wait3A_73] : memref<64x128x32x128xf32, #tpu.memory_space<hbm>> -> memref<1x128x32x128xf32, #tpu.memory_space<hbm>>
    %dma_wait3A_75 = tpu.memref_squeeze %dma_wait3A_74 : memref<1x128x32x128xf32, #tpu.memory_space<hbm>> -> memref<128x32x128xf32, #tpu.memory_space<hbm>>
    %dma_wait3A_76 = arith.constant 0 : i32
    %dma_wait3A_77 = arith.constant 0 : i32
    %dma_wait3A_78 = arith.constant 0 : i32
    %dma_wait3A_79 = tpu.memref_slice %dma_wait3A_75[%dma_wait3A_76, %dma_wait3A_77, %dma_wait3A_78] : memref<128x32x128xf32, #tpu.memory_space<hbm>> -> memref<2x32x128xf32, #tpu.memory_space<hbm>>
    %dma_wait3A_80 = arith.constant 0 : i32
    %dma_wait3A_81 = arith.constant 0 : i32
    %dma_wait3A_82 = arith.constant 0 : i32
    %dma_wait3A_83 = tpu.memref_slice %arg13[%dma_wait3A_80, %dma_wait3A_81, %dma_wait3A_82] : memref<4x32x128xf32, #tpu.memory_space<vmem>> -> memref<2x32x128xf32, #tpu.memory_space<vmem>>
    tpu.wait_dma2 semaphore(%arg17 : memref<!tpu.dma_semaphore, #tpu.memory_space<semaphore_mem>>) src(%dma_wait3A_83 : memref<2x32x128xf32, #tpu.memory_space<vmem>>) dst(%dma_wait3A_79 : memref<2x32x128xf32, #tpu.memory_space<hbm>>)
    %dma_wait3A_84 = arith.constant 0 : i32
    %dma_wait3A_85 = arith.constant 0 : i32
    %dma_wait3A_86 = arith.constant 0 : i32
    %dma_wait3A_87 = arith.constant 0 : i32
    %dma_wait3A_88 = tpu.memref_slice %arg13[%dma_wait3A_85, %dma_wait3A_86, %dma_wait3A_87] : memref<4x32x128xf32, #tpu.memory_space<vmem>> -> memref<2x32x128xf32, #tpu.memory_space<vmem>>
    %dma_wait3A_89 = arith.constant 0 : i32
    %dma_wait3A_90 = arith.constant 0 : i32
    %dma_wait3A_91 = arith.constant 0 : i32
    %dma_wait3A_92 = tpu.memref_slice %arg5[%dma_wait3A_84, %dma_wait3A_89, %dma_wait3A_90, %dma_wait3A_91] : memref<64x128x32x128xf32, #tpu.memory_space<hbm>> -> memref<1x128x32x128xf32, #tpu.memory_space<hbm>>
    %dma_wait3A_93 = tpu.memref_squeeze %dma_wait3A_92 : memref<1x128x32x128xf32, #tpu.memory_space<hbm>> -> memref<128x32x128xf32, #tpu.memory_space<hbm>>
    %dma_wait3A_94 = arith.constant 0 : i32
    %dma_wait3A_95 = arith.constant 0 : i32
    %dma_wait3A_96 = arith.constant 0 : i32
    %dma_wait3A_97 = tpu.memref_slice %dma_wait3A_93[%dma_wait3A_94, %dma_wait3A_95, %dma_wait3A_96] : memref<128x32x128xf32, #tpu.memory_space<hbm>> -> memref<2x32x128xf32, #tpu.memory_space<hbm>>
    %dma_wait3A_98 = arith.constant 0 : i32
    %dma_wait3A_99 = arith.constant 0 : i32
    %dma_wait3A_100 = arith.constant 0 : i32
    %dma_wait3A_101 = tpu.memref_slice %arg5[%dma_wait3A_84, %dma_wait3A_98, %dma_wait3A_99, %dma_wait3A_100] : memref<64x128x32x128xf32, #tpu.memory_space<hbm>> -> memref<1x128x32x128xf32, #tpu.memory_space<hbm>>
    %dma_wait3A_102 = tpu.memref_squeeze %dma_wait3A_101 : memref<1x128x32x128xf32, #tpu.memory_space<hbm>> -> memref<128x32x128xf32, #tpu.memory_space<hbm>>
    %dma_wait3A_103 = arith.constant 0 : i32
    %dma_wait3A_104 = arith.constant 0 : i32
    %dma_wait3A_105 = arith.constant 0 : i32
    %dma_wait3A_106 = tpu.memref_slice %dma_wait3A_102[%dma_wait3A_103, %dma_wait3A_104, %dma_wait3A_105] : memref<128x32x128xf32, #tpu.memory_space<hbm>> -> memref<2x32x128xf32, #tpu.memory_space<hbm>>
    %dma_wait3A_107 = arith.constant 0 : i32
    %dma_wait3A_108 = arith.constant 0 : i32
    %dma_wait3A_109 = arith.constant 0 : i32
    %dma_wait3A_110 = tpu.memref_slice %arg13[%dma_wait3A_107, %dma_wait3A_108, %dma_wait3A_109] : memref<4x32x128xf32, #tpu.memory_space<vmem>> -> memref<2x32x128xf32, #tpu.memory_space<vmem>>
    tpu.wait_dma2 semaphore(%arg17 : memref<!tpu.dma_semaphore, #tpu.memory_space<semaphore_mem>>) src(%dma_wait3A_110 : memref<2x32x128xf32, #tpu.memory_space<vmem>>) dst(%dma_wait3A_106 : memref<2x32x128xf32, #tpu.memory_space<hbm>>)
    %dma_wait3A_111 = arith.constant 0 : i32
    %dma_wait3A_112 = arith.constant 0 : i32
    %dma_wait3A_113 = arith.constant 0 : i32
    %dma_wait3A_114 = arith.constant 0 : i32
    %dma_wait3A_115 = tpu.memref_slice %arg14[%dma_wait3A_112, %dma_wait3A_113, %dma_wait3A_114] : memref<4x32x128xf32, #tpu.memory_space<vmem>> -> memref<2x32x128xf32, #tpu.memory_space<vmem>>
    %dma_wait3A_116 = arith.constant 0 : i32
    %dma_wait3A_117 = arith.constant 0 : i32
    %dma_wait3A_118 = arith.constant 0 : i32
    %dma_wait3A_119 = tpu.memref_slice %arg5[%dma_wait3A_111, %dma_wait3A_116, %dma_wait3A_117, %dma_wait3A_118] : memref<64x128x32x128xf32, #tpu.memory_space<hbm>> -> memref<1x128x32x128xf32, #tpu.memory_space<hbm>>
    %dma_wait3A_120 = tpu.memref_squeeze %dma_wait3A_119 : memref<1x128x32x128xf32, #tpu.memory_space<hbm>> -> memref<128x32x128xf32, #tpu.memory_space<hbm>>
    %dma_wait3A_121 = arith.constant 0 : i32
    %dma_wait3A_122 = arith.constant 0 : i32
    %dma_wait3A_123 = arith.constant 0 : i32
    %dma_wait3A_124 = tpu.memref_slice %dma_wait3A_120[%dma_wait3A_121, %dma_wait3A_122, %dma_wait3A_123] : memref<128x32x128xf32, #tpu.memory_space<hbm>> -> memref<2x32x128xf32, #tpu.memory_space<hbm>>
    %dma_wait3A_125 = arith.constant 0 : i32
    %dma_wait3A_126 = arith.constant 0 : i32
    %dma_wait3A_127 = arith.constant 0 : i32
    %dma_wait3A_128 = tpu.memref_slice %arg5[%dma_wait3A_111, %dma_wait3A_125, %dma_wait3A_126, %dma_wait3A_127] : memref<64x128x32x128xf32, #tpu.memory_space<hbm>> -> memref<1x128x32x128xf32, #tpu.memory_space<hbm>>
    %dma_wait3A_129 = tpu.memref_squeeze %dma_wait3A_128 : memref<1x128x32x128xf32, #tpu.memory_space<hbm>> -> memref<128x32x128xf32, #tpu.memory_space<hbm>>
    %dma_wait3A_130 = arith.constant 0 : i32
    %dma_wait3A_131 = arith.constant 0 : i32
    %dma_wait3A_132 = arith.constant 0 : i32
    %dma_wait3A_133 = tpu.memref_slice %dma_wait3A_129[%dma_wait3A_130, %dma_wait3A_131, %dma_wait3A_132] : memref<128x32x128xf32, #tpu.memory_space<hbm>> -> memref<2x32x128xf32, #tpu.memory_space<hbm>>
    %dma_wait3A_134 = arith.constant 0 : i32
    %dma_wait3A_135 = arith.constant 0 : i32
    %dma_wait3A_136 = arith.constant 0 : i32
    %dma_wait3A_137 = tpu.memref_slice %arg14[%dma_wait3A_134, %dma_wait3A_135, %dma_wait3A_136] : memref<4x32x128xf32, #tpu.memory_space<vmem>> -> memref<2x32x128xf32, #tpu.memory_space<vmem>>
    tpu.wait_dma2 semaphore(%arg18 : memref<!tpu.dma_semaphore, #tpu.memory_space<semaphore_mem>>) src(%dma_wait3A_137 : memref<2x32x128xf32, #tpu.memory_space<vmem>>) dst(%dma_wait3A_133 : memref<2x32x128xf32, #tpu.memory_space<hbm>>)
    %dma_wait3A_138 = arith.constant 0 : i32
    %dma_wait3A_139 = arith.constant 0 : i32
    %dma_wait3A_140 = arith.constant 0 : i32
    %dma_wait3A_141 = arith.constant 0 : i32
    %dma_wait3A_142 = tpu.memref_slice %arg14[%dma_wait3A_139, %dma_wait3A_140, %dma_wait3A_141] : memref<4x32x128xf32, #tpu.memory_space<vmem>> -> memref<2x32x128xf32, #tpu.memory_space<vmem>>
    %dma_wait3A_143 = arith.constant 0 : i32
    %dma_wait3A_144 = arith.constant 0 : i32
    %dma_wait3A_145 = arith.constant 0 : i32
    %dma_wait3A_146 = tpu.memref_slice %arg5[%dma_wait3A_138, %dma_wait3A_143, %dma_wait3A_144, %dma_wait3A_145] : memref<64x128x32x128xf32, #tpu.memory_space<hbm>> -> memref<1x128x32x128xf32, #tpu.memory_space<hbm>>
    %dma_wait3A_147 = tpu.memref_squeeze %dma_wait3A_146 : memref<1x128x32x128xf32, #tpu.memory_space<hbm>> -> memref<128x32x128xf32, #tpu.memory_space<hbm>>
    %dma_wait3A_148 = arith.constant 0 : i32
    %dma_wait3A_149 = arith.constant 0 : i32
    %dma_wait3A_150 = arith.constant 0 : i32
    %dma_wait3A_151 = tpu.memref_slice %dma_wait3A_147[%dma_wait3A_148, %dma_wait3A_149, %dma_wait3A_150] : memref<128x32x128xf32, #tpu.memory_space<hbm>> -> memref<2x32x128xf32, #tpu.memory_space<hbm>>
    %dma_wait3A_152 = arith.constant 0 : i32
    %dma_wait3A_153 = arith.constant 0 : i32
    %dma_wait3A_154 = arith.constant 0 : i32
    %dma_wait3A_155 = tpu.memref_slice %arg5[%dma_wait3A_138, %dma_wait3A_152, %dma_wait3A_153, %dma_wait3A_154] : memref<64x128x32x128xf32, #tpu.memory_space<hbm>> -> memref<1x128x32x128xf32, #tpu.memory_space<hbm>>
    %dma_wait3A_156 = tpu.memref_squeeze %dma_wait3A_155 : memref<1x128x32x128xf32, #tpu.memory_space<hbm>> -> memref<128x32x128xf32, #tpu.memory_space<hbm>>
    %dma_wait3A_157 = arith.constant 0 : i32
    %dma_wait3A_158 = arith.constant 0 : i32
    %dma_wait3A_159 = arith.constant 0 : i32
    %dma_wait3A_160 = tpu.memref_slice %dma_wait3A_156[%dma_wait3A_157, %dma_wait3A_158, %dma_wait3A_159] : memref<128x32x128xf32, #tpu.memory_space<hbm>> -> memref<2x32x128xf32, #tpu.memory_space<hbm>>
    %dma_wait3A_161 = arith.constant 0 : i32
    %dma_wait3A_162 = arith.constant 0 : i32
    %dma_wait3A_163 = arith.constant 0 : i32
    %dma_wait3A_164 = tpu.memref_slice %arg14[%dma_wait3A_161, %dma_wait3A_162, %dma_wait3A_163] : memref<4x32x128xf32, #tpu.memory_space<vmem>> -> memref<2x32x128xf32, #tpu.memory_space<vmem>>
    tpu.wait_dma2 semaphore(%arg18 : memref<!tpu.dma_semaphore, #tpu.memory_space<semaphore_mem>>) src(%dma_wait3A_164 : memref<2x32x128xf32, #tpu.memory_space<vmem>>) dst(%dma_wait3A_160 : memref<2x32x128xf32, #tpu.memory_space<hbm>>)
    %mul3A_165 = arith.constant 2 : i32
    %mul3A_166 = arith.muli %add3A, %mul3A_165 : i32
    %add3A_167 = arith.constant 1 : i32
    %add3A_168 = arith.addi %mul3A_166, %add3A_167 : i32
    %mul3A_169 = arith.constant 6400 : i32
    %mul3A_170 = arith.muli %add3A_168, %mul3A_169 : i32
    "tpu.region"() ({
      %run_scoped3A = tpu.sem_alloc : memref<!tpu.dma_semaphore, #tpu.memory_space<semaphore_mem>>
      %dma_start3A_343 = tpu.memref_slice %arg3[%mul3A_170] : memref<409600xf32, #tpu.memory_space<hbm>> -> memref<6400xf32, #tpu.memory_space<hbm>>
      %dma_start3A_344 = tpu.memref_slice %arg3[%mul3A_170] : memref<409600xf32, #tpu.memory_space<hbm>> -> memref<6400xf32, #tpu.memory_space<hbm>>
      tpu.enqueue_dma source(%dma_start3A_344 : memref<6400xf32, #tpu.memory_space<hbm>>) target(%arg6 : memref<6400xf32, #tpu.memory_space<vmem>>) target_semaphore(%run_scoped3A : memref<!tpu.dma_semaphore, #tpu.memory_space<semaphore_mem>>)
      %dma_wait3A_345 = tpu.memref_slice %arg3[%mul3A_170] : memref<409600xf32, #tpu.memory_space<hbm>> -> memref<6400xf32, #tpu.memory_space<hbm>>
      %dma_wait3A_346 = tpu.memref_slice %arg3[%mul3A_170] : memref<409600xf32, #tpu.memory_space<hbm>> -> memref<6400xf32, #tpu.memory_space<hbm>>
      tpu.wait_dma2 semaphore(%run_scoped3A : memref<!tpu.dma_semaphore, #tpu.memory_space<semaphore_mem>>) src(%dma_wait3A_346 : memref<6400xf32, #tpu.memory_space<hbm>>) dst(%arg6 : memref<6400xf32, #tpu.memory_space<vmem>>)
      tpu.yield
    }) : () -> ()
    %jit3A_171 = arith.constant 16 : i32
    %div3A_172 = arith.divsi %add3A_168, %jit3A_171 : i32
    %sign3A_173 = arith.constant 0 : i32
    %sign3A_174 = arith.cmpi sgt, %add3A_168, %sign3A_173 : i32
    %sign3A_175 = arith.extui %sign3A_174 : i1 to i32
    %sign3A_176 = arith.constant 0 : i32
    %sign3A_177 = arith.cmpi slt, %add3A_168, %sign3A_176 : i32
    %sign3A_178 = arith.extui %sign3A_177 : i1 to i32
    %sign3A_179 = arith.subi %sign3A_175, %sign3A_178 : i32
    %sign3A_180 = arith.constant 0 : i32
    %sign3A_181 = arith.cmpi sgt, %jit3A_171, %sign3A_180 : i32
    %sign3A_182 = arith.extui %sign3A_181 : i1 to i32
    %sign3A_183 = arith.constant 0 : i32
    %sign3A_184 = arith.cmpi slt, %jit3A_171, %sign3A_183 : i32
    %sign3A_185 = arith.extui %sign3A_184 : i1 to i32
    %sign3A_186 = arith.subi %sign3A_182, %sign3A_185 : i32
    %ne3A_187 = arith.cmpi ne, %sign3A_179, %sign3A_186 : i32
    %rem3A_188 = arith.remsi %add3A_168, %jit3A_171 : i32
    %ne3A_189 = arith.constant 0 : i32
    %ne3A_190 = arith.cmpi ne, %rem3A_188, %ne3A_189 : i32
    %and3A_191 = arith.andi %ne3A_187, %ne3A_190 : i1
    %sub3A_192 = arith.constant 1 : i32
    %sub3A_193 = arith.subi %div3A_172, %sub3A_192 : i32
    %select_n3A_194 = arith.select %and3A_191, %sub3A_193, %div3A_172 : i32
    %mul3A_195 = arith.constant 16 : i32
    %mul3A_196 = arith.muli %select_n3A_194, %mul3A_195 : i32
    %get3A_197 = arith.index_cast %mul3A_196 : i32 to index
    %get3A_198 = tpu.vector_load %arg10[%get3A_197] {strides = array<i32>} : memref<64xi32, #tpu.memory_space<vmem>>, vector<16xi32>,
    %sub3A_199 = arith.subi %add3A_168, %mul3A_196 : i32
    %eq3A_200 = vector.broadcast %sub3A_199 : i32 to vector<16xi32>
    %eq3A_201 = arith.cmpi eq, %iota3A, %eq3A_200 : vector<16xi32>
    %jit3A_202 = arith.constant 0 : i32
    %broadcast_in_dim3A_203 = vector.broadcast %jit3A_202 : i32 to vector<16xi32>
    %select_n3A_204 = arith.select %eq3A_201, %get3A_198, %broadcast_in_dim3A_203 : vector<16xi1>, vector<16xi32>
    %reduce_sum3A_205 = arith.constant true
    %reduce_sum3A_206 = vector.broadcast %reduce_sum3A_205 : i1 to vector<16xi1>
    %reduce_sum3A_207 = tpu.scan <sum>, %select_n3A_204 masked %reduce_sum3A_206 : vector<16xi32>, vector<16xi1> -> vector<16xi32>
    %reduce_sum3A_208 = vector.extract %reduce_sum3A_207[15] : i32 from vector<16xi32>
    %mul3A_209 = arith.constant 64 : i32
    %mul3A_210 = arith.muli %reduce_sum3A_208, %mul3A_209 : i32
    %add3A_211 = arith.constant 0 : i32
    %add3A_212 = arith.addi %mul3A_210, %add3A_211 : i32
    %dma_start3A_213 = arith.constant 0 : i32
    %dma_start3A_214 = tpu.memref_slice %arg2[%add3A_212, %dma_start3A_213] : memref<512x7680xi32, #tpu.memory_space<hbm>> -> memref<2x7680xi32, #tpu.memory_space<hbm>>
    %dma_start3A_215 = arith.constant 0 : i32
    %dma_start3A_216 = tpu.memref_slice %arg2[%add3A_212, %dma_start3A_215] : memref<512x7680xi32, #tpu.memory_space<hbm>> -> memref<2x7680xi32, #tpu.memory_space<hbm>>
    tpu.enqueue_dma source(%dma_start3A_216 : memref<2x7680xi32, #tpu.memory_space<hbm>>) target(%arg11 : memref<2x7680xi32, #tpu.memory_space<vmem>>) target_semaphore(%arg15 : memref<!tpu.dma_semaphore, #tpu.memory_space<semaphore_mem>>)
    %mul3A_217 = arith.constant 64 : i32
    %mul3A_218 = arith.muli %reduce_sum3A_208, %mul3A_217 : i32
    %add3A_219 = arith.constant 2 : i32
    %add3A_220 = arith.addi %mul3A_218, %add3A_219 : i32
    %dma_start3A_221 = arith.constant 0 : i32
    %dma_start3A_222 = tpu.memref_slice %arg2[%add3A_220, %dma_start3A_221] : memref<512x7680xi32, #tpu.memory_space<hbm>> -> memref<2x7680xi32, #tpu.memory_space<hbm>>
    %dma_start3A_223 = arith.constant 0 : i32
    %dma_start3A_224 = tpu.memref_slice %arg2[%add3A_220, %dma_start3A_223] : memref<512x7680xi32, #tpu.memory_space<hbm>> -> memref<2x7680xi32, #tpu.memory_space<hbm>>
    tpu.enqueue_dma source(%dma_start3A_224 : memref<2x7680xi32, #tpu.memory_space<hbm>>) target(%arg12 : memref<2x7680xi32, #tpu.memory_space<vmem>>) target_semaphore(%arg16 : memref<!tpu.dma_semaphore, #tpu.memory_space<semaphore_mem>>)
    %parallel_loop3A_225 = arith.constant 0 : i32
    %parallel_loop3A_226 = arith.constant 200 : i32
    %parallel_loop3A_227 = arith.constant 1 : i32
    scf.for %parallel_loop3A_343 = %parallel_loop3A_225 to %parallel_loop3A_226 step %parallel_loop3A_227  : i32 {
      %parallel_loop3A_344 = arith.constant 16 : i32
      %parallel_loop3A_345 = arith.muli %parallel_loop3A_343, %parallel_loop3A_344 : i32
      %parallel_loop3A_346 = arith.constant 32 : i32
      %parallel_loop3A_347 = arith.muli %parallel_loop3A_343, %parallel_loop3A_346 : i32
      %parallel_loop3A_348 = arith.constant 2 : i32
      %parallel_loop3A_349 = vector.broadcast %parallel_loop3A_348 : i32 to vector<16xi32>
      %parallel_loop3A_350 = arith.muli %iota3A, %parallel_loop3A_349 : vector<16xi32>
      %parallel_loop3A_351 = vector.broadcast %parallel_loop3A_347 : i32 to vector<16xi32>
      %parallel_loop3A_352 = arith.addi %parallel_loop3A_351, %parallel_loop3A_350 : vector<16xi32>
      %parallel_loop3A_353 = tpu.vector_load_idx %arg6[%parallel_loop3A_352] : memref<6400xf32, #tpu.memory_space<vmem>>[vector<16xi32>], vector<16xf32>,
      %parallel_loop3A_354 = arith.constant 1 : i32
      %parallel_loop3A_355 = vector.broadcast %parallel_loop3A_354 : i32 to vector<16xi32>
      %parallel_loop3A_356 = arith.addi %parallel_loop3A_352, %parallel_loop3A_355 : vector<16xi32>
      %parallel_loop3A_357 = tpu.vector_load_idx %arg6[%parallel_loop3A_356] : memref<6400xf32, #tpu.memory_space<vmem>>[vector<16xi32>], vector<16xf32>,
      %parallel_loop3A_358 = arith.constant 1.000000e+00 : f32
      %parallel_loop3A_359 = vector.broadcast %parallel_loop3A_358 : f32 to vector<16xf32>
      %parallel_loop3A_360 = arith.addf %parallel_loop3A_353, %parallel_loop3A_359 : vector<16xf32>
      %parallel_loop3A_361 = arith.constant 8.000000e+01 : f32
      %parallel_loop3A_362 = vector.broadcast %parallel_loop3A_361 : f32 to vector<16xf32>
      %parallel_loop3A_363 = arith.mulf %parallel_loop3A_360, %parallel_loop3A_362 : vector<16xf32>
      %parallel_loop3A_364 = arith.constant 5.000000e-01 : f32
      %parallel_loop3A_365 = vector.broadcast %parallel_loop3A_364 : f32 to vector<16xf32>
      %parallel_loop3A_366 = arith.subf %parallel_loop3A_363, %parallel_loop3A_365 : vector<16xf32>
      %parallel_loop3A_367 = arith.constant 1.000000e+00 : f32
      %parallel_loop3A_368 = vector.broadcast %parallel_loop3A_367 : f32 to vector<16xf32>
      %parallel_loop3A_369 = arith.addf %parallel_loop3A_357, %parallel_loop3A_368 : vector<16xf32>
      %parallel_loop3A_370 = arith.constant 2.400000e+01 : f32
      %parallel_loop3A_371 = vector.broadcast %parallel_loop3A_370 : f32 to vector<16xf32>
      %parallel_loop3A_372 = arith.mulf %parallel_loop3A_369, %parallel_loop3A_371 : vector<16xf32>
      %parallel_loop3A_373 = arith.constant 5.000000e-01 : f32
      %parallel_loop3A_374 = vector.broadcast %parallel_loop3A_373 : f32 to vector<16xf32>
      %parallel_loop3A_375 = arith.subf %parallel_loop3A_372, %parallel_loop3A_374 : vector<16xf32>
      %parallel_loop3A_376 = arith.fptosi %parallel_loop3A_366 : vector<16xf32> to vector<16xi32>
      %parallel_loop3A_377 = arith.fptosi %parallel_loop3A_375 : vector<16xf32> to vector<16xi32>
      %parallel_loop3A_378 = arith.sitofp %parallel_loop3A_376 : vector<16xi32> to vector<16xf32>
      %parallel_loop3A_379 = arith.cmpf olt, %parallel_loop3A_366, %parallel_loop3A_378 : vector<16xf32>
      %parallel_loop3A_380 = arith.extui %parallel_loop3A_379 : vector<16xi1> to vector<16xi32>
      %parallel_loop3A_381 = arith.subi %parallel_loop3A_376, %parallel_loop3A_380 : vector<16xi32>
      %parallel_loop3A_382 = arith.sitofp %parallel_loop3A_377 : vector<16xi32> to vector<16xf32>
      %parallel_loop3A_383 = arith.cmpf olt, %parallel_loop3A_375, %parallel_loop3A_382 : vector<16xf32>
      %parallel_loop3A_384 = arith.extui %parallel_loop3A_383 : vector<16xi1> to vector<16xi32>
      %parallel_loop3A_385 = arith.subi %parallel_loop3A_377, %parallel_loop3A_384 : vector<16xi32>
      %parallel_loop3A_386 = arith.sitofp %parallel_loop3A_381 : vector<16xi32> to vector<16xf32>
      %parallel_loop3A_387 = arith.subf %parallel_loop3A_366, %parallel_loop3A_386 : vector<16xf32>
      %parallel_loop3A_388 = arith.constant 1.000000e+00 : f32
      %parallel_loop3A_389 = vector.broadcast %parallel_loop3A_388 : f32 to vector<16xf32>
      %parallel_loop3A_390 = arith.subf %parallel_loop3A_389, %parallel_loop3A_387 : vector<16xf32>
      %parallel_loop3A_391 = arith.sitofp %parallel_loop3A_385 : vector<16xi32> to vector<16xf32>
      %parallel_loop3A_392 = arith.subf %parallel_loop3A_375, %parallel_loop3A_391 : vector<16xf32>
      %parallel_loop3A_393 = arith.constant 1.000000e+00 : f32
      %parallel_loop3A_394 = vector.broadcast %parallel_loop3A_393 : f32 to vector<16xf32>
      %parallel_loop3A_395 = arith.subf %parallel_loop3A_394, %parallel_loop3A_392 : vector<16xf32>
      %parallel_loop3A_396 = arith.constant 1 : i32
      %parallel_loop3A_397 = vector.broadcast %parallel_loop3A_396 : i32 to vector<16xi32>
      %parallel_loop3A_398 = arith.addi %parallel_loop3A_381, %parallel_loop3A_397 : vector<16xi32>
      %parallel_loop3A_399 = arith.constant 1 : i32
      %parallel_loop3A_400 = vector.broadcast %parallel_loop3A_399 : i32 to vector<16xi32>
      %parallel_loop3A_401 = arith.addi %parallel_loop3A_385, %parallel_loop3A_400 : vector<16xi32>
      %parallel_loop3A_402 = arith.constant 0 : i32
      %parallel_loop3A_403 = vector.broadcast %parallel_loop3A_402 : i32 to vector<16xi32>
      %parallel_loop3A_404 = arith.cmpi sge, %parallel_loop3A_381, %parallel_loop3A_403 : vector<16xi32>
      %parallel_loop3A_405 = arith.constant 159 : i32
      %parallel_loop3A_406 = vector.broadcast %parallel_loop3A_405 : i32 to vector<16xi32>
      %parallel_loop3A_407 = arith.cmpi sle, %parallel_loop3A_381, %parallel_loop3A_406 : vector<16xi32>
      %parallel_loop3A_408 = arith.andi %parallel_loop3A_404, %parallel_loop3A_407 : vector<16xi1>
      %parallel_loop3A_409 = arith.constant 0 : i32
      %parallel_loop3A_410 = vector.broadcast %parallel_loop3A_409 : i32 to vector<16xi32>
      %parallel_loop3A_411 = arith.cmpi sge, %parallel_loop3A_398, %parallel_loop3A_410 : vector<16xi32>
      %parallel_loop3A_412 = arith.constant 159 : i32
      %parallel_loop3A_413 = vector.broadcast %parallel_loop3A_412 : i32 to vector<16xi32>
      %parallel_loop3A_414 = arith.cmpi sle, %parallel_loop3A_398, %parallel_loop3A_413 : vector<16xi32>
      %parallel_loop3A_415 = arith.andi %parallel_loop3A_411, %parallel_loop3A_414 : vector<16xi1>
      %parallel_loop3A_416 = arith.constant 0 : i32
      %parallel_loop3A_417 = vector.broadcast %parallel_loop3A_416 : i32 to vector<16xi32>
      %parallel_loop3A_418 = arith.cmpi sge, %parallel_loop3A_385, %parallel_loop3A_417 : vector<16xi32>
      %parallel_loop3A_419 = arith.constant 47 : i32
      %parallel_loop3A_420 = vector.broadcast %parallel_loop3A_419 : i32 to vector<16xi32>
      %parallel_loop3A_421 = arith.cmpi sle, %parallel_loop3A_385, %parallel_loop3A_420 : vector<16xi32>
      %parallel_loop3A_422 = arith.andi %parallel_loop3A_418, %parallel_loop3A_421 : vector<16xi1>
      %parallel_loop3A_423 = arith.constant 0 : i32
      %parallel_loop3A_424 = vector.broadcast %parallel_loop3A_423 : i32 to vector<16xi32>
      %parallel_loop3A_425 = arith.cmpi sge, %parallel_loop3A_401, %parallel_loop3A_424 : vector<16xi32>
      %parallel_loop3A_426 = arith.constant 47 : i32
      %parallel_loop3A_427 = vector.broadcast %parallel_loop3A_426 : i32 to vector<16xi32>
      %parallel_loop3A_428 = arith.cmpi sle, %parallel_loop3A_401, %parallel_loop3A_427 : vector<16xi32>
      %parallel_loop3A_429 = arith.andi %parallel_loop3A_425, %parallel_loop3A_428 : vector<16xi1>
      %parallel_loop3A_430 = arith.constant 0 : i32
      %parallel_loop3A_431 = arith.constant 159 : i32
      %parallel_loop3A_432 = vector.broadcast %parallel_loop3A_430 : i32 to vector<16xi32>
      %parallel_loop3A_433 = arith.maxsi %parallel_loop3A_432, %parallel_loop3A_381 : vector<16xi32>
      %parallel_loop3A_434 = vector.broadcast %parallel_loop3A_431 : i32 to vector<16xi32>
      %parallel_loop3A_435 = arith.minsi %parallel_loop3A_434, %parallel_loop3A_433 : vector<16xi32>
      %parallel_loop3A_436 = arith.constant 0 : i32
      %parallel_loop3A_437 = arith.constant 159 : i32
      %parallel_loop3A_438 = vector.broadcast %parallel_loop3A_436 : i32 to vector<16xi32>
      %parallel_loop3A_439 = arith.maxsi %parallel_loop3A_438, %parallel_loop3A_398 : vector<16xi32>
      %parallel_loop3A_440 = vector.broadcast %parallel_loop3A_437 : i32 to vector<16xi32>
      %parallel_loop3A_441 = arith.minsi %parallel_loop3A_440, %parallel_loop3A_439 : vector<16xi32>
      %parallel_loop3A_442 = arith.constant 0 : i32
      %parallel_loop3A_443 = arith.constant 47 : i32
      %parallel_loop3A_444 = vector.broadcast %parallel_loop3A_442 : i32 to vector<16xi32>
      %parallel_loop3A_445 = arith.maxsi %parallel_loop3A_444, %parallel_loop3A_385 : vector<16xi32>
      %parallel_loop3A_446 = vector.broadcast %parallel_loop3A_443 : i32 to vector<16xi32>
      %parallel_loop3A_447 = arith.minsi %parallel_loop3A_446, %parallel_loop3A_445 : vector<16xi32>
      %parallel_loop3A_448 = arith.constant 0 : i32
      %parallel_loop3A_449 = arith.constant 47 : i32
      %parallel_loop3A_450 = vector.broadcast %parallel_loop3A_448 : i32 to vector<16xi32>
      %parallel_loop3A_451 = arith.maxsi %parallel_loop3A_450, %parallel_loop3A_401 : vector<16xi32>
      %parallel_loop3A_452 = vector.broadcast %parallel_loop3A_449 : i32 to vector<16xi32>
      %parallel_loop3A_453 = arith.minsi %parallel_loop3A_452, %parallel_loop3A_451 : vector<16xi32>
      %parallel_loop3A_454 = arith.constant 0.000000e+00 : f32
      %parallel_loop3A_455 = vector.broadcast %parallel_loop3A_454 : f32 to vector<16xf32>
      %parallel_loop3A_456 = arith.constant 160 : i32
      %parallel_loop3A_457 = vector.broadcast %parallel_loop3A_456 : i32 to vector<16xi32>
      %parallel_loop3A_458 = arith.muli %parallel_loop3A_447, %parallel_loop3A_457 : vector<16xi32>
      %parallel_loop3A_459 = arith.addi %parallel_loop3A_458, %parallel_loop3A_435 : vector<16xi32>
      %parallel_loop3A_460 = arith.constant 0 : i32
      %parallel_loop3A_461 = arith.index_cast %parallel_loop3A_460 : i32 to index
      %parallel_loop3A_462 = arith.index_cast %parallel_loop3A_345 : i32 to index
      %parallel_loop3A_463 = tpu.vector_load %arg7[%parallel_loop3A_461, %parallel_loop3A_462] {strides = array<i32>} : memref<4x3200xi32, #tpu.memory_space<vmem>>, vector<16xi32>,
      tpu.vector_store %arg7[%parallel_loop3A_461, %parallel_loop3A_462], %parallel_loop3A_459 {strides = array<i32>} : memref<4x3200xi32, #tpu.memory_space<vmem>>, vector<16xi32>,
      %parallel_loop3A_464 = arith.constant 160 : i32
      %parallel_loop3A_465 = vector.broadcast %parallel_loop3A_464 : i32 to vector<16xi32>
      %parallel_loop3A_466 = arith.muli %parallel_loop3A_447, %parallel_loop3A_465 : vector<16xi32>
      %parallel_loop3A_467 = arith.addi %parallel_loop3A_466, %parallel_loop3A_441 : vector<16xi32>
      %parallel_loop3A_468 = arith.constant 1 : i32
      %parallel_loop3A_469 = arith.index_cast %parallel_loop3A_468 : i32 to index
      %parallel_loop3A_470 = arith.index_cast %parallel_loop3A_345 : i32 to index
      %parallel_loop3A_471 = tpu.vector_load %arg7[%parallel_loop3A_469, %parallel_loop3A_470] {strides = array<i32>} : memref<4x3200xi32, #tpu.memory_space<vmem>>, vector<16xi32>,
      tpu.vector_store %arg7[%parallel_loop3A_469, %parallel_loop3A_470], %parallel_loop3A_467 {strides = array<i32>} : memref<4x3200xi32, #tpu.memory_space<vmem>>, vector<16xi32>,
      %parallel_loop3A_472 = arith.constant 160 : i32
      %parallel_loop3A_473 = vector.broadcast %parallel_loop3A_472 : i32 to vector<16xi32>
      %parallel_loop3A_474 = arith.muli %parallel_loop3A_453, %parallel_loop3A_473 : vector<16xi32>
      %parallel_loop3A_475 = arith.addi %parallel_loop3A_474, %parallel_loop3A_435 : vector<16xi32>
      %parallel_loop3A_476 = arith.constant 2 : i32
      %parallel_loop3A_477 = arith.index_cast %parallel_loop3A_476 : i32 to index
      %parallel_loop3A_478 = arith.index_cast %parallel_loop3A_345 : i32 to index
      %parallel_loop3A_479 = tpu.vector_load %arg7[%parallel_loop3A_477, %parallel_loop3A_478] {strides = array<i32>} : memref<4x3200xi32, #tpu.memory_space<vmem>>, vector<16xi32>,
      tpu.vector_store %arg7[%parallel_loop3A_477, %parallel_loop3A_478], %parallel_loop3A_475 {strides = array<i32>} : memref<4x3200xi32, #tpu.memory_space<vmem>>, vector<16xi32>,
      %parallel_loop3A_480 = arith.constant 160 : i32
      %parallel_loop3A_481 = vector.broadcast %parallel_loop3A_480 : i32 to vector<16xi32>
      %parallel_loop3A_482 = arith.muli %parallel_loop3A_453, %parallel_loop3A_481 : vector<16xi32>
      %parallel_loop3A_483 = arith.addi %parallel_loop3A_482, %parallel_loop3A_441 : vector<16xi32>
      %parallel_loop3A_484 = arith.constant 3 : i32
      %parallel_loop3A_485 = arith.index_cast %parallel_loop3A_484 : i32 to index
      %parallel_loop3A_486 = arith.index_cast %parallel_loop3A_345 : i32 to index
      %parallel_loop3A_487 = tpu.vector_load %arg7[%parallel_loop3A_485, %parallel_loop3A_486] {strides = array<i32>} : memref<4x3200xi32, #tpu.memory_space<vmem>>, vector<16xi32>,
      tpu.vector_store %arg7[%parallel_loop3A_485, %parallel_loop3A_486], %parallel_loop3A_483 {strides = array<i32>} : memref<4x3200xi32, #tpu.memory_space<vmem>>, vector<16xi32>,
      %parallel_loop3A_488 = arith.andi %parallel_loop3A_408, %parallel_loop3A_422 : vector<16xi1>
      %parallel_loop3A_489 = arith.mulf %parallel_loop3A_390, %parallel_loop3A_395 : vector<16xf32>
      %parallel_loop3A_490 = arith.select %parallel_loop3A_488, %parallel_loop3A_489, %parallel_loop3A_455 : vector<16xi1>, vector<16xf32>
      %parallel_loop3A_491 = arith.constant 0 : i32
      %parallel_loop3A_492 = arith.index_cast %parallel_loop3A_491 : i32 to index
      %parallel_loop3A_493 = arith.index_cast %parallel_loop3A_345 : i32 to index
      %parallel_loop3A_494 = tpu.vector_load %arg8[%parallel_loop3A_492, %parallel_loop3A_493] {strides = array<i32>} : memref<4x3200xf32, #tpu.memory_space<vmem>>, vector<16xf32>,
      tpu.vector_store %arg8[%parallel_loop3A_492, %parallel_loop3A_493], %parallel_loop3A_490 {strides = array<i32>} : memref<4x3200xf32, #tpu.memory_space<vmem>>, vector<16xf32>,
      %parallel_loop3A_495 = arith.andi %parallel_loop3A_415, %parallel_loop3A_422 : vector<16xi1>
      %parallel_loop3A_496 = arith.mulf %parallel_loop3A_387, %parallel_loop3A_395 : vector<16xf32>
      %parallel_loop3A_497 = arith.select %parallel_loop3A_495, %parallel_loop3A_496, %parallel_loop3A_455 : vector<16xi1>, vector<16xf32>
      %parallel_loop3A_498 = arith.constant 1 : i32
      %parallel_loop3A_499 = arith.index_cast %parallel_loop3A_498 : i32 to index
      %parallel_loop3A_500 = arith.index_cast %parallel_loop3A_345 : i32 to index
      %parallel_loop3A_501 = tpu.vector_load %arg8[%parallel_loop3A_499, %parallel_loop3A_500] {strides = array<i32>} : memref<4x3200xf32, #tpu.memory_space<vmem>>, vector<16xf32>,
      tpu.vector_store %arg8[%parallel_loop3A_499, %parallel_loop3A_500], %parallel_loop3A_497 {strides = array<i32>} : memref<4x3200xf32, #tpu.memory_space<vmem>>, vector<16xf32>,
      %parallel_loop3A_502 = arith.andi %parallel_loop3A_408, %parallel_loop3A_429 : vector<16xi1>
      %parallel_loop3A_503 = arith.mulf %parallel_loop3A_390, %parallel_loop3A_392 : vector<16xf32>
      %parallel_loop3A_504 = arith.select %parallel_loop3A_502, %parallel_loop3A_503, %parallel_loop3A_455 : vector<16xi1>, vector<16xf32>
      %parallel_loop3A_505 = arith.constant 2 : i32
      %parallel_loop3A_506 = arith.index_cast %parallel_loop3A_505 : i32 to index
      %parallel_loop3A_507 = arith.index_cast %parallel_loop3A_345 : i32 to index
      %parallel_loop3A_508 = tpu.vector_load %arg8[%parallel_loop3A_506, %parallel_loop3A_507] {strides = array<i32>} : memref<4x3200xf32, #tpu.memory_space<vmem>>, vector<16xf32>,
      tpu.vector_store %arg8[%parallel_loop3A_506, %parallel_loop3A_507], %parallel_loop3A_504 {strides = array<i32>} : memref<4x3200xf32, #tpu.memory_space<vmem>>, vector<16xf32>,
      %parallel_loop3A_509 = arith.andi %parallel_loop3A_415, %parallel_loop3A_429 : vector<16xi1>
      %parallel_loop3A_510 = arith.mulf %parallel_loop3A_387, %parallel_loop3A_392 : vector<16xf32>
      %parallel_loop3A_511 = arith.select %parallel_loop3A_509, %parallel_loop3A_510, %parallel_loop3A_455 : vector<16xi1>, vector<16xf32>
      %parallel_loop3A_512 = arith.constant 3 : i32
      %parallel_loop3A_513 = arith.index_cast %parallel_loop3A_512 : i32 to index
      %parallel_loop3A_514 = arith.index_cast %parallel_loop3A_345 : i32 to index
      %parallel_loop3A_515 = tpu.vector_load %arg8[%parallel_loop3A_513, %parallel_loop3A_514] {strides = array<i32>} : memref<4x3200xf32, #tpu.memory_space<vmem>>, vector<16xf32>,
      tpu.vector_store %arg8[%parallel_loop3A_513, %parallel_loop3A_514], %parallel_loop3A_511 {strides = array<i32>} : memref<4x3200xf32, #tpu.memory_space<vmem>>, vector<16xf32>,
      %parallel_loop3A_516 = arith.constant 16 : i32
      %parallel_loop3A_517 = arith.muli %parallel_loop3A_343, %parallel_loop3A_516 : i32
      %parallel_loop3A_518 = vector.broadcast %parallel_loop3A_517 : i32 to vector<16xi32>
      %parallel_loop3A_519 = arith.addi %parallel_loop3A_518, %iota3A : vector<16xi32>
      %parallel_loop3A_520 = arith.constant 20972 : i32
      %parallel_loop3A_521 = vector.broadcast %parallel_loop3A_520 : i32 to vector<16xi32>
      %parallel_loop3A_522 = arith.muli %parallel_loop3A_519, %parallel_loop3A_521 : vector<16xi32>
      %parallel_loop3A_523 = arith.constant 21 : i32
      %parallel_loop3A_524 = vector.broadcast %parallel_loop3A_523 : i32 to vector<16xi32>
      %parallel_loop3A_525 = arith.shrsi %parallel_loop3A_522, %parallel_loop3A_524 : vector<16xi32>
      %parallel_loop3A_526 = arith.constant 0 : i32
      %parallel_loop3A_527 = arith.index_cast %parallel_loop3A_526 : i32 to index
      %parallel_loop3A_528 = arith.index_cast %parallel_loop3A_345 : i32 to index
      %parallel_loop3A_529 = tpu.vector_load %arg9[%parallel_loop3A_527, %parallel_loop3A_528] {strides = array<i32>} : memref<2x3200xi32, #tpu.memory_space<vmem>>, vector<16xi32>,
      tpu.vector_store %arg9[%parallel_loop3A_527, %parallel_loop3A_528], %parallel_loop3A_525 {strides = array<i32>} : memref<2x3200xi32, #tpu.memory_space<vmem>>, vector<16xi32>,
      %parallel_loop3A_530 = arith.constant 100 : i32
      %parallel_loop3A_531 = vector.broadcast %parallel_loop3A_530 : i32 to vector<16xi32>
      %parallel_loop3A_532 = arith.muli %parallel_loop3A_525, %parallel_loop3A_531 : vector<16xi32>
      %parallel_loop3A_533 = arith.subi %parallel_loop3A_519, %parallel_loop3A_532 : vector<16xi32>
      %parallel_loop3A_534 = arith.constant 1 : i32
      %parallel_loop3A_535 = arith.index_cast %parallel_loop3A_534 : i32 to index
      %parallel_loop3A_536 = arith.index_cast %parallel_loop3A_345 : i32 to index
      %parallel_loop3A_537 = tpu.vector_load %arg9[%parallel_loop3A_535, %parallel_loop3A_536] {strides = array<i32>} : memref<2x3200xi32, #tpu.memory_space<vmem>>, vector<16xi32>,
      tpu.vector_store %arg9[%parallel_loop3A_535, %parallel_loop3A_536], %parallel_loop3A_533 {strides = array<i32>} : memref<2x3200xi32, #tpu.memory_space<vmem>>, vector<16xi32>,
    } {sc.loop_unroll_factor = 2 : i64, sc.parallel_access}
    %scan3A_228 = arith.constant 0 : i32
    %scan3A_229 = arith.constant 0 : i32
    %scan3A_230 = arith.constant 16 : i32
    %scan3A_231 = arith.addi %scan3A_229, %scan3A_230 : i32
    %scan3A_232 = arith.constant 1 : i32
    %scan3A_233 = scf.for %scan3A_343 = %scan3A_229 to %scan3A_231 step %scan3A_232 iter_args(%scan3A_344 = %scan3A_228) -> (i32)  : i32 {
      %mul3A_345 = arith.constant 2 : i32
      %mul3A_346 = arith.muli %scan3A_343, %mul3A_345 : i32
      %add3A_347 = arith.constant 1 : i32
      %add3A_348 = arith.addi %mul3A_346, %add3A_347 : i32
      %gt3A = arith.constant 0 : i32
      %gt3A_349 = arith.cmpi sgt, %scan3A_343, %gt3A : i32
      %convert_element_type3A = arith.extui %gt3A_349 : i1 to i32
      %cond3A = arith.constant 0 : i32
      %cond3A_350 = arith.cmpi ne, %convert_element_type3A, %cond3A : i32
      scf.if %cond3A_350 {
        %mul3A_492 = arith.constant 64 : i32
        %mul3A_493 = arith.muli %reduce_sum3A_208, %mul3A_492 : i32
        %mul3A_494 = arith.constant 2 : i32
        %mul3A_495 = arith.muli %add3A_348, %mul3A_494 : i32
        %add3A_496 = arith.addi %mul3A_493, %mul3A_495 : i32
        %dma_start3A_497 = arith.constant 0 : i32
        %dma_start3A_498 = tpu.memref_slice %arg2[%add3A_496, %dma_start3A_497] : memref<512x7680xi32, #tpu.memory_space<hbm>> -> memref<2x7680xi32, #tpu.memory_space<hbm>>
        %dma_start3A_499 = arith.constant 0 : i32
        %dma_start3A_500 = tpu.memref_slice %arg2[%add3A_496, %dma_start3A_499] : memref<512x7680xi32, #tpu.memory_space<hbm>> -> memref<2x7680xi32, #tpu.memory_space<hbm>>
        tpu.enqueue_dma source(%dma_start3A_500 : memref<2x7680xi32, #tpu.memory_space<hbm>>) target(%arg12 : memref<2x7680xi32, #tpu.memory_space<vmem>>) target_semaphore(%arg16 : memref<!tpu.dma_semaphore, #tpu.memory_space<semaphore_mem>>)
      } else {
      }
      %dma_wait3A_351 = arith.constant 0 : i32
      %dma_wait3A_352 = arith.constant 0 : i32
      %dma_wait3A_353 = tpu.memref_slice %arg2[%dma_wait3A_351, %dma_wait3A_352] : memref<512x7680xi32, #tpu.memory_space<hbm>> -> memref<2x7680xi32, #tpu.memory_space<hbm>>
      %dma_wait3A_354 = arith.constant 0 : i32
      %dma_wait3A_355 = arith.constant 0 : i32
      %dma_wait3A_356 = tpu.memref_slice %arg2[%dma_wait3A_354, %dma_wait3A_355] : memref<512x7680xi32, #tpu.memory_space<hbm>> -> memref<2x7680xi32, #tpu.memory_space<hbm>>
      tpu.wait_dma2 semaphore(%arg15 : memref<!tpu.dma_semaphore, #tpu.memory_space<semaphore_mem>>) src(%dma_wait3A_356 : memref<2x7680xi32, #tpu.memory_space<hbm>>) dst(%arg11 : memref<2x7680xi32, #tpu.memory_space<vmem>>)
      %gt3A_357 = arith.constant 0 : i32
      %gt3A_358 = arith.cmpi sgt, %scan3A_343, %gt3A_357 : i32
      %convert_element_type3A_359 = arith.extui %gt3A_358 : i1 to i32
      %cond3A_360 = arith.constant 0 : i32
      %cond3A_361 = arith.cmpi ne, %convert_element_type3A_359, %cond3A_360 : i32
      scf.if %cond3A_361 {
        %dma_wait3A_492 = arith.constant 0 : i32
        %dma_wait3A_493 = arith.constant 0 : i32
        %dma_wait3A_494 = arith.constant 0 : i32
        %dma_wait3A_495 = arith.constant 0 : i32
        %dma_wait3A_496 = tpu.memref_slice %arg13[%dma_wait3A_493, %dma_wait3A_494, %dma_wait3A_495] : memref<4x32x128xf32, #tpu.memory_space<vmem>> -> memref<2x32x128xf32, #tpu.memory_space<vmem>>
        %dma_wait3A_497 = arith.constant 0 : i32
        %dma_wait3A_498 = arith.constant 0 : i32
        %dma_wait3A_499 = arith.constant 0 : i32
        %dma_wait3A_500 = tpu.memref_slice %arg5[%dma_wait3A_492, %dma_wait3A_497, %dma_wait3A_498, %dma_wait3A_499] : memref<64x128x32x128xf32, #tpu.memory_space<hbm>> -> memref<1x128x32x128xf32, #tpu.memory_space<hbm>>
        %dma_wait3A_501 = tpu.memref_squeeze %dma_wait3A_500 : memref<1x128x32x128xf32, #tpu.memory_space<hbm>> -> memref<128x32x128xf32, #tpu.memory_space<hbm>>
        %dma_wait3A_502 = arith.constant 0 : i32
        %dma_wait3A_503 = arith.constant 0 : i32
        %dma_wait3A_504 = arith.constant 0 : i32
        %dma_wait3A_505 = tpu.memref_slice %dma_wait3A_501[%dma_wait3A_502, %dma_wait3A_503, %dma_wait3A_504] : memref<128x32x128xf32, #tpu.memory_space<hbm>> -> memref<2x32x128xf32, #tpu.memory_space<hbm>>
        %dma_wait3A_506 = arith.constant 0 : i32
        %dma_wait3A_507 = arith.constant 0 : i32
        %dma_wait3A_508 = arith.constant 0 : i32
        %dma_wait3A_509 = tpu.memref_slice %arg5[%dma_wait3A_492, %dma_wait3A_506, %dma_wait3A_507, %dma_wait3A_508] : memref<64x128x32x128xf32, #tpu.memory_space<hbm>> -> memref<1x128x32x128xf32, #tpu.memory_space<hbm>>
        %dma_wait3A_510 = tpu.memref_squeeze %dma_wait3A_509 : memref<1x128x32x128xf32, #tpu.memory_space<hbm>> -> memref<128x32x128xf32, #tpu.memory_space<hbm>>
        %dma_wait3A_511 = arith.constant 0 : i32
        %dma_wait3A_512 = arith.constant 0 : i32
        %dma_wait3A_513 = arith.constant 0 : i32
        %dma_wait3A_514 = tpu.memref_slice %dma_wait3A_510[%dma_wait3A_511, %dma_wait3A_512, %dma_wait3A_513] : memref<128x32x128xf32, #tpu.memory_space<hbm>> -> memref<2x32x128xf32, #tpu.memory_space<hbm>>
        %dma_wait3A_515 = arith.constant 0 : i32
        %dma_wait3A_516 = arith.constant 0 : i32
        %dma_wait3A_517 = arith.constant 0 : i32
        %dma_wait3A_518 = tpu.memref_slice %arg13[%dma_wait3A_515, %dma_wait3A_516, %dma_wait3A_517] : memref<4x32x128xf32, #tpu.memory_space<vmem>> -> memref<2x32x128xf32, #tpu.memory_space<vmem>>
        tpu.wait_dma2 semaphore(%arg17 : memref<!tpu.dma_semaphore, #tpu.memory_space<semaphore_mem>>) src(%dma_wait3A_518 : memref<2x32x128xf32, #tpu.memory_space<vmem>>) dst(%dma_wait3A_514 : memref<2x32x128xf32, #tpu.memory_space<hbm>>)
        %dma_wait3A_519 = arith.constant 0 : i32
        %dma_wait3A_520 = arith.constant 0 : i32
        %dma_wait3A_521 = arith.constant 0 : i32
        %dma_wait3A_522 = arith.constant 0 : i32
        %dma_wait3A_523 = tpu.memref_slice %arg13[%dma_wait3A_520, %dma_wait3A_521, %dma_wait3A_522] : memref<4x32x128xf32, #tpu.memory_space<vmem>> -> memref<2x32x128xf32, #tpu.memory_space<vmem>>
        %dma_wait3A_524 = arith.constant 0 : i32
        %dma_wait3A_525 = arith.constant 0 : i32
        %dma_wait3A_526 = arith.constant 0 : i32
        %dma_wait3A_527 = tpu.memref_slice %arg5[%dma_wait3A_519, %dma_wait3A_524, %dma_wait3A_525, %dma_wait3A_526] : memref<64x128x32x128xf32, #tpu.memory_space<hbm>> -> memref<1x128x32x128xf32, #tpu.memory_space<hbm>>
        %dma_wait3A_528 = tpu.memref_squeeze %dma_wait3A_527 : memref<1x128x32x128xf32, #tpu.memory_space<hbm>> -> memref<128x32x128xf32, #tpu.memory_space<hbm>>
        %dma_wait3A_529 = arith.constant 0 : i32
        %dma_wait3A_530 = arith.constant 0 : i32
        %dma_wait3A_531 = arith.constant 0 : i32
        %dma_wait3A_532 = tpu.memref_slice %dma_wait3A_528[%dma_wait3A_529, %dma_wait3A_530, %dma_wait3A_531] : memref<128x32x128xf32, #tpu.memory_space<hbm>> -> memref<2x32x128xf32, #tpu.memory_space<hbm>>
        %dma_wait3A_533 = arith.constant 0 : i32
        %dma_wait3A_534 = arith.constant 0 : i32
        %dma_wait3A_535 = arith.constant 0 : i32
        %dma_wait3A_536 = tpu.memref_slice %arg5[%dma_wait3A_519, %dma_wait3A_533, %dma_wait3A_534, %dma_wait3A_535] : memref<64x128x32x128xf32, #tpu.memory_space<hbm>> -> memref<1x128x32x128xf32, #tpu.memory_space<hbm>>
        %dma_wait3A_537 = tpu.memref_squeeze %dma_wait3A_536 : memref<1x128x32x128xf32, #tpu.memory_space<hbm>> -> memref<128x32x128xf32, #tpu.memory_space<hbm>>
        %dma_wait3A_538 = arith.constant 0 : i32
        %dma_wait3A_539 = arith.constant 0 : i32
        %dma_wait3A_540 = arith.constant 0 : i32
        %dma_wait3A_541 = tpu.memref_slice %dma_wait3A_537[%dma_wait3A_538, %dma_wait3A_539, %dma_wait3A_540] : memref<128x32x128xf32, #tpu.memory_space<hbm>> -> memref<2x32x128xf32, #tpu.memory_space<hbm>>
        %dma_wait3A_542 = arith.constant 0 : i32
        %dma_wait3A_543 = arith.constant 0 : i32
        %dma_wait3A_544 = arith.constant 0 : i32
        %dma_wait3A_545 = tpu.memref_slice %arg13[%dma_wait3A_542, %dma_wait3A_543, %dma_wait3A_544] : memref<4x32x128xf32, #tpu.memory_space<vmem>> -> memref<2x32x128xf32, #tpu.memory_space<vmem>>
        tpu.wait_dma2 semaphore(%arg17 : memref<!tpu.dma_semaphore, #tpu.memory_space<semaphore_mem>>) src(%dma_wait3A_545 : memref<2x32x128xf32, #tpu.memory_space<vmem>>) dst(%dma_wait3A_541 : memref<2x32x128xf32, #tpu.memory_space<hbm>>)
      } else {
      }
      %parallel_loop3A_362 = arith.constant 0 : i32
      %parallel_loop3A_363 = arith.constant 200 : i32
      %parallel_loop3A_364 = arith.constant 1 : i32
      scf.for %parallel_loop3A_492 = %parallel_loop3A_362 to %parallel_loop3A_363 step %parallel_loop3A_364  : i32 {
        %parallel_loop3A_493 = arith.constant 16 : i32
        %parallel_loop3A_494 = arith.muli %parallel_loop3A_492, %parallel_loop3A_493 : i32
        %parallel_loop3A_495 = arith.constant 0 : i32
        %parallel_loop3A_496 = arith.index_cast %parallel_loop3A_495 : i32 to index
        %parallel_loop3A_497 = arith.index_cast %parallel_loop3A_494 : i32 to index
        %parallel_loop3A_498 = tpu.vector_load %arg7[%parallel_loop3A_496, %parallel_loop3A_497] {strides = array<i32>} : memref<4x3200xi32, #tpu.memory_space<vmem>>, vector<16xi32>,
        %parallel_loop3A_499 = arith.constant 1 : i32
        %parallel_loop3A_500 = arith.index_cast %parallel_loop3A_499 : i32 to index
        %parallel_loop3A_501 = arith.index_cast %parallel_loop3A_494 : i32 to index
        %parallel_loop3A_502 = tpu.vector_load %arg7[%parallel_loop3A_500, %parallel_loop3A_501] {strides = array<i32>} : memref<4x3200xi32, #tpu.memory_space<vmem>>, vector<16xi32>,
        %parallel_loop3A_503 = arith.constant 2 : i32
        %parallel_loop3A_504 = arith.index_cast %parallel_loop3A_503 : i32 to index
        %parallel_loop3A_505 = arith.index_cast %parallel_loop3A_494 : i32 to index
        %parallel_loop3A_506 = tpu.vector_load %arg7[%parallel_loop3A_504, %parallel_loop3A_505] {strides = array<i32>} : memref<4x3200xi32, #tpu.memory_space<vmem>>, vector<16xi32>,
        %parallel_loop3A_507 = arith.constant 3 : i32
        %parallel_loop3A_508 = arith.index_cast %parallel_loop3A_507 : i32 to index
        %parallel_loop3A_509 = arith.index_cast %parallel_loop3A_494 : i32 to index
        %parallel_loop3A_510 = tpu.vector_load %arg7[%parallel_loop3A_508, %parallel_loop3A_509] {strides = array<i32>} : memref<4x3200xi32, #tpu.memory_space<vmem>>, vector<16xi32>,
        %parallel_loop3A_511 = arith.constant 0 : i32
        %parallel_loop3A_512 = arith.index_cast %parallel_loop3A_511 : i32 to index
        %parallel_loop3A_513 = arith.index_cast %parallel_loop3A_494 : i32 to index
        %parallel_loop3A_514 = tpu.vector_load %arg8[%parallel_loop3A_512, %parallel_loop3A_513] {strides = array<i32>} : memref<4x3200xf32, #tpu.memory_space<vmem>>, vector<16xf32>,
        %parallel_loop3A_515 = arith.constant 1 : i32
        %parallel_loop3A_516 = arith.index_cast %parallel_loop3A_515 : i32 to index
        %parallel_loop3A_517 = arith.index_cast %parallel_loop3A_494 : i32 to index
        %parallel_loop3A_518 = tpu.vector_load %arg8[%parallel_loop3A_516, %parallel_loop3A_517] {strides = array<i32>} : memref<4x3200xf32, #tpu.memory_space<vmem>>, vector<16xf32>,
        %parallel_loop3A_519 = arith.constant 2 : i32
        %parallel_loop3A_520 = arith.index_cast %parallel_loop3A_519 : i32 to index
        %parallel_loop3A_521 = arith.index_cast %parallel_loop3A_494 : i32 to index
        %parallel_loop3A_522 = tpu.vector_load %arg8[%parallel_loop3A_520, %parallel_loop3A_521] {strides = array<i32>} : memref<4x3200xf32, #tpu.memory_space<vmem>>, vector<16xf32>,
        %parallel_loop3A_523 = arith.constant 3 : i32
        %parallel_loop3A_524 = arith.index_cast %parallel_loop3A_523 : i32 to index
        %parallel_loop3A_525 = arith.index_cast %parallel_loop3A_494 : i32 to index
        %parallel_loop3A_526 = tpu.vector_load %arg8[%parallel_loop3A_524, %parallel_loop3A_525] {strides = array<i32>} : memref<4x3200xf32, #tpu.memory_space<vmem>>, vector<16xf32>,
        %parallel_loop3A_527 = arith.constant 0 : i32
        %parallel_loop3A_528 = arith.index_cast %parallel_loop3A_527 : i32 to index
        %parallel_loop3A_529 = arith.index_cast %parallel_loop3A_494 : i32 to index
        %parallel_loop3A_530 = tpu.vector_load %arg9[%parallel_loop3A_528, %parallel_loop3A_529] {strides = array<i32>} : memref<2x3200xi32, #tpu.memory_space<vmem>>, vector<16xi32>,
        %parallel_loop3A_531 = arith.constant 1 : i32
        %parallel_loop3A_532 = arith.index_cast %parallel_loop3A_531 : i32 to index
        %parallel_loop3A_533 = arith.index_cast %parallel_loop3A_494 : i32 to index
        %parallel_loop3A_534 = tpu.vector_load %arg9[%parallel_loop3A_532, %parallel_loop3A_533] {strides = array<i32>} : memref<2x3200xi32, #tpu.memory_space<vmem>>, vector<16xi32>,
        %parallel_loop3A_535 = arith.constant 0 : i32
        %parallel_loop3A_536 = vector.broadcast %parallel_loop3A_535 : i32 to vector<16xi32>
        %parallel_loop3A_537 = tpu.vector_load_idx %arg11[%parallel_loop3A_536, %parallel_loop3A_498] : memref<2x7680xi32, #tpu.memory_space<vmem>>[vector<16xi32>, vector<16xi32>], vector<16xi32>,
        %parallel_loop3A_538 = tpu.vector_load_idx %arg11[%parallel_loop3A_536, %parallel_loop3A_502] : memref<2x7680xi32, #tpu.memory_space<vmem>>[vector<16xi32>, vector<16xi32>], vector<16xi32>,
        %parallel_loop3A_539 = tpu.vector_load_idx %arg11[%parallel_loop3A_536, %parallel_loop3A_506] : memref<2x7680xi32, #tpu.memory_space<vmem>>[vector<16xi32>, vector<16xi32>], vector<16xi32>,
        %parallel_loop3A_540 = tpu.vector_load_idx %arg11[%parallel_loop3A_536, %parallel_loop3A_510] : memref<2x7680xi32, #tpu.memory_space<vmem>>[vector<16xi32>, vector<16xi32>], vector<16xi32>,
        %parallel_loop3A_541 = arith.constant 16 : i32
        %parallel_loop3A_542 = vector.broadcast %parallel_loop3A_541 : i32 to vector<16xi32>
        %parallel_loop3A_543 = arith.shli %parallel_loop3A_537, %parallel_loop3A_542 : vector<16xi32>
        %parallel_loop3A_544 = vector.bitcast %parallel_loop3A_543 : vector<16xi32> to vector<16xf32>
        %parallel_loop3A_545 = arith.constant 16 : i32
        %parallel_loop3A_546 = vector.broadcast %parallel_loop3A_545 : i32 to vector<16xi32>
        %parallel_loop3A_547 = arith.shli %parallel_loop3A_538, %parallel_loop3A_546 : vector<16xi32>
        %parallel_loop3A_548 = vector.bitcast %parallel_loop3A_547 : vector<16xi32> to vector<16xf32>
        %parallel_loop3A_549 = arith.constant 16 : i32
        %parallel_loop3A_550 = vector.broadcast %parallel_loop3A_549 : i32 to vector<16xi32>
        %parallel_loop3A_551 = arith.shli %parallel_loop3A_539, %parallel_loop3A_550 : vector<16xi32>
        %parallel_loop3A_552 = vector.bitcast %parallel_loop3A_551 : vector<16xi32> to vector<16xf32>
        %parallel_loop3A_553 = arith.constant 16 : i32
        %parallel_loop3A_554 = vector.broadcast %parallel_loop3A_553 : i32 to vector<16xi32>
        %parallel_loop3A_555 = arith.shli %parallel_loop3A_540, %parallel_loop3A_554 : vector<16xi32>
        %parallel_loop3A_556 = vector.bitcast %parallel_loop3A_555 : vector<16xi32> to vector<16xf32>
        %parallel_loop3A_557 = arith.andi %parallel_loop3A_537, %broadcast_in_dim3A_1 : vector<16xi32>
        %parallel_loop3A_558 = vector.bitcast %parallel_loop3A_557 : vector<16xi32> to vector<16xf32>
        %parallel_loop3A_559 = arith.andi %parallel_loop3A_538, %broadcast_in_dim3A_1 : vector<16xi32>
        %parallel_loop3A_560 = vector.bitcast %parallel_loop3A_559 : vector<16xi32> to vector<16xf32>
        %parallel_loop3A_561 = arith.andi %parallel_loop3A_539, %broadcast_in_dim3A_1 : vector<16xi32>
        %parallel_loop3A_562 = vector.bitcast %parallel_loop3A_561 : vector<16xi32> to vector<16xf32>
        %parallel_loop3A_563 = arith.andi %parallel_loop3A_540, %broadcast_in_dim3A_1 : vector<16xi32>
        %parallel_loop3A_564 = vector.bitcast %parallel_loop3A_563 : vector<16xi32> to vector<16xf32>
        %parallel_loop3A_565 = arith.mulf %parallel_loop3A_544, %parallel_loop3A_514 : vector<16xf32>
        %parallel_loop3A_566 = arith.mulf %parallel_loop3A_548, %parallel_loop3A_518 : vector<16xf32>
        %parallel_loop3A_567 = arith.addf %parallel_loop3A_565, %parallel_loop3A_566 : vector<16xf32>
        %parallel_loop3A_568 = arith.mulf %parallel_loop3A_552, %parallel_loop3A_522 : vector<16xf32>
        %parallel_loop3A_569 = arith.addf %parallel_loop3A_567, %parallel_loop3A_568 : vector<16xf32>
        %parallel_loop3A_570 = arith.mulf %parallel_loop3A_556, %parallel_loop3A_526 : vector<16xf32>
        %parallel_loop3A_571 = arith.addf %parallel_loop3A_569, %parallel_loop3A_570 : vector<16xf32>
        %parallel_loop3A_572 = arith.mulf %parallel_loop3A_558, %parallel_loop3A_514 : vector<16xf32>
        %parallel_loop3A_573 = arith.mulf %parallel_loop3A_560, %parallel_loop3A_518 : vector<16xf32>
        %parallel_loop3A_574 = arith.addf %parallel_loop3A_572, %parallel_loop3A_573 : vector<16xf32>
        %parallel_loop3A_575 = arith.mulf %parallel_loop3A_562, %parallel_loop3A_522 : vector<16xf32>
        %parallel_loop3A_576 = arith.addf %parallel_loop3A_574, %parallel_loop3A_575 : vector<16xf32>
        %parallel_loop3A_577 = arith.mulf %parallel_loop3A_564, %parallel_loop3A_526 : vector<16xf32>
        %parallel_loop3A_578 = arith.addf %parallel_loop3A_576, %parallel_loop3A_577 : vector<16xf32>
        %parallel_loop3A_579 = arith.constant 0 : i32
        %parallel_loop3A_580 = vector.broadcast %parallel_loop3A_579 : i32 to vector<16xi32>
        tpu.vector_store_idx %arg13[%parallel_loop3A_580, %parallel_loop3A_530, %parallel_loop3A_534], %parallel_loop3A_571 : memref<4x32x128xf32, #tpu.memory_space<vmem>>[vector<16xi32>, vector<16xi32>, vector<16xi32>], vector<16xf32>,
        %parallel_loop3A_581 = arith.constant 2 : i32
        %parallel_loop3A_582 = vector.broadcast %parallel_loop3A_581 : i32 to vector<16xi32>
        tpu.vector_store_idx %arg13[%parallel_loop3A_582, %parallel_loop3A_530, %parallel_loop3A_534], %parallel_loop3A_578 : memref<4x32x128xf32, #tpu.memory_space<vmem>>[vector<16xi32>, vector<16xi32>, vector<16xi32>], vector<16xf32>,
        %parallel_loop3A_583 = arith.constant 1 : i32
        %parallel_loop3A_584 = vector.broadcast %parallel_loop3A_583 : i32 to vector<16xi32>
        %parallel_loop3A_585 = tpu.vector_load_idx %arg11[%parallel_loop3A_584, %parallel_loop3A_498] : memref<2x7680xi32, #tpu.memory_space<vmem>>[vector<16xi32>, vector<16xi32>], vector<16xi32>,
        %parallel_loop3A_586 = tpu.vector_load_idx %arg11[%parallel_loop3A_584, %parallel_loop3A_502] : memref<2x7680xi32, #tpu.memory_space<vmem>>[vector<16xi32>, vector<16xi32>], vector<16xi32>,
        %parallel_loop3A_587 = tpu.vector_load_idx %arg11[%parallel_loop3A_584, %parallel_loop3A_506] : memref<2x7680xi32, #tpu.memory_space<vmem>>[vector<16xi32>, vector<16xi32>], vector<16xi32>,
        %parallel_loop3A_588 = tpu.vector_load_idx %arg11[%parallel_loop3A_584, %parallel_loop3A_510] : memref<2x7680xi32, #tpu.memory_space<vmem>>[vector<16xi32>, vector<16xi32>], vector<16xi32>,
        %parallel_loop3A_589 = arith.constant 16 : i32
        %parallel_loop3A_590 = vector.broadcast %parallel_loop3A_589 : i32 to vector<16xi32>
        %parallel_loop3A_591 = arith.shli %parallel_loop3A_585, %parallel_loop3A_590 : vector<16xi32>
        %parallel_loop3A_592 = vector.bitcast %parallel_loop3A_591 : vector<16xi32> to vector<16xf32>
        %parallel_loop3A_593 = arith.constant 16 : i32
        %parallel_loop3A_594 = vector.broadcast %parallel_loop3A_593 : i32 to vector<16xi32>
        %parallel_loop3A_595 = arith.shli %parallel_loop3A_586, %parallel_loop3A_594 : vector<16xi32>
        %parallel_loop3A_596 = vector.bitcast %parallel_loop3A_595 : vector<16xi32> to vector<16xf32>
        %parallel_loop3A_597 = arith.constant 16 : i32
        %parallel_loop3A_598 = vector.broadcast %parallel_loop3A_597 : i32 to vector<16xi32>
        %parallel_loop3A_599 = arith.shli %parallel_loop3A_587, %parallel_loop3A_598 : vector<16xi32>
        %parallel_loop3A_600 = vector.bitcast %parallel_loop3A_599 : vector<16xi32> to vector<16xf32>
        %parallel_loop3A_601 = arith.constant 16 : i32
        %parallel_loop3A_602 = vector.broadcast %parallel_loop3A_601 : i32 to vector<16xi32>
        %parallel_loop3A_603 = arith.shli %parallel_loop3A_588, %parallel_loop3A_602 : vector<16xi32>
        %parallel_loop3A_604 = vector.bitcast %parallel_loop3A_603 : vector<16xi32> to vector<16xf32>
        %parallel_loop3A_605 = arith.andi %parallel_loop3A_585, %broadcast_in_dim3A_1 : vector<16xi32>
        %parallel_loop3A_606 = vector.bitcast %parallel_loop3A_605 : vector<16xi32> to vector<16xf32>
        %parallel_loop3A_607 = arith.andi %parallel_loop3A_586, %broadcast_in_dim3A_1 : vector<16xi32>
        %parallel_loop3A_608 = vector.bitcast %parallel_loop3A_607 : vector<16xi32> to vector<16xf32>
        %parallel_loop3A_609 = arith.andi %parallel_loop3A_587, %broadcast_in_dim3A_1 : vector<16xi32>
        %parallel_loop3A_610 = vector.bitcast %parallel_loop3A_609 : vector<16xi32> to vector<16xf32>
        %parallel_loop3A_611 = arith.andi %parallel_loop3A_588, %broadcast_in_dim3A_1 : vector<16xi32>
        %parallel_loop3A_612 = vector.bitcast %parallel_loop3A_611 : vector<16xi32> to vector<16xf32>
        %parallel_loop3A_613 = arith.mulf %parallel_loop3A_592, %parallel_loop3A_514 : vector<16xf32>
        %parallel_loop3A_614 = arith.mulf %parallel_loop3A_596, %parallel_loop3A_518 : vector<16xf32>
        %parallel_loop3A_615 = arith.addf %parallel_loop3A_613, %parallel_loop3A_614 : vector<16xf32>
        %parallel_loop3A_616 = arith.mulf %parallel_loop3A_600, %parallel_loop3A_522 : vector<16xf32>
        %parallel_loop3A_617 = arith.addf %parallel_loop3A_615, %parallel_loop3A_616 : vector<16xf32>
        %parallel_loop3A_618 = arith.mulf %parallel_loop3A_604, %parallel_loop3A_526 : vector<16xf32>
        %parallel_loop3A_619 = arith.addf %parallel_loop3A_617, %parallel_loop3A_618 : vector<16xf32>
        %parallel_loop3A_620 = arith.mulf %parallel_loop3A_606, %parallel_loop3A_514 : vector<16xf32>
        %parallel_loop3A_621 = arith.mulf %parallel_loop3A_608, %parallel_loop3A_518 : vector<16xf32>
        %parallel_loop3A_622 = arith.addf %parallel_loop3A_620, %parallel_loop3A_621 : vector<16xf32>
        %parallel_loop3A_623 = arith.mulf %parallel_loop3A_610, %parallel_loop3A_522 : vector<16xf32>
        %parallel_loop3A_624 = arith.addf %parallel_loop3A_622, %parallel_loop3A_623 : vector<16xf32>
        %parallel_loop3A_625 = arith.mulf %parallel_loop3A_612, %parallel_loop3A_526 : vector<16xf32>
        %parallel_loop3A_626 = arith.addf %parallel_loop3A_624, %parallel_loop3A_625 : vector<16xf32>
        %parallel_loop3A_627 = arith.constant 1 : i32
        %parallel_loop3A_628 = vector.broadcast %parallel_loop3A_627 : i32 to vector<16xi32>
        tpu.vector_store_idx %arg13[%parallel_loop3A_628, %parallel_loop3A_530, %parallel_loop3A_534], %parallel_loop3A_619 : memref<4x32x128xf32, #tpu.memory_space<vmem>>[vector<16xi32>, vector<16xi32>, vector<16xi32>], vector<16xf32>,
        %parallel_loop3A_629 = arith.constant 3 : i32
        %parallel_loop3A_630 = vector.broadcast %parallel_loop3A_629 : i32 to vector<16xi32>
        tpu.vector_store_idx %arg13[%parallel_loop3A_630, %parallel_loop3A_530, %parallel_loop3A_534], %parallel_loop3A_626 : memref<4x32x128xf32, #tpu.memory_space<vmem>>[vector<16xi32>, vector<16xi32>, vector<16xi32>], vector<16xf32>,
      } {sc.loop_unroll_factor = 2 : i64, sc.parallel_access}
      %mul3A_365 = arith.constant 2 : i32
      %mul3A_366 = arith.muli %mul3A_346, %mul3A_365 : i32
      %dma_start3A_367 = arith.constant 0 : i32
      %dma_start3A_368 = arith.constant 0 : i32
      %dma_start3A_369 = arith.constant 0 : i32
      %dma_start3A_370 = tpu.memref_slice %arg13[%dma_start3A_367, %dma_start3A_368, %dma_start3A_369] : memref<4x32x128xf32, #tpu.memory_space<vmem>> -> memref<2x32x128xf32, #tpu.memory_space<vmem>>
      %dma_start3A_371 = arith.constant 0 : i32
      %dma_start3A_372 = arith.constant 0 : i32
      %dma_start3A_373 = arith.constant 0 : i32
      %dma_start3A_374 = tpu.memref_slice %arg5[%add3A_168, %dma_start3A_371, %dma_start3A_372, %dma_start3A_373] : memref<64x128x32x128xf32, #tpu.memory_space<hbm>> -> memref<1x128x32x128xf32, #tpu.memory_space<hbm>>
      %dma_start3A_375 = tpu.memref_squeeze %dma_start3A_374 : memref<1x128x32x128xf32, #tpu.memory_space<hbm>> -> memref<128x32x128xf32, #tpu.memory_space<hbm>>
      %dma_start3A_376 = arith.constant 0 : i32
      %dma_start3A_377 = arith.constant 0 : i32
      %dma_start3A_378 = tpu.memref_slice %dma_start3A_375[%mul3A_366, %dma_start3A_376, %dma_start3A_377] : memref<128x32x128xf32, #tpu.memory_space<hbm>> -> memref<2x32x128xf32, #tpu.memory_space<hbm>>
      %dma_start3A_379 = arith.constant 0 : i32
      %dma_start3A_380 = arith.constant 0 : i32
      %dma_start3A_381 = arith.constant 0 : i32
      %dma_start3A_382 = tpu.memref_slice %arg5[%add3A_168, %dma_start3A_379, %dma_start3A_380, %dma_start3A_381] : memref<64x128x32x128xf32, #tpu.memory_space<hbm>> -> memref<1x128x32x128xf32, #tpu.memory_space<hbm>>
      %dma_start3A_383 = tpu.memref_squeeze %dma_start3A_382 : memref<1x128x32x128xf32, #tpu.memory_space<hbm>> -> memref<128x32x128xf32, #tpu.memory_space<hbm>>
      %dma_start3A_384 = arith.constant 0 : i32
      %dma_start3A_385 = arith.constant 0 : i32
      %dma_start3A_386 = tpu.memref_slice %dma_start3A_383[%mul3A_366, %dma_start3A_384, %dma_start3A_385] : memref<128x32x128xf32, #tpu.memory_space<hbm>> -> memref<2x32x128xf32, #tpu.memory_space<hbm>>
      %dma_start3A_387 = arith.constant 0 : i32
      %dma_start3A_388 = arith.constant 0 : i32
      %dma_start3A_389 = arith.constant 0 : i32
      %dma_start3A_390 = tpu.memref_slice %arg13[%dma_start3A_387, %dma_start3A_388, %dma_start3A_389] : memref<4x32x128xf32, #tpu.memory_space<vmem>> -> memref<2x32x128xf32, #tpu.memory_space<vmem>>
      tpu.enqueue_dma source(%dma_start3A_390 : memref<2x32x128xf32, #tpu.memory_space<vmem>>) target(%dma_start3A_386 : memref<2x32x128xf32, #tpu.memory_space<hbm>>) target_semaphore(%arg17 : memref<!tpu.dma_semaphore, #tpu.memory_space<semaphore_mem>>)
      %mul3A_391 = arith.constant 2 : i32
      %mul3A_392 = arith.muli %mul3A_346, %mul3A_391 : i32
      %add3A_393 = arith.constant 64 : i32
      %add3A_394 = arith.addi %add3A_393, %mul3A_392 : i32
      %dma_start3A_395 = arith.constant 2 : i32
      %dma_start3A_396 = arith.constant 0 : i32
      %dma_start3A_397 = arith.constant 0 : i32
      %dma_start3A_398 = tpu.memref_slice %arg13[%dma_start3A_395, %dma_start3A_396, %dma_start3A_397] : memref<4x32x128xf32, #tpu.memory_space<vmem>> -> memref<2x32x128xf32, #tpu.memory_space<vmem>>
      %dma_start3A_399 = arith.constant 0 : i32
      %dma_start3A_400 = arith.constant 0 : i32
      %dma_start3A_401 = arith.constant 0 : i32
      %dma_start3A_402 = tpu.memref_slice %arg5[%add3A_168, %dma_start3A_399, %dma_start3A_400, %dma_start3A_401] : memref<64x128x32x128xf32, #tpu.memory_space<hbm>> -> memref<1x128x32x128xf32, #tpu.memory_space<hbm>>
      %dma_start3A_403 = tpu.memref_squeeze %dma_start3A_402 : memref<1x128x32x128xf32, #tpu.memory_space<hbm>> -> memref<128x32x128xf32, #tpu.memory_space<hbm>>
      %dma_start3A_404 = arith.constant 0 : i32
      %dma_start3A_405 = arith.constant 0 : i32
      %dma_start3A_406 = tpu.memref_slice %dma_start3A_403[%add3A_394, %dma_start3A_404, %dma_start3A_405] : memref<128x32x128xf32, #tpu.memory_space<hbm>> -> memref<2x32x128xf32, #tpu.memory_space<hbm>>
      %dma_start3A_407 = arith.constant 0 : i32
      %dma_start3A_408 = arith.constant 0 : i32
      %dma_start3A_409 = arith.constant 0 : i32
      %dma_start3A_410 = tpu.memref_slice %arg5[%add3A_168, %dma_start3A_407, %dma_start3A_408, %dma_start3A_409] : memref<64x128x32x128xf32, #tpu.memory_space<hbm>> -> memref<1x128x32x128xf32, #tpu.memory_space<hbm>>
      %dma_start3A_411 = tpu.memref_squeeze %dma_start3A_410 : memref<1x128x32x128xf32, #tpu.memory_space<hbm>> -> memref<128x32x128xf32, #tpu.memory_space<hbm>>
      %dma_start3A_412 = arith.constant 0 : i32
      %dma_start3A_413 = arith.constant 0 : i32
      %dma_start3A_414 = tpu.memref_slice %dma_start3A_411[%add3A_394, %dma_start3A_412, %dma_start3A_413] : memref<128x32x128xf32, #tpu.memory_space<hbm>> -> memref<2x32x128xf32, #tpu.memory_space<hbm>>
      %dma_start3A_415 = arith.constant 2 : i32
      %dma_start3A_416 = arith.constant 0 : i32
      %dma_start3A_417 = arith.constant 0 : i32
      %dma_start3A_418 = tpu.memref_slice %arg13[%dma_start3A_415, %dma_start3A_416, %dma_start3A_417] : memref<4x32x128xf32, #tpu.memory_space<vmem>> -> memref<2x32x128xf32, #tpu.memory_space<vmem>>
      tpu.enqueue_dma source(%dma_start3A_418 : memref<2x32x128xf32, #tpu.memory_space<vmem>>) target(%dma_start3A_414 : memref<2x32x128xf32, #tpu.memory_space<hbm>>) target_semaphore(%arg17 : memref<!tpu.dma_semaphore, #tpu.memory_space<semaphore_mem>>)
      %lt3A = arith.constant 15 : i32
      %lt3A_419 = arith.cmpi slt, %scan3A_343, %lt3A : i32
      %convert_element_type3A_420 = arith.extui %lt3A_419 : i1 to i32
      %cond3A_421 = arith.constant 0 : i32
      %cond3A_422 = arith.cmpi ne, %convert_element_type3A_420, %cond3A_421 : i32
      scf.if %cond3A_422 {
        %add3A_492 = arith.constant 2 : i32
        %add3A_493 = arith.addi %mul3A_346, %add3A_492 : i32
        %mul3A_494 = arith.constant 64 : i32
        %mul3A_495 = arith.muli %reduce_sum3A_208, %mul3A_494 : i32
        %mul3A_496 = arith.constant 2 : i32
        %mul3A_497 = arith.muli %add3A_493, %mul3A_496 : i32
        %add3A_498 = arith.addi %mul3A_495, %mul3A_497 : i32
        %dma_start3A_499 = arith.constant 0 : i32
        %dma_start3A_500 = tpu.memref_slice %arg2[%add3A_498, %dma_start3A_499] : memref<512x7680xi32, #tpu.memory_space<hbm>> -> memref<2x7680xi32, #tpu.memory_space<hbm>>
        %dma_start3A_501 = arith.constant 0 : i32
        %dma_start3A_502 = tpu.memref_slice %arg2[%add3A_498, %dma_start3A_501] : memref<512x7680xi32, #tpu.memory_space<hbm>> -> memref<2x7680xi32, #tpu.memory_space<hbm>>
        tpu.enqueue_dma source(%dma_start3A_502 : memref<2x7680xi32, #tpu.memory_space<hbm>>) target(%arg11 : memref<2x7680xi32, #tpu.memory_space<vmem>>) target_semaphore(%arg15 : memref<!tpu.dma_semaphore, #tpu.memory_space<semaphore_mem>>)
      } else {
      }
      %dma_wait3A_423 = arith.constant 0 : i32
      %dma_wait3A_424 = arith.constant 0 : i32
      %dma_wait3A_425 = tpu.memref_slice %arg2[%dma_wait3A_423, %dma_wait3A_424] : memref<512x7680xi32, #tpu.memory_space<hbm>> -> memref<2x7680xi32, #tpu.memory_space<hbm>>
      %dma_wait3A_426 = arith.constant 0 : i32
      %dma_wait3A_427 = arith.constant 0 : i32
      %dma_wait3A_428 = tpu.memref_slice %arg2[%dma_wait3A_426, %dma_wait3A_427] : memref<512x7680xi32, #tpu.memory_space<hbm>> -> memref<2x7680xi32, #tpu.memory_space<hbm>>
      tpu.wait_dma2 semaphore(%arg16 : memref<!tpu.dma_semaphore, #tpu.memory_space<semaphore_mem>>) src(%dma_wait3A_428 : memref<2x7680xi32, #tpu.memory_space<hbm>>) dst(%arg12 : memref<2x7680xi32, #tpu.memory_space<vmem>>)
      %gt3A_429 = arith.constant 0 : i32
      %gt3A_430 = arith.cmpi sgt, %scan3A_343, %gt3A_429 : i32
      %convert_element_type3A_431 = arith.extui %gt3A_430 : i1 to i32
      %cond3A_432 = arith.constant 0 : i32
      %cond3A_433 = arith.cmpi ne, %convert_element_type3A_431, %cond3A_432 : i32
      scf.if %cond3A_433 {
        %dma_wait3A_492 = arith.constant 0 : i32
        %dma_wait3A_493 = arith.constant 0 : i32
        %dma_wait3A_494 = arith.constant 0 : i32
        %dma_wait3A_495 = arith.constant 0 : i32
        %dma_wait3A_496 = tpu.memref_slice %arg14[%dma_wait3A_493, %dma_wait3A_494, %dma_wait3A_495] : memref<4x32x128xf32, #tpu.memory_space<vmem>> -> memref<2x32x128xf32, #tpu.memory_space<vmem>>
        %dma_wait3A_497 = arith.constant 0 : i32
        %dma_wait3A_498 = arith.constant 0 : i32
        %dma_wait3A_499 = arith.constant 0 : i32
        %dma_wait3A_500 = tpu.memref_slice %arg5[%dma_wait3A_492, %dma_wait3A_497, %dma_wait3A_498, %dma_wait3A_499] : memref<64x128x32x128xf32, #tpu.memory_space<hbm>> -> memref<1x128x32x128xf32, #tpu.memory_space<hbm>>
        %dma_wait3A_501 = tpu.memref_squeeze %dma_wait3A_500 : memref<1x128x32x128xf32, #tpu.memory_space<hbm>> -> memref<128x32x128xf32, #tpu.memory_space<hbm>>
        %dma_wait3A_502 = arith.constant 0 : i32
        %dma_wait3A_503 = arith.constant 0 : i32
        %dma_wait3A_504 = arith.constant 0 : i32
        %dma_wait3A_505 = tpu.memref_slice %dma_wait3A_501[%dma_wait3A_502, %dma_wait3A_503, %dma_wait3A_504] : memref<128x32x128xf32, #tpu.memory_space<hbm>> -> memref<2x32x128xf32, #tpu.memory_space<hbm>>
        %dma_wait3A_506 = arith.constant 0 : i32
        %dma_wait3A_507 = arith.constant 0 : i32
        %dma_wait3A_508 = arith.constant 0 : i32
        %dma_wait3A_509 = tpu.memref_slice %arg5[%dma_wait3A_492, %dma_wait3A_506, %dma_wait3A_507, %dma_wait3A_508] : memref<64x128x32x128xf32, #tpu.memory_space<hbm>> -> memref<1x128x32x128xf32, #tpu.memory_space<hbm>>
        %dma_wait3A_510 = tpu.memref_squeeze %dma_wait3A_509 : memref<1x128x32x128xf32, #tpu.memory_space<hbm>> -> memref<128x32x128xf32, #tpu.memory_space<hbm>>
        %dma_wait3A_511 = arith.constant 0 : i32
        %dma_wait3A_512 = arith.constant 0 : i32
        %dma_wait3A_513 = arith.constant 0 : i32
        %dma_wait3A_514 = tpu.memref_slice %dma_wait3A_510[%dma_wait3A_511, %dma_wait3A_512, %dma_wait3A_513] : memref<128x32x128xf32, #tpu.memory_space<hbm>> -> memref<2x32x128xf32, #tpu.memory_space<hbm>>
        %dma_wait3A_515 = arith.constant 0 : i32
        %dma_wait3A_516 = arith.constant 0 : i32
        %dma_wait3A_517 = arith.constant 0 : i32
        %dma_wait3A_518 = tpu.memref_slice %arg14[%dma_wait3A_515, %dma_wait3A_516, %dma_wait3A_517] : memref<4x32x128xf32, #tpu.memory_space<vmem>> -> memref<2x32x128xf32, #tpu.memory_space<vmem>>
        tpu.wait_dma2 semaphore(%arg18 : memref<!tpu.dma_semaphore, #tpu.memory_space<semaphore_mem>>) src(%dma_wait3A_518 : memref<2x32x128xf32, #tpu.memory_space<vmem>>) dst(%dma_wait3A_514 : memref<2x32x128xf32, #tpu.memory_space<hbm>>)
        %dma_wait3A_519 = arith.constant 0 : i32
        %dma_wait3A_520 = arith.constant 0 : i32
        %dma_wait3A_521 = arith.constant 0 : i32
        %dma_wait3A_522 = arith.constant 0 : i32
        %dma_wait3A_523 = tpu.memref_slice %arg14[%dma_wait3A_520, %dma_wait3A_521, %dma_wait3A_522] : memref<4x32x128xf32, #tpu.memory_space<vmem>> -> memref<2x32x128xf32, #tpu.memory_space<vmem>>
        %dma_wait3A_524 = arith.constant 0 : i32
        %dma_wait3A_525 = arith.constant 0 : i32
        %dma_wait3A_526 = arith.constant 0 : i32
        %dma_wait3A_527 = tpu.memref_slice %arg5[%dma_wait3A_519, %dma_wait3A_524, %dma_wait3A_525, %dma_wait3A_526] : memref<64x128x32x128xf32, #tpu.memory_space<hbm>> -> memref<1x128x32x128xf32, #tpu.memory_space<hbm>>
        %dma_wait3A_528 = tpu.memref_squeeze %dma_wait3A_527 : memref<1x128x32x128xf32, #tpu.memory_space<hbm>> -> memref<128x32x128xf32, #tpu.memory_space<hbm>>
        %dma_wait3A_529 = arith.constant 0 : i32
        %dma_wait3A_530 = arith.constant 0 : i32
        %dma_wait3A_531 = arith.constant 0 : i32
        %dma_wait3A_532 = tpu.memref_slice %dma_wait3A_528[%dma_wait3A_529, %dma_wait3A_530, %dma_wait3A_531] : memref<128x32x128xf32, #tpu.memory_space<hbm>> -> memref<2x32x128xf32, #tpu.memory_space<hbm>>
        %dma_wait3A_533 = arith.constant 0 : i32
        %dma_wait3A_534 = arith.constant 0 : i32
        %dma_wait3A_535 = arith.constant 0 : i32
        %dma_wait3A_536 = tpu.memref_slice %arg5[%dma_wait3A_519, %dma_wait3A_533, %dma_wait3A_534, %dma_wait3A_535] : memref<64x128x32x128xf32, #tpu.memory_space<hbm>> -> memref<1x128x32x128xf32, #tpu.memory_space<hbm>>
        %dma_wait3A_537 = tpu.memref_squeeze %dma_wait3A_536 : memref<1x128x32x128xf32, #tpu.memory_space<hbm>> -> memref<128x32x128xf32, #tpu.memory_space<hbm>>
        %dma_wait3A_538 = arith.constant 0 : i32
        %dma_wait3A_539 = arith.constant 0 : i32
        %dma_wait3A_540 = arith.constant 0 : i32
        %dma_wait3A_541 = tpu.memref_slice %dma_wait3A_537[%dma_wait3A_538, %dma_wait3A_539, %dma_wait3A_540] : memref<128x32x128xf32, #tpu.memory_space<hbm>> -> memref<2x32x128xf32, #tpu.memory_space<hbm>>
        %dma_wait3A_542 = arith.constant 0 : i32
        %dma_wait3A_543 = arith.constant 0 : i32
        %dma_wait3A_544 = arith.constant 0 : i32
        %dma_wait3A_545 = tpu.memref_slice %arg14[%dma_wait3A_542, %dma_wait3A_543, %dma_wait3A_544] : memref<4x32x128xf32, #tpu.memory_space<vmem>> -> memref<2x32x128xf32, #tpu.memory_space<vmem>>
        tpu.wait_dma2 semaphore(%arg18 : memref<!tpu.dma_semaphore, #tpu.memory_space<semaphore_mem>>) src(%dma_wait3A_545 : memref<2x32x128xf32, #tpu.memory_space<vmem>>) dst(%dma_wait3A_541 : memref<2x32x128xf32, #tpu.memory_space<hbm>>)
      } else {
      }
      %parallel_loop3A_434 = arith.constant 0 : i32
      %parallel_loop3A_435 = arith.constant 200 : i32
      %parallel_loop3A_436 = arith.constant 1 : i32
      scf.for %parallel_loop3A_492 = %parallel_loop3A_434 to %parallel_loop3A_435 step %parallel_loop3A_436  : i32 {
        %parallel_loop3A_493 = arith.constant 16 : i32
        %parallel_loop3A_494 = arith.muli %parallel_loop3A_492, %parallel_loop3A_493 : i32
        %parallel_loop3A_495 = arith.constant 0 : i32
        %parallel_loop3A_496 = arith.index_cast %parallel_loop3A_495 : i32 to index
        %parallel_loop3A_497 = arith.index_cast %parallel_loop3A_494 : i32 to index
        %parallel_loop3A_498 = tpu.vector_load %arg7[%parallel_loop3A_496, %parallel_loop3A_497] {strides = array<i32>} : memref<4x3200xi32, #tpu.memory_space<vmem>>, vector<16xi32>,
        %parallel_loop3A_499 = arith.constant 1 : i32
        %parallel_loop3A_500 = arith.index_cast %parallel_loop3A_499 : i32 to index
        %parallel_loop3A_501 = arith.index_cast %parallel_loop3A_494 : i32 to index
        %parallel_loop3A_502 = tpu.vector_load %arg7[%parallel_loop3A_500, %parallel_loop3A_501] {strides = array<i32>} : memref<4x3200xi32, #tpu.memory_space<vmem>>, vector<16xi32>,
        %parallel_loop3A_503 = arith.constant 2 : i32
        %parallel_loop3A_504 = arith.index_cast %parallel_loop3A_503 : i32 to index
        %parallel_loop3A_505 = arith.index_cast %parallel_loop3A_494 : i32 to index
        %parallel_loop3A_506 = tpu.vector_load %arg7[%parallel_loop3A_504, %parallel_loop3A_505] {strides = array<i32>} : memref<4x3200xi32, #tpu.memory_space<vmem>>, vector<16xi32>,
        %parallel_loop3A_507 = arith.constant 3 : i32
        %parallel_loop3A_508 = arith.index_cast %parallel_loop3A_507 : i32 to index
        %parallel_loop3A_509 = arith.index_cast %parallel_loop3A_494 : i32 to index
        %parallel_loop3A_510 = tpu.vector_load %arg7[%parallel_loop3A_508, %parallel_loop3A_509] {strides = array<i32>} : memref<4x3200xi32, #tpu.memory_space<vmem>>, vector<16xi32>,
        %parallel_loop3A_511 = arith.constant 0 : i32
        %parallel_loop3A_512 = arith.index_cast %parallel_loop3A_511 : i32 to index
        %parallel_loop3A_513 = arith.index_cast %parallel_loop3A_494 : i32 to index
        %parallel_loop3A_514 = tpu.vector_load %arg8[%parallel_loop3A_512, %parallel_loop3A_513] {strides = array<i32>} : memref<4x3200xf32, #tpu.memory_space<vmem>>, vector<16xf32>,
        %parallel_loop3A_515 = arith.constant 1 : i32
        %parallel_loop3A_516 = arith.index_cast %parallel_loop3A_515 : i32 to index
        %parallel_loop3A_517 = arith.index_cast %parallel_loop3A_494 : i32 to index
        %parallel_loop3A_518 = tpu.vector_load %arg8[%parallel_loop3A_516, %parallel_loop3A_517] {strides = array<i32>} : memref<4x3200xf32, #tpu.memory_space<vmem>>, vector<16xf32>,
        %parallel_loop3A_519 = arith.constant 2 : i32
        %parallel_loop3A_520 = arith.index_cast %parallel_loop3A_519 : i32 to index
        %parallel_loop3A_521 = arith.index_cast %parallel_loop3A_494 : i32 to index
        %parallel_loop3A_522 = tpu.vector_load %arg8[%parallel_loop3A_520, %parallel_loop3A_521] {strides = array<i32>} : memref<4x3200xf32, #tpu.memory_space<vmem>>, vector<16xf32>,
        %parallel_loop3A_523 = arith.constant 3 : i32
        %parallel_loop3A_524 = arith.index_cast %parallel_loop3A_523 : i32 to index
        %parallel_loop3A_525 = arith.index_cast %parallel_loop3A_494 : i32 to index
        %parallel_loop3A_526 = tpu.vector_load %arg8[%parallel_loop3A_524, %parallel_loop3A_525] {strides = array<i32>} : memref<4x3200xf32, #tpu.memory_space<vmem>>, vector<16xf32>,
        %parallel_loop3A_527 = arith.constant 0 : i32
        %parallel_loop3A_528 = arith.index_cast %parallel_loop3A_527 : i32 to index
        %parallel_loop3A_529 = arith.index_cast %parallel_loop3A_494 : i32 to index
        %parallel_loop3A_530 = tpu.vector_load %arg9[%parallel_loop3A_528, %parallel_loop3A_529] {strides = array<i32>} : memref<2x3200xi32, #tpu.memory_space<vmem>>, vector<16xi32>,
        %parallel_loop3A_531 = arith.constant 1 : i32
        %parallel_loop3A_532 = arith.index_cast %parallel_loop3A_531 : i32 to index
        %parallel_loop3A_533 = arith.index_cast %parallel_loop3A_494 : i32 to index
        %parallel_loop3A_534 = tpu.vector_load %arg9[%parallel_loop3A_532, %parallel_loop3A_533] {strides = array<i32>} : memref<2x3200xi32, #tpu.memory_space<vmem>>, vector<16xi32>,
        %parallel_loop3A_535 = arith.constant 0 : i32
        %parallel_loop3A_536 = vector.broadcast %parallel_loop3A_535 : i32 to vector<16xi32>
        %parallel_loop3A_537 = tpu.vector_load_idx %arg12[%parallel_loop3A_536, %parallel_loop3A_498] : memref<2x7680xi32, #tpu.memory_space<vmem>>[vector<16xi32>, vector<16xi32>], vector<16xi32>,
        %parallel_loop3A_538 = tpu.vector_load_idx %arg12[%parallel_loop3A_536, %parallel_loop3A_502] : memref<2x7680xi32, #tpu.memory_space<vmem>>[vector<16xi32>, vector<16xi32>], vector<16xi32>,
        %parallel_loop3A_539 = tpu.vector_load_idx %arg12[%parallel_loop3A_536, %parallel_loop3A_506] : memref<2x7680xi32, #tpu.memory_space<vmem>>[vector<16xi32>, vector<16xi32>], vector<16xi32>,
        %parallel_loop3A_540 = tpu.vector_load_idx %arg12[%parallel_loop3A_536, %parallel_loop3A_510] : memref<2x7680xi32, #tpu.memory_space<vmem>>[vector<16xi32>, vector<16xi32>], vector<16xi32>,
        %parallel_loop3A_541 = arith.constant 16 : i32
        %parallel_loop3A_542 = vector.broadcast %parallel_loop3A_541 : i32 to vector<16xi32>
        %parallel_loop3A_543 = arith.shli %parallel_loop3A_537, %parallel_loop3A_542 : vector<16xi32>
        %parallel_loop3A_544 = vector.bitcast %parallel_loop3A_543 : vector<16xi32> to vector<16xf32>
        %parallel_loop3A_545 = arith.constant 16 : i32
        %parallel_loop3A_546 = vector.broadcast %parallel_loop3A_545 : i32 to vector<16xi32>
        %parallel_loop3A_547 = arith.shli %parallel_loop3A_538, %parallel_loop3A_546 : vector<16xi32>
        %parallel_loop3A_548 = vector.bitcast %parallel_loop3A_547 : vector<16xi32> to vector<16xf32>
        %parallel_loop3A_549 = arith.constant 16 : i32
        %parallel_loop3A_550 = vector.broadcast %parallel_loop3A_549 : i32 to vector<16xi32>
        %parallel_loop3A_551 = arith.shli %parallel_loop3A_539, %parallel_loop3A_550 : vector<16xi32>
        %parallel_loop3A_552 = vector.bitcast %parallel_loop3A_551 : vector<16xi32> to vector<16xf32>
        %parallel_loop3A_553 = arith.constant 16 : i32
        %parallel_loop3A_554 = vector.broadcast %parallel_loop3A_553 : i32 to vector<16xi32>
        %parallel_loop3A_555 = arith.shli %parallel_loop3A_540, %parallel_loop3A_554 : vector<16xi32>
        %parallel_loop3A_556 = vector.bitcast %parallel_loop3A_555 : vector<16xi32> to vector<16xf32>
        %parallel_loop3A_557 = arith.andi %parallel_loop3A_537, %broadcast_in_dim3A_1 : vector<16xi32>
        %parallel_loop3A_558 = vector.bitcast %parallel_loop3A_557 : vector<16xi32> to vector<16xf32>
        %parallel_loop3A_559 = arith.andi %parallel_loop3A_538, %broadcast_in_dim3A_1 : vector<16xi32>
        %parallel_loop3A_560 = vector.bitcast %parallel_loop3A_559 : vector<16xi32> to vector<16xf32>
        %parallel_loop3A_561 = arith.andi %parallel_loop3A_539, %broadcast_in_dim3A_1 : vector<16xi32>
        %parallel_loop3A_562 = vector.bitcast %parallel_loop3A_561 : vector<16xi32> to vector<16xf32>
        %parallel_loop3A_563 = arith.andi %parallel_loop3A_540, %broadcast_in_dim3A_1 : vector<16xi32>
        %parallel_loop3A_564 = vector.bitcast %parallel_loop3A_563 : vector<16xi32> to vector<16xf32>
        %parallel_loop3A_565 = arith.mulf %parallel_loop3A_544, %parallel_loop3A_514 : vector<16xf32>
        %parallel_loop3A_566 = arith.mulf %parallel_loop3A_548, %parallel_loop3A_518 : vector<16xf32>
        %parallel_loop3A_567 = arith.addf %parallel_loop3A_565, %parallel_loop3A_566 : vector<16xf32>
        %parallel_loop3A_568 = arith.mulf %parallel_loop3A_552, %parallel_loop3A_522 : vector<16xf32>
        %parallel_loop3A_569 = arith.addf %parallel_loop3A_567, %parallel_loop3A_568 : vector<16xf32>
        %parallel_loop3A_570 = arith.mulf %parallel_loop3A_556, %parallel_loop3A_526 : vector<16xf32>
        %parallel_loop3A_571 = arith.addf %parallel_loop3A_569, %parallel_loop3A_570 : vector<16xf32>
        %parallel_loop3A_572 = arith.mulf %parallel_loop3A_558, %parallel_loop3A_514 : vector<16xf32>
        %parallel_loop3A_573 = arith.mulf %parallel_loop3A_560, %parallel_loop3A_518 : vector<16xf32>
        %parallel_loop3A_574 = arith.addf %parallel_loop3A_572, %parallel_loop3A_573 : vector<16xf32>
        %parallel_loop3A_575 = arith.mulf %parallel_loop3A_562, %parallel_loop3A_522 : vector<16xf32>
        %parallel_loop3A_576 = arith.addf %parallel_loop3A_574, %parallel_loop3A_575 : vector<16xf32>
        %parallel_loop3A_577 = arith.mulf %parallel_loop3A_564, %parallel_loop3A_526 : vector<16xf32>
        %parallel_loop3A_578 = arith.addf %parallel_loop3A_576, %parallel_loop3A_577 : vector<16xf32>
        %parallel_loop3A_579 = arith.constant 0 : i32
        %parallel_loop3A_580 = vector.broadcast %parallel_loop3A_579 : i32 to vector<16xi32>
        tpu.vector_store_idx %arg14[%parallel_loop3A_580, %parallel_loop3A_530, %parallel_loop3A_534], %parallel_loop3A_571 : memref<4x32x128xf32, #tpu.memory_space<vmem>>[vector<16xi32>, vector<16xi32>, vector<16xi32>], vector<16xf32>,
        %parallel_loop3A_581 = arith.constant 2 : i32
        %parallel_loop3A_582 = vector.broadcast %parallel_loop3A_581 : i32 to vector<16xi32>
        tpu.vector_store_idx %arg14[%parallel_loop3A_582, %parallel_loop3A_530, %parallel_loop3A_534], %parallel_loop3A_578 : memref<4x32x128xf32, #tpu.memory_space<vmem>>[vector<16xi32>, vector<16xi32>, vector<16xi32>], vector<16xf32>,
        %parallel_loop3A_583 = arith.constant 1 : i32
        %parallel_loop3A_584 = vector.broadcast %parallel_loop3A_583 : i32 to vector<16xi32>
        %parallel_loop3A_585 = tpu.vector_load_idx %arg12[%parallel_loop3A_584, %parallel_loop3A_498] : memref<2x7680xi32, #tpu.memory_space<vmem>>[vector<16xi32>, vector<16xi32>], vector<16xi32>,
        %parallel_loop3A_586 = tpu.vector_load_idx %arg12[%parallel_loop3A_584, %parallel_loop3A_502] : memref<2x7680xi32, #tpu.memory_space<vmem>>[vector<16xi32>, vector<16xi32>], vector<16xi32>,
        %parallel_loop3A_587 = tpu.vector_load_idx %arg12[%parallel_loop3A_584, %parallel_loop3A_506] : memref<2x7680xi32, #tpu.memory_space<vmem>>[vector<16xi32>, vector<16xi32>], vector<16xi32>,
        %parallel_loop3A_588 = tpu.vector_load_idx %arg12[%parallel_loop3A_584, %parallel_loop3A_510] : memref<2x7680xi32, #tpu.memory_space<vmem>>[vector<16xi32>, vector<16xi32>], vector<16xi32>,
        %parallel_loop3A_589 = arith.constant 16 : i32
        %parallel_loop3A_590 = vector.broadcast %parallel_loop3A_589 : i32 to vector<16xi32>
        %parallel_loop3A_591 = arith.shli %parallel_loop3A_585, %parallel_loop3A_590 : vector<16xi32>
        %parallel_loop3A_592 = vector.bitcast %parallel_loop3A_591 : vector<16xi32> to vector<16xf32>
        %parallel_loop3A_593 = arith.constant 16 : i32
        %parallel_loop3A_594 = vector.broadcast %parallel_loop3A_593 : i32 to vector<16xi32>
        %parallel_loop3A_595 = arith.shli %parallel_loop3A_586, %parallel_loop3A_594 : vector<16xi32>
        %parallel_loop3A_596 = vector.bitcast %parallel_loop3A_595 : vector<16xi32> to vector<16xf32>
        %parallel_loop3A_597 = arith.constant 16 : i32
        %parallel_loop3A_598 = vector.broadcast %parallel_loop3A_597 : i32 to vector<16xi32>
        %parallel_loop3A_599 = arith.shli %parallel_loop3A_587, %parallel_loop3A_598 : vector<16xi32>
        %parallel_loop3A_600 = vector.bitcast %parallel_loop3A_599 : vector<16xi32> to vector<16xf32>
        %parallel_loop3A_601 = arith.constant 16 : i32
        %parallel_loop3A_602 = vector.broadcast %parallel_loop3A_601 : i32 to vector<16xi32>
        %parallel_loop3A_603 = arith.shli %parallel_loop3A_588, %parallel_loop3A_602 : vector<16xi32>
        %parallel_loop3A_604 = vector.bitcast %parallel_loop3A_603 : vector<16xi32> to vector<16xf32>
        %parallel_loop3A_605 = arith.andi %parallel_loop3A_585, %broadcast_in_dim3A_1 : vector<16xi32>
        %parallel_loop3A_606 = vector.bitcast %parallel_loop3A_605 : vector<16xi32> to vector<16xf32>
        %parallel_loop3A_607 = arith.andi %parallel_loop3A_586, %broadcast_in_dim3A_1 : vector<16xi32>
        %parallel_loop3A_608 = vector.bitcast %parallel_loop3A_607 : vector<16xi32> to vector<16xf32>
        %parallel_loop3A_609 = arith.andi %parallel_loop3A_587, %broadcast_in_dim3A_1 : vector<16xi32>
        %parallel_loop3A_610 = vector.bitcast %parallel_loop3A_609 : vector<16xi32> to vector<16xf32>
        %parallel_loop3A_611 = arith.andi %parallel_loop3A_588, %broadcast_in_dim3A_1 : vector<16xi32>
        %parallel_loop3A_612 = vector.bitcast %parallel_loop3A_611 : vector<16xi32> to vector<16xf32>
        %parallel_loop3A_613 = arith.mulf %parallel_loop3A_592, %parallel_loop3A_514 : vector<16xf32>
        %parallel_loop3A_614 = arith.mulf %parallel_loop3A_596, %parallel_loop3A_518 : vector<16xf32>
        %parallel_loop3A_615 = arith.addf %parallel_loop3A_613, %parallel_loop3A_614 : vector<16xf32>
        %parallel_loop3A_616 = arith.mulf %parallel_loop3A_600, %parallel_loop3A_522 : vector<16xf32>
        %parallel_loop3A_617 = arith.addf %parallel_loop3A_615, %parallel_loop3A_616 : vector<16xf32>
        %parallel_loop3A_618 = arith.mulf %parallel_loop3A_604, %parallel_loop3A_526 : vector<16xf32>
        %parallel_loop3A_619 = arith.addf %parallel_loop3A_617, %parallel_loop3A_618 : vector<16xf32>
        %parallel_loop3A_620 = arith.mulf %parallel_loop3A_606, %parallel_loop3A_514 : vector<16xf32>
        %parallel_loop3A_621 = arith.mulf %parallel_loop3A_608, %parallel_loop3A_518 : vector<16xf32>
        %parallel_loop3A_622 = arith.addf %parallel_loop3A_620, %parallel_loop3A_621 : vector<16xf32>
        %parallel_loop3A_623 = arith.mulf %parallel_loop3A_610, %parallel_loop3A_522 : vector<16xf32>
        %parallel_loop3A_624 = arith.addf %parallel_loop3A_622, %parallel_loop3A_623 : vector<16xf32>
        %parallel_loop3A_625 = arith.mulf %parallel_loop3A_612, %parallel_loop3A_526 : vector<16xf32>
        %parallel_loop3A_626 = arith.addf %parallel_loop3A_624, %parallel_loop3A_625 : vector<16xf32>
        %parallel_loop3A_627 = arith.constant 1 : i32
        %parallel_loop3A_628 = vector.broadcast %parallel_loop3A_627 : i32 to vector<16xi32>
        tpu.vector_store_idx %arg14[%parallel_loop3A_628, %parallel_loop3A_530, %parallel_loop3A_534], %parallel_loop3A_619 : memref<4x32x128xf32, #tpu.memory_space<vmem>>[vector<16xi32>, vector<16xi32>, vector<16xi32>], vector<16xf32>,
        %parallel_loop3A_629 = arith.constant 3 : i32
        %parallel_loop3A_630 = vector.broadcast %parallel_loop3A_629 : i32 to vector<16xi32>
        tpu.vector_store_idx %arg14[%parallel_loop3A_630, %parallel_loop3A_530, %parallel_loop3A_534], %parallel_loop3A_626 : memref<4x32x128xf32, #tpu.memory_space<vmem>>[vector<16xi32>, vector<16xi32>, vector<16xi32>], vector<16xf32>,
      } {sc.loop_unroll_factor = 2 : i64, sc.parallel_access}
      %mul3A_437 = arith.constant 2 : i32
      %mul3A_438 = arith.muli %add3A_348, %mul3A_437 : i32
      %dma_start3A_439 = arith.constant 0 : i32
      %dma_start3A_440 = arith.constant 0 : i32
      %dma_start3A_441 = arith.constant 0 : i32
      %dma_start3A_442 = tpu.memref_slice %arg14[%dma_start3A_439, %dma_start3A_440, %dma_start3A_441] : memref<4x32x128xf32, #tpu.memory_space<vmem>> -> memref<2x32x128xf32, #tpu.memory_space<vmem>>
      %dma_start3A_443 = arith.constant 0 : i32
      %dma_start3A_444 = arith.constant 0 : i32
      %dma_start3A_445 = arith.constant 0 : i32
      %dma_start3A_446 = tpu.memref_slice %arg5[%add3A_168, %dma_start3A_443, %dma_start3A_444, %dma_start3A_445] : memref<64x128x32x128xf32, #tpu.memory_space<hbm>> -> memref<1x128x32x128xf32, #tpu.memory_space<hbm>>
      %dma_start3A_447 = tpu.memref_squeeze %dma_start3A_446 : memref<1x128x32x128xf32, #tpu.memory_space<hbm>> -> memref<128x32x128xf32, #tpu.memory_space<hbm>>
      %dma_start3A_448 = arith.constant 0 : i32
      %dma_start3A_449 = arith.constant 0 : i32
      %dma_start3A_450 = tpu.memref_slice %dma_start3A_447[%mul3A_438, %dma_start3A_448, %dma_start3A_449] : memref<128x32x128xf32, #tpu.memory_space<hbm>> -> memref<2x32x128xf32, #tpu.memory_space<hbm>>
      %dma_start3A_451 = arith.constant 0 : i32
      %dma_start3A_452 = arith.constant 0 : i32
      %dma_start3A_453 = arith.constant 0 : i32
      %dma_start3A_454 = tpu.memref_slice %arg5[%add3A_168, %dma_start3A_451, %dma_start3A_452, %dma_start3A_453] : memref<64x128x32x128xf32, #tpu.memory_space<hbm>> -> memref<1x128x32x128xf32, #tpu.memory_space<hbm>>
      %dma_start3A_455 = tpu.memref_squeeze %dma_start3A_454 : memref<1x128x32x128xf32, #tpu.memory_space<hbm>> -> memref<128x32x128xf32, #tpu.memory_space<hbm>>
      %dma_start3A_456 = arith.constant 0 : i32
      %dma_start3A_457 = arith.constant 0 : i32
      %dma_start3A_458 = tpu.memref_slice %dma_start3A_455[%mul3A_438, %dma_start3A_456, %dma_start3A_457] : memref<128x32x128xf32, #tpu.memory_space<hbm>> -> memref<2x32x128xf32, #tpu.memory_space<hbm>>
      %dma_start3A_459 = arith.constant 0 : i32
      %dma_start3A_460 = arith.constant 0 : i32
      %dma_start3A_461 = arith.constant 0 : i32
      %dma_start3A_462 = tpu.memref_slice %arg14[%dma_start3A_459, %dma_start3A_460, %dma_start3A_461] : memref<4x32x128xf32, #tpu.memory_space<vmem>> -> memref<2x32x128xf32, #tpu.memory_space<vmem>>
      tpu.enqueue_dma source(%dma_start3A_462 : memref<2x32x128xf32, #tpu.memory_space<vmem>>) target(%dma_start3A_458 : memref<2x32x128xf32, #tpu.memory_space<hbm>>) target_semaphore(%arg18 : memref<!tpu.dma_semaphore, #tpu.memory_space<semaphore_mem>>)
      %mul3A_463 = arith.constant 2 : i32
      %mul3A_464 = arith.muli %add3A_348, %mul3A_463 : i32
      %add3A_465 = arith.constant 64 : i32
      %add3A_466 = arith.addi %add3A_465, %mul3A_464 : i32
      %dma_start3A_467 = arith.constant 2 : i32
      %dma_start3A_468 = arith.constant 0 : i32
      %dma_start3A_469 = arith.constant 0 : i32
      %dma_start3A_470 = tpu.memref_slice %arg14[%dma_start3A_467, %dma_start3A_468, %dma_start3A_469] : memref<4x32x128xf32, #tpu.memory_space<vmem>> -> memref<2x32x128xf32, #tpu.memory_space<vmem>>
      %dma_start3A_471 = arith.constant 0 : i32
      %dma_start3A_472 = arith.constant 0 : i32
      %dma_start3A_473 = arith.constant 0 : i32
      %dma_start3A_474 = tpu.memref_slice %arg5[%add3A_168, %dma_start3A_471, %dma_start3A_472, %dma_start3A_473] : memref<64x128x32x128xf32, #tpu.memory_space<hbm>> -> memref<1x128x32x128xf32, #tpu.memory_space<hbm>>
      %dma_start3A_475 = tpu.memref_squeeze %dma_start3A_474 : memref<1x128x32x128xf32, #tpu.memory_space<hbm>> -> memref<128x32x128xf32, #tpu.memory_space<hbm>>
      %dma_start3A_476 = arith.constant 0 : i32
      %dma_start3A_477 = arith.constant 0 : i32
      %dma_start3A_478 = tpu.memref_slice %dma_start3A_475[%add3A_466, %dma_start3A_476, %dma_start3A_477] : memref<128x32x128xf32, #tpu.memory_space<hbm>> -> memref<2x32x128xf32, #tpu.memory_space<hbm>>
      %dma_start3A_479 = arith.constant 0 : i32
      %dma_start3A_480 = arith.constant 0 : i32
      %dma_start3A_481 = arith.constant 0 : i32
      %dma_start3A_482 = tpu.memref_slice %arg5[%add3A_168, %dma_start3A_479, %dma_start3A_480, %dma_start3A_481] : memref<64x128x32x128xf32, #tpu.memory_space<hbm>> -> memref<1x128x32x128xf32, #tpu.memory_space<hbm>>
      %dma_start3A_483 = tpu.memref_squeeze %dma_start3A_482 : memref<1x128x32x128xf32, #tpu.memory_space<hbm>> -> memref<128x32x128xf32, #tpu.memory_space<hbm>>
      %dma_start3A_484 = arith.constant 0 : i32
      %dma_start3A_485 = arith.constant 0 : i32
      %dma_start3A_486 = tpu.memref_slice %dma_start3A_483[%add3A_466, %dma_start3A_484, %dma_start3A_485] : memref<128x32x128xf32, #tpu.memory_space<hbm>> -> memref<2x32x128xf32, #tpu.memory_space<hbm>>
      %dma_start3A_487 = arith.constant 2 : i32
      %dma_start3A_488 = arith.constant 0 : i32
      %dma_start3A_489 = arith.constant 0 : i32
      %dma_start3A_490 = tpu.memref_slice %arg14[%dma_start3A_487, %dma_start3A_488, %dma_start3A_489] : memref<4x32x128xf32, #tpu.memory_space<vmem>> -> memref<2x32x128xf32, #tpu.memory_space<vmem>>
      tpu.enqueue_dma source(%dma_start3A_490 : memref<2x32x128xf32, #tpu.memory_space<vmem>>) target(%dma_start3A_486 : memref<2x32x128xf32, #tpu.memory_space<hbm>>) target_semaphore(%arg18 : memref<!tpu.dma_semaphore, #tpu.memory_space<semaphore_mem>>)
      %scan3A_491 = arith.constant 0 : i32
      scf.yield %scan3A_491 : i32
    }
    %scan3A_234 = arith.constant 16 : i32
    %dma_wait3A_235 = arith.constant 0 : i32
    %dma_wait3A_236 = arith.constant 0 : i32
    %dma_wait3A_237 = arith.constant 0 : i32
    %dma_wait3A_238 = arith.constant 0 : i32
    %dma_wait3A_239 = tpu.memref_slice %arg13[%dma_wait3A_236, %dma_wait3A_237, %dma_wait3A_238] : memref<4x32x128xf32, #tpu.memory_space<vmem>> -> memref<2x32x128xf32, #tpu.memory_space<vmem>>
    %dma_wait3A_240 = arith.constant 0 : i32
    %dma_wait3A_241 = arith.constant 0 : i32
    %dma_wait3A_242 = arith.constant 0 : i32
    %dma_wait3A_243 = tpu.memref_slice %arg5[%dma_wait3A_235, %dma_wait3A_240, %dma_wait3A_241, %dma_wait3A_242] : memref<64x128x32x128xf32, #tpu.memory_space<hbm>> -> memref<1x128x32x128xf32, #tpu.memory_space<hbm>>
    %dma_wait3A_244 = tpu.memref_squeeze %dma_wait3A_243 : memref<1x128x32x128xf32, #tpu.memory_space<hbm>> -> memref<128x32x128xf32, #tpu.memory_space<hbm>>
    %dma_wait3A_245 = arith.constant 0 : i32
    %dma_wait3A_246 = arith.constant 0 : i32
    %dma_wait3A_247 = arith.constant 0 : i32
    %dma_wait3A_248 = tpu.memref_slice %dma_wait3A_244[%dma_wait3A_245, %dma_wait3A_246, %dma_wait3A_247] : memref<128x32x128xf32, #tpu.memory_space<hbm>> -> memref<2x32x128xf32, #tpu.memory_space<hbm>>
    %dma_wait3A_249 = arith.constant 0 : i32
    %dma_wait3A_250 = arith.constant 0 : i32
    %dma_wait3A_251 = arith.constant 0 : i32
    %dma_wait3A_252 = tpu.memref_slice %arg5[%dma_wait3A_235, %dma_wait3A_249, %dma_wait3A_250, %dma_wait3A_251] : memref<64x128x32x128xf32, #tpu.memory_space<hbm>> -> memref<1x128x32x128xf32, #tpu.memory_space<hbm>>
    %dma_wait3A_253 = tpu.memref_squeeze %dma_wait3A_252 : memref<1x128x32x128xf32, #tpu.memory_space<hbm>> -> memref<128x32x128xf32, #tpu.memory_space<hbm>>
    %dma_wait3A_254 = arith.constant 0 : i32
    %dma_wait3A_255 = arith.constant 0 : i32
    %dma_wait3A_256 = arith.constant 0 : i32
    %dma_wait3A_257 = tpu.memref_slice %dma_wait3A_253[%dma_wait3A_254, %dma_wait3A_255, %dma_wait3A_256] : memref<128x32x128xf32, #tpu.memory_space<hbm>> -> memref<2x32x128xf32, #tpu.memory_space<hbm>>
    %dma_wait3A_258 = arith.constant 0 : i32
    %dma_wait3A_259 = arith.constant 0 : i32
    %dma_wait3A_260 = arith.constant 0 : i32
    %dma_wait3A_261 = tpu.memref_slice %arg13[%dma_wait3A_258, %dma_wait3A_259, %dma_wait3A_260] : memref<4x32x128xf32, #tpu.memory_space<vmem>> -> memref<2x32x128xf32, #tpu.memory_space<vmem>>
    tpu.wait_dma2 semaphore(%arg17 : memref<!tpu.dma_semaphore, #tpu.memory_space<semaphore_mem>>) src(%dma_wait3A_261 : memref<2x32x128xf32, #tpu.memory_space<vmem>>) dst(%dma_wait3A_257 : memref<2x32x128xf32, #tpu.memory_space<hbm>>)
    %dma_wait3A_262 = arith.constant 0 : i32
    %dma_wait3A_263 = arith.constant 0 : i32
    %dma_wait3A_264 = arith.constant 0 : i32
    %dma_wait3A_265 = arith.constant 0 : i32
    %dma_wait3A_266 = tpu.memref_slice %arg13[%dma_wait3A_263, %dma_wait3A_264, %dma_wait3A_265] : memref<4x32x128xf32, #tpu.memory_space<vmem>> -> memref<2x32x128xf32, #tpu.memory_space<vmem>>
    %dma_wait3A_267 = arith.constant 0 : i32
    %dma_wait3A_268 = arith.constant 0 : i32
    %dma_wait3A_269 = arith.constant 0 : i32
    %dma_wait3A_270 = tpu.memref_slice %arg5[%dma_wait3A_262, %dma_wait3A_267, %dma_wait3A_268, %dma_wait3A_269] : memref<64x128x32x128xf32, #tpu.memory_space<hbm>> -> memref<1x128x32x128xf32, #tpu.memory_space<hbm>>
    %dma_wait3A_271 = tpu.memref_squeeze %dma_wait3A_270 : memref<1x128x32x128xf32, #tpu.memory_space<hbm>> -> memref<128x32x128xf32, #tpu.memory_space<hbm>>
    %dma_wait3A_272 = arith.constant 0 : i32
    %dma_wait3A_273 = arith.constant 0 : i32
    %dma_wait3A_274 = arith.constant 0 : i32
    %dma_wait3A_275 = tpu.memref_slice %dma_wait3A_271[%dma_wait3A_272, %dma_wait3A_273, %dma_wait3A_274] : memref<128x32x128xf32, #tpu.memory_space<hbm>> -> memref<2x32x128xf32, #tpu.memory_space<hbm>>
    %dma_wait3A_276 = arith.constant 0 : i32
    %dma_wait3A_277 = arith.constant 0 : i32
    %dma_wait3A_278 = arith.constant 0 : i32
    %dma_wait3A_279 = tpu.memref_slice %arg5[%dma_wait3A_262, %dma_wait3A_276, %dma_wait3A_277, %dma_wait3A_278] : memref<64x128x32x128xf32, #tpu.memory_space<hbm>> -> memref<1x128x32x128xf32, #tpu.memory_space<hbm>>
    %dma_wait3A_280 = tpu.memref_squeeze %dma_wait3A_279 : memref<1x128x32x128xf32, #tpu.memory_space<hbm>> -> memref<128x32x128xf32, #tpu.memory_space<hbm>>
    %dma_wait3A_281 = arith.constant 0 : i32
    %dma_wait3A_282 = arith.constant 0 : i32
    %dma_wait3A_283 = arith.constant 0 : i32
    %dma_wait3A_284 = tpu.memref_slice %dma_wait3A_280[%dma_wait3A_281, %dma_wait3A_282, %dma_wait3A_283] : memref<128x32x128xf32, #tpu.memory_space<hbm>> -> memref<2x32x128xf32, #tpu.memory_space<hbm>>
    %dma_wait3A_285 = arith.constant 0 : i32
    %dma_wait3A_286 = arith.constant 0 : i32
    %dma_wait3A_287 = arith.constant 0 : i32
    %dma_wait3A_288 = tpu.memref_slice %arg13[%dma_wait3A_285, %dma_wait3A_286, %dma_wait3A_287] : memref<4x32x128xf32, #tpu.memory_space<vmem>> -> memref<2x32x128xf32, #tpu.memory_space<vmem>>
    tpu.wait_dma2 semaphore(%arg17 : memref<!tpu.dma_semaphore, #tpu.memory_space<semaphore_mem>>) src(%dma_wait3A_288 : memref<2x32x128xf32, #tpu.memory_space<vmem>>) dst(%dma_wait3A_284 : memref<2x32x128xf32, #tpu.memory_space<hbm>>)
    %dma_wait3A_289 = arith.constant 0 : i32
    %dma_wait3A_290 = arith.constant 0 : i32
    %dma_wait3A_291 = arith.constant 0 : i32
    %dma_wait3A_292 = arith.constant 0 : i32
    %dma_wait3A_293 = tpu.memref_slice %arg14[%dma_wait3A_290, %dma_wait3A_291, %dma_wait3A_292] : memref<4x32x128xf32, #tpu.memory_space<vmem>> -> memref<2x32x128xf32, #tpu.memory_space<vmem>>
    %dma_wait3A_294 = arith.constant 0 : i32
    %dma_wait3A_295 = arith.constant 0 : i32
    %dma_wait3A_296 = arith.constant 0 : i32
    %dma_wait3A_297 = tpu.memref_slice %arg5[%dma_wait3A_289, %dma_wait3A_294, %dma_wait3A_295, %dma_wait3A_296] : memref<64x128x32x128xf32, #tpu.memory_space<hbm>> -> memref<1x128x32x128xf32, #tpu.memory_space<hbm>>
    %dma_wait3A_298 = tpu.memref_squeeze %dma_wait3A_297 : memref<1x128x32x128xf32, #tpu.memory_space<hbm>> -> memref<128x32x128xf32, #tpu.memory_space<hbm>>
    %dma_wait3A_299 = arith.constant 0 : i32
    %dma_wait3A_300 = arith.constant 0 : i32
    %dma_wait3A_301 = arith.constant 0 : i32
    %dma_wait3A_302 = tpu.memref_slice %dma_wait3A_298[%dma_wait3A_299, %dma_wait3A_300, %dma_wait3A_301] : memref<128x32x128xf32, #tpu.memory_space<hbm>> -> memref<2x32x128xf32, #tpu.memory_space<hbm>>
    %dma_wait3A_303 = arith.constant 0 : i32
    %dma_wait3A_304 = arith.constant 0 : i32
    %dma_wait3A_305 = arith.constant 0 : i32
    %dma_wait3A_306 = tpu.memref_slice %arg5[%dma_wait3A_289, %dma_wait3A_303, %dma_wait3A_304, %dma_wait3A_305] : memref<64x128x32x128xf32, #tpu.memory_space<hbm>> -> memref<1x128x32x128xf32, #tpu.memory_space<hbm>>
    %dma_wait3A_307 = tpu.memref_squeeze %dma_wait3A_306 : memref<1x128x32x128xf32, #tpu.memory_space<hbm>> -> memref<128x32x128xf32, #tpu.memory_space<hbm>>
    %dma_wait3A_308 = arith.constant 0 : i32
    %dma_wait3A_309 = arith.constant 0 : i32
    %dma_wait3A_310 = arith.constant 0 : i32
    %dma_wait3A_311 = tpu.memref_slice %dma_wait3A_307[%dma_wait3A_308, %dma_wait3A_309, %dma_wait3A_310] : memref<128x32x128xf32, #tpu.memory_space<hbm>> -> memref<2x32x128xf32, #tpu.memory_space<hbm>>
    %dma_wait3A_312 = arith.constant 0 : i32
    %dma_wait3A_313 = arith.constant 0 : i32
    %dma_wait3A_314 = arith.constant 0 : i32
    %dma_wait3A_315 = tpu.memref_slice %arg14[%dma_wait3A_312, %dma_wait3A_313, %dma_wait3A_314] : memref<4x32x128xf32, #tpu.memory_space<vmem>> -> memref<2x32x128xf32, #tpu.memory_space<vmem>>
    tpu.wait_dma2 semaphore(%arg18 : memref<!tpu.dma_semaphore, #tpu.memory_space<semaphore_mem>>) src(%dma_wait3A_315 : memref<2x32x128xf32, #tpu.memory_space<vmem>>) dst(%dma_wait3A_311 : memref<2x32x128xf32, #tpu.memory_space<hbm>>)
    %dma_wait3A_316 = arith.constant 0 : i32
    %dma_wait3A_317 = arith.constant 0 : i32
    %dma_wait3A_318 = arith.constant 0 : i32
    %dma_wait3A_319 = arith.constant 0 : i32
    %dma_wait3A_320 = tpu.memref_slice %arg14[%dma_wait3A_317, %dma_wait3A_318, %dma_wait3A_319] : memref<4x32x128xf32, #tpu.memory_space<vmem>> -> memref<2x32x128xf32, #tpu.memory_space<vmem>>
    %dma_wait3A_321 = arith.constant 0 : i32
    %dma_wait3A_322 = arith.constant 0 : i32
    %dma_wait3A_323 = arith.constant 0 : i32
    %dma_wait3A_324 = tpu.memref_slice %arg5[%dma_wait3A_316, %dma_wait3A_321, %dma_wait3A_322, %dma_wait3A_323] : memref<64x128x32x128xf32, #tpu.memory_space<hbm>> -> memref<1x128x32x128xf32, #tpu.memory_space<hbm>>
    %dma_wait3A_325 = tpu.memref_squeeze %dma_wait3A_324 : memref<1x128x32x128xf32, #tpu.memory_space<hbm>> -> memref<128x32x128xf32, #tpu.memory_space<hbm>>
    %dma_wait3A_326 = arith.constant 0 : i32
    %dma_wait3A_327 = arith.constant 0 : i32
    %dma_wait3A_328 = arith.constant 0 : i32
    %dma_wait3A_329 = tpu.memref_slice %dma_wait3A_325[%dma_wait3A_326, %dma_wait3A_327, %dma_wait3A_328] : memref<128x32x128xf32, #tpu.memory_space<hbm>> -> memref<2x32x128xf32, #tpu.memory_space<hbm>>
    %dma_wait3A_330 = arith.constant 0 : i32
    %dma_wait3A_331 = arith.constant 0 : i32
    %dma_wait3A_332 = arith.constant 0 : i32
    %dma_wait3A_333 = tpu.memref_slice %arg5[%dma_wait3A_316, %dma_wait3A_330, %dma_wait3A_331, %dma_wait3A_332] : memref<64x128x32x128xf32, #tpu.memory_space<hbm>> -> memref<1x128x32x128xf32, #tpu.memory_space<hbm>>
    %dma_wait3A_334 = tpu.memref_squeeze %dma_wait3A_333 : memref<1x128x32x128xf32, #tpu.memory_space<hbm>> -> memref<128x32x128xf32, #tpu.memory_space<hbm>>
    %dma_wait3A_335 = arith.constant 0 : i32
    %dma_wait3A_336 = arith.constant 0 : i32
    %dma_wait3A_337 = arith.constant 0 : i32
    %dma_wait3A_338 = tpu.memref_slice %dma_wait3A_334[%dma_wait3A_335, %dma_wait3A_336, %dma_wait3A_337] : memref<128x32x128xf32, #tpu.memory_space<hbm>> -> memref<2x32x128xf32, #tpu.memory_space<hbm>>
    %dma_wait3A_339 = arith.constant 0 : i32
    %dma_wait3A_340 = arith.constant 0 : i32
    %dma_wait3A_341 = arith.constant 0 : i32
    %dma_wait3A_342 = tpu.memref_slice %arg14[%dma_wait3A_339, %dma_wait3A_340, %dma_wait3A_341] : memref<4x32x128xf32, #tpu.memory_space<vmem>> -> memref<2x32x128xf32, #tpu.memory_space<vmem>>
    tpu.wait_dma2 semaphore(%arg18 : memref<!tpu.dma_semaphore, #tpu.memory_space<semaphore_mem>>) src(%dma_wait3A_342 : memref<2x32x128xf32, #tpu.memory_space<vmem>>) dst(%dma_wait3A_338 : memref<2x32x128xf32, #tpu.memory_space<hbm>>)
    return
  }
}

</mosaic_0001>

<sc_bundles>
// kernel: _tps_align_sc.3.cloned.1.call-start
scs
__scs_entry_jumppad:
0x0: {  	(pc) =	sbr.rel $0x88, $3  }
0x1: {  	(tag) =	ssettag $0x0;
	lr =	simm.s32 $0x1  }
0x2: {  	[smem:$0x3F9E] =	sst lr;
	_ =	strace $0xD0000000  }
0x3: {  	_ = 	snop  }
0x4: {  	_ = 	snop  }
0x5: {  	_ = 	snop  }
0x6: {  	_ = 	snop  }
0x7: {  	_ = 	snop  }
__scs_overlays_trampoline_lowered:
0x8: {  	[smem:$0x3FAD] =	sst s0  }
0x9: {  	[smem:$0x3FAE] =	sst s1  }
0xa: {  	[smem:$0x3FAF] =	sst s2  }
0xb: {  	[smem:$0x3FB0] =	sst s3  }
0xc: {  	[smem:$0x3FB1] =	sst s4  }
0xd: {  	[smem:$0x3FB2] =	sst s5  }
0xe: {  	[smem:$0x3FB3] =	sst s6  }
0xf: {  	[smem:$0x3FB4] =	sst s7  }
0x10: {  	[smem:$0x3FB5] =	sst s8  }
0x11: {  	[smem:$0x3FB6] =	sst s9;
	s0 =	simm.s32 @!p0 $0x0  }
0x12: {  	s1 =	sld [smem:$0x3F9C];
	s0 =	simm.s32 @p0 $0x1  }
0x13: {  	[smem:$0x3FB7] =	sst s0;
	s0 =	simm.s32 @!p1 $0x0  }
0x14: {  	s2 =	sld [smem:$0x3F9B];
	s0 =	simm.s32 @p1 $0x1  }
0x15: {  	[smem:$0x3FB8] =	sst s0;
	s0 =	simm.s32 @!p2 $0x0  }
0x16: {  	s3 =	sld [smem:$0x3FDB];
	s0 =	simm.s32 @p2 $0x1  }
0x17: {  	s4 =	simm.s32 $0x1BF5;
	[smem:$0x3FBA] =	sst s0  }
0x18: {  	s0 =	sld [smem:$0x3F9D];
	_ =	swait.ge [sflag:s4], $0x0  }
0x19: {  	s7 =	sld [smem:$0x3F9E]  }
0x1a: {  	s8 =	sadd.s32 $0xFFFFE003, lr  }
0x1b: {  	s9 =	sadd.s32 $0xFFFFFEF7, lr;
	s5 =	simm.s32 $0xFFFFFFFF;
	p2 =	slt.u32 s8, $0xFFFFF086  }
0x1c: {  	p1 =	slt.u32 s9, $0xF7A;
	s5 =	simm.s32 @!p2 $0x0  }
0x1d: {  	s5 =	simm.s32 @p1 $0x1;
	p0 =	seq.s32 s7, s2  }
0x1e: {  	s7 =	smul.u32 @!p0 $0xF7A, s2;
	p2 =	seq.s32 @!p0 s5, $0x0  }
0x1f: {  	s9 =	smul.u32 $0xF7A, s1;
	s8 =	simm.s32 @!p0 $0x1BF5;
	p2 =	por !p2, p0  }
0x20: {  	[sflag:s8] =	ssyncset.s32 @!p0 $0xFFFFF086;
	s6 =	sadd.s32 @!p0 s3, s7;
	s7 =	simm.s32 @!p0 $0x108  }
0x21: {  	s3 =	sadd.s32 s3, s9;
	s6 =	sadd.s32 @!p0 $0x88, s6;
	s7 =	simm.s32 @p2 $0x1082  }
0x22: {  	[simem:s7], [sflag:s8] =	dma.local @!p0 [hbm:s6], $0xF7A  }
0x23: {  	s9 =	sor.u32 $0xD0000000, s2;
	s6 =	simm.s32 $0x108;
	_ =	swait.ge @!p0 [sflag:s8], $0x0  }
0x24: {  	s3 =	sadd.s32 $0x88, s3;
	s6 =	simm.s32 @!p1 $0x1082;
	[sflag:s4] =	ssyncset.s32 $0xFFFFF086  }
0x25: {  	[simem:s6], [sflag:s4] =	dma.local [hbm:s3], $0xF7A  }
0x26: {  	[smem:$0x3F9E] =	sst s1;
	(tag) =	ssettag s2;
	_ =	strace s9  }
0x27: {  	s1 =	sld [smem:$0x3FAE]  }
0x28: {  	s2 =	sld [smem:$0x3FAF]  }
0x29: {  	s4 =	sld [smem:$0x3FB1]  }
0x2a: {  	p0 =	seq.s32 s5, $0x0;
	s5 =	sld [smem:$0x3FB2]  }
0x2b: {  	s6 =	sld [smem:$0x3FB3]  }
0x2c: {  	s7 =	sld [smem:$0x3FB4]  }
0x2d: {  	s3 =	simm.s32 $0x108;
	s8 =	sld [smem:$0x3FB5]  }
0x2e: {  	s3 =	simm.s32 @!p0 $0x1082;
	s9 =	sld [smem:$0x3FB6]  }
0x2f: {  	lr =	sadd.s32 s0, s3;
	s0 =	sld [smem:$0x3FAD]  }
0x30: {  	s3 =	sld [smem:$0x3FB0]  }
0x31: {  	[smem:$0x3FB9] =	sst s10  }
0x32: {  	s10 =	sld [smem:$0x3FB7];
	_ =	sdelay $0x3  }
0x33: {  	p0 =	seq.s32 s10, $0x1;
	s10 =	sld [smem:$0x3FB9];
	_ =	sdelay $0x3  }
0x34: {  	[smem:$0x3FB9] =	sst s10  }
0x35: {  	s10 =	sld [smem:$0x3FB8];
	_ =	sdelay $0x3  }
0x36: {  	p1 =	seq.s32 s10, $0x1;
	s10 =	sld [smem:$0x3FB9];
	_ =	sdelay $0x3  }
0x37: {  	[smem:$0x3FB9] =	sst s10  }
0x38: {  	s10 =	sld [smem:$0x3FBA]  }
0x39: {  	_ = 	snop;
	(pc) =	sbr.ind lr, $3  }
0x3a: {  	_ = 	snop  }
0x3b: {  	_ = 	snop  }
0x3c: {  	p2 =	seq.s32 s10, $0x1;
	s10 =	sld [smem:$0x3FB9]  }
0x3d: {  	_ =	shalt  }
0x3e: {  	_ =	shalt  }
0x3f: {  	_ =	shalt  }
0x40: {  	_ =	shalt  }
0x41: {  	_ =	shalt  }
0x42: {  	_ =	shalt  }
0x43: {  	_ =	shalt  }
0x44: {  	_ =	shalt  }
0x45: {  	_ =	shalt  }
0x46: {  	_ =	shalt  }
0x47: {  	_ =	shalt  }
0x48: {  	_ =	shalt  }
0x49: {  	_ =	shalt  }
0x4a: {  	_ =	shalt  }
0x4b: {  	_ =	shalt  }
0x4c: {  	_ =	shalt  }
0x4d: {  	_ =	shalt  }
0x4e: {  	_ =	shalt  }
0x4f: {  	_ =	shalt  }
0x50: {  	_ =	shalt  }
0x51: {  	_ =	shalt  }
0x52: {  	_ =	shalt  }
0x53: {  	_ =	shalt  }
0x54: {  	_ =	shalt  }
0x55: {  	_ =	shalt  }
0x56: {  	_ =	shalt  }
0x57: {  	_ =	shalt  }
0x58: {  	_ =	shalt  }
0x59: {  	_ =	shalt  }
0x5a: {  	_ =	shalt  }
0x5b: {  	_ =	shalt  }
0x5c: {  	_ =	shalt  }
0x5d: {  	_ =	shalt  }
0x5e: {  	_ =	shalt  }
0x5f: {  	_ =	shalt  }
0x60: {  	_ =	shalt  }
0x61: {  	_ =	shalt  }
0x62: {  	_ =	shalt  }
0x63: {  	_ =	shalt  }
0x64: {  	_ =	shalt  }
0x65: {  	_ =	shalt  }
0x66: {  	_ =	shalt  }
0x67: {  	_ =	shalt  }
0x68: {  	_ =	shalt  }
0x69: {  	_ =	shalt  }
0x6a: {  	_ =	shalt  }
0x6b: {  	_ =	shalt  }
0x6c: {  	_ =	shalt  }
0x6d: {  	_ =	shalt  }
0x6e: {  	_ =	shalt  }
0x6f: {  	_ =	shalt  }
0x70: {  	_ =	shalt  }
0x71: {  	_ =	shalt  }
0x72: {  	_ =	shalt  }
0x73: {  	_ =	shalt  }
0x74: {  	_ =	shalt  }
0x75: {  	_ =	shalt  }
0x76: {  	_ =	shalt  }
0x77: {  	_ =	shalt  }
0x78: {  	_ =	shalt  }
0x79: {  	_ =	shalt  }
0x7a: {  	_ =	shalt  }
0x7b: {  	_ =	shalt  }
0x7c: {  	_ =	shalt  }
0x7d: {  	_ =	shalt  }
0x7e: {  	_ =	shalt  }
0x7f: {  	_ =	shalt  }
0x80: {  	_ =	shalt  }
0x81: {  	_ =	shalt  }
0x82: {  	_ =	shalt  }
0x83: {  	_ =	shalt  }
0x84: {  	_ =	shalt  }
0x85: {  	_ =	shalt  }
0x86: {  	_ =	shalt  }
0x87: {  	_ =	shalt  }
.Lfunc_end0:
.L_simem_size_0:
called_computation_lowered:
.L_overlay_start_0:
0x88: {  	s2 =	sld [smem:$0x3FD9]  }
0x89: {  	s3 =	sld [smem:$0x3FFE];
	_ =	sdelay $0x1  }
0x8a: {  	s1 =	srdreg.scid  }
0x8b: {  	s0 =	sand.u32 $0x1, s1  }
0x8c: {  	s18 =	sshll.u32 s0, $0xA;
	s2 =	sadd.s32 s3, s2  }
0x8d: {  	s2 =	sadd.s32 s2, s18  }
0x8e: {  	[smem:$0x3FC5] =	sst s2  }
0x8f: {  	_ = 	snop  }
0x90: {  	s2 =	sld [smem:$0x3FC9]  }
0x91: {  	s19 =	sld [smem:$0x3FC8]  }
0x92: {  	s4 =	sld [smem:$0x3FC7]  }
0x93: {  	s5 =	sld [smem:$0x3FD0];
	(tm) =	ssettm $0x1  }
0x94: {  	s6 =	sld [smem:$0x3FFB];
	_ =	sdelay $0x3  }
0x95: {  	_ =	strace s6  }
0x96: {  	s6 =	sld [smem:$0x3FFC];
	_ =	sdelay $0x3  }
0x97: {  	_ =	strace s6  }
0x98: {  	s6 =	sld [smem:$0x3FFD];
	_ =	sdelay $0x3  }
0x99: {  	_ =	strace s6  }
0x9a: {  	_ =	strace $0x8FFFFFFF  }
0x9b: {  	s20 =	sld [smem:$0x3FDB];
	_ =	sdelay $0x1  }
0x9c: {  	s7 =	simm.s32 $_scs_section_size  }
0x9d: {  	s8 =	simm.s32 $_size__tile_overlayer_lowered;
	s9 =	simm.s32 $_tile_overlayer_lowered  }
0x9e: {  	s23 =	simm.s32 $0x1BFF;
	s22 =	sshll.u32 s9, $0x1;
	s6 =	sadd.s32 s7, s20  }
0x9f: {  	s10 =	simm.s32 $0x0;
	s21 =	sshll.u32 s8, $0x1;
	s8 =	sadd.s32 s22, s6  }
0xa0: {  	[timem:s10], [sflag:s23] =	dma.local [hbm:s8], s21  }
0xa1: {  	_ =	swait.ge [sflag:s23], s21  }
0xa2: {  	s7 =	ssub.s32 $0x0, s21;
	[sflag:s23] =	ssyncset.done $0x0  }
0xa3: {  	[sflag:s23] =	ssyncadd.s32 s7;
	_ =	sdelay $0x1  }
0xa4: {  	s24 =	simm.s32 $0x1B8B  }
0xa5: {  	_ =	swait.ge [sflag:s24], $0x1  }
0xa6: {  	[sflag:s24] =	ssyncset.done $0x0  }
0xa7: {  	s25 =	simm.s32 $0x1B8E;
	[sflag:s24] =	ssyncadd.s32 $0xFFFFFFFF  }
0xa8: {  	s26 =	simm.s32 $execute0_lowered;
	[smem:$0x3FD2] =	sst s25  }
0xa9: {  	s7 =	sshll.u32 s26, $0x1;
	_ =	strace $0x80000046;
	[dreg:$0x1] =	wrdreg $0xFFFFFFFF  }
0xaa: {  	s28 =	simm.s32 $_size_execute0_lowered;
	s6 =	sadd.s32 s6, s7;
	[dreg:$0x0] =	wrdreg $0x0  }
0xab: {  	s7 =	sshll.u32 s28, $0x1;
	[dreg:$0x2] =	wrdreg s6  }
0xac: {  	[dreg:$0x3] =	wrdreg s7  }
0xad: {  	[dreg:$0x4] =	wrdreg $0xC0  }
0xae: {  	_ =	task [dreg:s10], $0x5FFFF  }
0xaf: {  	[dreg:$0x1] =	wrdreg $0xFFFFFFFF  }
0xb0: {  	[dreg:$0x0] =	wrdreg $0x60  }
0xb1: {  	[dreg:$0x2] =	wrdreg s2  }
0xb2: {  	[dreg:$0x3] =	wrdreg s19  }
0xb3: {  	[dreg:$0x4] =	wrdreg s4  }
0xb4: {  	[dreg:$0x5] =	wrdreg s5  }
0xb5: {  	[dreg:$0x6] =	wrdreg $0x9  }
0xb6: {  	_ =	task.clear_ibuf [dreg:s10], $0x7FFFF;
	_ =	strace $0x90000046  }
0xb7: {  	s29 =	simm.s32 $0x9;
	_ =	strace $0x80000048  }
0xb8: {  	_ =	swait.ge [sflag:s29], $0x1  }
0xb9: {  	[sflag:s29] =	ssyncadd.s32 $0xFFFFFFFF  }
0xba: {  	_ =	strace $0x90000048  }
0xbb: {  	_ =	sfence  }
0xbc: {  	s30 =	sld [smem:$0x0];
	_ =	sdelay $0x2  }
0xbd: {  	s31 =	sshll.u32 s1, $0xD;
	s1 =	sshrl.u32 s1, $0x2  }
0xbe: {  	s3 =	sand.u32 $0x4000, s31;
	s1 =	sadd.s32 s1, s30  }
0xbf: {  	s0 =	sor.u32 s3, s0;
	s1 =	sshll.u32 s1, $0x11  }
0xc0: {  	s0 =	sor.u32 s1, s0  }
0xc1: {  	s0 =	sadd.s32 $0x8F2B, s0  }
0xc2: {  	[sflag:s0] =	ssyncadd.remote.s32 $0x1  }
0xc3: {  	_ =	sfence.sel $0xFFFF  }
0xc4: {  	[dreg:$0x0] =	wrdreg $0xFFFFFFFF;
	(pc) =	sbr.abs _section_cstart, $3  }
0xc5: {  	[dreg:$0x1] =	wrdreg $0xFFFFFFFF  }
0xc6: {  	_ =	task.clear_ibuf [dreg:s10], $0x2FFFF;
	_ =	strace $0x9FFFFFFF  }
0xc7: {  	(tm) =	ssettm $0x7FFFFFFF  }
tec
execute0_lowered:
.L_overlay_start_1:
0x0: {  	(tag) =	ssettag $0x1  }
0x1: {  	s1 =	rddreg [dreg:$0x0]  }
0x2: {  	s0 =	rddreg [dreg:$0x1]  }
0x3: {  	s2 =	rddreg [dreg:$0x3]  }
0x4: {  	s3 =	srdreg.scid;
	s4 =	stileid.u32  }
0x5: {  	s13 =	simm.s32 $0x5;
	s14 =	simm.s32 $0x100;
	s15 =	simm.s32 $0x400  }
0x6: {  	s16 =	simm.s32 $0x9680;
	s17 =	simm.s32 $0xD280;
	s18 =	simm.s32 $0x10E80  }
0x7: {  	s19 =	simm.s32 $0x12E80;
	s20 =	simm.s32 $0x2;
	s21 =	simm.s32 $0x4  }
0x8: {  	s22 =	simm.s32 $0x14E80;
	s23 =	simm.s32 $0x16E80;
	s24 =	simm.s32 $0x3  }
0x9: {  	s25 =	simm.s32 $0x0;
	s3 =	sand.u32 $0x1, s3;
	s5 =	sshll.u32 s4, $0x1  }
0xa: {  	s4 =	simm.s32 $0x0;
	s6 =	ssub.s32 $0x2, s3;
	s3 =	sor.u32 s3, s5  }
0xb: {  	[smem:$0x7FF] =	sst s4;
	s28 =	sshrl.u32 s6, $0x1;
	s7 =	smul.u32 $0x640, s3  }
0xc: {  	_ =	strace $0x80000047;
	s8 =	sshll.u32 s3, $0x1;
	s10 =	sshllo.u32 s3, $0x1  }
0xd: {  	s3 =	sshll.u32 s3, $0x11;
	s5 =	ssub.s32 s6, s28;
	s6 =	sand.u32 $0x30, s8  }
0xe: {  	v0 =	vlaneseq.u32;
	s12 =	sand.u32 $0xE, s8;
	s9 =	smul.u32 $0x320, s10;
	s8 =	sadd.s32 s2, s3  }
0xf: {  	v1 =	vmul.u32 $0x2, v0;
	s30 =	sshll.u32 s10, $0x10;
	s29 =	sadd.s32 s0, s7;
	s31 =	ssub.s32 s10, s6  }
0x10: {  	v3 =	vimm.s32 $0x0;
	s7 =	sadd.s32 $0x20, s1;
	v2 =	vmov s12;
	[dreg:$0x5] =	wrdreg s29;
	s0 =	sadd.s32 s0, s9;
	v4 =	vmov s31  }
0x11: {  	s10 =	sadd.s32 s2, s30;
	s11 =	smax.u32 s5, $0x1;
	vm0 =	veq.s32 v2, v0;
	v2 =	vor.u32 $0x1, v1;
	[dreg:$0x6] =	wrdreg s0;
	vm1 =	veq.s32 v4, v0  }
.LBB2_1:
0x12: {  	s0 =	rddreg [dreg:$0x2];
	s2 =	simm.s32 $0x9600  }
0x13: {  	[tilespmem:s2], [sflag:$0x5] =	stream.linear.gather [hbm4b:s0+s4], $0x80, $0x38;
	[tilespmem:$0x18E80] =	vst v63  }
0x14: {  	_ =	swait.ge [sflag:s13], $0x80  }
0x15: {  	[sflag:s13] =	ssyncset.done $0x0  }
0x16: {  	s3 =	rddreg [dreg:$0x5];
	[sflag:s13] =	ssyncadd.s32 $0xFFFFFF80  }
0x17: {  	[tilespmem:s4], [sflag:$0x5] =	stream.linear.gather [hbm4b:s3+s4], $0x1900, $0x38;
	[tilespmem:$0x18E80] =	vst v63  }
0x18: {  	_ =	swait.ge [sflag:s13], $0x1900  }
0x19: {  	[sflag:s13] =	ssyncset.done $0x0  }
0x1a: {  	[sflag:s13] =	ssyncadd.s32 $0xFFFFE700  }
0x1b: {  	v4 =	vld [tilespmem:s6+$0x9600];
	_ =	sdelay $0x4  }
0x1c: {  	v4 =	vnsel vm0, $0x0, v4  }
0x1d: {  	(xrf0) =	vadd.scan.msk.s32 $0xffff, v4;
	_ =	sdelay $0x5  }
0x1e: {  	v4, _, _ =	vpop (xrf0)  }
0x1f: {  	(v2sf) =	vpush v4, $0xF;
	_ =	sdelay $0xe  }
0x20: {  	s0 =	spop (v2sf)  }
0x21: {  	s5 =	smul.u32 $0x78000, s0  }
0x22: {  	s3 =	simm.s32 $0x0  }
0x23: {  	v4 =	vor.u32 s3, v1;
	s2 =	sshrl.u32 s5, $0x3  }
0x24: {  	s12 =	simm.s32 $0x20;
	v5 =	vor.u32 s3, v2;
	s5 =	sadd.s32 s1, s2  }
0x25: {  	[tilespmem:s16], [sflag:$0x1] =	stream.strided.gather [hbm4b:s5+s14], $0x3C00, s15, s14, $0x38;
	[tilespmem:$0x18E80] =	vst v63  }
0x26: {  	v6 =	vor.u32 s12, v1;
	s2 =	sadd.s32 s2, s7  }
0x27: {  	v7 =	vor.u32 s12, v2;
	[tilespmem:s17], [sflag:$0x2] =	stream.strided.gather [hbm4b:s2+s14], $0x3C00, s15, s14, $0x38;
	[tilespmem:$0x18E80] =	vst v63  }
0x28: {  	v4 =	vld.idx.msk [tilespmem:v4+s4+$0x0], $0xffff  }
0x29: {  	v5 =	vld.idx.msk [tilespmem:v5+s4+$0x0], $0xffff;
	_ =	sdelay $0x1  }
0x2a: {  	v6 =	vld.idx.msk [tilespmem:v6+s4+$0x0], $0xffff  }
0x2b: {  	v7 =	vld.idx.msk [tilespmem:v7+s4+$0x0], $0xffff  }
0x2c: {  	v4 =	vadd.f32 $1.000000000e+00, v4  }
0x2d: {  	v5 =	vadd.f32 $1.000000000e+00, v5  }
0x2e: {  	v4 =	vmul.f32 $8.000000000e+01, v4  }
0x2f: {  	v6 =	vadd.f32 $1.000000000e+00, v6;
	v5 =	vmul.f32 $2.400000000e+01, v5  }
0x30: {  	s9 =	simm.s32 $0x0;
	v7 =	vadd.f32 $1.000000000e+00, v7;
	v8 =	vadd.f32 $-5.000000000e-01, v4  }
0x31: {  	s29 =	simm.s32 $0x10;
	v11 =	vor.u32 s9, v0;
	v6 =	vmul.f32 $8.000000000e+01, v6;
	v9 =	vadd.f32 $-5.000000000e-01, v5  }
0x32: {  	v7 =	vmul.f32 $2.400000000e+01, v7;
	v4 =	vor.u32 s29, v0;
	v10 =	vtrunc.f32 v8  }
0x33: {  	v5 =	vadd.f32 $-5.000000000e-01, v6;
	v6 =	vtrunc.f32 v9;
	v12 =	vcvt.f32.s32 v10  }
0x34: {  	v13 =	vcvt.f32.s32 v6;
	vm2 =	vlt.f32 v8, v10;
	vm3 =	vlt.f32 v9, v6  }
0x35: {  	v10 =	vmul.u32 $0x51EC, v11;
	v14 =	vsel vm2, $0xFFFFFFFF, v3;
	v15 =	vsel vm3, $0xFFFFFFFF, v3  }
0x36: {  	v6 =	vadd.f32 $-5.000000000e-01, v7;
	v7 =	vadd.s32 v12, v14;
	v12 =	vadd.s32 v13, v15  }
0x37: {  	v14 =	vshrl.u32 v10, $0x15;
	vm2 =	vlt.u32 v7, $0xA0;
	vm3 =	vlt.u32 v12, $0x30  }
0x38: {  	vm5 =	vgt.s32 v7, $0x0;
	v10 =	vadd.s32 $0x1, v7;
	v13 =	vadd.s32 $0x1, v12  }
0x39: {  	vm6 =	vgt.s32 v12, $0x0;
	v15 =	vcvt.s32.f32 v7;
	v16 =	vcvt.s32.f32 v12  }
0x3a: {  	vm4 =	vlt.u32 v10, $0xA0;
	v7 =	vnsel vm5, $0x0, v7;
	v12 =	vnsel vm6, $0x0, v12  }
0x3b: {  	vm5 =	vgt.s32 v10, $0x0;
	vm14 =	vgt.s32 v13, $0x0;
	vm7 =	vmand vm2, vm3  }
0x3c: {  	v12 =	vmin.u32 v12, $0x2F;
	v10 =	vnsel vm5, $0x0, v10;
	v17 =	vnsel vm14, $0x0, v13  }
0x3d: {  	v8 =	vsub.f32 v8, v15;
	v9 =	vsub.f32 v9, v16;
	v7 =	vmin.u32 v7, $0x9F  }
0x3e: {  	vm5 =	vlt.u32 v13, $0x30;
	vm3 =	vmand vm4, vm3;
	v12 =	vmul.u32 $0xA0, v12  }
0x3f: {  	s12 =	simm.s32 $0x0;
	v15 =	vmin.u32 v17, $0x2F;
	v10 =	vmin.u32 v10, $0x9F;
	vm15 =	vmand vm4, vm5  }
0x40: {  	s3 =	sand.u32 $0xFFFFFE00, s12;
	s2 =	sand.u32 $0x60, s9;
	v15 =	vmul.u32 $0xA0, v15;
	v62 =	vsub.f32 $1.000000000e+00, v8;
	v18 =	vsub.f32 $1.000000000e+00, v9  }
0x41: {  	s26 =	sor.u32 s2, s3;
	v13 =	vmul.f32 v9, v8;
	v61 =	vadd.s32 v7, v12;
	v12 =	vadd.s32 v10, v12  }
0x42: {  	vm2 =	vmand vm2, vm5;
	v7 =	vadd.s32 v7, v15;
	v10 =	vadd.s32 v10, v15;
	[tilespmem:s26+$0x1980] =	vst v12  }
0x43: {  	v15 =	vmul.f32 v18, v62;
	v8 =	vmul.f32 v18, v8;
	v12 =	vnsel vm15, $0x0, v13;
	[tilespmem:s26+$0x1A00] =	vst v7  }
0x44: {  	v7 =	vmul.f32 v9, v62;
	[tilespmem:s26+$0x1A80] =	vst v10;
	v9 =	vmul.u32 $0xFFFFFF9C, v14;
	v10 =	vtrunc.f32 v5  }
0x45: {  	[tilespmem:s26+$0x1900] =	vst v61;
	v13 =	vnsel vm7, $0x0, v15;
	v8 =	vnsel vm3, $0x0, v8;
	v15 =	vtrunc.f32 v6  }
0x46: {  	s28 =	simm.s32 $0x0;
	[tilespmem:s26+$0x4C80] =	vst v12;
	v12 =	vcvt.f32.s32 v10;
	v7 =	vnsel vm2, $0x0, v7;
	v63 =	vcvt.f32.s32 v15  }
0x47: {  	s12 =	sand.u32 $0x3FFFFF00, s28;
	[tilespmem:s26+$0x4B00] =	vst v13;
	vm2 =	vlt.f32 v5, v10;
	vm3 =	vlt.f32 v6, v15;
	v10 =	vmul.u32 $0x51EC, v4  }
0x48: {  	s12 =	sadd.s32 $0x7D00, s12;
	[tilespmem:s26+$0x4B80] =	vst v8;
	v11 =	vadd.s32 v11, v9;
	v8 =	vsel vm2, $0xFFFFFFFF, v3;
	v9 =	vsel vm3, $0xFFFFFFFF, v3  }
0x49: {  	s28 =	sand.u32 $0x70, s29;
	s9 =	sor.u32 s2, s12;
	[tilespmem:s26+$0x4C00] =	vst v7;
	v8 =	vadd.s32 v12, v8;
	v9 =	vadd.s32 v63, v9;
	v7 =	vshrl.u32 v10, $0x15  }
0x4a: {  	s30 =	simm.s32 $0x60;
	s31 =	sor.u32 s3, s28;
	[tilespmem:s9+$0x80] =	vst v11;
	v13 =	vcvt.s32.f32 v8;
	v12 =	vcvt.s32.f32 v9;
	v10 =	vadd.s32 $0x1, v9  }
0x4b: {  	s2 =	sor.u32 s28, s12;
	s26 =	sshll.u32 s0, $0x6;
	s0 =	simm.s32 $0x0;
	[tilespmem:s9+$0x0] =	vst v14;
	v11 =	vadd.s32 $0x1, v8;
	vm2 =	vgt.s32 v9, $0x0;
	vm3 =	vgt.s32 v10, $0x0  }
.LBB2_2:
0x4c: {  	s3 =	sadd.s32 $0xFFFFFFE0, s30;
	v14 =	vor.u32 s30, v1;
	v15 =	vor.u32 s30, v2;
	v5 =	vsub.f32 v5, v13  }
0x4d: {  	v6 =	vsub.f32 v6, v12;
	v12 =	vnsel vm3, $0x0, v10;
	v13 =	vor.u32 s3, v1  }
0x4e: {  	v18 =	vnsel vm2, $0x0, v9;
	v16 =	vor.u32 s3, v2;
	v17 =	vsub.f32 $1.000000000e+00, v5  }
0x4f: {  	v18 =	vmin.u32 v18, $0x2F;
	v12 =	vmin.u32 v12, $0x2F;
	v19 =	vsub.f32 $1.000000000e+00, v6  }
0x50: {  	vm2 =	vgt.s32 v8, $0x0;
	vm3 =	vgt.s32 v11, $0x0;
	v20 =	vmul.f32 v6, v17  }
0x51: {  	s28 =	simm.s32 $0x0;
	v12 =	vmul.u32 $0xA0, v12;
	v17 =	vmul.f32 v19, v17;
	v19 =	vmul.f32 v19, v5  }
0x52: {  	v21 =	vnsel vm3, $0x0, v11;
	v18 =	vmul.u32 $0xA0, v18;
	v5 =	vmul.f32 v6, v5;
	v13 =	vld.idx.msk [tilespmem:v13+s28+$0x0], $0xffff  }
0x53: {  	vm4 =	vlt.u32 v10, $0x30;
	vm3 =	vlt.u32 v11, $0xA0;
	v10 =	vnsel vm2, $0x0, v8;
	v6 =	vld.idx.msk [tilespmem:v16+s28+$0x0], $0xffff  }
0x54: {  	vm5 =	vlt.u32 v9, $0x30;
	vm2 =	vlt.u32 v8, $0xA0;
	v8 =	vmul.u32 $0xFFFFFF9C, v7;
	v11 =	vld.idx.msk [tilespmem:v14+s28+$0x0], $0xffff  }
0x55: {  	v10 =	vmin.u32 v10, $0x9F;
	vm6 =	vmand vm3, vm5;
	v14 =	vmin.u32 v21, $0x9F;
	v9 =	vld.idx.msk [tilespmem:v15+s28+$0x0], $0xffff  }
0x56: {  	vm5 =	vmand vm2, vm5;
	vm2 =	vmand vm2, vm4;
	vm3 =	vmand vm3, vm4  }
0x57: {  	v16 =	vnsel vm6, $0x0, v19;
	v15 =	vnsel vm5, $0x0, v17;
	v17 =	vnsel vm2, $0x0, v20  }
0x58: {  	v19 =	vadd.s32 v10, v12;
	v12 =	vadd.s32 v14, v12;
	v13 =	vadd.f32 $1.000000000e+00, v13;
	[tilespmem:s31+$0x4B00] =	vst v15  }
0x59: {  	v5 =	vnsel vm3, $0x0, v5;
	v10 =	vadd.s32 v10, v18;
	v6 =	vadd.f32 $1.000000000e+00, v6;
	[tilespmem:s31+$0x4B80] =	vst v16  }
0x5a: {  	v14 =	vadd.s32 v14, v18;
	v13 =	vmul.f32 $8.000000000e+01, v13;
	v11 =	vadd.f32 $1.000000000e+00, v11;
	[tilespmem:s31+$0x4C00] =	vst v17  }
0x5b: {  	v8 =	vadd.s32 v4, v8;
	v6 =	vmul.f32 $2.400000000e+01, v6;
	v9 =	vadd.f32 $1.000000000e+00, v9;
	[tilespmem:s31+$0x1A00] =	vst v19  }
0x5c: {  	s29 =	sadd.s32 $0x20, s29;
	v13 =	vadd.f32 $-5.000000000e-01, v13;
	v11 =	vmul.f32 $8.000000000e+01, v11;
	[tilespmem:s31+$0x1A80] =	vst v12  }
0x5d: {  	s5 =	sadd.s32 $0xFFFFFFF0, s29;
	s3 =	sand.u32 $0x70, s29;
	v4 =	vor.u32 s29, v0;
	v12 =	vadd.f32 $-5.000000000e-01, v6;
	v6 =	vmul.f32 $2.400000000e+01, v9;
	[tilespmem:s31+$0x4C80] =	vst v5  }
0x5e: {  	v15 =	vor.u32 s5, v0;
	v9 =	vtrunc.f32 v13;
	v5 =	vadd.f32 $-5.000000000e-01, v11;
	[tilespmem:s31+$0x1900] =	vst v10  }
0x5f: {  	v16 =	vmul.u32 $0x51EC, v15;
	v10 =	vcvt.f32.s32 v9;
	v11 =	vtrunc.f32 v12;
	[tilespmem:s31+$0x1980] =	vst v14  }
0x60: {  	vm2 =	vlt.f32 v13, v9;
	v14 =	vcvt.f32.s32 v11;
	vm3 =	vlt.f32 v12, v11;
	[tilespmem:s2+$0x0] =	vst v7  }
0x61: {  	v6 =	vadd.f32 $-5.000000000e-01, v6;
	v7 =	vsel vm2, $0xFFFFFFFF, v3;
	v9 =	vsel vm3, $0xFFFFFFFF, v3;
	[tilespmem:s2+$0x80] =	vst v8  }
0x62: {  	v7 =	vadd.s32 v10, v7;
	v8 =	vadd.s32 v14, v9;
	v9 =	vshrl.u32 v16, $0x15  }
0x63: {  	vm2 =	vlt.u32 v7, $0xA0;
	vm3 =	vlt.u32 v8, $0x30;
	vm5 =	vgt.s32 v7, $0x0  }
0x64: {  	v10 =	vadd.s32 $0x1, v7;
	v11 =	vadd.s32 $0x1, v8;
	vm6 =	vgt.s32 v8, $0x0  }
0x65: {  	v14 =	vcvt.s32.f32 v7;
	v16 =	vcvt.s32.f32 v8;
	vm4 =	vlt.u32 v10, $0xA0  }
0x66: {  	v7 =	vnsel vm5, $0x0, v7;
	vm5 =	vgt.s32 v10, $0x0;
	v8 =	vnsel vm6, $0x0, v8  }
0x67: {  	s0 =	sadd.s32 $0x2, s0;
	vm6 =	vgt.s32 v11, $0x0;
	v7 =	vmin.u32 v7, $0x9F;
	v8 =	vmin.u32 v8, $0x2F  }
0x68: {  	p0 =	slt.u32 s0, $0xC6;
	s2 =	sshll.u32 s0, $0x6;
	v10 =	vnsel vm5, $0x0, v10;
	v17 =	vnsel vm6, $0x0, v11;
	v8 =	vmul.u32 $0xA0, v8  }
0x69: {  	s5 =	sand.u32 $0x60, s5;
	s2 =	sand.u32 $0xFFFFFE00, s2;
	v13 =	vsub.f32 v13, v14;
	v12 =	vsub.f32 v12, v16;
	v14 =	vmin.u32 v17, $0x2F  }
0x6a: {  	s12 =	sor.u32 s5, s2;
	s31 =	sor.u32 s2, s3;
	v10 =	vmin.u32 v10, $0x9F;
	v14 =	vmul.u32 $0xA0, v14;
	v16 =	vadd.s32 v7, v8  }
0x6b: {  	v17 =	vsub.f32 $1.000000000e+00, v13;
	v18 =	vsub.f32 $1.000000000e+00, v12;
	v8 =	vadd.s32 v10, v8;
	[tilespmem:s12+$0x1900] =	vst v16  }
0x6c: {  	vm5 =	vlt.u32 v11, $0x30;
	v7 =	vadd.s32 v7, v14;
	[tilespmem:s12+$0x1980] =	vst v8;
	v8 =	vmul.f32 v12, v13  }
0x6d: {  	vm6 =	vmand vm4, vm5;
	[tilespmem:s12+$0x1A00] =	vst v7;
	v7 =	vadd.s32 v10, v14;
	v10 =	vmul.f32 v18, v17  }
0x6e: {  	vm7 =	vmand vm2, vm3;
	[tilespmem:s12+$0x1A80] =	vst v7;
	v7 =	vmul.f32 v18, v13;
	v8 =	vnsel vm6, $0x0, v8  }
0x6f: {  	s2 =	sshll.u32 s0, $0x5;
	vm3 =	vmand vm4, vm3;
	v11 =	vmul.f32 v12, v17;
	v10 =	vnsel vm7, $0x0, v10;
	[tilespmem:s12+$0x4C80] =	vst v8  }
0x70: {  	s2 =	sand.u32 $0x3FFFFF00, s2;
	vm2 =	vmand vm2, vm5;
	v8 =	vmul.u32 $0xFFFFFF9C, v9;
	[tilespmem:s12+$0x4B00] =	vst v10;
	v7 =	vnsel vm3, $0x0, v7  }
0x71: {  	s2 =	sadd.s32 $0x7D00, s2;
	v10 =	vtrunc.f32 v5;
	[tilespmem:s12+$0x4B80] =	vst v7;
	v7 =	vnsel vm2, $0x0, v11;
	v11 =	vtrunc.f32 v6  }
0x72: {  	s5 =	sor.u32 s5, s2;
	s2 =	sor.u32 s3, s2;
	[tilespmem:s12+$0x4C00] =	vst v7;
	v7 =	vadd.s32 v15, v8;
	v8 =	vcvt.f32.s32 v10;
	v12 =	vcvt.f32.s32 v11  }
.Ltmp0:
0x73: {  	vm2 =	vlt.f32 v5, v10;
	vm3 =	vlt.f32 v6, v11;
	[tilespmem:s5+$0x80] =	vst v7;
	v7 =	vmul.u32 $0x51EC, v4;
	(pc) =	sbr.rel @p0 .LBB2_2-.Ltmp0, $4  }
0x74: {  	v10 =	vsel vm3, $0xFFFFFFFF, v3;
	[tilespmem:s5+$0x0] =	vst v9;
	v9 =	vsel vm2, $0xFFFFFFFF, v3  }
0x75: {  	v8 =	vadd.s32 v8, v9;
	v9 =	vadd.s32 v12, v10;
	v7 =	vshrl.u32 v7, $0x15  }
0x76: {  	v13 =	vcvt.s32.f32 v8;
	v12 =	vcvt.s32.f32 v9;
	v10 =	vadd.s32 $0x1, v9  }
0x77: {  	s30 =	sadd.s32 $0x40, s30;
	v11 =	vadd.s32 $0x1, v8;
	vm2 =	vgt.s32 v9, $0x0;
	vm3 =	vgt.s32 v10, $0x0  }
0x78: {  	v5 =	vsub.f32 v5, v13  }
0x79: {  	v6 =	vsub.f32 v6, v12;
	v54 =	vnsel vm3, $0x0, v10;
	v14 =	vnsel vm2, $0x0, v9  }
0x7a: {  	vm2 =	vgt.s32 v8, $0x0;
	vm3 =	vlt.u32 v8, $0xA0;
	vm4 =	vlt.u32 v9, $0x30  }
0x7b: {  	vm5 =	vgt.s32 v11, $0x0;
	v14 =	vmin.u32 v14, $0x2F;
	v12 =	vmin.u32 v54, $0x2F  }
0x7c: {  	v55 =	vnsel vm2, $0x0, v8;
	v59 =	vnsel vm5, $0x0, v11;
	v58 =	vmul.u32 $0xA0, v12  }
0x7d: {  	v13 =	vsub.f32 $1.000000000e+00, v5;
	v15 =	vsub.f32 $1.000000000e+00, v6;
	v8 =	vmin.u32 v55, $0x9F  }
0x7e: {  	v61 =	vmin.u32 v59, $0x9F;
	v63 =	vmul.u32 $0xA0, v14;
	v62 =	vadd.s32 v8, v58  }
0x7f: {  	vm6 =	vlt.u32 v10, $0x30;
	vm2 =	vmand vm3, vm4;
	v10 =	vadd.s32 v61, v58;
	[tilespmem:s31+$0x1A00] =	vst v62  }
0x80: {  	v16 =	vmul.f32 v15, v13;
	v56 =	vmul.f32 v15, v5;
	v8 =	vadd.s32 v8, v63;
	[tilespmem:s31+$0x1A80] =	vst v10  }
0x81: {  	v13 =	vmul.f32 v6, v13;
	v5 =	vmul.f32 v6, v5;
	v6 =	vadd.s32 v61, v63;
	[tilespmem:s31+$0x1900] =	vst v8  }
0x82: {  	vm3 =	vmand vm3, vm6;
	[tilespmem:s31+$0x1980] =	vst v6;
	v57 =	vnsel vm2, $0x0, v16;
	vm2 =	vlt.u32 v11, $0xA0  }
0x83: {  	v60 =	vnsel vm3, $0x0, v13;
	vm4 =	vmand vm2, vm4;
	[tilespmem:s31+$0x4B00] =	vst v57;
	vm2 =	vmand vm2, vm6  }
0x84: {  	[tilespmem:s31+$0x4C00] =	vst v60;
	v5 =	vnsel vm2, $0x0, v5  }
0x85: {  	v9 =	vnsel vm4, $0x0, v56;
	[tilespmem:s31+$0x4C80] =	vst v5;
	v5 =	vmul.u32 $0xFFFFFF9C, v7  }
0x86: {  	[tilespmem:s31+$0x4B80] =	vst v9  }
0x87: {  	[tilespmem:s2+$0x0] =	vst v7;
	v4 =	vadd.s32 v4, v5  }
0x88: {  	s29 =	simm.s32 $0x0;
	[tilespmem:s2+$0x80] =	vst v4  }
.LBB2_4:
0x89: {  	p0 =	seq.s32 s29, $0x0  }
0x8a: {  	s0 =	sshll.u32 @!p0 s29, $0x2  }
0x8b: {  	s0 =	sadd.s32 @!p0 s26, s0  }
0x8c: {  	s30 =	sshllo.u32 s29, $0x1;
	s0 =	sshrl.u32 @!p0 s0, $0x3  }
0x8d: {  	s2 =	sshll.u32 @!p0 s30, $0x8;
	s3 =	simm.s32 @p0 $0x1;
	s0 =	smul.u32 @!p0 $0xF000, s0  }
0x8e: {  	s2 =	sand.u32 @!p0 $0x300, s2;
	_ =	swait.ge @p0 [sflag:s3], $0x3C00  }
0x8f: {  	[sflag:s3] =	ssyncset.done @p0 $0x0;
	s0 =	sor.u32 @!p0 s2, s0  }
0x90: {  	s5 =	simm.s32 @!p0 $0xD280;
	[sflag:s3] =	ssyncadd.s32 @p0 $0xFFFFC400;
	s0 =	sshrl.u32 @!p0 s0, $0x3  }
0x91: {  	s3 =	simm.s32 @!p0 $0x400;
	s2 =	simm.s32 @!p0 $0x100;
	s0 =	sadd.s32 @!p0 s1, s0  }
0x92: {  	[tilespmem:s5], [sflag:$0x2] =	stream.strided.gather @!p0 [hbm4b:s0+s2], $0x3C00, s3, s2, $0x38;
	[tilespmem:$0x18E80] =	vst v63  }
0x93: {  	s0 =	simm.s32 @!p0 $0x1  }
0x94: {  	_ =	swait.ge @!p0 [sflag:s0], $0x3C00  }
0x95: {  	[sflag:s0] =	ssyncset.done @!p0 $0x0  }
0x96: {  	s2 =	simm.s32 @!p0 $0x3;
	[sflag:s0] =	ssyncadd.s32 @!p0 $0xFFFFC400  }
0x97: {  	_ =	swait.ge @!p0 [sflag:s2], $0x2000  }
0x98: {  	[sflag:s2] =	ssyncset.done @!p0 $0x0  }
0x99: {  	[sflag:s2] =	ssyncadd.s32 @!p0 $0xFFFFE000  }
0x9a: {  	s5 =	simm.s32 $0x0;
	s0 =	sand.u32 $0x60, s28;
	_ =	swait.ge @!p0 [sflag:s2], $0x2000  }
0x9b: {  	s3 =	sand.u32 $0xFFFFFE00, s5;
	s5 =	sor.u32 $0x10, s0;
	[sflag:s2] =	ssyncset.done @!p0 $0x0  }
0x9c: {  	s12 =	sor.u32 s3, s5;
	[sflag:s2] =	ssyncadd.s32 @!p0 $0xFFFFE000  }
0x9d: {  	v4 =	vld [tilespmem:s12+$0x1900]  }
0x9e: {  	s2 =	sor.u32 s0, s3;
	v5 =	vld [tilespmem:s12+$0x1980]  }
0x9f: {  	v6 =	vld [tilespmem:s2+$0x1900]  }
0xa0: {  	v8 =	vld [tilespmem:s2+$0x1980];
	_ =	sdelay $0x1  }
0xa1: {  	s9 =	simm.s32 $0x0;
	v7 =	vld [tilespmem:s12+$0x1A00]  }
0xa2: {  	s3 =	sand.u32 $0x3FFFFF00, s9;
	v9 =	vshll.u32 v4, $0x1;
	v4 =	vand.u32 $0x7F, v4  }
0xa3: {  	v10 =	vld [tilespmem:s12+$0x1A80];
	s3 =	sadd.s32 $0x7D00, s3;
	v11 =	vshll.u32 v5, $0x1;
	v5 =	vand.u32 $0x7F, v5;
	v12 =	vshll.u32 v6, $0x1  }
0xa4: {  	v13 =	vld [tilespmem:s2+$0x1A80];
	s5 =	sor.u32 s5, s3;
	v14 =	vshll.u32 v8, $0x1;
	v6 =	vand.u32 $0x7F, v6;
	v9 =	vand.u32 $0xFFFFFF00, v9  }
0xa5: {  	v15 =	vld [tilespmem:s5+$0x0];
	v8 =	vand.u32 $0x7F, v8;
	v11 =	vand.u32 $0xFFFFFF00, v11;
	v4 =	vor.u32 v4, v9  }
0xa6: {  	v12 =	vand.u32 $0xFFFFFF00, v12;
	v9 =	vld [tilespmem:s2+$0x1A00];
	v5 =	vor.u32 v5, v11;
	v11 =	vshll.u32 v7, $0x1  }
0xa7: {  	v19 =	vld [tilespmem:s12+$0x4B00];
	v14 =	vand.u32 $0xFFFFFF00, v14;
	v7 =	vand.u32 $0x7F, v7;
	v11 =	vand.u32 $0xFFFFFF00, v11  }
0xa8: {  	v16 =	vld [tilespmem:s5+$0x80];
	v6 =	vor.u32 v6, v12;
	v7 =	vor.u32 v7, v11;
	v11 =	vshll.u32 v10, $0x1  }
0xa9: {  	v23 =	vld [tilespmem:s12+$0x4C00];
	v8 =	vor.u32 v8, v14;
	v10 =	vand.u32 $0x7F, v10;
	v11 =	vand.u32 $0xFFFFFF00, v11  }
0xaa: {  	v12 =	vshll.u32 v13, $0x1;
	v15 =	vshll.u32 v15, $0x7;
	v20 =	vor.u32 v10, v11;
	v17 =	vld.idx.msk [tilespmem:v4+s16+$0x0], $0xffff  }
0xab: {  	v13 =	vand.u32 $0x7F, v13;
	v12 =	vand.u32 $0xFFFFFF00, v12;
	v10 =	vshll.u32 v9, $0x1;
	v11 =	vld.idx.msk [tilespmem:v5+s16+$0x0], $0xffff  }
0xac: {  	v14 =	vld [tilespmem:s12+$0x4B80];
	v18 =	vor.u32 $0x80, v6;
	v9 =	vand.u32 $0x7F, v9;
	v10 =	vand.u32 $0xFFFFFF00, v10  }
0xad: {  	v24 =	vor.u32 v13, v12;
	v22 =	vor.u32 v9, v10;
	v10 =	vld.idx.msk [tilespmem:v7+s16+$0x0], $0xffff;
	v9 =	vand.u32 $0xFFFFFF80, v16  }
0xae: {  	v26 =	vld [tilespmem:s12+$0x4C80];
	v4 =	vor.u32 $0x80, v4;
	v16 =	vand.u32 $0x7F, v16;
	v9 =	vadd.s32 v15, v9  }
0xaf: {  	v5 =	vor.u32 $0x80, v5;
	v7 =	vor.u32 $0x80, v7;
	v15 =	vld.idx.msk [tilespmem:v20+s16+$0x0], $0xffff;
	v16 =	vor.u32 v16, v9  }
0xb0: {  	v6 =	vld.idx.msk [tilespmem:v6+s16+$0x0], $0xffff;
	v12 =	vshll.u32 v17, $0x10;
	v13 =	vshll.u32 v11, $0x10;
	v17 =	vand.u32 $0xFFFF0000, v17  }
0xb1: {  	v11 =	vand.u32 $0xFFFF0000, v11;
	v12 =	vmul.f32 v12, v19;
	v13 =	vmul.f32 v13, v14  }
0xb2: {  	v25 =	vld.idx.msk [tilespmem:v8+s16+$0x0], $0xffff;
	v17 =	vmul.f32 v17, v19;
	v11 =	vmul.f32 v11, v14;
	v21 =	vshll.u32 v10, $0x10  }
0xb3: {  	v9 =	vld [tilespmem:s2+$0x4B00];
	v27 =	vand.u32 $0xFFFF0000, v10;
	v12 =	vadd.f32 v13, v12;
	v13 =	vmul.f32 v21, v23  }
0xb4: {  	v10 =	vld [tilespmem:s2+$0x4B80];
	v11 =	vadd.f32 v11, v17;
	v17 =	vmul.f32 v27, v23;
	v21 =	vshll.u32 v15, $0x10  }
0xb5: {  	v29 =	vshll.u32 v6, $0x10;
	v27 =	vld.idx.msk [tilespmem:v22+s16+$0x0], $0xffff;
	v12 =	vadd.f32 v13, v12;
	v13 =	vmul.f32 v21, v26  }
0xb6: {  	v15 =	vand.u32 $0xFFFF0000, v15;
	v21 =	vadd.s32 $0x2000, v16;
	v28 =	vadd.f32 v17, v11;
	v11 =	vld [tilespmem:s2+$0x4C00]  }
0xb7: {  	s0 =	sor.u32 s0, s3;
	v6 =	vand.u32 $0xFFFF0000, v6;
	v15 =	vmul.f32 v15, v26;
	v12 =	vadd.f32 v13, v12;
	v13 =	vld.idx.msk [tilespmem:v24+s16+$0x0], $0xffff  }
0xb8: {  	v32 =	vld [tilespmem:s0+$0x80];
	v30 =	vshll.u32 v25, $0x10;
	v25 =	vand.u32 $0xFFFF0000, v25;
	v6 =	vmul.f32 v6, v9  }
0xb9: {  	v17 =	vld [tilespmem:s2+$0x4C80];
	v15 =	vadd.f32 v15, v28;
	v28 =	vmul.f32 v29, v9;
	v30 =	vmul.f32 v30, v10  }
0xba: {  	v29 =	vld [tilespmem:s0+$0x0];
	v25 =	vmul.f32 v25, v10;
	v31 =	vshll.u32 v27, $0x10;
	[tilespmem:v16+s18+$0x0] =	vst.idx.msk $0xffff, v12;
	v12 =	vand.u32 $0xFFFF0000, v27  }
0xbb: {  	[tilespmem:v21+s18+$0x0] =	vst.idx.msk $0xffff, v15;
	v15 =	vor.u32 $0x80, v20;
	v20 =	vadd.f32 v30, v28;
	v21 =	vmul.f32 v31, v11  }
0xbc: {  	v6 =	vadd.f32 v25, v6;
	v12 =	vmul.f32 v12, v11;
	v4 =	vld.idx.msk [tilespmem:v4+s16+$0x0], $0xffff;
	v27 =	vshll.u32 v13, $0x10  }
0xbd: {  	v5 =	vld.idx.msk [tilespmem:v5+s16+$0x0], $0xffff;
	v13 =	vand.u32 $0xFFFF0000, v13;
	v21 =	vadd.f32 v21, v20;
	v20 =	vor.u32 $0x80, v8  }
0xbe: {  	v6 =	vadd.f32 v12, v6;
	v12 =	vand.u32 $0xFFFFFF80, v32;
	v25 =	vmul.f32 v27, v17  }
0xbf: {  	v7 =	vld.idx.msk [tilespmem:v7+s16+$0x0], $0xffff;
	v8 =	vmul.f32 v13, v17;
	v13 =	vshll.u32 v29, $0x7;
	v27 =	vand.u32 $0x7F, v32  }
0xc0: {  	v28 =	vadd.s32 v13, v12;
	v12 =	vadd.s32 $0x1000, v16;
	v13 =	vadd.s32 $0x3000, v16  }
0xc1: {  	s3 =	simm.s32 $0x20;
	v21 =	vadd.f32 v25, v21;
	v25 =	vadd.f32 v8, v6;
	v29 =	vor.u32 v27, v28  }
0xc2: {  	s5 =	simm.s32 $0x80;
	s0 =	sand.u32 $0x60, s3;
	v15 =	vld.idx.msk [tilespmem:v15+s16+$0x0], $0xffff;
	v6 =	vshll.u32 v4, $0x10;
	v8 =	vshll.u32 v5, $0x10;
	v4 =	vand.u32 $0xFFFF0000, v4  }
0xc3: {  	s2 =	sand.u32 $0xFFFFFE00, s5;
	s5 =	sor.u32 $0x10, s0;
	v5 =	vand.u32 $0xFFFF0000, v5;
	v6 =	vmul.f32 v6, v19;
	v8 =	vmul.f32 v8, v14  }
0xc4: {  	s3 =	sor.u32 s2, s5;
	v16 =	vshll.u32 v7, $0x10;
	v4 =	vmul.f32 v4, v19;
	v5 =	vmul.f32 v5, v14  }
0xc5: {  	v7 =	vand.u32 $0xFFFF0000, v7;
	v19 =	vld [tilespmem:s3+$0x1900];
	v6 =	vadd.f32 v8, v6;
	v8 =	vmul.f32 v16, v23  }
0xc6: {  	v27 =	vor.u32 $0x80, v22;
	v4 =	vadd.f32 v5, v4;
	v5 =	vmul.f32 v7, v23  }
0xc7: {  	s2 =	sor.u32 s0, s2;
	v23 =	vld [tilespmem:s3+$0x1980];
	v14 =	vshll.u32 v15, $0x10;
	v7 =	vand.u32 $0xFFFF0000, v15;
	v6 =	vadd.f32 v8, v6  }
0xc8: {  	s9 =	simm.s32 $0x40;
	v31 =	vld [tilespmem:s2+$0x1900];
	v8 =	vmul.f32 v14, v26;
	v4 =	vadd.f32 v5, v4;
	v5 =	vmul.f32 v7, v26  }
0xc9: {  	s12 =	sand.u32 $0x3FFFFF00, s9;
	v28 =	vor.u32 $0x80, v24;
	v30 =	vadd.s32 $0x2000, v29;
	v7 =	vld [tilespmem:s3+$0x1A00];
	v14 =	vadd.s32 $0x1000, v29  }
0xca: {  	s12 =	sadd.s32 $0x7D00, s12;
	v16 =	vadd.f32 v8, v6;
	v15 =	vadd.f32 v5, v4;
	v5 =	vld [tilespmem:s2+$0x1980];
	v6 =	vshll.u32 v19, $0x1  }
0xcb: {  	s5 =	sor.u32 s5, s12;
	v8 =	vld [tilespmem:s3+$0x1A80];
	v4 =	vadd.s32 $0x3000, v29;
	v19 =	vand.u32 $0x7F, v19;
	v6 =	vand.u32 $0xFFFFFF00, v6  }
0xcc: {  	v34 =	vld [tilespmem:s5+$0x80];
	v24 =	vshll.u32 v23, $0x1;
	v26 =	vor.u32 v19, v6;
	v6 =	vand.u32 $0x7F, v23  }
0xcd: {  	v22 =	vld [tilespmem:s2+$0x1A00];
	v23 =	vand.u32 $0xFFFFFF00, v24;
	v24 =	vshll.u32 v31, $0x1;
	v31 =	vand.u32 $0x7F, v31  }
0xce: {  	v19 =	vld [tilespmem:s2+$0x1A80];
	v53 =	vshll.u32 v7, $0x1;
	v33 =	vor.u32 v6, v23;
	v7 =	vand.u32 $0x7F, v7  }
0xcf: {  	v6 =	vld [tilespmem:s5+$0x0];
	v24 =	vand.u32 $0xFFFFFF00, v24;
	v23 =	vand.u32 $0xFFFFFF00, v53;
	v54 =	vshll.u32 v5, $0x1  }
0xd0: {  	v35 =	vor.u32 v7, v23;
	v7 =	vshll.u32 v8, $0x1;
	v8 =	vand.u32 $0x7F, v8  }
0xd1: {  	v39 =	vld [tilespmem:s3+$0x4B80];
	v5 =	vand.u32 $0x7F, v5;
	v23 =	vand.u32 $0xFFFFFF00, v54;
	v7 =	vand.u32 $0xFFFFFF00, v7  }
0xd2: {  	v36 =	vld.idx.msk [tilespmem:v26+s16+$0x0], $0xffff;
	v37 =	vor.u32 v8, v7;
	v7 =	vor.u32 v31, v24;
	v8 =	vshll.u32 v22, $0x1  }
0xd3: {  	v31 =	vor.u32 v5, v23;
	v5 =	vand.u32 $0x7F, v22;
	v22 =	vshll.u32 v19, $0x1;
	v38 =	vld.idx.msk [tilespmem:v33+s16+$0x0], $0xffff  }
0xd4: {  	v32 =	vld [tilespmem:s3+$0x4B00];
	v24 =	vand.u32 $0xFFFFFF80, v34;
	v8 =	vand.u32 $0xFFFFFF00, v8;
	v6 =	vshll.u32 v6, $0x7  }
0xd5: {  	v23 =	vor.u32 v5, v8;
	v5 =	vand.u32 $0x7F, v34;
	v6 =	vadd.s32 v6, v24;
	v8 =	vld.idx.msk [tilespmem:v35+s16+$0x0], $0xffff  }
0xd6: {  	v22 =	vand.u32 $0xFFFFFF00, v22;
	v34 =	vld [tilespmem:s3+$0x4C00];
	v24 =	vand.u32 $0x7F, v19;
	v40 =	vor.u32 v5, v6  }
0xd7: {  	v19 =	vor.u32 $0x80, v7;
	v24 =	vor.u32 v24, v22;
	v41 =	vadd.s32 $0x2000, v40;
	v6 =	vld.idx.msk [tilespmem:v37+s16+$0x0], $0xffff  }
0xd8: {  	s0 =	sor.u32 s0, s12;
	v42 =	vld [tilespmem:s3+$0x4C80];
	v22 =	vshll.u32 v36, $0x10;
	v36 =	vand.u32 $0xFFFF0000, v36;
	v43 =	vshll.u32 v38, $0x10  }
0xd9: {  	v60 =	vld [tilespmem:s0+$0x80];
	v38 =	vand.u32 $0xFFFF0000, v38;
	v22 =	vmul.f32 v22, v32;
	v43 =	vmul.f32 v43, v39  }
0xda: {  	v44 =	vld.idx.msk [tilespmem:v7+s16+$0x0], $0xffff;
	v36 =	vmul.f32 v36, v32;
	v38 =	vmul.f32 v38, v39;
	v7 =	vshll.u32 v8, $0x10  }
0xdb: {  	v58 =	vld [tilespmem:s0+$0x0];
	v8 =	vand.u32 $0xFFFF0000, v8;
	v22 =	vadd.f32 v43, v22;
	v55 =	vmul.f32 v7, v34  }
0xdc: {  	v5 =	vld [tilespmem:s2+$0x4B00];
	v36 =	vadd.f32 v38, v36;
	v8 =	vmul.f32 v8, v34;
	v46 =	vshll.u32 v6, $0x10  }
0xdd: {  	v45 =	vld.idx.msk [tilespmem:v31+s16+$0x0], $0xffff;
	v47 =	vand.u32 $0xFFFF0000, v6;
	v43 =	vadd.f32 v55, v22;
	v46 =	vmul.f32 v46, v42  }
0xde: {  	v26 =	vor.u32 $0x80, v26;
	v7 =	vld [tilespmem:s2+$0x4B80];
	v8 =	vadd.f32 v8, v36;
	v57 =	vmul.f32 v47, v42  }
0xdf: {  	v53 =	vand.u32 $0xFFFFFF80, v60;
	v33 =	vor.u32 $0x80, v33;
	v56 =	vld.idx.msk [tilespmem:v23+s16+$0x0], $0xffff;
	v43 =	vadd.f32 v46, v43  }
0xe0: {  	v54 =	vshll.u32 v58, $0x7;
	v35 =	vor.u32 $0x80, v35;
	v6 =	vld [tilespmem:s2+$0x4C00];
	v36 =	vadd.f32 v57, v8  }
0xe1: {  	v37 =	vor.u32 $0x80, v37;
	v59 =	vshll.u32 v44, $0x10;
	v22 =	vor.u32 $0x80, v31;
	v31 =	vld.idx.msk [tilespmem:v24+s16+$0x0], $0xffff;
	[tilespmem:v40+s18+$0x0] =	vst.idx.msk $0xffff, v43  }
0xe2: {  	v48 =	vshll.u32 v45, $0x10;
	v44 =	vand.u32 $0xFFFF0000, v44;
	v47 =	vmul.f32 v59, v5;
	v8 =	vld [tilespmem:s2+$0x4C80];
	[tilespmem:v41+s18+$0x0] =	vst.idx.msk $0xffff, v36  }
0xe3: {  	v45 =	vand.u32 $0xFFFF0000, v45;
	v61 =	vmul.f32 v44, v5;
	v48 =	vmul.f32 v48, v7;
	v63 =	vld.idx.msk [tilespmem:v26+s16+$0x0], $0xffff  }
0xe4: {  	[tilespmem:v29+s18+$0x0] =	vst.idx.msk $0xffff, v21;
	v55 =	vand.u32 $0x7F, v60;
	v49 =	vshll.u32 v56, $0x10;
	v62 =	vmul.f32 v45, v7;
	v33 =	vld.idx.msk [tilespmem:v33+s16+$0x0], $0xffff  }
0xe5: {  	v38 =	vand.u32 $0xFFFF0000, v56;
	v50 =	vmul.f32 v49, v6;
	v26 =	vadd.f32 v48, v47;
	v35 =	vld.idx.msk [tilespmem:v35+s16+$0x0], $0xffff  }
0xe6: {  	s31 =	simm.s32 $0x40;
	[tilespmem:v30+s18+$0x0] =	vst.idx.msk $0xffff, v25;
	v38 =	vmul.f32 v38, v6;
	v51 =	vshll.u32 v31, $0x10;
	v36 =	vadd.f32 v62, v61  }
0xe7: {  	s0 =	sand.u32 $0x60, s31;
	s5 =	simm.s32 $0x100;
	v31 =	vand.u32 $0xFFFF0000, v31;
	v37 =	vld.idx.msk [tilespmem:v37+s16+$0x0], $0xffff;
	v52 =	vmul.f32 v51, v8;
	v26 =	vadd.f32 v50, v26  }
0xe8: {  	s9 =	simm.s32 $0x80;
	v60 =	vadd.s32 v54, v53;
	s2 =	sand.u32 $0xFFFFFE00, s5;
	s5 =	sor.u32 $0x10, s0;
	v31 =	vmul.f32 v31, v8;
	v36 =	vadd.f32 v38, v36  }
0xe9: {  	v18 =	vld.idx.msk [tilespmem:v18+s16+$0x0], $0xffff;
	s3 =	sand.u32 $0x3FFFFF00, s9;
	s12 =	sor.u32 s2, s5;
	v26 =	vadd.f32 v52, v26;
	v56 =	vshll.u32 v63, $0x10;
	v57 =	vshll.u32 v33, $0x10  }
0xea: {  	s3 =	sadd.s32 $0x7D00, s3;
	s2 =	sor.u32 s0, s2;
	v43 =	vld [tilespmem:s12+$0x1900];
	v44 =	vand.u32 $0xFFFF0000, v63;
	v21 =	vand.u32 $0xFFFF0000, v33;
	v25 =	vshll.u32 v35, $0x10  }
0xeb: {  	s5 =	sor.u32 s5, s3;
	v46 =	vld [tilespmem:s2+$0x1900];
	v59 =	vand.u32 $0xFFFF0000, v35;
	v29 =	vmul.f32 v56, v32;
	v58 =	vmul.f32 v57, v39  }
0xec: {  	v51 =	vld [tilespmem:s5+$0x80];
	v61 =	vshll.u32 v37, $0x10;
	v30 =	vmul.f32 v44, v32;
	v21 =	vmul.f32 v21, v39  }
0xed: {  	v62 =	vand.u32 $0xFFFF0000, v37;
	v63 =	vld.idx.msk [tilespmem:v27+s16+$0x0], $0xffff;
	v27 =	vadd.f32 v31, v36;
	v25 =	vmul.f32 v25, v34  }
0xee: {  	v20 =	vld.idx.msk [tilespmem:v20+s16+$0x0], $0xffff;
	v29 =	vadd.f32 v58, v29;
	v21 =	vadd.f32 v21, v30;
	v30 =	vmul.f32 v59, v34  }
0xef: {  	v33 =	vand.u32 $0x7F, v43;
	v32 =	vmul.f32 v61, v42;
	v34 =	vmul.f32 v62, v42  }
0xf0: {  	v42 =	vld.idx.msk [tilespmem:v28+s16+$0x0], $0xffff;
	v28 =	vor.u32 v55, v60;
	v25 =	vadd.f32 v25, v29;
	v21 =	vadd.f32 v30, v21  }
0xf1: {  	[tilespmem:v12+s18+$0x0] =	vst.idx.msk $0xffff, v16;
	v35 =	vand.u32 $0x7F, v46;
	v54 =	vand.u32 $0xFFFFFF80, v51;
	v12 =	vadd.s32 $0x1000, v28  }
0xf2: {  	v30 =	vadd.s32 $0x1000, v40;
	v32 =	vadd.f32 v32, v25;
	v31 =	vadd.f32 v34, v21  }
0xf3: {  	v21 =	vshll.u32 v18, $0x10;
	v25 =	vshll.u32 v20, $0x10;
	v18 =	vand.u32 $0xFFFF0000, v18  }
0xf4: {  	v20 =	vand.u32 $0xFFFF0000, v20;
	v21 =	vmul.f32 v21, v9;
	v25 =	vmul.f32 v25, v10  }
0xf5: {  	v44 =	vshll.u32 v63, $0x10;
	v9 =	vmul.f32 v18, v9;
	v10 =	vmul.f32 v20, v10;
	v18 =	vld [tilespmem:s12+$0x1980]  }
0xf6: {  	v20 =	vand.u32 $0xFFFF0000, v63;
	v21 =	vadd.f32 v25, v21;
	v25 =	vmul.f32 v44, v11  }
0xf7: {  	v47 =	vld [tilespmem:s12+$0x1A80];
	v9 =	vadd.f32 v10, v9;
	v11 =	vmul.f32 v20, v11;
	v10 =	vand.u32 $0xFFFF0000, v42  }
0xf8: {  	v45 =	vshll.u32 v42, $0x10;
	v20 =	vld [tilespmem:s12+$0x1A00];
	v10 =	vmul.f32 v10, v17;
	v21 =	vadd.f32 v25, v21  }
0xf9: {  	v25 =	vmul.f32 v45, v17;
	v17 =	vld [tilespmem:s2+$0x1980];
	v9 =	vadd.f32 v11, v9;
	v11 =	vshll.u32 v43, $0x1  }
0xfa: {  	v29 =	vadd.s32 $0x3000, v40;
	v11 =	vand.u32 $0xFFFFFF00, v11;
	v48 =	vshll.u32 v18, $0x1  }
0xfb: {  	v49 =	vld [tilespmem:s2+$0x1A00];
	v38 =	vor.u32 v33, v11;
	v11 =	vand.u32 $0x7F, v18;
	v18 =	vand.u32 $0xFFFFFF00, v48  }
0xfc: {  	v34 =	vand.u32 $0x7F, v47;
	v33 =	vadd.f32 v25, v21;
	v25 =	vld [tilespmem:s2+$0x1A80];
	v36 =	vor.u32 v11, v18  }
0xfd: {  	v21 =	vld [tilespmem:s5+$0x0];
	v11 =	vshll.u32 v20, $0x1;
	v18 =	vshll.u32 v46, $0x1;
	v20 =	vand.u32 $0x7F, v20  }
0xfe: {  	v37 =	vld [tilespmem:s12+$0x4B80];
	v11 =	vand.u32 $0xFFFFFF00, v11;
	v18 =	vand.u32 $0xFFFFFF00, v18;
	v50 =	vshll.u32 v17, $0x1  }
0xff: {  	v39 =	vld [tilespmem:s12+$0x4B00];
	v41 =	vor.u32 v20, v11;
	v11 =	vshll.u32 v47, $0x1;
	v17 =	vand.u32 $0x7F, v17  }
0x100: {  	v45 =	vld [tilespmem:s12+$0x4C00];
	v35 =	vor.u32 v35, v18;
	v20 =	vand.u32 $0xFFFFFF00, v50;
	v11 =	vand.u32 $0xFFFFFF00, v11  }
0x101: {  	v52 =	vld.idx.msk [tilespmem:v38+s16+$0x0], $0xffff;
	v34 =	vor.u32 v34, v11;
	v11 =	vshll.u32 v49, $0x1;
	v43 =	vor.u32 v17, v20  }
0x102: {  	s0 =	sor.u32 s0, s3;
	v17 =	vand.u32 $0x7F, v49;
	v53 =	vshll.u32 v25, $0x1;
	v55 =	vshll.u32 v21, $0x7;
	v18 =	vld.idx.msk [tilespmem:v36+s16+$0x0], $0xffff  }
0x103: {  	v25 =	vand.u32 $0x7F, v25;
	v20 =	vand.u32 $0xFFFFFF00, v11;
	v56 =	vadd.s32 v55, v54;
	v55 =	vld [tilespmem:s0+$0x0]  }
0x104: {  	v38 =	vor.u32 $0x80, v38;
	v21 =	vor.u32 v17, v20;
	v20 =	vand.u32 $0x7F, v51;
	v17 =	vld.idx.msk [tilespmem:v41+s16+$0x0], $0xffff  }
0x105: {  	v48 =	vld [tilespmem:s12+$0x4C80];
	v44 =	vand.u32 $0xFFFFFF00, v53;
	v36 =	vor.u32 $0x80, v36;
	v40 =	vor.u32 v20, v56  }
0x106: {  	v25 =	vor.u32 v25, v44;
	v62 =	vadd.s32 $0x2000, v40;
	v20 =	vld.idx.msk [tilespmem:v34+s16+$0x0], $0xffff;
	v57 =	vshll.u32 v52, $0x10  }
0x107: {  	v42 =	vand.u32 $0xFFFF0000, v52;
	v59 =	vld.idx.msk [tilespmem:v43+s16+$0x0], $0xffff;
	v58 =	vshll.u32 v18, $0x10;
	v46 =	vmul.f32 v57, v39  }
0x108: {  	v11 =	vld [tilespmem:s2+$0x4B00];
	v18 =	vand.u32 $0xFFFF0000, v18;
	v42 =	vmul.f32 v42, v39;
	v47 =	vmul.f32 v58, v37  }
0x109: {  	[tilespmem:v13+s18+$0x0] =	vst.idx.msk $0xffff, v15;
	v49 =	vld.idx.msk [tilespmem:v35+s16+$0x0], $0xffff;
	v15 =	vshll.u32 v55, $0x7;
	v18 =	vmul.f32 v18, v37;
	v50 =	vshll.u32 v17, $0x10  }
0x10a: {  	v52 =	vld.idx.msk [tilespmem:v21+s16+$0x0], $0xffff;
	v51 =	vand.u32 $0xFFFF0000, v17;
	v46 =	vadd.f32 v47, v46;
	v60 =	vmul.f32 v50, v45  }
0x10b: {  	v53 =	vld.idx.msk [tilespmem:v25+s16+$0x0], $0xffff;
	v18 =	vadd.f32 v18, v42;
	v61 =	vmul.f32 v51, v45;
	v63 =	vshll.u32 v20, $0x10  }
0x10c: {  	v17 =	vld [tilespmem:s2+$0x4B80];
	v20 =	vand.u32 $0xFFFF0000, v20;
	v58 =	vshll.u32 v59, $0x10;
	v44 =	vand.u32 $0xFFFF0000, v59  }
0x10d: {  	v46 =	vadd.f32 v60, v46;
	v56 =	vmul.f32 v63, v48;
	v42 =	vadd.f32 v61, v18  }
0x10e: {  	v57 =	vmul.f32 v20, v48;
	v20 =	vshll.u32 v49, $0x10;
	v49 =	vand.u32 $0xFFFF0000, v49  }
0x10f: {  	v18 =	vld [tilespmem:s2+$0x4C00];
	v54 =	vmul.f32 v20, v11;
	v49 =	vmul.f32 v49, v11;
	v59 =	vshll.u32 v52, $0x10  }
0x110: {  	v60 =	vld [tilespmem:s0+$0x80];
	v61 =	vand.u32 $0xFFFF0000, v52;
	v63 =	vshll.u32 v53, $0x10;
	v46 =	vadd.f32 v56, v46  }
0x111: {  	v20 =	vld [tilespmem:s2+$0x4C80];
	v52 =	vor.u32 $0x80, v24;
	v47 =	vmul.f32 v58, v17;
	v42 =	vadd.f32 v57, v42  }
0x112: {  	v44 =	vmul.f32 v44, v17;
	[tilespmem:v40+s18+$0x0] =	vst.idx.msk $0xffff, v46;
	v46 =	vor.u32 $0x80, v23;
	v23 =	vor.u32 $0x80, v41  }
0x113: {  	v24 =	vor.u32 $0x80, v34;
	v16 =	vand.u32 $0xFFFF0000, v53;
	v47 =	vadd.f32 v47, v54;
	[tilespmem:v62+s18+$0x0] =	vst.idx.msk $0xffff, v42  }
0x114: {  	v54 =	vadd.s32 $0x2000, v28;
	v44 =	vadd.f32 v44, v49;
	v51 =	vmul.f32 v59, v18;
	v38 =	vld.idx.msk [tilespmem:v38+s16+$0x0], $0xffff  }
0x115: {  	v41 =	vmul.f32 v61, v18;
	v13 =	vand.u32 $0xFFFFFF80, v60;
	v60 =	vand.u32 $0x7F, v60;
	v36 =	vld.idx.msk [tilespmem:v36+s16+$0x0], $0xffff  }
0x116: {  	[tilespmem:v30+s18+$0x0] =	vst.idx.msk $0xffff, v32;
	v56 =	vmul.f32 v63, v20;
	v57 =	vadd.s32 v15, v13;
	v13 =	vadd.s32 $0x3000, v28  }
0x117: {  	v58 =	vmul.f32 v16, v20;
	v62 =	vadd.f32 v51, v47;
	v41 =	vadd.f32 v41, v44;
	v59 =	vld.idx.msk [tilespmem:v23+s16+$0x0], $0xffff  }
0x118: {  	[tilespmem:v29+s18+$0x0] =	vst.idx.msk $0xffff, v31;
	v16 =	vor.u32 $0x80, v35;
	v15 =	vor.u32 $0x80, v43;
	v31 =	vld.idx.msk [tilespmem:v24+s16+$0x0], $0xffff;
	v24 =	vadd.s32 $0x1000, v40  }
0x119: {  	v34 =	vadd.f32 v56, v62;
	v29 =	vadd.f32 v58, v41;
	v23 =	vadd.s32 $0x3000, v40  }
0x11a: {  	[tilespmem:v28+s18+$0x0] =	vst.idx.msk $0xffff, v26;
	v26 =	vshll.u32 v38, $0x10;
	v28 =	vshll.u32 v36, $0x10;
	v30 =	vand.u32 $0xFFFF0000, v38  }
0x11b: {  	[tilespmem:v54+s18+$0x0] =	vst.idx.msk $0xffff, v27;
	v27 =	vand.u32 $0xFFFF0000, v36;
	v61 =	vmul.f32 v26, v39;
	v28 =	vmul.f32 v28, v37  }
0x11c: {  	[tilespmem:v14+s18+$0x0] =	vst.idx.msk $0xffff, v33;
	v62 =	vmul.f32 v30, v39;
	v27 =	vmul.f32 v27, v37;
	v14 =	vshll.u32 v59, $0x10  }
0x11d: {  	v26 =	vld.idx.msk [tilespmem:v19+s16+$0x0], $0xffff;
	v19 =	vand.u32 $0xFFFF0000, v59;
	v32 =	vadd.f32 v28, v61;
	v14 =	vmul.f32 v14, v45  }
0x11e: {  	v30 =	vld.idx.msk [tilespmem:v22+s16+$0x0], $0xffff;
	v22 =	vshll.u32 v31, $0x10;
	v33 =	vadd.f32 v27, v62;
	v19 =	vmul.f32 v19, v45  }
0x11f: {  	v63 =	vand.u32 $0xFFFF0000, v31;
	v28 =	vld.idx.msk [tilespmem:v46+s16+$0x0], $0xffff;
	v14 =	vadd.f32 v14, v32;
	v32 =	vmul.f32 v22, v48  }
0x120: {  	s0 =	simm.s32 $0x4;
	v27 =	vld.idx.msk [tilespmem:v52+s16+$0x0], $0xffff;
	v22 =	vor.u32 v60, v57;
	v31 =	vadd.f32 v19, v33;
	v33 =	vmul.f32 v63, v48  }
.LBB2_5:
0x121: {  	s0 =	sadd.s32 $0x2, s0;
	v35 =	vadd.s32 $0x2000, v22;
	v19 =	vor.u32 $0x80, v21;
	v21 =	vadd.f32 v32, v14;
	s31 =	sadd.s32 $0x20, s31  }
0x122: {  	v14 =	vor.u32 $0x80, v25;
	s12 =	sand.u32 $0x60, s31;
	s2 =	sshll.u32 s0, $0x6;
	v25 =	vadd.f32 v33, v31;
	v31 =	vshll.u32 v26, $0x10  }
0x123: {  	s3 =	sand.u32 $0xFFFFFE00, s2;
	s5 =	sor.u32 $0x10, s12;
	[tilespmem:v24+s18+$0x0] =	vst.idx.msk $0xffff, v21;
	v21 =	vshll.u32 v30, $0x10;
	v24 =	vand.u32 $0xFFFF0000, v26;
	v26 =	vand.u32 $0xFFFF0000, v30  }
0x124: {  	s2 =	sor.u32 s12, s3;
	s3 =	sor.u32 s3, s5;
	[tilespmem:v23+s18+$0x0] =	vst.idx.msk $0xffff, v25;
	v23 =	vshll.u32 v28, $0x10;
	v25 =	vmul.f32 v31, v5;
	v21 =	vmul.f32 v21, v7  }
0x125: {  	p1 =	slt.u32 s0, $0xC6;
	v28 =	vand.u32 $0xFFFF0000, v28;
	v31 =	vmul.f32 v24, v5;
	v32 =	vmul.f32 v26, v7;
	v30 =	vld [tilespmem:s3+$0x1900];
	[tilespmem:v22+s18+$0x0] =	vst.idx.msk $0xffff, v34  }
0x126: {  	v26 =	vshll.u32 v27, $0x10;
	v23 =	vmul.f32 v23, v6;
	v24 =	vld [tilespmem:s3+$0x1980];
	[tilespmem:v35+s18+$0x0] =	vst.idx.msk $0xffff, v29;
	v21 =	vadd.f32 v21, v25  }
0x127: {  	v27 =	vand.u32 $0xFFFF0000, v27;
	v5 =	vmovc v11;
	v7 =	vmovc v17;
	v28 =	vmul.f32 v28, v6;
	v29 =	vadd.f32 v32, v31;
	v25 =	vld [tilespmem:s2+$0x1900]  }
0x128: {  	v6 =	vmovc v18;
	v17 =	vld [tilespmem:s3+$0x1A00];
	v11 =	vadd.f32 v23, v21;
	v21 =	vmul.f32 v26, v8;
	v23 =	vmul.f32 v27, v8  }
0x129: {  	v26 =	vadd.s32 $0x1000, v22;
	v27 =	vadd.f32 v10, v9;
	v9 =	vadd.f32 v28, v29;
	v8 =	vmovc v20;
	v18 =	vld [tilespmem:s2+$0x1980]  }
0x12a: {  	s9 =	sshll.u32 s0, $0x5;
	v22 =	vadd.s32 $0x3000, v22;
	v20 =	vld [tilespmem:s3+$0x1A80];
	v28 =	vshll.u32 v30, $0x1;
	v11 =	vadd.f32 v21, v11;
	v10 =	vmovc v23  }
0x12b: {  	s9 =	sand.u32 $0x3FFFFF00, s9;
	v23 =	vand.u32 $0x7F, v30;
	v21 =	vld [tilespmem:s2+$0x1A00];
	v28 =	vand.u32 $0xFFFFFF00, v28;
	v29 =	vshll.u32 v24, $0x1;
	[tilespmem:v4+s18+$0x0] =	vst.idx.msk $0xffff, v27;
	v4 =	vmovc v13;
	v13 =	vmovc v22  }
0x12c: {  	s9 =	sadd.s32 $0x7D00, s9;
	v22 =	vand.u32 $0x7F, v24;
	v27 =	vld [tilespmem:s2+$0x1A80];
	v23 =	vor.u32 v23, v28;
	v24 =	vand.u32 $0xFFFFFF00, v29;
	[tilespmem:v12+s18+$0x0] =	vst.idx.msk $0xffff, v11;
	v12 =	vmovc v26  }
0x12d: {  	s12 =	sor.u32 s12, s9;
	s5 =	sor.u32 s5, s9;
	v26 =	vshll.u32 v25, $0x1;
	v11 =	vld [tilespmem:s2+$0x4B00];
	v24 =	vor.u32 v22, v24;
	v22 =	vshll.u32 v17, $0x1  }
0x12e: {  	v17 =	vand.u32 $0x7F, v17;
	v28 =	vshll.u32 v18, $0x1;
	v29 =	vld [tilespmem:s5+$0x0];
	v22 =	vand.u32 $0xFFFFFF00, v22  }
0x12f: {  	v26 =	vand.u32 $0xFFFFFF00, v26;
	v30 =	vld [tilespmem:s5+$0x80];
	v31 =	vor.u32 v17, v22;
	v17 =	vshll.u32 v20, $0x1  }
0x130: {  	v28 =	vand.u32 $0xFFFFFF00, v28;
	v20 =	vand.u32 $0x7F, v20;
	v22 =	vld [tilespmem:s3+$0x4B00];
	v17 =	vand.u32 $0xFFFFFF00, v17  }
0x131: {  	v25 =	vand.u32 $0x7F, v25;
	v18 =	vand.u32 $0x7F, v18;
	v32 =	vld.idx.msk [tilespmem:v23+s16+$0x0], $0xffff;
	v33 =	vor.u32 v20, v17  }
0x132: {  	v18 =	vor.u32 v18, v28;
	v17 =	vor.u32 v25, v26;
	v20 =	vshll.u32 v21, $0x1;
	v26 =	vld.idx.msk [tilespmem:v24+s16+$0x0], $0xffff  }
0x133: {  	v21 =	vand.u32 $0x7F, v21;
	v25 =	vshll.u32 v27, $0x1;
	v20 =	vand.u32 $0xFFFFFF00, v20;
	v35 =	vld [tilespmem:s3+$0x4B80]  }
0x134: {  	v21 =	vor.u32 v21, v20;
	v29 =	vshll.u32 v29, $0x7;
	v20 =	vld.idx.msk [tilespmem:v31+s16+$0x0], $0xffff;
	v28 =	vand.u32 $0xFFFFFF80, v30  }
0x135: {  	v25 =	vand.u32 $0xFFFFFF00, v25;
	v30 =	vand.u32 $0x7F, v30;
	v36 =	vld [tilespmem:s3+$0x4C00];
	v28 =	vadd.s32 v29, v28  }
0x136: {  	v27 =	vand.u32 $0x7F, v27;
	v29 =	vor.u32 $0x80, v17;
	v34 =	vld.idx.msk [tilespmem:v33+s16+$0x0], $0xffff;
	v37 =	vor.u32 v30, v28  }
0x137: {  	v25 =	vor.u32 v27, v25;
	v27 =	vor.u32 $0x80, v18;
	v28 =	vld.idx.msk [tilespmem:v17+s16+$0x0], $0xffff;
	v30 =	vadd.s32 $0x2000, v37  }
0x138: {  	v17 =	vshll.u32 v32, $0x10;
	v39 =	vshll.u32 v26, $0x10;
	v32 =	vand.u32 $0xFFFF0000, v32;
	v38 =	vld [tilespmem:s3+$0x4C80]  }
0x139: {  	v39 =	vmul.f32 v39, v35;
	v40 =	vld.idx.msk [tilespmem:v18+s16+$0x0], $0xffff;
	v18 =	vand.u32 $0xFFFF0000, v26;
	v26 =	vmul.f32 v17, v22  }
0x13a: {  	v32 =	vmul.f32 v32, v22;
	v41 =	vshll.u32 v20, $0x10;
	v17 =	vld [tilespmem:s2+$0x4B80];
	v42 =	vmul.f32 v18, v35  }
0x13b: {  	v20 =	vand.u32 $0xFFFF0000, v20;
	v43 =	vld.idx.msk [tilespmem:v21+s16+$0x0], $0xffff;
	v26 =	vadd.f32 v39, v26;
	v39 =	vmul.f32 v41, v36  }
0x13c: {  	v20 =	vmul.f32 v20, v36;
	v41 =	vshll.u32 v34, $0x10;
	v18 =	vld [tilespmem:s2+$0x4C00];
	v32 =	vadd.f32 v42, v32  }
0x13d: {  	v34 =	vand.u32 $0xFFFF0000, v34;
	v42 =	vld.idx.msk [tilespmem:v25+s16+$0x0], $0xffff;
	v26 =	vadd.f32 v39, v26;
	v39 =	vmul.f32 v41, v38  }
0x13e: {  	v23 =	vor.u32 $0x80, v23;
	v34 =	vmul.f32 v34, v38;
	v41 =	vld [tilespmem:s12+$0x0];
	v32 =	vadd.f32 v20, v32  }
0x13f: {  	v24 =	vor.u32 $0x80, v24;
	v45 =	vshll.u32 v28, $0x10;
	v44 =	vld [tilespmem:s12+$0x80];
	v26 =	vadd.f32 v39, v26  }
0x140: {  	v28 =	vand.u32 $0xFFFF0000, v28;
	v39 =	vshll.u32 v40, $0x10;
	v20 =	vld [tilespmem:s2+$0x4C80];
	v32 =	vadd.f32 v34, v32  }
0x141: {  	v31 =	vor.u32 $0x80, v31;
	v34 =	vand.u32 $0xFFFF0000, v40;
	v40 =	vmul.f32 v45, v11;
	[tilespmem:v37+s18+$0x0] =	vst.idx.msk $0xffff, v26;
	v26 =	vld.idx.msk [tilespmem:v16+s16+$0x0], $0xffff  }
0x142: {  	v28 =	vmul.f32 v28, v11;
	v45 =	vshll.u32 v43, $0x10;
	v39 =	vmul.f32 v39, v17;
	[tilespmem:v30+s18+$0x0] =	vst.idx.msk $0xffff, v32  }
0x143: {  	v16 =	vmovc v29;
	v30 =	vand.u32 $0xFFFF0000, v43;
	v32 =	vmul.f32 v34, v17;
	v43 =	vld.idx.msk [tilespmem:v23+s16+$0x0], $0xffff;
	v23 =	vor.u32 $0x80, v33  }
0x144: {  	v29 =	vadd.f32 v39, v40;
	v33 =	vmul.f32 v45, v18;
	v34 =	vmul.f32 v30, v18;
	v39 =	vld.idx.msk [tilespmem:v24+s16+$0x0], $0xffff  }
0x145: {  	v40 =	vand.u32 $0xFFFF0000, v42;
	v24 =	vshll.u32 v42, $0x10;
	v28 =	vadd.f32 v32, v28;
	v30 =	vld.idx.msk [tilespmem:v15+s16+$0x0], $0xffff;
	v15 =	vmovc v27  }
0x146: {  	v27 =	vadd.f32 v33, v29;
	v24 =	vmul.f32 v24, v20;
	v29 =	vmul.f32 v40, v20;
	v31 =	vld.idx.msk [tilespmem:v31+s16+$0x0], $0xffff  }
0x147: {  	v33 =	vand.u32 $0xFFFFFF80, v44;
	v40 =	vshll.u32 v41, $0x7;
	v32 =	vadd.f32 v34, v28;
	v28 =	vld.idx.msk [tilespmem:v19+s16+$0x0], $0xffff  }
0x148: {  	v33 =	vadd.s32 v40, v33;
	v34 =	vadd.f32 v24, v27;
	v19 =	vand.u32 $0x7F, v44;
	v40 =	vld.idx.msk [tilespmem:v23+s16+$0x0], $0xffff  }
0x149: {  	v24 =	vadd.s32 $0x1000, v37;
	v29 =	vadd.f32 v29, v32;
	v23 =	vadd.s32 $0x3000, v37;
	v27 =	vld.idx.msk [tilespmem:v14+s16+$0x0], $0xffff  }
0x14a: {  	v37 =	vand.u32 $0xFFFF0000, v43;
	v14 =	vshll.u32 v43, $0x10;
	v32 =	vshll.u32 v39, $0x10  }
0x14b: {  	v39 =	vand.u32 $0xFFFF0000, v39;
	v14 =	vmul.f32 v14, v22;
	v32 =	vmul.f32 v32, v35  }
.Ltmp1:
0x14c: {  	v22 =	vmul.f32 v37, v22;
	v35 =	vmul.f32 v39, v35;
	v41 =	vshll.u32 v31, $0x10;
	(pc) =	sbr.rel @p1 .LBB2_5-.Ltmp1, $4  }
0x14d: {  	v31 =	vand.u32 $0xFFFF0000, v31;
	v14 =	vadd.f32 v32, v14;
	v32 =	vmul.f32 v41, v36  }
0x14e: {  	v35 =	vadd.f32 v35, v22;
	v31 =	vmul.f32 v31, v36;
	v37 =	vshll.u32 v40, $0x10  }
0x14f: {  	v36 =	vand.u32 $0xFFFF0000, v40;
	v14 =	vadd.f32 v32, v14;
	v32 =	vmul.f32 v37, v38  }
0x150: {  	v22 =	vor.u32 v19, v33;
	v31 =	vadd.f32 v31, v35;
	v33 =	vmul.f32 v36, v38  }
0x151: {  	v19 =	vadd.s32 $0x2000, v22;
	_ =	sdelay $0x1  }
0x152: {  	v21 =	vor.u32 $0x80, v21  }
0x153: {  	v14 =	vadd.f32 v32, v14;
	v25 =	vor.u32 $0x80, v25;
	v37 =	vshll.u32 v26, $0x10  }
0x154: {  	v38 =	vshll.u32 v30, $0x10;
	v39 =	vand.u32 $0xFFFF0000, v26;
	[tilespmem:v22+s18+$0x0] =	vst.idx.msk $0xffff, v34;
	v31 =	vadd.f32 v33, v31  }
0x155: {  	v40 =	vand.u32 $0xFFFF0000, v30;
	v32 =	vmul.f32 v37, v5;
	v33 =	vmul.f32 v38, v7;
	[tilespmem:v19+s18+$0x0] =	vst.idx.msk $0xffff, v29  }
0x156: {  	v41 =	vshll.u32 v28, $0x10;
	v43 =	vand.u32 $0xFFFF0000, v28;
	v5 =	vmul.f32 v39, v5;
	v16 =	vld.idx.msk [tilespmem:v16+s16+$0x0], $0xffff  }
0x157: {  	v42 =	vmul.f32 v40, v7;
	v44 =	vadd.f32 v33, v32;
	v19 =	vmul.f32 v41, v6;
	v15 =	vld.idx.msk [tilespmem:v15+s16+$0x0], $0xffff  }
0x158: {  	v45 =	vshll.u32 v27, $0x10;
	v47 =	vand.u32 $0xFFFF0000, v27;
	v46 =	vmul.f32 v43, v6  }
0x159: {  	v48 =	vmul.f32 v45, v8;
	v5 =	vadd.f32 v42, v5;
	v21 =	vld.idx.msk [tilespmem:v21+s16+$0x0], $0xffff;
	v19 =	vadd.f32 v19, v44  }
0x15a: {  	v49 =	vadd.s32 $0x1000, v22;
	v50 =	vadd.f32 v10, v9;
	v51 =	vadd.s32 $0x3000, v22  }
0x15b: {  	v7 =	vmul.f32 v47, v8;
	v5 =	vadd.f32 v46, v5;
	v53 =	vld.idx.msk [tilespmem:v25+s16+$0x0], $0xffff;
	v52 =	vadd.f32 v48, v19  }
0x15c: {  	v54 =	vshll.u32 v16, $0x10;
	v55 =	vshll.u32 v15, $0x10;
	v16 =	vand.u32 $0xFFFF0000, v16  }
0x15d: {  	v15 =	vand.u32 $0xFFFF0000, v15;
	v22 =	vmul.f32 v54, v11;
	v25 =	vmul.f32 v55, v17  }
0x15e: {  	v56 =	vshll.u32 v21, $0x10;
	v57 =	vmul.f32 v16, v11;
	v15 =	vmul.f32 v15, v17  }
0x15f: {  	[tilespmem:v24+s18+$0x0] =	vst.idx.msk $0xffff, v14;
	v58 =	vand.u32 $0xFFFF0000, v21;
	v60 =	vmul.f32 v56, v18;
	v59 =	vadd.f32 v25, v22  }
0x160: {  	[tilespmem:v4+s18+$0x0] =	vst.idx.msk $0xffff, v50;
	v61 =	vshll.u32 v53, $0x10;
	v14 =	vmul.f32 v58, v18;
	v11 =	vadd.f32 v15, v57  }
0x161: {  	[tilespmem:v23+s18+$0x0] =	vst.idx.msk $0xffff, v31;
	v4 =	vand.u32 $0xFFFF0000, v53;
	v63 =	vmul.f32 v61, v20;
	v62 =	vadd.f32 v60, v59  }
0x162: {  	v5 =	vadd.f32 v7, v5;
	v4 =	vmul.f32 v4, v20;
	v11 =	vadd.f32 v14, v11  }
0x163: {  	[tilespmem:v12+s18+$0x0] =	vst.idx.msk $0xffff, v52;
	v6 =	vadd.f32 v63, v62  }
0x164: {  	p1 =	sne.s32 s29, $0xF;
	[tilespmem:v13+s18+$0x0] =	vst.idx.msk $0xffff, v5;
	v4 =	vadd.f32 v4, v11  }
.Ltmp2:
0x165: {  	s0 =	sshll.u32 s29, $0xB;
	[tilespmem:v49+s18+$0x0] =	vst.idx.msk $0xffff, v6;
	(pc) =	sbr.rel @p1 .LBB2_8-.Ltmp2, $4  }
0x166: {  	s0 =	sadd.s32 s0, s8;
	[tilespmem:v51+s18+$0x0] =	vst.idx.msk $0xffff, v4  }
0x167: {  	[hbm4b:s0+s4] =	stream.linear.scatter [tilespmem:s18], [sflag:$0x3], $0x2000, $0x38;
	[tilespmem:$0x18E80] =	vst v63  }
0x168: {  	s0 =	sadd.s32 $0x8000, s0  }
0x169: {  	[hbm4b:s0+s4] =	stream.linear.scatter [tilespmem:s19], [sflag:$0x3], $0x2000, $0x38;
	[tilespmem:$0x18E80] =	vst v63  }
.Ltmp3:
0x16a: {  	(pc) =	sbr.rel .LBB2_9-.Ltmp3, $4  }
0x16b: {  	_ = 	snop  }
0x16c: {  	_ =	swait.ge [sflag:s20], $0x3C00  }
0x16d: {  	[sflag:s20] =	ssyncset.done $0x0  }
0x16e: {  	[sflag:s20] =	ssyncadd.s32 $0xFFFFC400  }
.LBB2_8:
0x16f: {  	s0 =	sshll.u32 s29, $0x2  }
0x170: {  	s0 =	sadd.s32 $0x4, s0  }
0x171: {  	s2 =	sadd.s32 s26, s0  }
0x172: {  	s2 =	sshrl.u32 s2, $0x3  }
0x173: {  	s0 =	sshll.u32 s0, $0x7;
	s2 =	smul.u32 $0xF000, s2  }
0x174: {  	s0 =	sand.u32 $0x200, s0  }
0x175: {  	s0 =	sor.u32 s0, s2  }
0x176: {  	s0 =	sshrl.u32 s0, $0x3  }
.Ltmp4:
0x177: {  	s0 =	sadd.s32 s1, s0;
	(pc) =	sbr.rel @p0 .LBB2_10-.Ltmp4, $4  }
0x178: {  	[tilespmem:s16], [sflag:$0x1] =	stream.strided.gather [hbm4b:s0+s14], $0x3C00, s15, s14, $0x38;
	[tilespmem:$0x18E80] =	vst v63  }
0x179: {  	_ =	swait.ge [sflag:s20], $0x3C00  }
0x17a: {  	[sflag:s20] =	ssyncset.done $0x0  }
0x17b: {  	[sflag:s20] =	ssyncadd.s32 $0xFFFFC400  }
.LBB2_9:
0x17c: {  	_ =	swait.ge [sflag:s21], $0x2000  }
0x17d: {  	[sflag:s21] =	ssyncset.done $0x0  }
0x17e: {  	[sflag:s21] =	ssyncadd.s32 $0xFFFFE000  }
0x17f: {  	_ =	swait.ge [sflag:s21], $0x2000  }
0x180: {  	[sflag:s21] =	ssyncset.done $0x0  }
0x181: {  	[sflag:s21] =	ssyncadd.s32 $0xFFFFE000  }
.LBB2_10:
0x182: {  	s0 =	simm.s32 $0x0  }
0x183: {  	s2 =	simm.s32 $0x0;
	s0 =	sand.u32 $0x60, s0  }
0x184: {  	s2 =	sand.u32 $0xFFFFFE00, s2;
	s5 =	sor.u32 $0x10, s0  }
0x185: {  	s9 =	sor.u32 s2, s5  }
0x186: {  	v4 =	vld [tilespmem:s9+$0x1900]  }
0x187: {  	s3 =	simm.s32 $0x0;
	s2 =	sor.u32 s0, s2;
	v5 =	vld [tilespmem:s9+$0x1980]  }
0x188: {  	s3 =	sand.u32 $0x3FFFFF00, s3;
	v6 =	vld [tilespmem:s2+$0x1900]  }
0x189: {  	s3 =	sadd.s32 $0x7D00, s3;
	v8 =	vld [tilespmem:s2+$0x1980]  }
0x18a: {  	s5 =	sor.u32 s5, s3;
	v7 =	vld [tilespmem:s9+$0x1A00]  }
0x18b: {  	v15 =	vld [tilespmem:s5+$0x0]  }
0x18c: {  	v9 =	vshll.u32 v4, $0x1;
	v4 =	vand.u32 $0x7F, v4  }
0x18d: {  	v10 =	vld [tilespmem:s9+$0x1A80];
	v11 =	vshll.u32 v5, $0x1;
	v5 =	vand.u32 $0x7F, v5;
	v12 =	vshll.u32 v6, $0x1  }
0x18e: {  	v14 =	vshll.u32 v8, $0x1;
	v6 =	vand.u32 $0x7F, v6;
	v9 =	vand.u32 $0xFFFFFF00, v9  }
0x18f: {  	v13 =	vld [tilespmem:s2+$0x1A80];
	v8 =	vand.u32 $0x7F, v8;
	v11 =	vand.u32 $0xFFFFFF00, v11;
	v4 =	vor.u32 v4, v9  }
0x190: {  	v15 =	vshll.u32 v15, $0x7;
	v9 =	vld [tilespmem:s2+$0x1A00];
	v5 =	vor.u32 v5, v11;
	v11 =	vshll.u32 v7, $0x1  }
0x191: {  	v16 =	vld [tilespmem:s5+$0x80];
	v12 =	vand.u32 $0xFFFFFF00, v12;
	v7 =	vand.u32 $0x7F, v7;
	v11 =	vand.u32 $0xFFFFFF00, v11  }
0x192: {  	v19 =	vld [tilespmem:s9+$0x4B00];
	v14 =	vand.u32 $0xFFFFFF00, v14;
	v7 =	vor.u32 v7, v11;
	v11 =	vshll.u32 v10, $0x1  }
0x193: {  	v23 =	vld [tilespmem:s9+$0x4C00];
	v6 =	vor.u32 v6, v12;
	v10 =	vand.u32 $0x7F, v10;
	v11 =	vand.u32 $0xFFFFFF00, v11  }
0x194: {  	v8 =	vor.u32 v8, v14;
	v12 =	vshll.u32 v13, $0x1;
	v20 =	vor.u32 v10, v11;
	v17 =	vld.idx.msk [tilespmem:v4+s17+$0x0], $0xffff  }
0x195: {  	v13 =	vand.u32 $0x7F, v13;
	v12 =	vand.u32 $0xFFFFFF00, v12;
	v10 =	vshll.u32 v9, $0x1;
	v11 =	vld.idx.msk [tilespmem:v5+s17+$0x0], $0xffff  }
0x196: {  	v14 =	vld [tilespmem:s9+$0x4B80];
	v18 =	vor.u32 $0x80, v6;
	v9 =	vand.u32 $0x7F, v9;
	v10 =	vand.u32 $0xFFFFFF00, v10  }
0x197: {  	v24 =	vor.u32 v13, v12;
	v22 =	vor.u32 v9, v10;
	v10 =	vld.idx.msk [tilespmem:v7+s17+$0x0], $0xffff;
	v9 =	vand.u32 $0xFFFFFF80, v16  }
0x198: {  	v26 =	vld [tilespmem:s9+$0x4C80];
	v4 =	vor.u32 $0x80, v4;
	v16 =	vand.u32 $0x7F, v16;
	v9 =	vadd.s32 v15, v9  }
0x199: {  	v5 =	vor.u32 $0x80, v5;
	v7 =	vor.u32 $0x80, v7;
	v15 =	vld.idx.msk [tilespmem:v20+s17+$0x0], $0xffff;
	v16 =	vor.u32 v16, v9  }
0x19a: {  	v6 =	vld.idx.msk [tilespmem:v6+s17+$0x0], $0xffff;
	v12 =	vshll.u32 v17, $0x10;
	v13 =	vshll.u32 v11, $0x10;
	v17 =	vand.u32 $0xFFFF0000, v17  }
0x19b: {  	v11 =	vand.u32 $0xFFFF0000, v11;
	v12 =	vmul.f32 v12, v19;
	v13 =	vmul.f32 v13, v14  }
0x19c: {  	v25 =	vld.idx.msk [tilespmem:v8+s17+$0x0], $0xffff;
	v17 =	vmul.f32 v17, v19;
	v11 =	vmul.f32 v11, v14;
	v21 =	vshll.u32 v10, $0x10  }
0x19d: {  	v9 =	vld [tilespmem:s2+$0x4B00];
	v27 =	vand.u32 $0xFFFF0000, v10;
	v12 =	vadd.f32 v13, v12;
	v13 =	vmul.f32 v21, v23  }
0x19e: {  	v10 =	vld [tilespmem:s2+$0x4B80];
	v11 =	vadd.f32 v11, v17;
	v17 =	vmul.f32 v27, v23;
	v21 =	vshll.u32 v15, $0x10  }
0x19f: {  	v29 =	vshll.u32 v6, $0x10;
	v27 =	vld.idx.msk [tilespmem:v22+s17+$0x0], $0xffff;
	v12 =	vadd.f32 v13, v12;
	v13 =	vmul.f32 v21, v26  }
0x1a0: {  	v15 =	vand.u32 $0xFFFF0000, v15;
	v21 =	vadd.s32 $0x2000, v16;
	v28 =	vadd.f32 v17, v11;
	v11 =	vld [tilespmem:s2+$0x4C00]  }
0x1a1: {  	s0 =	sor.u32 s0, s3;
	v6 =	vand.u32 $0xFFFF0000, v6;
	v15 =	vmul.f32 v15, v26;
	v12 =	vadd.f32 v13, v12;
	v13 =	vld.idx.msk [tilespmem:v24+s17+$0x0], $0xffff  }
0x1a2: {  	v32 =	vld [tilespmem:s0+$0x80];
	v30 =	vshll.u32 v25, $0x10;
	v25 =	vand.u32 $0xFFFF0000, v25;
	v6 =	vmul.f32 v6, v9  }
0x1a3: {  	v17 =	vld [tilespmem:s2+$0x4C80];
	v15 =	vadd.f32 v15, v28;
	v28 =	vmul.f32 v29, v9;
	v30 =	vmul.f32 v30, v10  }
0x1a4: {  	v29 =	vld [tilespmem:s0+$0x0];
	v25 =	vmul.f32 v25, v10;
	v31 =	vshll.u32 v27, $0x10;
	[tilespmem:v16+s22+$0x0] =	vst.idx.msk $0xffff, v12;
	v12 =	vand.u32 $0xFFFF0000, v27  }
0x1a5: {  	[tilespmem:v21+s22+$0x0] =	vst.idx.msk $0xffff, v15;
	v15 =	vor.u32 $0x80, v20;
	v20 =	vadd.f32 v30, v28;
	v21 =	vmul.f32 v31, v11  }
0x1a6: {  	v6 =	vadd.f32 v25, v6;
	v12 =	vmul.f32 v12, v11;
	v4 =	vld.idx.msk [tilespmem:v4+s17+$0x0], $0xffff;
	v27 =	vshll.u32 v13, $0x10  }
0x1a7: {  	v5 =	vld.idx.msk [tilespmem:v5+s17+$0x0], $0xffff;
	v13 =	vand.u32 $0xFFFF0000, v13;
	v21 =	vadd.f32 v21, v20;
	v20 =	vor.u32 $0x80, v8  }
0x1a8: {  	v6 =	vadd.f32 v12, v6;
	v12 =	vand.u32 $0xFFFFFF80, v32;
	v25 =	vmul.f32 v27, v17  }
0x1a9: {  	v7 =	vld.idx.msk [tilespmem:v7+s17+$0x0], $0xffff;
	v8 =	vmul.f32 v13, v17;
	v13 =	vshll.u32 v29, $0x7;
	v27 =	vand.u32 $0x7F, v32  }
0x1aa: {  	v28 =	vadd.s32 v13, v12;
	v12 =	vadd.s32 $0x1000, v16;
	v13 =	vadd.s32 $0x3000, v16  }
0x1ab: {  	s5 =	simm.s32 $0x20;
	v21 =	vadd.f32 v25, v21;
	v25 =	vadd.f32 v8, v6;
	v29 =	vor.u32 v27, v28  }
0x1ac: {  	s9 =	simm.s32 $0x80;
	s0 =	sand.u32 $0x60, s5;
	v15 =	vld.idx.msk [tilespmem:v15+s17+$0x0], $0xffff;
	v6 =	vshll.u32 v4, $0x10;
	v8 =	vshll.u32 v5, $0x10;
	v4 =	vand.u32 $0xFFFF0000, v4  }
0x1ad: {  	s2 =	sand.u32 $0xFFFFFE00, s9;
	s5 =	sor.u32 $0x10, s0;
	v5 =	vand.u32 $0xFFFF0000, v5;
	v6 =	vmul.f32 v6, v19;
	v8 =	vmul.f32 v8, v14  }
0x1ae: {  	s3 =	sor.u32 s2, s5;
	v16 =	vshll.u32 v7, $0x10;
	v4 =	vmul.f32 v4, v19;
	v5 =	vmul.f32 v5, v14  }
0x1af: {  	v7 =	vand.u32 $0xFFFF0000, v7;
	v19 =	vld [tilespmem:s3+$0x1900];
	v6 =	vadd.f32 v8, v6;
	v8 =	vmul.f32 v16, v23  }
0x1b0: {  	v27 =	vor.u32 $0x80, v22;
	v4 =	vadd.f32 v5, v4;
	v5 =	vmul.f32 v7, v23  }
0x1b1: {  	s2 =	sor.u32 s0, s2;
	v23 =	vld [tilespmem:s3+$0x1980];
	v14 =	vshll.u32 v15, $0x10;
	v7 =	vand.u32 $0xFFFF0000, v15;
	v6 =	vadd.f32 v8, v6  }
0x1b2: {  	s12 =	simm.s32 $0x40;
	v31 =	vld [tilespmem:s2+$0x1900];
	v8 =	vmul.f32 v14, v26;
	v4 =	vadd.f32 v5, v4;
	v5 =	vmul.f32 v7, v26  }
0x1b3: {  	s9 =	sand.u32 $0x3FFFFF00, s12;
	v28 =	vor.u32 $0x80, v24;
	v30 =	vadd.s32 $0x2000, v29;
	v7 =	vld [tilespmem:s3+$0x1A00];
	v14 =	vadd.s32 $0x1000, v29  }
0x1b4: {  	s12 =	sadd.s32 $0x7D00, s9;
	v16 =	vadd.f32 v8, v6;
	v15 =	vadd.f32 v5, v4;
	v5 =	vld [tilespmem:s2+$0x1980];
	v6 =	vshll.u32 v19, $0x1  }
0x1b5: {  	s5 =	sor.u32 s5, s12;
	v8 =	vld [tilespmem:s3+$0x1A80];
	v4 =	vadd.s32 $0x3000, v29;
	v19 =	vand.u32 $0x7F, v19;
	v6 =	vand.u32 $0xFFFFFF00, v6  }
0x1b6: {  	v34 =	vld [tilespmem:s5+$0x80];
	v24 =	vshll.u32 v23, $0x1;
	v26 =	vor.u32 v19, v6;
	v6 =	vand.u32 $0x7F, v23  }
0x1b7: {  	v22 =	vld [tilespmem:s2+$0x1A00];
	v23 =	vand.u32 $0xFFFFFF00, v24;
	v24 =	vshll.u32 v31, $0x1;
	v31 =	vand.u32 $0x7F, v31  }
0x1b8: {  	v19 =	vld [tilespmem:s2+$0x1A80];
	v53 =	vshll.u32 v7, $0x1;
	v33 =	vor.u32 v6, v23;
	v7 =	vand.u32 $0x7F, v7  }
0x1b9: {  	v6 =	vld [tilespmem:s5+$0x0];
	v24 =	vand.u32 $0xFFFFFF00, v24;
	v23 =	vand.u32 $0xFFFFFF00, v53;
	v54 =	vshll.u32 v5, $0x1  }
0x1ba: {  	v35 =	vor.u32 v7, v23;
	v7 =	vshll.u32 v8, $0x1;
	v8 =	vand.u32 $0x7F, v8  }
0x1bb: {  	v39 =	vld [tilespmem:s3+$0x4B80];
	v5 =	vand.u32 $0x7F, v5;
	v23 =	vand.u32 $0xFFFFFF00, v54;
	v7 =	vand.u32 $0xFFFFFF00, v7  }
0x1bc: {  	v36 =	vld.idx.msk [tilespmem:v26+s17+$0x0], $0xffff;
	v37 =	vor.u32 v8, v7;
	v7 =	vor.u32 v31, v24;
	v8 =	vshll.u32 v22, $0x1  }
0x1bd: {  	v31 =	vor.u32 v5, v23;
	v5 =	vand.u32 $0x7F, v22;
	v22 =	vshll.u32 v19, $0x1;
	v38 =	vld.idx.msk [tilespmem:v33+s17+$0x0], $0xffff  }
0x1be: {  	v32 =	vld [tilespmem:s3+$0x4B00];
	v24 =	vand.u32 $0xFFFFFF80, v34;
	v8 =	vand.u32 $0xFFFFFF00, v8;
	v6 =	vshll.u32 v6, $0x7  }
0x1bf: {  	v23 =	vor.u32 v5, v8;
	v5 =	vand.u32 $0x7F, v34;
	v6 =	vadd.s32 v6, v24;
	v8 =	vld.idx.msk [tilespmem:v35+s17+$0x0], $0xffff  }
0x1c0: {  	v22 =	vand.u32 $0xFFFFFF00, v22;
	v34 =	vld [tilespmem:s3+$0x4C00];
	v24 =	vand.u32 $0x7F, v19;
	v40 =	vor.u32 v5, v6  }
0x1c1: {  	v19 =	vor.u32 $0x80, v7;
	v24 =	vor.u32 v24, v22;
	v41 =	vadd.s32 $0x2000, v40;
	v6 =	vld.idx.msk [tilespmem:v37+s17+$0x0], $0xffff  }
0x1c2: {  	s0 =	sor.u32 s0, s12;
	v42 =	vld [tilespmem:s3+$0x4C80];
	v22 =	vshll.u32 v36, $0x10;
	v36 =	vand.u32 $0xFFFF0000, v36;
	v43 =	vshll.u32 v38, $0x10  }
0x1c3: {  	v60 =	vld [tilespmem:s0+$0x80];
	v38 =	vand.u32 $0xFFFF0000, v38;
	v22 =	vmul.f32 v22, v32;
	v43 =	vmul.f32 v43, v39  }
0x1c4: {  	v44 =	vld.idx.msk [tilespmem:v7+s17+$0x0], $0xffff;
	v36 =	vmul.f32 v36, v32;
	v38 =	vmul.f32 v38, v39;
	v7 =	vshll.u32 v8, $0x10  }
0x1c5: {  	v58 =	vld [tilespmem:s0+$0x0];
	v8 =	vand.u32 $0xFFFF0000, v8;
	v22 =	vadd.f32 v43, v22;
	v55 =	vmul.f32 v7, v34  }
0x1c6: {  	v5 =	vld [tilespmem:s2+$0x4B00];
	v36 =	vadd.f32 v38, v36;
	v8 =	vmul.f32 v8, v34;
	v46 =	vshll.u32 v6, $0x10  }
0x1c7: {  	v45 =	vld.idx.msk [tilespmem:v31+s17+$0x0], $0xffff;
	v47 =	vand.u32 $0xFFFF0000, v6;
	v43 =	vadd.f32 v55, v22;
	v46 =	vmul.f32 v46, v42  }
0x1c8: {  	v26 =	vor.u32 $0x80, v26;
	v7 =	vld [tilespmem:s2+$0x4B80];
	v8 =	vadd.f32 v8, v36;
	v57 =	vmul.f32 v47, v42  }
0x1c9: {  	v53 =	vand.u32 $0xFFFFFF80, v60;
	v33 =	vor.u32 $0x80, v33;
	v56 =	vld.idx.msk [tilespmem:v23+s17+$0x0], $0xffff;
	v43 =	vadd.f32 v46, v43  }
0x1ca: {  	v54 =	vshll.u32 v58, $0x7;
	v35 =	vor.u32 $0x80, v35;
	v6 =	vld [tilespmem:s2+$0x4C00];
	v36 =	vadd.f32 v57, v8  }
0x1cb: {  	v37 =	vor.u32 $0x80, v37;
	v59 =	vshll.u32 v44, $0x10;
	v22 =	vor.u32 $0x80, v31;
	v31 =	vld.idx.msk [tilespmem:v24+s17+$0x0], $0xffff;
	[tilespmem:v40+s22+$0x0] =	vst.idx.msk $0xffff, v43  }
0x1cc: {  	v48 =	vshll.u32 v45, $0x10;
	v44 =	vand.u32 $0xFFFF0000, v44;
	v47 =	vmul.f32 v59, v5;
	v8 =	vld [tilespmem:s2+$0x4C80];
	[tilespmem:v41+s22+$0x0] =	vst.idx.msk $0xffff, v36  }
0x1cd: {  	v45 =	vand.u32 $0xFFFF0000, v45;
	v61 =	vmul.f32 v44, v5;
	v48 =	vmul.f32 v48, v7;
	v63 =	vld.idx.msk [tilespmem:v26+s17+$0x0], $0xffff  }
0x1ce: {  	[tilespmem:v29+s22+$0x0] =	vst.idx.msk $0xffff, v21;
	v55 =	vand.u32 $0x7F, v60;
	v49 =	vshll.u32 v56, $0x10;
	v62 =	vmul.f32 v45, v7;
	v33 =	vld.idx.msk [tilespmem:v33+s17+$0x0], $0xffff  }
0x1cf: {  	v38 =	vand.u32 $0xFFFF0000, v56;
	v50 =	vmul.f32 v49, v6;
	v26 =	vadd.f32 v48, v47;
	v35 =	vld.idx.msk [tilespmem:v35+s17+$0x0], $0xffff  }
0x1d0: {  	s31 =	simm.s32 $0x40;
	[tilespmem:v30+s22+$0x0] =	vst.idx.msk $0xffff, v25;
	v38 =	vmul.f32 v38, v6;
	v51 =	vshll.u32 v31, $0x10;
	v36 =	vadd.f32 v62, v61  }
0x1d1: {  	s0 =	sand.u32 $0x60, s31;
	s5 =	simm.s32 $0x100;
	v31 =	vand.u32 $0xFFFF0000, v31;
	v37 =	vld.idx.msk [tilespmem:v37+s17+$0x0], $0xffff;
	v52 =	vmul.f32 v51, v8;
	v26 =	vadd.f32 v50, v26  }
0x1d2: {  	s9 =	simm.s32 $0x80;
	v60 =	vadd.s32 v54, v53;
	s2 =	sand.u32 $0xFFFFFE00, s5;
	s5 =	sor.u32 $0x10, s0;
	v31 =	vmul.f32 v31, v8;
	v36 =	vadd.f32 v38, v36  }
0x1d3: {  	v18 =	vld.idx.msk [tilespmem:v18+s17+$0x0], $0xffff;
	s3 =	sand.u32 $0x3FFFFF00, s9;
	s12 =	sor.u32 s2, s5;
	v26 =	vadd.f32 v52, v26;
	v56 =	vshll.u32 v63, $0x10;
	v57 =	vshll.u32 v33, $0x10  }
0x1d4: {  	s3 =	sadd.s32 $0x7D00, s3;
	s2 =	sor.u32 s0, s2;
	v43 =	vld [tilespmem:s12+$0x1900];
	v44 =	vand.u32 $0xFFFF0000, v63;
	v21 =	vand.u32 $0xFFFF0000, v33;
	v25 =	vshll.u32 v35, $0x10  }
0x1d5: {  	s5 =	sor.u32 s5, s3;
	v46 =	vld [tilespmem:s2+$0x1900];
	v59 =	vand.u32 $0xFFFF0000, v35;
	v29 =	vmul.f32 v56, v32;
	v58 =	vmul.f32 v57, v39  }
0x1d6: {  	v51 =	vld [tilespmem:s5+$0x80];
	v61 =	vshll.u32 v37, $0x10;
	v30 =	vmul.f32 v44, v32;
	v21 =	vmul.f32 v21, v39  }
0x1d7: {  	v62 =	vand.u32 $0xFFFF0000, v37;
	v63 =	vld.idx.msk [tilespmem:v27+s17+$0x0], $0xffff;
	v27 =	vadd.f32 v31, v36;
	v25 =	vmul.f32 v25, v34  }
0x1d8: {  	v20 =	vld.idx.msk [tilespmem:v20+s17+$0x0], $0xffff;
	v29 =	vadd.f32 v58, v29;
	v21 =	vadd.f32 v21, v30;
	v30 =	vmul.f32 v59, v34  }
0x1d9: {  	v33 =	vand.u32 $0x7F, v43;
	v32 =	vmul.f32 v61, v42;
	v34 =	vmul.f32 v62, v42  }
0x1da: {  	v42 =	vld.idx.msk [tilespmem:v28+s17+$0x0], $0xffff;
	v28 =	vor.u32 v55, v60;
	v25 =	vadd.f32 v25, v29;
	v21 =	vadd.f32 v30, v21  }
0x1db: {  	[tilespmem:v12+s22+$0x0] =	vst.idx.msk $0xffff, v16;
	v35 =	vand.u32 $0x7F, v46;
	v54 =	vand.u32 $0xFFFFFF80, v51;
	v12 =	vadd.s32 $0x1000, v28  }
0x1dc: {  	v30 =	vadd.s32 $0x1000, v40;
	v32 =	vadd.f32 v32, v25;
	v31 =	vadd.f32 v34, v21  }
0x1dd: {  	v21 =	vshll.u32 v18, $0x10;
	v25 =	vshll.u32 v20, $0x10;
	v18 =	vand.u32 $0xFFFF0000, v18  }
0x1de: {  	v20 =	vand.u32 $0xFFFF0000, v20;
	v21 =	vmul.f32 v21, v9;
	v25 =	vmul.f32 v25, v10  }
0x1df: {  	v44 =	vshll.u32 v63, $0x10;
	v9 =	vmul.f32 v18, v9;
	v10 =	vmul.f32 v20, v10;
	v18 =	vld [tilespmem:s12+$0x1980]  }
0x1e0: {  	v20 =	vand.u32 $0xFFFF0000, v63;
	v21 =	vadd.f32 v25, v21;
	v25 =	vmul.f32 v44, v11  }
0x1e1: {  	v47 =	vld [tilespmem:s12+$0x1A80];
	v9 =	vadd.f32 v10, v9;
	v11 =	vmul.f32 v20, v11;
	v10 =	vand.u32 $0xFFFF0000, v42  }
0x1e2: {  	v45 =	vshll.u32 v42, $0x10;
	v20 =	vld [tilespmem:s12+$0x1A00];
	v10 =	vmul.f32 v10, v17;
	v21 =	vadd.f32 v25, v21  }
0x1e3: {  	v25 =	vmul.f32 v45, v17;
	v17 =	vld [tilespmem:s2+$0x1980];
	v9 =	vadd.f32 v11, v9;
	v11 =	vshll.u32 v43, $0x1  }
0x1e4: {  	v29 =	vadd.s32 $0x3000, v40;
	v11 =	vand.u32 $0xFFFFFF00, v11;
	v48 =	vshll.u32 v18, $0x1  }
0x1e5: {  	v49 =	vld [tilespmem:s2+$0x1A00];
	v38 =	vor.u32 v33, v11;
	v11 =	vand.u32 $0x7F, v18;
	v18 =	vand.u32 $0xFFFFFF00, v48  }
0x1e6: {  	v34 =	vand.u32 $0x7F, v47;
	v33 =	vadd.f32 v25, v21;
	v25 =	vld [tilespmem:s2+$0x1A80];
	v36 =	vor.u32 v11, v18  }
0x1e7: {  	v21 =	vld [tilespmem:s5+$0x0];
	v11 =	vshll.u32 v20, $0x1;
	v18 =	vshll.u32 v46, $0x1;
	v20 =	vand.u32 $0x7F, v20  }
0x1e8: {  	v37 =	vld [tilespmem:s12+$0x4B80];
	v11 =	vand.u32 $0xFFFFFF00, v11;
	v18 =	vand.u32 $0xFFFFFF00, v18;
	v50 =	vshll.u32 v17, $0x1  }
0x1e9: {  	v39 =	vld [tilespmem:s12+$0x4B00];
	v41 =	vor.u32 v20, v11;
	v11 =	vshll.u32 v47, $0x1;
	v17 =	vand.u32 $0x7F, v17  }
0x1ea: {  	v45 =	vld [tilespmem:s12+$0x4C00];
	v35 =	vor.u32 v35, v18;
	v20 =	vand.u32 $0xFFFFFF00, v50;
	v11 =	vand.u32 $0xFFFFFF00, v11  }
0x1eb: {  	v52 =	vld.idx.msk [tilespmem:v38+s17+$0x0], $0xffff;
	v34 =	vor.u32 v34, v11;
	v11 =	vshll.u32 v49, $0x1;
	v43 =	vor.u32 v17, v20  }
0x1ec: {  	s0 =	sor.u32 s0, s3;
	v17 =	vand.u32 $0x7F, v49;
	v53 =	vshll.u32 v25, $0x1;
	v55 =	vshll.u32 v21, $0x7;
	v18 =	vld.idx.msk [tilespmem:v36+s17+$0x0], $0xffff  }
0x1ed: {  	v25 =	vand.u32 $0x7F, v25;
	v20 =	vand.u32 $0xFFFFFF00, v11;
	v56 =	vadd.s32 v55, v54;
	v55 =	vld [tilespmem:s0+$0x0]  }
0x1ee: {  	v38 =	vor.u32 $0x80, v38;
	v21 =	vor.u32 v17, v20;
	v20 =	vand.u32 $0x7F, v51;
	v17 =	vld.idx.msk [tilespmem:v41+s17+$0x0], $0xffff  }
0x1ef: {  	v48 =	vld [tilespmem:s12+$0x4C80];
	v44 =	vand.u32 $0xFFFFFF00, v53;
	v36 =	vor.u32 $0x80, v36;
	v40 =	vor.u32 v20, v56  }
0x1f0: {  	v25 =	vor.u32 v25, v44;
	v62 =	vadd.s32 $0x2000, v40;
	v20 =	vld.idx.msk [tilespmem:v34+s17+$0x0], $0xffff;
	v57 =	vshll.u32 v52, $0x10  }
0x1f1: {  	v42 =	vand.u32 $0xFFFF0000, v52;
	v59 =	vld.idx.msk [tilespmem:v43+s17+$0x0], $0xffff;
	v58 =	vshll.u32 v18, $0x10;
	v46 =	vmul.f32 v57, v39  }
0x1f2: {  	v11 =	vld [tilespmem:s2+$0x4B00];
	v18 =	vand.u32 $0xFFFF0000, v18;
	v42 =	vmul.f32 v42, v39;
	v47 =	vmul.f32 v58, v37  }
0x1f3: {  	[tilespmem:v13+s22+$0x0] =	vst.idx.msk $0xffff, v15;
	v49 =	vld.idx.msk [tilespmem:v35+s17+$0x0], $0xffff;
	v15 =	vshll.u32 v55, $0x7;
	v18 =	vmul.f32 v18, v37;
	v50 =	vshll.u32 v17, $0x10  }
0x1f4: {  	v52 =	vld.idx.msk [tilespmem:v21+s17+$0x0], $0xffff;
	v51 =	vand.u32 $0xFFFF0000, v17;
	v46 =	vadd.f32 v47, v46;
	v60 =	vmul.f32 v50, v45  }
0x1f5: {  	v53 =	vld.idx.msk [tilespmem:v25+s17+$0x0], $0xffff;
	v18 =	vadd.f32 v18, v42;
	v61 =	vmul.f32 v51, v45;
	v63 =	vshll.u32 v20, $0x10  }
0x1f6: {  	v17 =	vld [tilespmem:s2+$0x4B80];
	v20 =	vand.u32 $0xFFFF0000, v20;
	v58 =	vshll.u32 v59, $0x10;
	v44 =	vand.u32 $0xFFFF0000, v59  }
0x1f7: {  	v46 =	vadd.f32 v60, v46;
	v56 =	vmul.f32 v63, v48;
	v42 =	vadd.f32 v61, v18  }
0x1f8: {  	v57 =	vmul.f32 v20, v48;
	v20 =	vshll.u32 v49, $0x10;
	v49 =	vand.u32 $0xFFFF0000, v49  }
0x1f9: {  	v18 =	vld [tilespmem:s2+$0x4C00];
	v54 =	vmul.f32 v20, v11;
	v49 =	vmul.f32 v49, v11;
	v59 =	vshll.u32 v52, $0x10  }
0x1fa: {  	v60 =	vld [tilespmem:s0+$0x80];
	v61 =	vand.u32 $0xFFFF0000, v52;
	v63 =	vshll.u32 v53, $0x10;
	v46 =	vadd.f32 v56, v46  }
0x1fb: {  	v20 =	vld [tilespmem:s2+$0x4C80];
	v52 =	vor.u32 $0x80, v24;
	v47 =	vmul.f32 v58, v17;
	v42 =	vadd.f32 v57, v42  }
0x1fc: {  	v44 =	vmul.f32 v44, v17;
	[tilespmem:v40+s22+$0x0] =	vst.idx.msk $0xffff, v46;
	v46 =	vor.u32 $0x80, v23;
	v23 =	vor.u32 $0x80, v41  }
0x1fd: {  	v24 =	vor.u32 $0x80, v34;
	v16 =	vand.u32 $0xFFFF0000, v53;
	v47 =	vadd.f32 v47, v54;
	[tilespmem:v62+s22+$0x0] =	vst.idx.msk $0xffff, v42  }
0x1fe: {  	v54 =	vadd.s32 $0x2000, v28;
	v44 =	vadd.f32 v44, v49;
	v51 =	vmul.f32 v59, v18;
	v38 =	vld.idx.msk [tilespmem:v38+s17+$0x0], $0xffff  }
0x1ff: {  	v41 =	vmul.f32 v61, v18;
	v13 =	vand.u32 $0xFFFFFF80, v60;
	v60 =	vand.u32 $0x7F, v60;
	v36 =	vld.idx.msk [tilespmem:v36+s17+$0x0], $0xffff  }
0x200: {  	[tilespmem:v30+s22+$0x0] =	vst.idx.msk $0xffff, v32;
	v56 =	vmul.f32 v63, v20;
	v57 =	vadd.s32 v15, v13;
	v13 =	vadd.s32 $0x3000, v28  }
0x201: {  	v58 =	vmul.f32 v16, v20;
	v62 =	vadd.f32 v51, v47;
	v41 =	vadd.f32 v41, v44;
	v59 =	vld.idx.msk [tilespmem:v23+s17+$0x0], $0xffff  }
0x202: {  	[tilespmem:v29+s22+$0x0] =	vst.idx.msk $0xffff, v31;
	v16 =	vor.u32 $0x80, v35;
	v15 =	vor.u32 $0x80, v43;
	v31 =	vld.idx.msk [tilespmem:v24+s17+$0x0], $0xffff;
	v24 =	vadd.s32 $0x1000, v40  }
0x203: {  	v34 =	vadd.f32 v56, v62;
	v29 =	vadd.f32 v58, v41;
	v23 =	vadd.s32 $0x3000, v40  }
0x204: {  	[tilespmem:v28+s22+$0x0] =	vst.idx.msk $0xffff, v26;
	v26 =	vshll.u32 v38, $0x10;
	v28 =	vshll.u32 v36, $0x10;
	v30 =	vand.u32 $0xFFFF0000, v38  }
0x205: {  	[tilespmem:v54+s22+$0x0] =	vst.idx.msk $0xffff, v27;
	v27 =	vand.u32 $0xFFFF0000, v36;
	v61 =	vmul.f32 v26, v39;
	v28 =	vmul.f32 v28, v37  }
0x206: {  	[tilespmem:v14+s22+$0x0] =	vst.idx.msk $0xffff, v33;
	v62 =	vmul.f32 v30, v39;
	v27 =	vmul.f32 v27, v37;
	v14 =	vshll.u32 v59, $0x10  }
0x207: {  	v26 =	vld.idx.msk [tilespmem:v19+s17+$0x0], $0xffff;
	v19 =	vand.u32 $0xFFFF0000, v59;
	v32 =	vadd.f32 v28, v61;
	v14 =	vmul.f32 v14, v45  }
0x208: {  	v30 =	vld.idx.msk [tilespmem:v22+s17+$0x0], $0xffff;
	v22 =	vshll.u32 v31, $0x10;
	v33 =	vadd.f32 v27, v62;
	v19 =	vmul.f32 v19, v45  }
0x209: {  	v63 =	vand.u32 $0xFFFF0000, v31;
	v28 =	vld.idx.msk [tilespmem:v46+s17+$0x0], $0xffff;
	v14 =	vadd.f32 v14, v32;
	v32 =	vmul.f32 v22, v48  }
0x20a: {  	s0 =	simm.s32 $0x4;
	v27 =	vld.idx.msk [tilespmem:v52+s17+$0x0], $0xffff;
	v22 =	vor.u32 v60, v57;
	v31 =	vadd.f32 v19, v33;
	v33 =	vmul.f32 v63, v48  }
.LBB2_11:
0x20b: {  	s0 =	sadd.s32 $0x2, s0;
	v35 =	vadd.s32 $0x2000, v22;
	v19 =	vor.u32 $0x80, v21;
	v21 =	vadd.f32 v32, v14;
	s31 =	sadd.s32 $0x20, s31  }
0x20c: {  	v14 =	vor.u32 $0x80, v25;
	s12 =	sand.u32 $0x60, s31;
	s2 =	sshll.u32 s0, $0x6;
	v25 =	vadd.f32 v33, v31;
	v31 =	vshll.u32 v26, $0x10  }
0x20d: {  	s3 =	sand.u32 $0xFFFFFE00, s2;
	s5 =	sor.u32 $0x10, s12;
	[tilespmem:v24+s22+$0x0] =	vst.idx.msk $0xffff, v21;
	v21 =	vshll.u32 v30, $0x10;
	v24 =	vand.u32 $0xFFFF0000, v26;
	v26 =	vand.u32 $0xFFFF0000, v30  }
0x20e: {  	s2 =	sor.u32 s12, s3;
	s3 =	sor.u32 s3, s5;
	[tilespmem:v23+s22+$0x0] =	vst.idx.msk $0xffff, v25;
	v23 =	vshll.u32 v28, $0x10;
	v25 =	vmul.f32 v31, v5;
	v21 =	vmul.f32 v21, v7  }
0x20f: {  	p0 =	slt.u32 s0, $0xC6;
	v28 =	vand.u32 $0xFFFF0000, v28;
	v31 =	vmul.f32 v24, v5;
	v32 =	vmul.f32 v26, v7;
	v30 =	vld [tilespmem:s3+$0x1900];
	[tilespmem:v22+s22+$0x0] =	vst.idx.msk $0xffff, v34  }
0x210: {  	v26 =	vshll.u32 v27, $0x10;
	v23 =	vmul.f32 v23, v6;
	v24 =	vld [tilespmem:s3+$0x1980];
	[tilespmem:v35+s22+$0x0] =	vst.idx.msk $0xffff, v29;
	v21 =	vadd.f32 v21, v25  }
0x211: {  	v27 =	vand.u32 $0xFFFF0000, v27;
	v5 =	vmovc v11;
	v7 =	vmovc v17;
	v28 =	vmul.f32 v28, v6;
	v29 =	vadd.f32 v32, v31;
	v25 =	vld [tilespmem:s2+$0x1900]  }
0x212: {  	v6 =	vmovc v18;
	v17 =	vld [tilespmem:s3+$0x1A00];
	v11 =	vadd.f32 v23, v21;
	v21 =	vmul.f32 v26, v8;
	v23 =	vmul.f32 v27, v8  }
0x213: {  	v26 =	vadd.s32 $0x1000, v22;
	v27 =	vadd.f32 v10, v9;
	v9 =	vadd.f32 v28, v29;
	v8 =	vmovc v20;
	v18 =	vld [tilespmem:s2+$0x1980]  }
0x214: {  	s9 =	sshll.u32 s0, $0x5;
	v22 =	vadd.s32 $0x3000, v22;
	v20 =	vld [tilespmem:s3+$0x1A80];
	v28 =	vshll.u32 v30, $0x1;
	v11 =	vadd.f32 v21, v11;
	v10 =	vmovc v23  }
0x215: {  	s9 =	sand.u32 $0x3FFFFF00, s9;
	v23 =	vand.u32 $0x7F, v30;
	v21 =	vld [tilespmem:s2+$0x1A00];
	v28 =	vand.u32 $0xFFFFFF00, v28;
	v29 =	vshll.u32 v24, $0x1;
	[tilespmem:v4+s22+$0x0] =	vst.idx.msk $0xffff, v27;
	v4 =	vmovc v13;
	v13 =	vmovc v22  }
0x216: {  	s9 =	sadd.s32 $0x7D00, s9;
	v22 =	vand.u32 $0x7F, v24;
	v27 =	vld [tilespmem:s2+$0x1A80];
	v23 =	vor.u32 v23, v28;
	v24 =	vand.u32 $0xFFFFFF00, v29;
	[tilespmem:v12+s22+$0x0] =	vst.idx.msk $0xffff, v11;
	v12 =	vmovc v26  }
0x217: {  	s12 =	sor.u32 s12, s9;
	s5 =	sor.u32 s5, s9;
	v26 =	vshll.u32 v25, $0x1;
	v11 =	vld [tilespmem:s2+$0x4B00];
	v24 =	vor.u32 v22, v24;
	v22 =	vshll.u32 v17, $0x1  }
0x218: {  	v17 =	vand.u32 $0x7F, v17;
	v28 =	vshll.u32 v18, $0x1;
	v29 =	vld [tilespmem:s5+$0x0];
	v22 =	vand.u32 $0xFFFFFF00, v22  }
0x219: {  	v26 =	vand.u32 $0xFFFFFF00, v26;
	v30 =	vld [tilespmem:s5+$0x80];
	v31 =	vor.u32 v17, v22;
	v17 =	vshll.u32 v20, $0x1  }
0x21a: {  	v28 =	vand.u32 $0xFFFFFF00, v28;
	v20 =	vand.u32 $0x7F, v20;
	v22 =	vld [tilespmem:s3+$0x4B00];
	v17 =	vand.u32 $0xFFFFFF00, v17  }
0x21b: {  	v25 =	vand.u32 $0x7F, v25;
	v18 =	vand.u32 $0x7F, v18;
	v32 =	vld.idx.msk [tilespmem:v23+s17+$0x0], $0xffff;
	v33 =	vor.u32 v20, v17  }
0x21c: {  	v18 =	vor.u32 v18, v28;
	v17 =	vor.u32 v25, v26;
	v20 =	vshll.u32 v21, $0x1;
	v26 =	vld.idx.msk [tilespmem:v24+s17+$0x0], $0xffff  }
0x21d: {  	v21 =	vand.u32 $0x7F, v21;
	v25 =	vshll.u32 v27, $0x1;
	v20 =	vand.u32 $0xFFFFFF00, v20;
	v35 =	vld [tilespmem:s3+$0x4B80]  }
0x21e: {  	v21 =	vor.u32 v21, v20;
	v29 =	vshll.u32 v29, $0x7;
	v20 =	vld.idx.msk [tilespmem:v31+s17+$0x0], $0xffff;
	v28 =	vand.u32 $0xFFFFFF80, v30  }
0x21f: {  	v25 =	vand.u32 $0xFFFFFF00, v25;
	v30 =	vand.u32 $0x7F, v30;
	v36 =	vld [tilespmem:s3+$0x4C00];
	v28 =	vadd.s32 v29, v28  }
0x220: {  	v27 =	vand.u32 $0x7F, v27;
	v29 =	vor.u32 $0x80, v17;
	v34 =	vld.idx.msk [tilespmem:v33+s17+$0x0], $0xffff;
	v37 =	vor.u32 v30, v28  }
0x221: {  	v25 =	vor.u32 v27, v25;
	v27 =	vor.u32 $0x80, v18;
	v28 =	vld.idx.msk [tilespmem:v17+s17+$0x0], $0xffff;
	v30 =	vadd.s32 $0x2000, v37  }
0x222: {  	v17 =	vshll.u32 v32, $0x10;
	v39 =	vshll.u32 v26, $0x10;
	v32 =	vand.u32 $0xFFFF0000, v32;
	v38 =	vld [tilespmem:s3+$0x4C80]  }
0x223: {  	v39 =	vmul.f32 v39, v35;
	v40 =	vld.idx.msk [tilespmem:v18+s17+$0x0], $0xffff;
	v18 =	vand.u32 $0xFFFF0000, v26;
	v26 =	vmul.f32 v17, v22  }
0x224: {  	v32 =	vmul.f32 v32, v22;
	v41 =	vshll.u32 v20, $0x10;
	v17 =	vld [tilespmem:s2+$0x4B80];
	v42 =	vmul.f32 v18, v35  }
0x225: {  	v20 =	vand.u32 $0xFFFF0000, v20;
	v43 =	vld.idx.msk [tilespmem:v21+s17+$0x0], $0xffff;
	v26 =	vadd.f32 v39, v26;
	v39 =	vmul.f32 v41, v36  }
0x226: {  	v20 =	vmul.f32 v20, v36;
	v41 =	vshll.u32 v34, $0x10;
	v18 =	vld [tilespmem:s2+$0x4C00];
	v32 =	vadd.f32 v42, v32  }
0x227: {  	v34 =	vand.u32 $0xFFFF0000, v34;
	v42 =	vld.idx.msk [tilespmem:v25+s17+$0x0], $0xffff;
	v26 =	vadd.f32 v39, v26;
	v39 =	vmul.f32 v41, v38  }
0x228: {  	v23 =	vor.u32 $0x80, v23;
	v34 =	vmul.f32 v34, v38;
	v41 =	vld [tilespmem:s12+$0x0];
	v32 =	vadd.f32 v20, v32  }
0x229: {  	v24 =	vor.u32 $0x80, v24;
	v45 =	vshll.u32 v28, $0x10;
	v44 =	vld [tilespmem:s12+$0x80];
	v26 =	vadd.f32 v39, v26  }
0x22a: {  	v28 =	vand.u32 $0xFFFF0000, v28;
	v39 =	vshll.u32 v40, $0x10;
	v20 =	vld [tilespmem:s2+$0x4C80];
	v32 =	vadd.f32 v34, v32  }
0x22b: {  	v31 =	vor.u32 $0x80, v31;
	v34 =	vand.u32 $0xFFFF0000, v40;
	v40 =	vmul.f32 v45, v11;
	[tilespmem:v37+s22+$0x0] =	vst.idx.msk $0xffff, v26;
	v26 =	vld.idx.msk [tilespmem:v16+s17+$0x0], $0xffff  }
0x22c: {  	v28 =	vmul.f32 v28, v11;
	v45 =	vshll.u32 v43, $0x10;
	v39 =	vmul.f32 v39, v17;
	[tilespmem:v30+s22+$0x0] =	vst.idx.msk $0xffff, v32  }
0x22d: {  	v16 =	vmovc v29;
	v30 =	vand.u32 $0xFFFF0000, v43;
	v32 =	vmul.f32 v34, v17;
	v43 =	vld.idx.msk [tilespmem:v23+s17+$0x0], $0xffff;
	v23 =	vor.u32 $0x80, v33  }
0x22e: {  	v29 =	vadd.f32 v39, v40;
	v33 =	vmul.f32 v45, v18;
	v34 =	vmul.f32 v30, v18;
	v39 =	vld.idx.msk [tilespmem:v24+s17+$0x0], $0xffff  }
0x22f: {  	v40 =	vand.u32 $0xFFFF0000, v42;
	v24 =	vshll.u32 v42, $0x10;
	v28 =	vadd.f32 v32, v28;
	v30 =	vld.idx.msk [tilespmem:v15+s17+$0x0], $0xffff;
	v15 =	vmovc v27  }
0x230: {  	v27 =	vadd.f32 v33, v29;
	v24 =	vmul.f32 v24, v20;
	v29 =	vmul.f32 v40, v20;
	v31 =	vld.idx.msk [tilespmem:v31+s17+$0x0], $0xffff  }
0x231: {  	v33 =	vand.u32 $0xFFFFFF80, v44;
	v40 =	vshll.u32 v41, $0x7;
	v32 =	vadd.f32 v34, v28;
	v28 =	vld.idx.msk [tilespmem:v19+s17+$0x0], $0xffff  }
0x232: {  	v33 =	vadd.s32 v40, v33;
	v34 =	vadd.f32 v24, v27;
	v19 =	vand.u32 $0x7F, v44;
	v40 =	vld.idx.msk [tilespmem:v23+s17+$0x0], $0xffff  }
0x233: {  	v24 =	vadd.s32 $0x1000, v37;
	v29 =	vadd.f32 v29, v32;
	v23 =	vadd.s32 $0x3000, v37;
	v27 =	vld.idx.msk [tilespmem:v14+s17+$0x0], $0xffff  }
0x234: {  	v37 =	vand.u32 $0xFFFF0000, v43;
	v14 =	vshll.u32 v43, $0x10;
	v32 =	vshll.u32 v39, $0x10  }
0x235: {  	v39 =	vand.u32 $0xFFFF0000, v39;
	v14 =	vmul.f32 v14, v22;
	v32 =	vmul.f32 v32, v35  }
.Ltmp5:
0x236: {  	v22 =	vmul.f32 v37, v22;
	v35 =	vmul.f32 v39, v35;
	v41 =	vshll.u32 v31, $0x10;
	(pc) =	sbr.rel @p0 .LBB2_11-.Ltmp5, $4  }
0x237: {  	v31 =	vand.u32 $0xFFFF0000, v31;
	v14 =	vadd.f32 v32, v14;
	v32 =	vmul.f32 v41, v36  }
0x238: {  	v35 =	vadd.f32 v35, v22;
	v31 =	vmul.f32 v31, v36;
	v37 =	vshll.u32 v40, $0x10  }
0x239: {  	v36 =	vand.u32 $0xFFFF0000, v40;
	v14 =	vadd.f32 v32, v14;
	v32 =	vmul.f32 v37, v38  }
0x23a: {  	v22 =	vor.u32 v19, v33;
	v31 =	vadd.f32 v31, v35;
	v33 =	vmul.f32 v36, v38  }
0x23b: {  	v19 =	vadd.s32 $0x2000, v22;
	_ =	sdelay $0x1  }
0x23c: {  	v21 =	vor.u32 $0x80, v21  }
0x23d: {  	v14 =	vadd.f32 v32, v14;
	v25 =	vor.u32 $0x80, v25;
	v37 =	vshll.u32 v26, $0x10  }
0x23e: {  	v38 =	vshll.u32 v30, $0x10;
	v39 =	vand.u32 $0xFFFF0000, v26;
	[tilespmem:v22+s22+$0x0] =	vst.idx.msk $0xffff, v34;
	v31 =	vadd.f32 v33, v31  }
0x23f: {  	v40 =	vand.u32 $0xFFFF0000, v30;
	v32 =	vmul.f32 v37, v5;
	v33 =	vmul.f32 v38, v7;
	[tilespmem:v19+s22+$0x0] =	vst.idx.msk $0xffff, v29  }
0x240: {  	v41 =	vshll.u32 v28, $0x10;
	v43 =	vand.u32 $0xFFFF0000, v28;
	v5 =	vmul.f32 v39, v5;
	v16 =	vld.idx.msk [tilespmem:v16+s17+$0x0], $0xffff  }
0x241: {  	v42 =	vmul.f32 v40, v7;
	v44 =	vadd.f32 v33, v32;
	v19 =	vmul.f32 v41, v6;
	v15 =	vld.idx.msk [tilespmem:v15+s17+$0x0], $0xffff  }
0x242: {  	v45 =	vshll.u32 v27, $0x10;
	v47 =	vand.u32 $0xFFFF0000, v27;
	v46 =	vmul.f32 v43, v6  }
0x243: {  	v48 =	vmul.f32 v45, v8;
	v5 =	vadd.f32 v42, v5;
	v21 =	vld.idx.msk [tilespmem:v21+s17+$0x0], $0xffff;
	v19 =	vadd.f32 v19, v44  }
0x244: {  	v49 =	vadd.s32 $0x1000, v22;
	v50 =	vadd.f32 v10, v9;
	v51 =	vadd.s32 $0x3000, v22  }
0x245: {  	v7 =	vmul.f32 v47, v8;
	v5 =	vadd.f32 v46, v5;
	v53 =	vld.idx.msk [tilespmem:v25+s17+$0x0], $0xffff;
	v52 =	vadd.f32 v48, v19  }
0x246: {  	v54 =	vshll.u32 v16, $0x10;
	v55 =	vshll.u32 v15, $0x10;
	v16 =	vand.u32 $0xFFFF0000, v16  }
0x247: {  	v15 =	vand.u32 $0xFFFF0000, v15;
	v22 =	vmul.f32 v54, v11;
	v25 =	vmul.f32 v55, v17  }
0x248: {  	v56 =	vshll.u32 v21, $0x10;
	v57 =	vmul.f32 v16, v11;
	v15 =	vmul.f32 v15, v17  }
0x249: {  	[tilespmem:v24+s22+$0x0] =	vst.idx.msk $0xffff, v14;
	v58 =	vand.u32 $0xFFFF0000, v21;
	v60 =	vmul.f32 v56, v18;
	v59 =	vadd.f32 v25, v22  }
0x24a: {  	[tilespmem:v4+s22+$0x0] =	vst.idx.msk $0xffff, v50;
	v61 =	vshll.u32 v53, $0x10;
	v14 =	vmul.f32 v58, v18;
	v11 =	vadd.f32 v15, v57  }
0x24b: {  	[tilespmem:v23+s22+$0x0] =	vst.idx.msk $0xffff, v31;
	v4 =	vand.u32 $0xFFFF0000, v53;
	v63 =	vmul.f32 v61, v20;
	v62 =	vadd.f32 v60, v59  }
0x24c: {  	v5 =	vadd.f32 v7, v5;
	v4 =	vmul.f32 v4, v20;
	v11 =	vadd.f32 v14, v11  }
0x24d: {  	s29 =	sadd.s32 $0x1, s29;
	[tilespmem:v12+s22+$0x0] =	vst.idx.msk $0xffff, v52;
	v6 =	vadd.f32 v63, v62  }
0x24e: {  	p0 =	sne.s32 s29, $0x10;
	[tilespmem:v13+s22+$0x0] =	vst.idx.msk $0xffff, v5;
	v4 =	vadd.f32 v4, v11  }
.Ltmp6:
0x24f: {  	s0 =	sshll.u32 s30, $0xA;
	[tilespmem:v49+s22+$0x0] =	vst.idx.msk $0xffff, v6;
	(pc) =	sbr.rel @p0 .LBB2_4-.Ltmp6, $4  }
0x250: {  	s0 =	sadd.s32 s0, s8;
	[tilespmem:v51+s22+$0x0] =	vst.idx.msk $0xffff, v4  }
0x251: {  	[hbm4b:s0+s4] =	stream.linear.scatter [tilespmem:s22], [sflag:$0x4], $0x2000, $0x38;
	[tilespmem:$0x18E80] =	vst v63  }
0x252: {  	s0 =	sadd.s32 $0x8000, s0  }
0x253: {  	[hbm4b:s0+s4] =	stream.linear.scatter [tilespmem:s23], [sflag:$0x4], $0x2000, $0x38;
	[tilespmem:$0x18E80] =	vst v63  }
0x254: {  	_ =	swait.ge [sflag:s24], $0x2000  }
0x255: {  	[sflag:s24] =	ssyncset.done $0x0  }
0x256: {  	[sflag:s24] =	ssyncadd.s32 $0xFFFFE000  }
0x257: {  	_ =	swait.ge [sflag:s24], $0x2000  }
0x258: {  	[sflag:s24] =	ssyncset.done $0x0  }
0x259: {  	[sflag:s24] =	ssyncadd.s32 $0xFFFFE000  }
0x25a: {  	_ =	swait.ge [sflag:s21], $0x2000  }
0x25b: {  	[sflag:s21] =	ssyncset.done $0x0  }
0x25c: {  	[sflag:s21] =	ssyncadd.s32 $0xFFFFE000  }
0x25d: {  	_ =	swait.ge [sflag:s21], $0x2000  }
0x25e: {  	[sflag:s21] =	ssyncset.done $0x0  }
0x25f: {  	s0 =	rddreg [dreg:$0x6];
	[sflag:s21] =	ssyncadd.s32 $0xFFFFE000  }
0x260: {  	[tilespmem:s4], [sflag:$0x5] =	stream.linear.gather [hbm4b:s0+s4], $0x1900, $0x38;
	[tilespmem:$0x18E80] =	vst v63  }
0x261: {  	_ =	swait.ge [sflag:s13], $0x1900  }
0x262: {  	[sflag:s13] =	ssyncset.done $0x0  }
0x263: {  	[sflag:s13] =	ssyncadd.s32 $0xFFFFE700  }
0x264: {  	v4 =	vld [tilespmem:s6+$0x9600];
	_ =	sdelay $0x4  }
0x265: {  	v4 =	vnsel vm1, $0x0, v4  }
0x266: {  	(xrf0) =	vadd.scan.msk.s32 $0xffff, v4;
	_ =	sdelay $0x5  }
0x267: {  	v4, _, _ =	vpop (xrf0)  }
0x268: {  	(v2sf) =	vpush v4, $0xF;
	_ =	sdelay $0xe  }
0x269: {  	s0 =	spop (v2sf)  }
0x26a: {  	s2 =	smul.u32 $0x78000, s0  }
0x26b: {  	s5 =	simm.s32 $0x0  }
0x26c: {  	v4 =	vor.u32 s5, v1;
	s2 =	sshrl.u32 s2, $0x3  }
0x26d: {  	s26 =	simm.s32 $0x20;
	v5 =	vor.u32 s5, v2;
	s3 =	sadd.s32 s1, s2  }
0x26e: {  	[tilespmem:s16], [sflag:$0x1] =	stream.strided.gather [hbm4b:s3+s14], $0x3C00, s15, s14, $0x38;
	[tilespmem:$0x18E80] =	vst v63  }
0x26f: {  	v6 =	vor.u32 s26, v1;
	v7 =	vor.u32 s26, v2;
	s26 =	simm.s32 $0x0;
	s2 =	sadd.s32 s2, s7  }
0x270: {  	[tilespmem:s17], [sflag:$0x2] =	stream.strided.gather [hbm4b:s2+s14], $0x3C00, s15, s14, $0x38;
	[tilespmem:$0x18E80] =	vst v63  }
0x271: {  	v4 =	vld.idx.msk [tilespmem:v4+s26+$0x0], $0xffff  }
0x272: {  	v5 =	vld.idx.msk [tilespmem:v5+s26+$0x0], $0xffff;
	_ =	sdelay $0x1  }
0x273: {  	v6 =	vld.idx.msk [tilespmem:v6+s26+$0x0], $0xffff  }
0x274: {  	v7 =	vld.idx.msk [tilespmem:v7+s26+$0x0], $0xffff  }
0x275: {  	v4 =	vadd.f32 $1.000000000e+00, v4  }
0x276: {  	v5 =	vadd.f32 $1.000000000e+00, v5  }
0x277: {  	v4 =	vmul.f32 $8.000000000e+01, v4  }
0x278: {  	v6 =	vadd.f32 $1.000000000e+00, v6;
	v5 =	vmul.f32 $2.400000000e+01, v5  }
0x279: {  	s5 =	simm.s32 $0x0;
	v7 =	vadd.f32 $1.000000000e+00, v7;
	v8 =	vadd.f32 $-5.000000000e-01, v4  }
0x27a: {  	s29 =	simm.s32 $0x10;
	v11 =	vor.u32 s5, v0;
	v6 =	vmul.f32 $8.000000000e+01, v6;
	v9 =	vadd.f32 $-5.000000000e-01, v5  }
0x27b: {  	v7 =	vmul.f32 $2.400000000e+01, v7;
	v4 =	vor.u32 s29, v0;
	v10 =	vtrunc.f32 v8  }
0x27c: {  	v5 =	vadd.f32 $-5.000000000e-01, v6;
	v6 =	vtrunc.f32 v9;
	v12 =	vcvt.f32.s32 v10  }
0x27d: {  	v13 =	vcvt.f32.s32 v6;
	vm2 =	vlt.f32 v8, v10;
	vm3 =	vlt.f32 v9, v6  }
0x27e: {  	v10 =	vmul.u32 $0x51EC, v11;
	v14 =	vsel vm2, $0xFFFFFFFF, v3;
	v15 =	vsel vm3, $0xFFFFFFFF, v3  }
0x27f: {  	v6 =	vadd.f32 $-5.000000000e-01, v7;
	v7 =	vadd.s32 v12, v14;
	v12 =	vadd.s32 v13, v15  }
0x280: {  	v14 =	vshrl.u32 v10, $0x15;
	vm2 =	vlt.u32 v7, $0xA0;
	vm3 =	vlt.u32 v12, $0x30  }
0x281: {  	vm5 =	vgt.s32 v7, $0x0;
	v10 =	vadd.s32 $0x1, v7;
	v13 =	vadd.s32 $0x1, v12  }
0x282: {  	vm6 =	vgt.s32 v12, $0x0;
	v15 =	vcvt.s32.f32 v7;
	v16 =	vcvt.s32.f32 v12  }
0x283: {  	vm4 =	vlt.u32 v10, $0xA0;
	v7 =	vnsel vm5, $0x0, v7;
	v12 =	vnsel vm6, $0x0, v12  }
0x284: {  	vm5 =	vgt.s32 v10, $0x0;
	vm14 =	vgt.s32 v13, $0x0;
	vm7 =	vmand vm2, vm3  }
0x285: {  	v12 =	vmin.u32 v12, $0x2F;
	v10 =	vnsel vm5, $0x0, v10;
	v17 =	vnsel vm14, $0x0, v13  }
0x286: {  	v8 =	vsub.f32 v8, v15;
	v9 =	vsub.f32 v9, v16;
	v7 =	vmin.u32 v7, $0x9F  }
0x287: {  	vm5 =	vlt.u32 v13, $0x30;
	vm3 =	vmand vm4, vm3;
	v12 =	vmul.u32 $0xA0, v12  }
0x288: {  	s9 =	simm.s32 $0x0;
	v15 =	vmin.u32 v17, $0x2F;
	v10 =	vmin.u32 v10, $0x9F;
	vm15 =	vmand vm4, vm5  }
0x289: {  	s3 =	sand.u32 $0xFFFFFE00, s9;
	s2 =	sand.u32 $0x60, s5;
	v15 =	vmul.u32 $0xA0, v15;
	v62 =	vsub.f32 $1.000000000e+00, v8;
	v18 =	vsub.f32 $1.000000000e+00, v9  }
0x28a: {  	s12 =	sor.u32 s2, s3;
	v13 =	vmul.f32 v9, v8;
	v61 =	vadd.s32 v7, v12;
	v12 =	vadd.s32 v10, v12  }
0x28b: {  	vm2 =	vmand vm2, vm5;
	v7 =	vadd.s32 v7, v15;
	v10 =	vadd.s32 v10, v15;
	[tilespmem:s12+$0x1980] =	vst v12  }
0x28c: {  	v15 =	vmul.f32 v18, v62;
	v8 =	vmul.f32 v18, v8;
	v12 =	vnsel vm15, $0x0, v13;
	[tilespmem:s12+$0x1A00] =	vst v7  }
0x28d: {  	v7 =	vmul.f32 v9, v62;
	[tilespmem:s12+$0x1A80] =	vst v10;
	v9 =	vmul.u32 $0xFFFFFF9C, v14;
	v10 =	vtrunc.f32 v5  }
0x28e: {  	[tilespmem:s12+$0x1900] =	vst v61;
	v13 =	vnsel vm7, $0x0, v15;
	v8 =	vnsel vm3, $0x0, v8;
	v15 =	vtrunc.f32 v6  }
0x28f: {  	s9 =	simm.s32 $0x0;
	[tilespmem:s12+$0x4C80] =	vst v12;
	v12 =	vcvt.f32.s32 v10;
	v7 =	vnsel vm2, $0x0, v7;
	v63 =	vcvt.f32.s32 v15  }
0x290: {  	s9 =	sand.u32 $0x3FFFFF00, s9;
	[tilespmem:s12+$0x4B00] =	vst v13;
	vm2 =	vlt.f32 v5, v10;
	vm3 =	vlt.f32 v6, v15;
	v10 =	vmul.u32 $0x51EC, v4  }
0x291: {  	s9 =	sadd.s32 $0x7D00, s9;
	[tilespmem:s12+$0x4B80] =	vst v8;
	v11 =	vadd.s32 v11, v9;
	v8 =	vsel vm2, $0xFFFFFFFF, v3;
	v9 =	vsel vm3, $0xFFFFFFFF, v3  }
0x292: {  	s5 =	sor.u32 s2, s9;
	[tilespmem:s12+$0x4C00] =	vst v7;
	v8 =	vadd.s32 v12, v8;
	v9 =	vadd.s32 v63, v9;
	v7 =	vshrl.u32 v10, $0x15  }
0x293: {  	s30 =	simm.s32 $0x60;
	s28 =	sshll.u32 s0, $0x6;
	s12 =	sand.u32 $0x70, s29;
	[tilespmem:s5+$0x80] =	vst v11;
	v13 =	vcvt.s32.f32 v8;
	v12 =	vcvt.s32.f32 v9;
	v10 =	vadd.s32 $0x1, v9  }
0x294: {  	s0 =	simm.s32 $0x0;
	s31 =	sor.u32 s3, s12;
	s2 =	sor.u32 s12, s9;
	[tilespmem:s5+$0x0] =	vst v14;
	v11 =	vadd.s32 $0x1, v8;
	vm2 =	vgt.s32 v9, $0x0;
	vm3 =	vgt.s32 v10, $0x0  }
.LBB2_14:
0x295: {  	s3 =	sadd.s32 $0xFFFFFFE0, s30;
	v14 =	vor.u32 s30, v1;
	v15 =	vor.u32 s30, v2;
	v5 =	vsub.f32 v5, v13  }
0x296: {  	v6 =	vsub.f32 v6, v12;
	v12 =	vnsel vm3, $0x0, v10;
	v13 =	vor.u32 s3, v1  }
0x297: {  	v18 =	vnsel vm2, $0x0, v9;
	v16 =	vor.u32 s3, v2;
	v17 =	vsub.f32 $1.000000000e+00, v5  }
0x298: {  	v18 =	vmin.u32 v18, $0x2F;
	v12 =	vmin.u32 v12, $0x2F;
	v19 =	vsub.f32 $1.000000000e+00, v6  }
0x299: {  	vm2 =	vgt.s32 v8, $0x0;
	vm3 =	vgt.s32 v11, $0x0;
	v20 =	vmul.f32 v6, v17  }
0x29a: {  	v12 =	vmul.u32 $0xA0, v12;
	v17 =	vmul.f32 v19, v17;
	v19 =	vmul.f32 v19, v5  }
0x29b: {  	v21 =	vnsel vm3, $0x0, v11;
	v18 =	vmul.u32 $0xA0, v18;
	v5 =	vmul.f32 v6, v5;
	v13 =	vld.idx.msk [tilespmem:v13+s26+$0x0], $0xffff  }
0x29c: {  	vm4 =	vlt.u32 v10, $0x30;
	vm3 =	vlt.u32 v11, $0xA0;
	v10 =	vnsel vm2, $0x0, v8;
	v6 =	vld.idx.msk [tilespmem:v16+s26+$0x0], $0xffff  }
0x29d: {  	vm5 =	vlt.u32 v9, $0x30;
	vm2 =	vlt.u32 v8, $0xA0;
	v8 =	vmul.u32 $0xFFFFFF9C, v7;
	v11 =	vld.idx.msk [tilespmem:v14+s26+$0x0], $0xffff  }
0x29e: {  	v10 =	vmin.u32 v10, $0x9F;
	vm6 =	vmand vm3, vm5;
	v14 =	vmin.u32 v21, $0x9F;
	v9 =	vld.idx.msk [tilespmem:v15+s26+$0x0], $0xffff  }
0x29f: {  	vm5 =	vmand vm2, vm5;
	vm2 =	vmand vm2, vm4;
	vm3 =	vmand vm3, vm4  }
0x2a0: {  	v16 =	vnsel vm6, $0x0, v19;
	v15 =	vnsel vm5, $0x0, v17;
	v17 =	vnsel vm2, $0x0, v20  }
0x2a1: {  	v19 =	vadd.s32 v10, v12;
	v12 =	vadd.s32 v14, v12;
	v13 =	vadd.f32 $1.000000000e+00, v13;
	[tilespmem:s31+$0x4B00] =	vst v15  }
0x2a2: {  	v5 =	vnsel vm3, $0x0, v5;
	v10 =	vadd.s32 v10, v18;
	v6 =	vadd.f32 $1.000000000e+00, v6;
	[tilespmem:s31+$0x4B80] =	vst v16  }
0x2a3: {  	v14 =	vadd.s32 v14, v18;
	v13 =	vmul.f32 $8.000000000e+01, v13;
	v11 =	vadd.f32 $1.000000000e+00, v11;
	[tilespmem:s31+$0x4C00] =	vst v17  }
0x2a4: {  	v8 =	vadd.s32 v4, v8;
	v6 =	vmul.f32 $2.400000000e+01, v6;
	v9 =	vadd.f32 $1.000000000e+00, v9;
	[tilespmem:s31+$0x1A00] =	vst v19  }
0x2a5: {  	s29 =	sadd.s32 $0x20, s29;
	v13 =	vadd.f32 $-5.000000000e-01, v13;
	v11 =	vmul.f32 $8.000000000e+01, v11;
	[tilespmem:s31+$0x1A80] =	vst v12  }
0x2a6: {  	s5 =	sadd.s32 $0xFFFFFFF0, s29;
	s3 =	sand.u32 $0x70, s29;
	v4 =	vor.u32 s29, v0;
	v12 =	vadd.f32 $-5.000000000e-01, v6;
	v6 =	vmul.f32 $2.400000000e+01, v9;
	[tilespmem:s31+$0x4C80] =	vst v5  }
0x2a7: {  	v15 =	vor.u32 s5, v0;
	v9 =	vtrunc.f32 v13;
	v5 =	vadd.f32 $-5.000000000e-01, v11;
	[tilespmem:s31+$0x1900] =	vst v10  }
0x2a8: {  	v16 =	vmul.u32 $0x51EC, v15;
	v10 =	vcvt.f32.s32 v9;
	v11 =	vtrunc.f32 v12;
	[tilespmem:s31+$0x1980] =	vst v14  }
0x2a9: {  	vm2 =	vlt.f32 v13, v9;
	v14 =	vcvt.f32.s32 v11;
	vm3 =	vlt.f32 v12, v11;
	[tilespmem:s2+$0x0] =	vst v7  }
0x2aa: {  	v6 =	vadd.f32 $-5.000000000e-01, v6;
	v7 =	vsel vm2, $0xFFFFFFFF, v3;
	v9 =	vsel vm3, $0xFFFFFFFF, v3;
	[tilespmem:s2+$0x80] =	vst v8  }
0x2ab: {  	v7 =	vadd.s32 v10, v7;
	v8 =	vadd.s32 v14, v9;
	v9 =	vshrl.u32 v16, $0x15  }
0x2ac: {  	vm2 =	vlt.u32 v7, $0xA0;
	vm3 =	vlt.u32 v8, $0x30;
	vm5 =	vgt.s32 v7, $0x0  }
0x2ad: {  	v10 =	vadd.s32 $0x1, v7;
	v11 =	vadd.s32 $0x1, v8;
	vm6 =	vgt.s32 v8, $0x0  }
0x2ae: {  	v14 =	vcvt.s32.f32 v7;
	v16 =	vcvt.s32.f32 v8;
	vm4 =	vlt.u32 v10, $0xA0  }
0x2af: {  	v7 =	vnsel vm5, $0x0, v7;
	vm5 =	vgt.s32 v10, $0x0;
	v8 =	vnsel vm6, $0x0, v8  }
0x2b0: {  	s0 =	sadd.s32 $0x2, s0;
	vm6 =	vgt.s32 v11, $0x0;
	v7 =	vmin.u32 v7, $0x9F;
	v8 =	vmin.u32 v8, $0x2F  }
0x2b1: {  	p0 =	slt.u32 s0, $0xC6;
	s2 =	sshll.u32 s0, $0x6;
	v10 =	vnsel vm5, $0x0, v10;
	v17 =	vnsel vm6, $0x0, v11;
	v8 =	vmul.u32 $0xA0, v8  }
0x2b2: {  	s5 =	sand.u32 $0x60, s5;
	s2 =	sand.u32 $0xFFFFFE00, s2;
	v13 =	vsub.f32 v13, v14;
	v12 =	vsub.f32 v12, v16;
	v14 =	vmin.u32 v17, $0x2F  }
0x2b3: {  	s9 =	sor.u32 s5, s2;
	s31 =	sor.u32 s2, s3;
	v10 =	vmin.u32 v10, $0x9F;
	v14 =	vmul.u32 $0xA0, v14;
	v16 =	vadd.s32 v7, v8  }
0x2b4: {  	v17 =	vsub.f32 $1.000000000e+00, v13;
	v18 =	vsub.f32 $1.000000000e+00, v12;
	v8 =	vadd.s32 v10, v8;
	[tilespmem:s9+$0x1900] =	vst v16  }
0x2b5: {  	vm5 =	vlt.u32 v11, $0x30;
	v7 =	vadd.s32 v7, v14;
	[tilespmem:s9+$0x1980] =	vst v8;
	v8 =	vmul.f32 v12, v13  }
0x2b6: {  	vm6 =	vmand vm4, vm5;
	[tilespmem:s9+$0x1A00] =	vst v7;
	v7 =	vadd.s32 v10, v14;
	v10 =	vmul.f32 v18, v17  }
0x2b7: {  	vm7 =	vmand vm2, vm3;
	[tilespmem:s9+$0x1A80] =	vst v7;
	v7 =	vmul.f32 v18, v13;
	v8 =	vnsel vm6, $0x0, v8  }
0x2b8: {  	s2 =	sshll.u32 s0, $0x5;
	vm3 =	vmand vm4, vm3;
	v11 =	vmul.f32 v12, v17;
	v10 =	vnsel vm7, $0x0, v10;
	[tilespmem:s9+$0x4C80] =	vst v8  }
0x2b9: {  	s2 =	sand.u32 $0x3FFFFF00, s2;
	vm2 =	vmand vm2, vm5;
	v8 =	vmul.u32 $0xFFFFFF9C, v9;
	[tilespmem:s9+$0x4B00] =	vst v10;
	v7 =	vnsel vm3, $0x0, v7  }
0x2ba: {  	s2 =	sadd.s32 $0x7D00, s2;
	v10 =	vtrunc.f32 v5;
	[tilespmem:s9+$0x4B80] =	vst v7;
	v7 =	vnsel vm2, $0x0, v11;
	v11 =	vtrunc.f32 v6  }
0x2bb: {  	s5 =	sor.u32 s5, s2;
	s2 =	sor.u32 s3, s2;
	[tilespmem:s9+$0x4C00] =	vst v7;
	v7 =	vadd.s32 v15, v8;
	v8 =	vcvt.f32.s32 v10;
	v12 =	vcvt.f32.s32 v11  }
.Ltmp7:
0x2bc: {  	vm2 =	vlt.f32 v5, v10;
	vm3 =	vlt.f32 v6, v11;
	[tilespmem:s5+$0x80] =	vst v7;
	v7 =	vmul.u32 $0x51EC, v4;
	(pc) =	sbr.rel @p0 .LBB2_14-.Ltmp7, $4  }
0x2bd: {  	v10 =	vsel vm3, $0xFFFFFFFF, v3;
	[tilespmem:s5+$0x0] =	vst v9;
	v9 =	vsel vm2, $0xFFFFFFFF, v3  }
0x2be: {  	v8 =	vadd.s32 v8, v9;
	v9 =	vadd.s32 v12, v10;
	v7 =	vshrl.u32 v7, $0x15  }
0x2bf: {  	v13 =	vcvt.s32.f32 v8;
	v12 =	vcvt.s32.f32 v9;
	v10 =	vadd.s32 $0x1, v9  }
0x2c0: {  	s30 =	sadd.s32 $0x40, s30;
	v11 =	vadd.s32 $0x1, v8;
	vm2 =	vgt.s32 v9, $0x0;
	vm3 =	vgt.s32 v10, $0x0  }
0x2c1: {  	v5 =	vsub.f32 v5, v13  }
0x2c2: {  	v6 =	vsub.f32 v6, v12;
	v54 =	vnsel vm3, $0x0, v10;
	v14 =	vnsel vm2, $0x0, v9  }
0x2c3: {  	vm2 =	vgt.s32 v8, $0x0;
	vm3 =	vlt.u32 v8, $0xA0;
	vm4 =	vlt.u32 v9, $0x30  }
0x2c4: {  	vm5 =	vgt.s32 v11, $0x0;
	v14 =	vmin.u32 v14, $0x2F;
	v12 =	vmin.u32 v54, $0x2F  }
0x2c5: {  	v55 =	vnsel vm2, $0x0, v8;
	v59 =	vnsel vm5, $0x0, v11;
	v58 =	vmul.u32 $0xA0, v12  }
0x2c6: {  	v13 =	vsub.f32 $1.000000000e+00, v5;
	v15 =	vsub.f32 $1.000000000e+00, v6;
	v8 =	vmin.u32 v55, $0x9F  }
0x2c7: {  	v61 =	vmin.u32 v59, $0x9F;
	v63 =	vmul.u32 $0xA0, v14;
	v62 =	vadd.s32 v8, v58  }
0x2c8: {  	vm6 =	vlt.u32 v10, $0x30;
	vm2 =	vmand vm3, vm4;
	v10 =	vadd.s32 v61, v58;
	[tilespmem:s31+$0x1A00] =	vst v62  }
0x2c9: {  	v16 =	vmul.f32 v15, v13;
	v56 =	vmul.f32 v15, v5;
	v8 =	vadd.s32 v8, v63;
	[tilespmem:s31+$0x1A80] =	vst v10  }
0x2ca: {  	v13 =	vmul.f32 v6, v13;
	v5 =	vmul.f32 v6, v5;
	v6 =	vadd.s32 v61, v63;
	[tilespmem:s31+$0x1900] =	vst v8  }
0x2cb: {  	vm3 =	vmand vm3, vm6;
	[tilespmem:s31+$0x1980] =	vst v6;
	v57 =	vnsel vm2, $0x0, v16;
	vm2 =	vlt.u32 v11, $0xA0  }
0x2cc: {  	v60 =	vnsel vm3, $0x0, v13;
	vm4 =	vmand vm2, vm4;
	[tilespmem:s31+$0x4B00] =	vst v57;
	vm2 =	vmand vm2, vm6  }
0x2cd: {  	[tilespmem:s31+$0x4C00] =	vst v60;
	v5 =	vnsel vm2, $0x0, v5  }
0x2ce: {  	v9 =	vnsel vm4, $0x0, v56;
	[tilespmem:s31+$0x4C80] =	vst v5;
	v5 =	vmul.u32 $0xFFFFFF9C, v7  }
0x2cf: {  	[tilespmem:s31+$0x4B80] =	vst v9  }
0x2d0: {  	[tilespmem:s2+$0x0] =	vst v7;
	v4 =	vadd.s32 v4, v5  }
0x2d1: {  	s29 =	simm.s32 $0x0;
	[tilespmem:s2+$0x80] =	vst v4  }
.LBB2_16:
0x2d2: {  	p0 =	seq.s32 s29, $0x0  }
0x2d3: {  	s0 =	sshll.u32 @!p0 s29, $0x2  }
0x2d4: {  	s0 =	sadd.s32 @!p0 s28, s0  }
0x2d5: {  	s30 =	sshllo.u32 s29, $0x1;
	s0 =	sshrl.u32 @!p0 s0, $0x3  }
0x2d6: {  	s2 =	sshll.u32 @!p0 s30, $0x8;
	s3 =	simm.s32 @p0 $0x1;
	s0 =	smul.u32 @!p0 $0xF000, s0  }
0x2d7: {  	s2 =	sand.u32 @!p0 $0x300, s2;
	_ =	swait.ge @p0 [sflag:s3], $0x3C00  }
0x2d8: {  	[sflag:s3] =	ssyncset.done @p0 $0x0;
	s0 =	sor.u32 @!p0 s2, s0  }
0x2d9: {  	s5 =	simm.s32 @!p0 $0xD280;
	[sflag:s3] =	ssyncadd.s32 @p0 $0xFFFFC400;
	s0 =	sshrl.u32 @!p0 s0, $0x3  }
0x2da: {  	s3 =	simm.s32 @!p0 $0x400;
	s2 =	simm.s32 @!p0 $0x100;
	s0 =	sadd.s32 @!p0 s1, s0  }
0x2db: {  	[tilespmem:s5], [sflag:$0x2] =	stream.strided.gather @!p0 [hbm4b:s0+s2], $0x3C00, s3, s2, $0x38;
	[tilespmem:$0x18E80] =	vst v63  }
0x2dc: {  	s0 =	simm.s32 @!p0 $0x1  }
0x2dd: {  	_ =	swait.ge @!p0 [sflag:s0], $0x3C00  }
0x2de: {  	[sflag:s0] =	ssyncset.done @!p0 $0x0  }
0x2df: {  	s2 =	simm.s32 @!p0 $0x3;
	[sflag:s0] =	ssyncadd.s32 @!p0 $0xFFFFC400  }
0x2e0: {  	_ =	swait.ge @!p0 [sflag:s2], $0x2000  }
0x2e1: {  	[sflag:s2] =	ssyncset.done @!p0 $0x0  }
0x2e2: {  	[sflag:s2] =	ssyncadd.s32 @!p0 $0xFFFFE000  }
0x2e3: {  	s9 =	simm.s32 $0x0;
	s0 =	sand.u32 $0x60, s26;
	_ =	swait.ge @!p0 [sflag:s2], $0x2000  }
0x2e4: {  	s3 =	sand.u32 $0xFFFFFE00, s9;
	s5 =	sor.u32 $0x10, s0;
	[sflag:s2] =	ssyncset.done @!p0 $0x0  }
0x2e5: {  	s9 =	sor.u32 s3, s5;
	[sflag:s2] =	ssyncadd.s32 @!p0 $0xFFFFE000  }
0x2e6: {  	v4 =	vld [tilespmem:s9+$0x1900]  }
0x2e7: {  	s2 =	sor.u32 s0, s3;
	v5 =	vld [tilespmem:s9+$0x1980]  }
0x2e8: {  	v6 =	vld [tilespmem:s2+$0x1900]  }
0x2e9: {  	v8 =	vld [tilespmem:s2+$0x1980];
	_ =	sdelay $0x1  }
0x2ea: {  	s12 =	simm.s32 $0x0;
	v7 =	vld [tilespmem:s9+$0x1A00]  }
0x2eb: {  	s3 =	sand.u32 $0x3FFFFF00, s12;
	v9 =	vshll.u32 v4, $0x1;
	v4 =	vand.u32 $0x7F, v4  }
0x2ec: {  	v10 =	vld [tilespmem:s9+$0x1A80];
	s3 =	sadd.s32 $0x7D00, s3;
	v11 =	vshll.u32 v5, $0x1;
	v5 =	vand.u32 $0x7F, v5;
	v12 =	vshll.u32 v6, $0x1  }
0x2ed: {  	v13 =	vld [tilespmem:s2+$0x1A80];
	s5 =	sor.u32 s5, s3;
	v14 =	vshll.u32 v8, $0x1;
	v6 =	vand.u32 $0x7F, v6;
	v9 =	vand.u32 $0xFFFFFF00, v9  }
0x2ee: {  	v15 =	vld [tilespmem:s5+$0x0];
	v8 =	vand.u32 $0x7F, v8;
	v11 =	vand.u32 $0xFFFFFF00, v11;
	v4 =	vor.u32 v4, v9  }
0x2ef: {  	v12 =	vand.u32 $0xFFFFFF00, v12;
	v9 =	vld [tilespmem:s2+$0x1A00];
	v5 =	vor.u32 v5, v11;
	v11 =	vshll.u32 v7, $0x1  }
0x2f0: {  	v19 =	vld [tilespmem:s9+$0x4B00];
	v14 =	vand.u32 $0xFFFFFF00, v14;
	v7 =	vand.u32 $0x7F, v7;
	v11 =	vand.u32 $0xFFFFFF00, v11  }
0x2f1: {  	v16 =	vld [tilespmem:s5+$0x80];
	v6 =	vor.u32 v6, v12;
	v7 =	vor.u32 v7, v11;
	v11 =	vshll.u32 v10, $0x1  }
0x2f2: {  	v23 =	vld [tilespmem:s9+$0x4C00];
	v8 =	vor.u32 v8, v14;
	v10 =	vand.u32 $0x7F, v10;
	v11 =	vand.u32 $0xFFFFFF00, v11  }
0x2f3: {  	v12 =	vshll.u32 v13, $0x1;
	v15 =	vshll.u32 v15, $0x7;
	v20 =	vor.u32 v10, v11;
	v17 =	vld.idx.msk [tilespmem:v4+s16+$0x0], $0xffff  }
0x2f4: {  	v13 =	vand.u32 $0x7F, v13;
	v12 =	vand.u32 $0xFFFFFF00, v12;
	v10 =	vshll.u32 v9, $0x1;
	v11 =	vld.idx.msk [tilespmem:v5+s16+$0x0], $0xffff  }
0x2f5: {  	v14 =	vld [tilespmem:s9+$0x4B80];
	v18 =	vor.u32 $0x80, v6;
	v9 =	vand.u32 $0x7F, v9;
	v10 =	vand.u32 $0xFFFFFF00, v10  }
0x2f6: {  	v24 =	vor.u32 v13, v12;
	v22 =	vor.u32 v9, v10;
	v10 =	vld.idx.msk [tilespmem:v7+s16+$0x0], $0xffff;
	v9 =	vand.u32 $0xFFFFFF80, v16  }
0x2f7: {  	v26 =	vld [tilespmem:s9+$0x4C80];
	v4 =	vor.u32 $0x80, v4;
	v16 =	vand.u32 $0x7F, v16;
	v9 =	vadd.s32 v15, v9  }
0x2f8: {  	v5 =	vor.u32 $0x80, v5;
	v7 =	vor.u32 $0x80, v7;
	v15 =	vld.idx.msk [tilespmem:v20+s16+$0x0], $0xffff;
	v16 =	vor.u32 v16, v9  }
0x2f9: {  	v6 =	vld.idx.msk [tilespmem:v6+s16+$0x0], $0xffff;
	v12 =	vshll.u32 v17, $0x10;
	v13 =	vshll.u32 v11, $0x10;
	v17 =	vand.u32 $0xFFFF0000, v17  }
0x2fa: {  	v11 =	vand.u32 $0xFFFF0000, v11;
	v12 =	vmul.f32 v12, v19;
	v13 =	vmul.f32 v13, v14  }
0x2fb: {  	v25 =	vld.idx.msk [tilespmem:v8+s16+$0x0], $0xffff;
	v17 =	vmul.f32 v17, v19;
	v11 =	vmul.f32 v11, v14;
	v21 =	vshll.u32 v10, $0x10  }
0x2fc: {  	v9 =	vld [tilespmem:s2+$0x4B00];
	v27 =	vand.u32 $0xFFFF0000, v10;
	v12 =	vadd.f32 v13, v12;
	v13 =	vmul.f32 v21, v23  }
0x2fd: {  	v10 =	vld [tilespmem:s2+$0x4B80];
	v11 =	vadd.f32 v11, v17;
	v17 =	vmul.f32 v27, v23;
	v21 =	vshll.u32 v15, $0x10  }
0x2fe: {  	v29 =	vshll.u32 v6, $0x10;
	v27 =	vld.idx.msk [tilespmem:v22+s16+$0x0], $0xffff;
	v12 =	vadd.f32 v13, v12;
	v13 =	vmul.f32 v21, v26  }
0x2ff: {  	v15 =	vand.u32 $0xFFFF0000, v15;
	v21 =	vadd.s32 $0x2000, v16;
	v28 =	vadd.f32 v17, v11;
	v11 =	vld [tilespmem:s2+$0x4C00]  }
0x300: {  	s0 =	sor.u32 s0, s3;
	v6 =	vand.u32 $0xFFFF0000, v6;
	v15 =	vmul.f32 v15, v26;
	v12 =	vadd.f32 v13, v12;
	v13 =	vld.idx.msk [tilespmem:v24+s16+$0x0], $0xffff  }
0x301: {  	v32 =	vld [tilespmem:s0+$0x80];
	v30 =	vshll.u32 v25, $0x10;
	v25 =	vand.u32 $0xFFFF0000, v25;
	v6 =	vmul.f32 v6, v9  }
0x302: {  	v17 =	vld [tilespmem:s2+$0x4C80];
	v15 =	vadd.f32 v15, v28;
	v28 =	vmul.f32 v29, v9;
	v30 =	vmul.f32 v30, v10  }
0x303: {  	v29 =	vld [tilespmem:s0+$0x0];
	v25 =	vmul.f32 v25, v10;
	v31 =	vshll.u32 v27, $0x10;
	[tilespmem:v16+s18+$0x0] =	vst.idx.msk $0xffff, v12;
	v12 =	vand.u32 $0xFFFF0000, v27  }
0x304: {  	[tilespmem:v21+s18+$0x0] =	vst.idx.msk $0xffff, v15;
	v15 =	vor.u32 $0x80, v20;
	v20 =	vadd.f32 v30, v28;
	v21 =	vmul.f32 v31, v11  }
0x305: {  	v6 =	vadd.f32 v25, v6;
	v12 =	vmul.f32 v12, v11;
	v4 =	vld.idx.msk [tilespmem:v4+s16+$0x0], $0xffff;
	v27 =	vshll.u32 v13, $0x10  }
0x306: {  	v5 =	vld.idx.msk [tilespmem:v5+s16+$0x0], $0xffff;
	v13 =	vand.u32 $0xFFFF0000, v13;
	v21 =	vadd.f32 v21, v20;
	v20 =	vor.u32 $0x80, v8  }
0x307: {  	v6 =	vadd.f32 v12, v6;
	v12 =	vand.u32 $0xFFFFFF80, v32;
	v25 =	vmul.f32 v27, v17  }
0x308: {  	v7 =	vld.idx.msk [tilespmem:v7+s16+$0x0], $0xffff;
	v8 =	vmul.f32 v13, v17;
	v13 =	vshll.u32 v29, $0x7;
	v27 =	vand.u32 $0x7F, v32  }
0x309: {  	v28 =	vadd.s32 v13, v12;
	v12 =	vadd.s32 $0x1000, v16;
	v13 =	vadd.s32 $0x3000, v16  }
0x30a: {  	s5 =	simm.s32 $0x20;
	v21 =	vadd.f32 v25, v21;
	v25 =	vadd.f32 v8, v6;
	v29 =	vor.u32 v27, v28  }
0x30b: {  	s9 =	simm.s32 $0x80;
	s0 =	sand.u32 $0x60, s5;
	v15 =	vld.idx.msk [tilespmem:v15+s16+$0x0], $0xffff;
	v6 =	vshll.u32 v4, $0x10;
	v8 =	vshll.u32 v5, $0x10;
	v4 =	vand.u32 $0xFFFF0000, v4  }
0x30c: {  	s2 =	sand.u32 $0xFFFFFE00, s9;
	s5 =	sor.u32 $0x10, s0;
	v5 =	vand.u32 $0xFFFF0000, v5;
	v6 =	vmul.f32 v6, v19;
	v8 =	vmul.f32 v8, v14  }
0x30d: {  	s3 =	sor.u32 s2, s5;
	v16 =	vshll.u32 v7, $0x10;
	v4 =	vmul.f32 v4, v19;
	v5 =	vmul.f32 v5, v14  }
0x30e: {  	v7 =	vand.u32 $0xFFFF0000, v7;
	v19 =	vld [tilespmem:s3+$0x1900];
	v6 =	vadd.f32 v8, v6;
	v8 =	vmul.f32 v16, v23  }
0x30f: {  	v27 =	vor.u32 $0x80, v22;
	v4 =	vadd.f32 v5, v4;
	v5 =	vmul.f32 v7, v23  }
0x310: {  	s2 =	sor.u32 s0, s2;
	v23 =	vld [tilespmem:s3+$0x1980];
	v14 =	vshll.u32 v15, $0x10;
	v7 =	vand.u32 $0xFFFF0000, v15;
	v6 =	vadd.f32 v8, v6  }
0x311: {  	s12 =	simm.s32 $0x40;
	v31 =	vld [tilespmem:s2+$0x1900];
	v8 =	vmul.f32 v14, v26;
	v4 =	vadd.f32 v5, v4;
	v5 =	vmul.f32 v7, v26  }
0x312: {  	s9 =	sand.u32 $0x3FFFFF00, s12;
	v28 =	vor.u32 $0x80, v24;
	v30 =	vadd.s32 $0x2000, v29;
	v7 =	vld [tilespmem:s3+$0x1A00];
	v14 =	vadd.s32 $0x1000, v29  }
0x313: {  	s12 =	sadd.s32 $0x7D00, s9;
	v16 =	vadd.f32 v8, v6;
	v15 =	vadd.f32 v5, v4;
	v5 =	vld [tilespmem:s2+$0x1980];
	v6 =	vshll.u32 v19, $0x1  }
0x314: {  	s5 =	sor.u32 s5, s12;
	v8 =	vld [tilespmem:s3+$0x1A80];
	v4 =	vadd.s32 $0x3000, v29;
	v19 =	vand.u32 $0x7F, v19;
	v6 =	vand.u32 $0xFFFFFF00, v6  }
0x315: {  	v34 =	vld [tilespmem:s5+$0x80];
	v24 =	vshll.u32 v23, $0x1;
	v26 =	vor.u32 v19, v6;
	v6 =	vand.u32 $0x7F, v23  }
0x316: {  	v22 =	vld [tilespmem:s2+$0x1A00];
	v23 =	vand.u32 $0xFFFFFF00, v24;
	v24 =	vshll.u32 v31, $0x1;
	v31 =	vand.u32 $0x7F, v31  }
0x317: {  	v19 =	vld [tilespmem:s2+$0x1A80];
	v53 =	vshll.u32 v7, $0x1;
	v33 =	vor.u32 v6, v23;
	v7 =	vand.u32 $0x7F, v7  }
0x318: {  	v6 =	vld [tilespmem:s5+$0x0];
	v24 =	vand.u32 $0xFFFFFF00, v24;
	v23 =	vand.u32 $0xFFFFFF00, v53;
	v54 =	vshll.u32 v5, $0x1  }
0x319: {  	v35 =	vor.u32 v7, v23;
	v7 =	vshll.u32 v8, $0x1;
	v8 =	vand.u32 $0x7F, v8  }
0x31a: {  	v39 =	vld [tilespmem:s3+$0x4B80];
	v5 =	vand.u32 $0x7F, v5;
	v23 =	vand.u32 $0xFFFFFF00, v54;
	v7 =	vand.u32 $0xFFFFFF00, v7  }
0x31b: {  	v36 =	vld.idx.msk [tilespmem:v26+s16+$0x0], $0xffff;
	v37 =	vor.u32 v8, v7;
	v7 =	vor.u32 v31, v24;
	v8 =	vshll.u32 v22, $0x1  }
0x31c: {  	v31 =	vor.u32 v5, v23;
	v5 =	vand.u32 $0x7F, v22;
	v22 =	vshll.u32 v19, $0x1;
	v38 =	vld.idx.msk [tilespmem:v33+s16+$0x0], $0xffff  }
0x31d: {  	v32 =	vld [tilespmem:s3+$0x4B00];
	v24 =	vand.u32 $0xFFFFFF80, v34;
	v8 =	vand.u32 $0xFFFFFF00, v8;
	v6 =	vshll.u32 v6, $0x7  }
0x31e: {  	v23 =	vor.u32 v5, v8;
	v5 =	vand.u32 $0x7F, v34;
	v6 =	vadd.s32 v6, v24;
	v8 =	vld.idx.msk [tilespmem:v35+s16+$0x0], $0xffff  }
0x31f: {  	v22 =	vand.u32 $0xFFFFFF00, v22;
	v34 =	vld [tilespmem:s3+$0x4C00];
	v24 =	vand.u32 $0x7F, v19;
	v40 =	vor.u32 v5, v6  }
0x320: {  	v19 =	vor.u32 $0x80, v7;
	v24 =	vor.u32 v24, v22;
	v41 =	vadd.s32 $0x2000, v40;
	v6 =	vld.idx.msk [tilespmem:v37+s16+$0x0], $0xffff  }
0x321: {  	s0 =	sor.u32 s0, s12;
	v42 =	vld [tilespmem:s3+$0x4C80];
	v22 =	vshll.u32 v36, $0x10;
	v36 =	vand.u32 $0xFFFF0000, v36;
	v43 =	vshll.u32 v38, $0x10  }
0x322: {  	v60 =	vld [tilespmem:s0+$0x80];
	v38 =	vand.u32 $0xFFFF0000, v38;
	v22 =	vmul.f32 v22, v32;
	v43 =	vmul.f32 v43, v39  }
0x323: {  	v44 =	vld.idx.msk [tilespmem:v7+s16+$0x0], $0xffff;
	v36 =	vmul.f32 v36, v32;
	v38 =	vmul.f32 v38, v39;
	v7 =	vshll.u32 v8, $0x10  }
0x324: {  	v58 =	vld [tilespmem:s0+$0x0];
	v8 =	vand.u32 $0xFFFF0000, v8;
	v22 =	vadd.f32 v43, v22;
	v55 =	vmul.f32 v7, v34  }
0x325: {  	v5 =	vld [tilespmem:s2+$0x4B00];
	v36 =	vadd.f32 v38, v36;
	v8 =	vmul.f32 v8, v34;
	v46 =	vshll.u32 v6, $0x10  }
0x326: {  	v45 =	vld.idx.msk [tilespmem:v31+s16+$0x0], $0xffff;
	v47 =	vand.u32 $0xFFFF0000, v6;
	v43 =	vadd.f32 v55, v22;
	v46 =	vmul.f32 v46, v42  }
0x327: {  	v26 =	vor.u32 $0x80, v26;
	v7 =	vld [tilespmem:s2+$0x4B80];
	v8 =	vadd.f32 v8, v36;
	v57 =	vmul.f32 v47, v42  }
0x328: {  	v53 =	vand.u32 $0xFFFFFF80, v60;
	v33 =	vor.u32 $0x80, v33;
	v56 =	vld.idx.msk [tilespmem:v23+s16+$0x0], $0xffff;
	v43 =	vadd.f32 v46, v43  }
0x329: {  	v54 =	vshll.u32 v58, $0x7;
	v35 =	vor.u32 $0x80, v35;
	v6 =	vld [tilespmem:s2+$0x4C00];
	v36 =	vadd.f32 v57, v8  }
0x32a: {  	v37 =	vor.u32 $0x80, v37;
	v59 =	vshll.u32 v44, $0x10;
	v22 =	vor.u32 $0x80, v31;
	v31 =	vld.idx.msk [tilespmem:v24+s16+$0x0], $0xffff;
	[tilespmem:v40+s18+$0x0] =	vst.idx.msk $0xffff, v43  }
0x32b: {  	v48 =	vshll.u32 v45, $0x10;
	v44 =	vand.u32 $0xFFFF0000, v44;
	v47 =	vmul.f32 v59, v5;
	v8 =	vld [tilespmem:s2+$0x4C80];
	[tilespmem:v41+s18+$0x0] =	vst.idx.msk $0xffff, v36  }
0x32c: {  	v45 =	vand.u32 $0xFFFF0000, v45;
	v61 =	vmul.f32 v44, v5;
	v48 =	vmul.f32 v48, v7;
	v63 =	vld.idx.msk [tilespmem:v26+s16+$0x0], $0xffff  }
0x32d: {  	[tilespmem:v29+s18+$0x0] =	vst.idx.msk $0xffff, v21;
	v55 =	vand.u32 $0x7F, v60;
	v49 =	vshll.u32 v56, $0x10;
	v62 =	vmul.f32 v45, v7;
	v33 =	vld.idx.msk [tilespmem:v33+s16+$0x0], $0xffff  }
0x32e: {  	v38 =	vand.u32 $0xFFFF0000, v56;
	v50 =	vmul.f32 v49, v6;
	v26 =	vadd.f32 v48, v47;
	v35 =	vld.idx.msk [tilespmem:v35+s16+$0x0], $0xffff  }
0x32f: {  	s31 =	simm.s32 $0x40;
	[tilespmem:v30+s18+$0x0] =	vst.idx.msk $0xffff, v25;
	v38 =	vmul.f32 v38, v6;
	v51 =	vshll.u32 v31, $0x10;
	v36 =	vadd.f32 v62, v61  }
0x330: {  	s0 =	sand.u32 $0x60, s31;
	s5 =	simm.s32 $0x100;
	v31 =	vand.u32 $0xFFFF0000, v31;
	v37 =	vld.idx.msk [tilespmem:v37+s16+$0x0], $0xffff;
	v52 =	vmul.f32 v51, v8;
	v26 =	vadd.f32 v50, v26  }
0x331: {  	s9 =	simm.s32 $0x80;
	v60 =	vadd.s32 v54, v53;
	s2 =	sand.u32 $0xFFFFFE00, s5;
	s5 =	sor.u32 $0x10, s0;
	v31 =	vmul.f32 v31, v8;
	v36 =	vadd.f32 v38, v36  }
0x332: {  	v18 =	vld.idx.msk [tilespmem:v18+s16+$0x0], $0xffff;
	s3 =	sand.u32 $0x3FFFFF00, s9;
	s12 =	sor.u32 s2, s5;
	v26 =	vadd.f32 v52, v26;
	v56 =	vshll.u32 v63, $0x10;
	v57 =	vshll.u32 v33, $0x10  }
0x333: {  	s3 =	sadd.s32 $0x7D00, s3;
	s2 =	sor.u32 s0, s2;
	v43 =	vld [tilespmem:s12+$0x1900];
	v44 =	vand.u32 $0xFFFF0000, v63;
	v21 =	vand.u32 $0xFFFF0000, v33;
	v25 =	vshll.u32 v35, $0x10  }
0x334: {  	s5 =	sor.u32 s5, s3;
	v46 =	vld [tilespmem:s2+$0x1900];
	v59 =	vand.u32 $0xFFFF0000, v35;
	v29 =	vmul.f32 v56, v32;
	v58 =	vmul.f32 v57, v39  }
0x335: {  	v51 =	vld [tilespmem:s5+$0x80];
	v61 =	vshll.u32 v37, $0x10;
	v30 =	vmul.f32 v44, v32;
	v21 =	vmul.f32 v21, v39  }
0x336: {  	v62 =	vand.u32 $0xFFFF0000, v37;
	v63 =	vld.idx.msk [tilespmem:v27+s16+$0x0], $0xffff;
	v27 =	vadd.f32 v31, v36;
	v25 =	vmul.f32 v25, v34  }
0x337: {  	v20 =	vld.idx.msk [tilespmem:v20+s16+$0x0], $0xffff;
	v29 =	vadd.f32 v58, v29;
	v21 =	vadd.f32 v21, v30;
	v30 =	vmul.f32 v59, v34  }
0x338: {  	v33 =	vand.u32 $0x7F, v43;
	v32 =	vmul.f32 v61, v42;
	v34 =	vmul.f32 v62, v42  }
0x339: {  	v42 =	vld.idx.msk [tilespmem:v28+s16+$0x0], $0xffff;
	v28 =	vor.u32 v55, v60;
	v25 =	vadd.f32 v25, v29;
	v21 =	vadd.f32 v30, v21  }
0x33a: {  	[tilespmem:v12+s18+$0x0] =	vst.idx.msk $0xffff, v16;
	v35 =	vand.u32 $0x7F, v46;
	v54 =	vand.u32 $0xFFFFFF80, v51;
	v12 =	vadd.s32 $0x1000, v28  }
0x33b: {  	v30 =	vadd.s32 $0x1000, v40;
	v32 =	vadd.f32 v32, v25;
	v31 =	vadd.f32 v34, v21  }
0x33c: {  	v21 =	vshll.u32 v18, $0x10;
	v25 =	vshll.u32 v20, $0x10;
	v18 =	vand.u32 $0xFFFF0000, v18  }
0x33d: {  	v20 =	vand.u32 $0xFFFF0000, v20;
	v21 =	vmul.f32 v21, v9;
	v25 =	vmul.f32 v25, v10  }
0x33e: {  	v44 =	vshll.u32 v63, $0x10;
	v9 =	vmul.f32 v18, v9;
	v10 =	vmul.f32 v20, v10;
	v18 =	vld [tilespmem:s12+$0x1980]  }
0x33f: {  	v20 =	vand.u32 $0xFFFF0000, v63;
	v21 =	vadd.f32 v25, v21;
	v25 =	vmul.f32 v44, v11  }
0x340: {  	v47 =	vld [tilespmem:s12+$0x1A80];
	v9 =	vadd.f32 v10, v9;
	v11 =	vmul.f32 v20, v11;
	v10 =	vand.u32 $0xFFFF0000, v42  }
0x341: {  	v45 =	vshll.u32 v42, $0x10;
	v20 =	vld [tilespmem:s12+$0x1A00];
	v10 =	vmul.f32 v10, v17;
	v21 =	vadd.f32 v25, v21  }
0x342: {  	v25 =	vmul.f32 v45, v17;
	v17 =	vld [tilespmem:s2+$0x1980];
	v9 =	vadd.f32 v11, v9;
	v11 =	vshll.u32 v43, $0x1  }
0x343: {  	v29 =	vadd.s32 $0x3000, v40;
	v11 =	vand.u32 $0xFFFFFF00, v11;
	v48 =	vshll.u32 v18, $0x1  }
0x344: {  	v49 =	vld [tilespmem:s2+$0x1A00];
	v38 =	vor.u32 v33, v11;
	v11 =	vand.u32 $0x7F, v18;
	v18 =	vand.u32 $0xFFFFFF00, v48  }
0x345: {  	v34 =	vand.u32 $0x7F, v47;
	v33 =	vadd.f32 v25, v21;
	v25 =	vld [tilespmem:s2+$0x1A80];
	v36 =	vor.u32 v11, v18  }
0x346: {  	v21 =	vld [tilespmem:s5+$0x0];
	v11 =	vshll.u32 v20, $0x1;
	v18 =	vshll.u32 v46, $0x1;
	v20 =	vand.u32 $0x7F, v20  }
0x347: {  	v37 =	vld [tilespmem:s12+$0x4B80];
	v11 =	vand.u32 $0xFFFFFF00, v11;
	v18 =	vand.u32 $0xFFFFFF00, v18;
	v50 =	vshll.u32 v17, $0x1  }
0x348: {  	v39 =	vld [tilespmem:s12+$0x4B00];
	v41 =	vor.u32 v20, v11;
	v11 =	vshll.u32 v47, $0x1;
	v17 =	vand.u32 $0x7F, v17  }
0x349: {  	v45 =	vld [tilespmem:s12+$0x4C00];
	v35 =	vor.u32 v35, v18;
	v20 =	vand.u32 $0xFFFFFF00, v50;
	v11 =	vand.u32 $0xFFFFFF00, v11  }
0x34a: {  	v52 =	vld.idx.msk [tilespmem:v38+s16+$0x0], $0xffff;
	v34 =	vor.u32 v34, v11;
	v11 =	vshll.u32 v49, $0x1;
	v43 =	vor.u32 v17, v20  }
0x34b: {  	s0 =	sor.u32 s0, s3;
	v17 =	vand.u32 $0x7F, v49;
	v53 =	vshll.u32 v25, $0x1;
	v55 =	vshll.u32 v21, $0x7;
	v18 =	vld.idx.msk [tilespmem:v36+s16+$0x0], $0xffff  }
0x34c: {  	v25 =	vand.u32 $0x7F, v25;
	v20 =	vand.u32 $0xFFFFFF00, v11;
	v56 =	vadd.s32 v55, v54;
	v55 =	vld [tilespmem:s0+$0x0]  }
0x34d: {  	v38 =	vor.u32 $0x80, v38;
	v21 =	vor.u32 v17, v20;
	v20 =	vand.u32 $0x7F, v51;
	v17 =	vld.idx.msk [tilespmem:v41+s16+$0x0], $0xffff  }
0x34e: {  	v48 =	vld [tilespmem:s12+$0x4C80];
	v44 =	vand.u32 $0xFFFFFF00, v53;
	v36 =	vor.u32 $0x80, v36;
	v40 =	vor.u32 v20, v56  }
0x34f: {  	v25 =	vor.u32 v25, v44;
	v62 =	vadd.s32 $0x2000, v40;
	v20 =	vld.idx.msk [tilespmem:v34+s16+$0x0], $0xffff;
	v57 =	vshll.u32 v52, $0x10  }
0x350: {  	v42 =	vand.u32 $0xFFFF0000, v52;
	v59 =	vld.idx.msk [tilespmem:v43+s16+$0x0], $0xffff;
	v58 =	vshll.u32 v18, $0x10;
	v46 =	vmul.f32 v57, v39  }
0x351: {  	v11 =	vld [tilespmem:s2+$0x4B00];
	v18 =	vand.u32 $0xFFFF0000, v18;
	v42 =	vmul.f32 v42, v39;
	v47 =	vmul.f32 v58, v37  }
0x352: {  	[tilespmem:v13+s18+$0x0] =	vst.idx.msk $0xffff, v15;
	v49 =	vld.idx.msk [tilespmem:v35+s16+$0x0], $0xffff;
	v15 =	vshll.u32 v55, $0x7;
	v18 =	vmul.f32 v18, v37;
	v50 =	vshll.u32 v17, $0x10  }
0x353: {  	v52 =	vld.idx.msk [tilespmem:v21+s16+$0x0], $0xffff;
	v51 =	vand.u32 $0xFFFF0000, v17;
	v46 =	vadd.f32 v47, v46;
	v60 =	vmul.f32 v50, v45  }
0x354: {  	v53 =	vld.idx.msk [tilespmem:v25+s16+$0x0], $0xffff;
	v18 =	vadd.f32 v18, v42;
	v61 =	vmul.f32 v51, v45;
	v63 =	vshll.u32 v20, $0x10  }
0x355: {  	v17 =	vld [tilespmem:s2+$0x4B80];
	v20 =	vand.u32 $0xFFFF0000, v20;
	v58 =	vshll.u32 v59, $0x10;
	v44 =	vand.u32 $0xFFFF0000, v59  }
0x356: {  	v46 =	vadd.f32 v60, v46;
	v56 =	vmul.f32 v63, v48;
	v42 =	vadd.f32 v61, v18  }
0x357: {  	v57 =	vmul.f32 v20, v48;
	v20 =	vshll.u32 v49, $0x10;
	v49 =	vand.u32 $0xFFFF0000, v49  }
0x358: {  	v18 =	vld [tilespmem:s2+$0x4C00];
	v54 =	vmul.f32 v20, v11;
	v49 =	vmul.f32 v49, v11;
	v59 =	vshll.u32 v52, $0x10  }
0x359: {  	v60 =	vld [tilespmem:s0+$0x80];
	v61 =	vand.u32 $0xFFFF0000, v52;
	v63 =	vshll.u32 v53, $0x10;
	v46 =	vadd.f32 v56, v46  }
0x35a: {  	v20 =	vld [tilespmem:s2+$0x4C80];
	v52 =	vor.u32 $0x80, v24;
	v47 =	vmul.f32 v58, v17;
	v42 =	vadd.f32 v57, v42  }
0x35b: {  	v44 =	vmul.f32 v44, v17;
	[tilespmem:v40+s18+$0x0] =	vst.idx.msk $0xffff, v46;
	v46 =	vor.u32 $0x80, v23;
	v23 =	vor.u32 $0x80, v41  }
0x35c: {  	v24 =	vor.u32 $0x80, v34;
	v16 =	vand.u32 $0xFFFF0000, v53;
	v47 =	vadd.f32 v47, v54;
	[tilespmem:v62+s18+$0x0] =	vst.idx.msk $0xffff, v42  }
0x35d: {  	v54 =	vadd.s32 $0x2000, v28;
	v44 =	vadd.f32 v44, v49;
	v51 =	vmul.f32 v59, v18;
	v38 =	vld.idx.msk [tilespmem:v38+s16+$0x0], $0xffff  }
0x35e: {  	v41 =	vmul.f32 v61, v18;
	v13 =	vand.u32 $0xFFFFFF80, v60;
	v60 =	vand.u32 $0x7F, v60;
	v36 =	vld.idx.msk [tilespmem:v36+s16+$0x0], $0xffff  }
0x35f: {  	[tilespmem:v30+s18+$0x0] =	vst.idx.msk $0xffff, v32;
	v56 =	vmul.f32 v63, v20;
	v57 =	vadd.s32 v15, v13;
	v13 =	vadd.s32 $0x3000, v28  }
0x360: {  	v58 =	vmul.f32 v16, v20;
	v62 =	vadd.f32 v51, v47;
	v41 =	vadd.f32 v41, v44;
	v59 =	vld.idx.msk [tilespmem:v23+s16+$0x0], $0xffff  }
0x361: {  	[tilespmem:v29+s18+$0x0] =	vst.idx.msk $0xffff, v31;
	v16 =	vor.u32 $0x80, v35;
	v15 =	vor.u32 $0x80, v43;
	v31 =	vld.idx.msk [tilespmem:v24+s16+$0x0], $0xffff;
	v24 =	vadd.s32 $0x1000, v40  }
0x362: {  	v34 =	vadd.f32 v56, v62;
	v29 =	vadd.f32 v58, v41;
	v23 =	vadd.s32 $0x3000, v40  }
0x363: {  	[tilespmem:v28+s18+$0x0] =	vst.idx.msk $0xffff, v26;
	v26 =	vshll.u32 v38, $0x10;
	v28 =	vshll.u32 v36, $0x10;
	v30 =	vand.u32 $0xFFFF0000, v38  }
0x364: {  	[tilespmem:v54+s18+$0x0] =	vst.idx.msk $0xffff, v27;
	v27 =	vand.u32 $0xFFFF0000, v36;
	v61 =	vmul.f32 v26, v39;
	v28 =	vmul.f32 v28, v37  }
0x365: {  	[tilespmem:v14+s18+$0x0] =	vst.idx.msk $0xffff, v33;
	v62 =	vmul.f32 v30, v39;
	v27 =	vmul.f32 v27, v37;
	v14 =	vshll.u32 v59, $0x10  }
0x366: {  	v26 =	vld.idx.msk [tilespmem:v19+s16+$0x0], $0xffff;
	v19 =	vand.u32 $0xFFFF0000, v59;
	v32 =	vadd.f32 v28, v61;
	v14 =	vmul.f32 v14, v45  }
0x367: {  	v30 =	vld.idx.msk [tilespmem:v22+s16+$0x0], $0xffff;
	v22 =	vshll.u32 v31, $0x10;
	v33 =	vadd.f32 v27, v62;
	v19 =	vmul.f32 v19, v45  }
0x368: {  	v63 =	vand.u32 $0xFFFF0000, v31;
	v28 =	vld.idx.msk [tilespmem:v46+s16+$0x0], $0xffff;
	v14 =	vadd.f32 v14, v32;
	v32 =	vmul.f32 v22, v48  }
0x369: {  	s0 =	simm.s32 $0x4;
	v27 =	vld.idx.msk [tilespmem:v52+s16+$0x0], $0xffff;
	v22 =	vor.u32 v60, v57;
	v31 =	vadd.f32 v19, v33;
	v33 =	vmul.f32 v63, v48  }
.LBB2_17:
0x36a: {  	s0 =	sadd.s32 $0x2, s0;
	v35 =	vadd.s32 $0x2000, v22;
	v19 =	vor.u32 $0x80, v21;
	v21 =	vadd.f32 v32, v14;
	s31 =	sadd.s32 $0x20, s31  }
0x36b: {  	v14 =	vor.u32 $0x80, v25;
	s12 =	sand.u32 $0x60, s31;
	s2 =	sshll.u32 s0, $0x6;
	v25 =	vadd.f32 v33, v31;
	v31 =	vshll.u32 v26, $0x10  }
0x36c: {  	s3 =	sand.u32 $0xFFFFFE00, s2;
	s5 =	sor.u32 $0x10, s12;
	[tilespmem:v24+s18+$0x0] =	vst.idx.msk $0xffff, v21;
	v21 =	vshll.u32 v30, $0x10;
	v24 =	vand.u32 $0xFFFF0000, v26;
	v26 =	vand.u32 $0xFFFF0000, v30  }
0x36d: {  	s2 =	sor.u32 s12, s3;
	s3 =	sor.u32 s3, s5;
	[tilespmem:v23+s18+$0x0] =	vst.idx.msk $0xffff, v25;
	v23 =	vshll.u32 v28, $0x10;
	v25 =	vmul.f32 v31, v5;
	v21 =	vmul.f32 v21, v7  }
0x36e: {  	p1 =	slt.u32 s0, $0xC6;
	v28 =	vand.u32 $0xFFFF0000, v28;
	v31 =	vmul.f32 v24, v5;
	v32 =	vmul.f32 v26, v7;
	v30 =	vld [tilespmem:s3+$0x1900];
	[tilespmem:v22+s18+$0x0] =	vst.idx.msk $0xffff, v34  }
0x36f: {  	v26 =	vshll.u32 v27, $0x10;
	v23 =	vmul.f32 v23, v6;
	v24 =	vld [tilespmem:s3+$0x1980];
	[tilespmem:v35+s18+$0x0] =	vst.idx.msk $0xffff, v29;
	v21 =	vadd.f32 v21, v25  }
0x370: {  	v27 =	vand.u32 $0xFFFF0000, v27;
	v5 =	vmovc v11;
	v7 =	vmovc v17;
	v28 =	vmul.f32 v28, v6;
	v29 =	vadd.f32 v32, v31;
	v25 =	vld [tilespmem:s2+$0x1900]  }
0x371: {  	v6 =	vmovc v18;
	v17 =	vld [tilespmem:s3+$0x1A00];
	v11 =	vadd.f32 v23, v21;
	v21 =	vmul.f32 v26, v8;
	v23 =	vmul.f32 v27, v8  }
0x372: {  	v26 =	vadd.s32 $0x1000, v22;
	v27 =	vadd.f32 v10, v9;
	v9 =	vadd.f32 v28, v29;
	v8 =	vmovc v20;
	v18 =	vld [tilespmem:s2+$0x1980]  }
0x373: {  	s9 =	sshll.u32 s0, $0x5;
	v22 =	vadd.s32 $0x3000, v22;
	v20 =	vld [tilespmem:s3+$0x1A80];
	v28 =	vshll.u32 v30, $0x1;
	v11 =	vadd.f32 v21, v11;
	v10 =	vmovc v23  }
0x374: {  	s9 =	sand.u32 $0x3FFFFF00, s9;
	v23 =	vand.u32 $0x7F, v30;
	v21 =	vld [tilespmem:s2+$0x1A00];
	v28 =	vand.u32 $0xFFFFFF00, v28;
	v29 =	vshll.u32 v24, $0x1;
	[tilespmem:v4+s18+$0x0] =	vst.idx.msk $0xffff, v27;
	v4 =	vmovc v13;
	v13 =	vmovc v22  }
0x375: {  	s9 =	sadd.s32 $0x7D00, s9;
	v22 =	vand.u32 $0x7F, v24;
	v27 =	vld [tilespmem:s2+$0x1A80];
	v23 =	vor.u32 v23, v28;
	v24 =	vand.u32 $0xFFFFFF00, v29;
	[tilespmem:v12+s18+$0x0] =	vst.idx.msk $0xffff, v11;
	v12 =	vmovc v26  }
0x376: {  	s12 =	sor.u32 s12, s9;
	s5 =	sor.u32 s5, s9;
	v26 =	vshll.u32 v25, $0x1;
	v11 =	vld [tilespmem:s2+$0x4B00];
	v24 =	vor.u32 v22, v24;
	v22 =	vshll.u32 v17, $0x1  }
0x377: {  	v17 =	vand.u32 $0x7F, v17;
	v28 =	vshll.u32 v18, $0x1;
	v29 =	vld [tilespmem:s5+$0x0];
	v22 =	vand.u32 $0xFFFFFF00, v22  }
0x378: {  	v26 =	vand.u32 $0xFFFFFF00, v26;
	v30 =	vld [tilespmem:s5+$0x80];
	v31 =	vor.u32 v17, v22;
	v17 =	vshll.u32 v20, $0x1  }
0x379: {  	v28 =	vand.u32 $0xFFFFFF00, v28;
	v20 =	vand.u32 $0x7F, v20;
	v22 =	vld [tilespmem:s3+$0x4B00];
	v17 =	vand.u32 $0xFFFFFF00, v17  }
0x37a: {  	v25 =	vand.u32 $0x7F, v25;
	v18 =	vand.u32 $0x7F, v18;
	v32 =	vld.idx.msk [tilespmem:v23+s16+$0x0], $0xffff;
	v33 =	vor.u32 v20, v17  }
0x37b: {  	v18 =	vor.u32 v18, v28;
	v17 =	vor.u32 v25, v26;
	v20 =	vshll.u32 v21, $0x1;
	v26 =	vld.idx.msk [tilespmem:v24+s16+$0x0], $0xffff  }
0x37c: {  	v21 =	vand.u32 $0x7F, v21;
	v25 =	vshll.u32 v27, $0x1;
	v20 =	vand.u32 $0xFFFFFF00, v20;
	v35 =	vld [tilespmem:s3+$0x4B80]  }
0x37d: {  	v21 =	vor.u32 v21, v20;
	v29 =	vshll.u32 v29, $0x7;
	v20 =	vld.idx.msk [tilespmem:v31+s16+$0x0], $0xffff;
	v28 =	vand.u32 $0xFFFFFF80, v30  }
0x37e: {  	v25 =	vand.u32 $0xFFFFFF00, v25;
	v30 =	vand.u32 $0x7F, v30;
	v36 =	vld [tilespmem:s3+$0x4C00];
	v28 =	vadd.s32 v29, v28  }
0x37f: {  	v27 =	vand.u32 $0x7F, v27;
	v29 =	vor.u32 $0x80, v17;
	v34 =	vld.idx.msk [tilespmem:v33+s16+$0x0], $0xffff;
	v37 =	vor.u32 v30, v28  }
0x380: {  	v25 =	vor.u32 v27, v25;
	v27 =	vor.u32 $0x80, v18;
	v28 =	vld.idx.msk [tilespmem:v17+s16+$0x0], $0xffff;
	v30 =	vadd.s32 $0x2000, v37  }
0x381: {  	v17 =	vshll.u32 v32, $0x10;
	v39 =	vshll.u32 v26, $0x10;
	v32 =	vand.u32 $0xFFFF0000, v32;
	v38 =	vld [tilespmem:s3+$0x4C80]  }
0x382: {  	v39 =	vmul.f32 v39, v35;
	v40 =	vld.idx.msk [tilespmem:v18+s16+$0x0], $0xffff;
	v18 =	vand.u32 $0xFFFF0000, v26;
	v26 =	vmul.f32 v17, v22  }
0x383: {  	v32 =	vmul.f32 v32, v22;
	v41 =	vshll.u32 v20, $0x10;
	v17 =	vld [tilespmem:s2+$0x4B80];
	v42 =	vmul.f32 v18, v35  }
0x384: {  	v20 =	vand.u32 $0xFFFF0000, v20;
	v43 =	vld.idx.msk [tilespmem:v21+s16+$0x0], $0xffff;
	v26 =	vadd.f32 v39, v26;
	v39 =	vmul.f32 v41, v36  }
0x385: {  	v20 =	vmul.f32 v20, v36;
	v41 =	vshll.u32 v34, $0x10;
	v18 =	vld [tilespmem:s2+$0x4C00];
	v32 =	vadd.f32 v42, v32  }
0x386: {  	v34 =	vand.u32 $0xFFFF0000, v34;
	v42 =	vld.idx.msk [tilespmem:v25+s16+$0x0], $0xffff;
	v26 =	vadd.f32 v39, v26;
	v39 =	vmul.f32 v41, v38  }
0x387: {  	v23 =	vor.u32 $0x80, v23;
	v34 =	vmul.f32 v34, v38;
	v41 =	vld [tilespmem:s12+$0x0];
	v32 =	vadd.f32 v20, v32  }
0x388: {  	v24 =	vor.u32 $0x80, v24;
	v45 =	vshll.u32 v28, $0x10;
	v44 =	vld [tilespmem:s12+$0x80];
	v26 =	vadd.f32 v39, v26  }
0x389: {  	v28 =	vand.u32 $0xFFFF0000, v28;
	v39 =	vshll.u32 v40, $0x10;
	v20 =	vld [tilespmem:s2+$0x4C80];
	v32 =	vadd.f32 v34, v32  }
0x38a: {  	v31 =	vor.u32 $0x80, v31;
	v34 =	vand.u32 $0xFFFF0000, v40;
	v40 =	vmul.f32 v45, v11;
	[tilespmem:v37+s18+$0x0] =	vst.idx.msk $0xffff, v26;
	v26 =	vld.idx.msk [tilespmem:v16+s16+$0x0], $0xffff  }
0x38b: {  	v28 =	vmul.f32 v28, v11;
	v45 =	vshll.u32 v43, $0x10;
	v39 =	vmul.f32 v39, v17;
	[tilespmem:v30+s18+$0x0] =	vst.idx.msk $0xffff, v32  }
0x38c: {  	v16 =	vmovc v29;
	v30 =	vand.u32 $0xFFFF0000, v43;
	v32 =	vmul.f32 v34, v17;
	v43 =	vld.idx.msk [tilespmem:v23+s16+$0x0], $0xffff;
	v23 =	vor.u32 $0x80, v33  }
0x38d: {  	v29 =	vadd.f32 v39, v40;
	v33 =	vmul.f32 v45, v18;
	v34 =	vmul.f32 v30, v18;
	v39 =	vld.idx.msk [tilespmem:v24+s16+$0x0], $0xffff  }
0x38e: {  	v40 =	vand.u32 $0xFFFF0000, v42;
	v24 =	vshll.u32 v42, $0x10;
	v28 =	vadd.f32 v32, v28;
	v30 =	vld.idx.msk [tilespmem:v15+s16+$0x0], $0xffff;
	v15 =	vmovc v27  }
0x38f: {  	v27 =	vadd.f32 v33, v29;
	v24 =	vmul.f32 v24, v20;
	v29 =	vmul.f32 v40, v20;
	v31 =	vld.idx.msk [tilespmem:v31+s16+$0x0], $0xffff  }
0x390: {  	v33 =	vand.u32 $0xFFFFFF80, v44;
	v40 =	vshll.u32 v41, $0x7;
	v32 =	vadd.f32 v34, v28;
	v28 =	vld.idx.msk [tilespmem:v19+s16+$0x0], $0xffff  }
0x391: {  	v33 =	vadd.s32 v40, v33;
	v34 =	vadd.f32 v24, v27;
	v19 =	vand.u32 $0x7F, v44;
	v40 =	vld.idx.msk [tilespmem:v23+s16+$0x0], $0xffff  }
0x392: {  	v24 =	vadd.s32 $0x1000, v37;
	v29 =	vadd.f32 v29, v32;
	v23 =	vadd.s32 $0x3000, v37;
	v27 =	vld.idx.msk [tilespmem:v14+s16+$0x0], $0xffff  }
0x393: {  	v37 =	vand.u32 $0xFFFF0000, v43;
	v14 =	vshll.u32 v43, $0x10;
	v32 =	vshll.u32 v39, $0x10  }
0x394: {  	v39 =	vand.u32 $0xFFFF0000, v39;
	v14 =	vmul.f32 v14, v22;
	v32 =	vmul.f32 v32, v35  }
.Ltmp8:
0x395: {  	v22 =	vmul.f32 v37, v22;
	v35 =	vmul.f32 v39, v35;
	v41 =	vshll.u32 v31, $0x10;
	(pc) =	sbr.rel @p1 .LBB2_17-.Ltmp8, $4  }
0x396: {  	v31 =	vand.u32 $0xFFFF0000, v31;
	v14 =	vadd.f32 v32, v14;
	v32 =	vmul.f32 v41, v36  }
0x397: {  	v35 =	vadd.f32 v35, v22;
	v31 =	vmul.f32 v31, v36;
	v37 =	vshll.u32 v40, $0x10  }
0x398: {  	v36 =	vand.u32 $0xFFFF0000, v40;
	v14 =	vadd.f32 v32, v14;
	v32 =	vmul.f32 v37, v38  }
0x399: {  	v22 =	vor.u32 v19, v33;
	v31 =	vadd.f32 v31, v35;
	v33 =	vmul.f32 v36, v38  }
0x39a: {  	v19 =	vadd.s32 $0x2000, v22;
	_ =	sdelay $0x1  }
0x39b: {  	v21 =	vor.u32 $0x80, v21  }
0x39c: {  	v14 =	vadd.f32 v32, v14;
	v25 =	vor.u32 $0x80, v25;
	v37 =	vshll.u32 v26, $0x10  }
0x39d: {  	v38 =	vshll.u32 v30, $0x10;
	v39 =	vand.u32 $0xFFFF0000, v26;
	[tilespmem:v22+s18+$0x0] =	vst.idx.msk $0xffff, v34;
	v31 =	vadd.f32 v33, v31  }
0x39e: {  	v40 =	vand.u32 $0xFFFF0000, v30;
	v32 =	vmul.f32 v37, v5;
	v33 =	vmul.f32 v38, v7;
	[tilespmem:v19+s18+$0x0] =	vst.idx.msk $0xffff, v29  }
0x39f: {  	v41 =	vshll.u32 v28, $0x10;
	v43 =	vand.u32 $0xFFFF0000, v28;
	v5 =	vmul.f32 v39, v5;
	v16 =	vld.idx.msk [tilespmem:v16+s16+$0x0], $0xffff  }
0x3a0: {  	v42 =	vmul.f32 v40, v7;
	v44 =	vadd.f32 v33, v32;
	v19 =	vmul.f32 v41, v6;
	v15 =	vld.idx.msk [tilespmem:v15+s16+$0x0], $0xffff  }
0x3a1: {  	v45 =	vshll.u32 v27, $0x10;
	v47 =	vand.u32 $0xFFFF0000, v27;
	v46 =	vmul.f32 v43, v6  }
0x3a2: {  	v48 =	vmul.f32 v45, v8;
	v5 =	vadd.f32 v42, v5;
	v21 =	vld.idx.msk [tilespmem:v21+s16+$0x0], $0xffff;
	v19 =	vadd.f32 v19, v44  }
0x3a3: {  	v49 =	vadd.s32 $0x1000, v22;
	v50 =	vadd.f32 v10, v9;
	v51 =	vadd.s32 $0x3000, v22  }
0x3a4: {  	v7 =	vmul.f32 v47, v8;
	v5 =	vadd.f32 v46, v5;
	v53 =	vld.idx.msk [tilespmem:v25+s16+$0x0], $0xffff;
	v52 =	vadd.f32 v48, v19  }
0x3a5: {  	v54 =	vshll.u32 v16, $0x10;
	v55 =	vshll.u32 v15, $0x10;
	v16 =	vand.u32 $0xFFFF0000, v16  }
0x3a6: {  	v15 =	vand.u32 $0xFFFF0000, v15;
	v22 =	vmul.f32 v54, v11;
	v25 =	vmul.f32 v55, v17  }
0x3a7: {  	v56 =	vshll.u32 v21, $0x10;
	v57 =	vmul.f32 v16, v11;
	v15 =	vmul.f32 v15, v17  }
0x3a8: {  	[tilespmem:v24+s18+$0x0] =	vst.idx.msk $0xffff, v14;
	v58 =	vand.u32 $0xFFFF0000, v21;
	v60 =	vmul.f32 v56, v18;
	v59 =	vadd.f32 v25, v22  }
0x3a9: {  	[tilespmem:v4+s18+$0x0] =	vst.idx.msk $0xffff, v50;
	v61 =	vshll.u32 v53, $0x10;
	v14 =	vmul.f32 v58, v18;
	v11 =	vadd.f32 v15, v57  }
0x3aa: {  	[tilespmem:v23+s18+$0x0] =	vst.idx.msk $0xffff, v31;
	v4 =	vand.u32 $0xFFFF0000, v53;
	v63 =	vmul.f32 v61, v20;
	v62 =	vadd.f32 v60, v59  }
0x3ab: {  	v5 =	vadd.f32 v7, v5;
	v4 =	vmul.f32 v4, v20;
	v11 =	vadd.f32 v14, v11  }
0x3ac: {  	[tilespmem:v12+s18+$0x0] =	vst.idx.msk $0xffff, v52;
	v6 =	vadd.f32 v63, v62  }
0x3ad: {  	p1 =	sne.s32 s29, $0xF;
	[tilespmem:v13+s18+$0x0] =	vst.idx.msk $0xffff, v5;
	v4 =	vadd.f32 v4, v11  }
.Ltmp9:
0x3ae: {  	s0 =	sshll.u32 s29, $0xB;
	[tilespmem:v49+s18+$0x0] =	vst.idx.msk $0xffff, v6;
	(pc) =	sbr.rel @p1 .LBB2_20-.Ltmp9, $4  }
0x3af: {  	s0 =	sadd.s32 s0, s10;
	[tilespmem:v51+s18+$0x0] =	vst.idx.msk $0xffff, v4  }
0x3b0: {  	[hbm4b:s0+s4] =	stream.linear.scatter [tilespmem:s18], [sflag:$0x3], $0x2000, $0x38;
	[tilespmem:$0x18E80] =	vst v63  }
0x3b1: {  	s0 =	sadd.s32 $0x8000, s0  }
0x3b2: {  	[hbm4b:s0+s4] =	stream.linear.scatter [tilespmem:s19], [sflag:$0x3], $0x2000, $0x38;
	[tilespmem:$0x18E80] =	vst v63  }
.Ltmp10:
0x3b3: {  	(pc) =	sbr.rel .LBB2_21-.Ltmp10, $4  }
0x3b4: {  	_ = 	snop  }
0x3b5: {  	_ =	swait.ge [sflag:s20], $0x3C00  }
0x3b6: {  	[sflag:s20] =	ssyncset.done $0x0  }
0x3b7: {  	[sflag:s20] =	ssyncadd.s32 $0xFFFFC400  }
.LBB2_20:
0x3b8: {  	s0 =	sshll.u32 s29, $0x2  }
0x3b9: {  	s0 =	sadd.s32 $0x4, s0  }
0x3ba: {  	s2 =	sadd.s32 s28, s0  }
0x3bb: {  	s2 =	sshrl.u32 s2, $0x3  }
0x3bc: {  	s0 =	sshll.u32 s0, $0x7;
	s2 =	smul.u32 $0xF000, s2  }
0x3bd: {  	s0 =	sand.u32 $0x200, s0  }
0x3be: {  	s0 =	sor.u32 s0, s2  }
0x3bf: {  	s0 =	sshrl.u32 s0, $0x3  }
.Ltmp11:
0x3c0: {  	s0 =	sadd.s32 s1, s0;
	(pc) =	sbr.rel @p0 .LBB2_22-.Ltmp11, $4  }
0x3c1: {  	[tilespmem:s16], [sflag:$0x1] =	stream.strided.gather [hbm4b:s0+s14], $0x3C00, s15, s14, $0x38;
	[tilespmem:$0x18E80] =	vst v63  }
0x3c2: {  	_ =	swait.ge [sflag:s20], $0x3C00  }
0x3c3: {  	[sflag:s20] =	ssyncset.done $0x0  }
0x3c4: {  	[sflag:s20] =	ssyncadd.s32 $0xFFFFC400  }
.LBB2_21:
0x3c5: {  	_ =	swait.ge [sflag:s21], $0x2000  }
0x3c6: {  	[sflag:s21] =	ssyncset.done $0x0  }
0x3c7: {  	[sflag:s21] =	ssyncadd.s32 $0xFFFFE000  }
0x3c8: {  	_ =	swait.ge [sflag:s21], $0x2000  }
0x3c9: {  	[sflag:s21] =	ssyncset.done $0x0  }
0x3ca: {  	[sflag:s21] =	ssyncadd.s32 $0xFFFFE000  }
.LBB2_22:
0x3cb: {  	s0 =	simm.s32 $0x0  }
0x3cc: {  	s2 =	simm.s32 $0x0;
	s0 =	sand.u32 $0x60, s0  }
0x3cd: {  	s2 =	sand.u32 $0xFFFFFE00, s2;
	s5 =	sor.u32 $0x10, s0  }
0x3ce: {  	s9 =	sor.u32 s2, s5  }
0x3cf: {  	v4 =	vld [tilespmem:s9+$0x1900]  }
0x3d0: {  	s3 =	simm.s32 $0x0;
	s2 =	sor.u32 s0, s2;
	v5 =	vld [tilespmem:s9+$0x1980]  }
0x3d1: {  	s3 =	sand.u32 $0x3FFFFF00, s3;
	v6 =	vld [tilespmem:s2+$0x1900]  }
0x3d2: {  	s3 =	sadd.s32 $0x7D00, s3;
	v8 =	vld [tilespmem:s2+$0x1980]  }
0x3d3: {  	s5 =	sor.u32 s5, s3;
	v7 =	vld [tilespmem:s9+$0x1A00]  }
0x3d4: {  	v15 =	vld [tilespmem:s5+$0x0]  }
0x3d5: {  	v9 =	vshll.u32 v4, $0x1;
	v4 =	vand.u32 $0x7F, v4  }
0x3d6: {  	v10 =	vld [tilespmem:s9+$0x1A80];
	v11 =	vshll.u32 v5, $0x1;
	v5 =	vand.u32 $0x7F, v5;
	v12 =	vshll.u32 v6, $0x1  }
0x3d7: {  	v14 =	vshll.u32 v8, $0x1;
	v6 =	vand.u32 $0x7F, v6;
	v9 =	vand.u32 $0xFFFFFF00, v9  }
0x3d8: {  	v13 =	vld [tilespmem:s2+$0x1A80];
	v8 =	vand.u32 $0x7F, v8;
	v11 =	vand.u32 $0xFFFFFF00, v11;
	v4 =	vor.u32 v4, v9  }
0x3d9: {  	v15 =	vshll.u32 v15, $0x7;
	v9 =	vld [tilespmem:s2+$0x1A00];
	v5 =	vor.u32 v5, v11;
	v11 =	vshll.u32 v7, $0x1  }
0x3da: {  	v16 =	vld [tilespmem:s5+$0x80];
	v12 =	vand.u32 $0xFFFFFF00, v12;
	v7 =	vand.u32 $0x7F, v7;
	v11 =	vand.u32 $0xFFFFFF00, v11  }
0x3db: {  	v19 =	vld [tilespmem:s9+$0x4B00];
	v14 =	vand.u32 $0xFFFFFF00, v14;
	v7 =	vor.u32 v7, v11;
	v11 =	vshll.u32 v10, $0x1  }
0x3dc: {  	v23 =	vld [tilespmem:s9+$0x4C00];
	v6 =	vor.u32 v6, v12;
	v10 =	vand.u32 $0x7F, v10;
	v11 =	vand.u32 $0xFFFFFF00, v11  }
0x3dd: {  	v8 =	vor.u32 v8, v14;
	v12 =	vshll.u32 v13, $0x1;
	v20 =	vor.u32 v10, v11;
	v17 =	vld.idx.msk [tilespmem:v4+s17+$0x0], $0xffff  }
0x3de: {  	v13 =	vand.u32 $0x7F, v13;
	v12 =	vand.u32 $0xFFFFFF00, v12;
	v10 =	vshll.u32 v9, $0x1;
	v11 =	vld.idx.msk [tilespmem:v5+s17+$0x0], $0xffff  }
0x3df: {  	v14 =	vld [tilespmem:s9+$0x4B80];
	v18 =	vor.u32 $0x80, v6;
	v9 =	vand.u32 $0x7F, v9;
	v10 =	vand.u32 $0xFFFFFF00, v10  }
0x3e0: {  	v24 =	vor.u32 v13, v12;
	v22 =	vor.u32 v9, v10;
	v10 =	vld.idx.msk [tilespmem:v7+s17+$0x0], $0xffff;
	v9 =	vand.u32 $0xFFFFFF80, v16  }
0x3e1: {  	v26 =	vld [tilespmem:s9+$0x4C80];
	v4 =	vor.u32 $0x80, v4;
	v16 =	vand.u32 $0x7F, v16;
	v9 =	vadd.s32 v15, v9  }
0x3e2: {  	v5 =	vor.u32 $0x80, v5;
	v7 =	vor.u32 $0x80, v7;
	v15 =	vld.idx.msk [tilespmem:v20+s17+$0x0], $0xffff;
	v16 =	vor.u32 v16, v9  }
0x3e3: {  	v6 =	vld.idx.msk [tilespmem:v6+s17+$0x0], $0xffff;
	v12 =	vshll.u32 v17, $0x10;
	v13 =	vshll.u32 v11, $0x10;
	v17 =	vand.u32 $0xFFFF0000, v17  }
0x3e4: {  	v11 =	vand.u32 $0xFFFF0000, v11;
	v12 =	vmul.f32 v12, v19;
	v13 =	vmul.f32 v13, v14  }
0x3e5: {  	v25 =	vld.idx.msk [tilespmem:v8+s17+$0x0], $0xffff;
	v17 =	vmul.f32 v17, v19;
	v11 =	vmul.f32 v11, v14;
	v21 =	vshll.u32 v10, $0x10  }
0x3e6: {  	v9 =	vld [tilespmem:s2+$0x4B00];
	v27 =	vand.u32 $0xFFFF0000, v10;
	v12 =	vadd.f32 v13, v12;
	v13 =	vmul.f32 v21, v23  }
0x3e7: {  	v10 =	vld [tilespmem:s2+$0x4B80];
	v11 =	vadd.f32 v11, v17;
	v17 =	vmul.f32 v27, v23;
	v21 =	vshll.u32 v15, $0x10  }
0x3e8: {  	v29 =	vshll.u32 v6, $0x10;
	v27 =	vld.idx.msk [tilespmem:v22+s17+$0x0], $0xffff;
	v12 =	vadd.f32 v13, v12;
	v13 =	vmul.f32 v21, v26  }
0x3e9: {  	v15 =	vand.u32 $0xFFFF0000, v15;
	v21 =	vadd.s32 $0x2000, v16;
	v28 =	vadd.f32 v17, v11;
	v11 =	vld [tilespmem:s2+$0x4C00]  }
0x3ea: {  	s0 =	sor.u32 s0, s3;
	v6 =	vand.u32 $0xFFFF0000, v6;
	v15 =	vmul.f32 v15, v26;
	v12 =	vadd.f32 v13, v12;
	v13 =	vld.idx.msk [tilespmem:v24+s17+$0x0], $0xffff  }
0x3eb: {  	v32 =	vld [tilespmem:s0+$0x80];
	v30 =	vshll.u32 v25, $0x10;
	v25 =	vand.u32 $0xFFFF0000, v25;
	v6 =	vmul.f32 v6, v9  }
0x3ec: {  	v17 =	vld [tilespmem:s2+$0x4C80];
	v15 =	vadd.f32 v15, v28;
	v28 =	vmul.f32 v29, v9;
	v30 =	vmul.f32 v30, v10  }
0x3ed: {  	v29 =	vld [tilespmem:s0+$0x0];
	v25 =	vmul.f32 v25, v10;
	v31 =	vshll.u32 v27, $0x10;
	[tilespmem:v16+s22+$0x0] =	vst.idx.msk $0xffff, v12;
	v12 =	vand.u32 $0xFFFF0000, v27  }
0x3ee: {  	[tilespmem:v21+s22+$0x0] =	vst.idx.msk $0xffff, v15;
	v15 =	vor.u32 $0x80, v20;
	v20 =	vadd.f32 v30, v28;
	v21 =	vmul.f32 v31, v11  }
0x3ef: {  	v6 =	vadd.f32 v25, v6;
	v12 =	vmul.f32 v12, v11;
	v4 =	vld.idx.msk [tilespmem:v4+s17+$0x0], $0xffff;
	v27 =	vshll.u32 v13, $0x10  }
0x3f0: {  	v5 =	vld.idx.msk [tilespmem:v5+s17+$0x0], $0xffff;
	v13 =	vand.u32 $0xFFFF0000, v13;
	v21 =	vadd.f32 v21, v20;
	v20 =	vor.u32 $0x80, v8  }
0x3f1: {  	v6 =	vadd.f32 v12, v6;
	v12 =	vand.u32 $0xFFFFFF80, v32;
	v25 =	vmul.f32 v27, v17  }
0x3f2: {  	v7 =	vld.idx.msk [tilespmem:v7+s17+$0x0], $0xffff;
	v8 =	vmul.f32 v13, v17;
	v13 =	vshll.u32 v29, $0x7;
	v27 =	vand.u32 $0x7F, v32  }
0x3f3: {  	v28 =	vadd.s32 v13, v12;
	v12 =	vadd.s32 $0x1000, v16;
	v13 =	vadd.s32 $0x3000, v16  }
0x3f4: {  	s5 =	simm.s32 $0x20;
	v21 =	vadd.f32 v25, v21;
	v25 =	vadd.f32 v8, v6;
	v29 =	vor.u32 v27, v28  }
0x3f5: {  	s9 =	simm.s32 $0x80;
	s0 =	sand.u32 $0x60, s5;
	v15 =	vld.idx.msk [tilespmem:v15+s17+$0x0], $0xffff;
	v6 =	vshll.u32 v4, $0x10;
	v8 =	vshll.u32 v5, $0x10;
	v4 =	vand.u32 $0xFFFF0000, v4  }
0x3f6: {  	s2 =	sand.u32 $0xFFFFFE00, s9;
	s5 =	sor.u32 $0x10, s0;
	v5 =	vand.u32 $0xFFFF0000, v5;
	v6 =	vmul.f32 v6, v19;
	v8 =	vmul.f32 v8, v14  }
0x3f7: {  	s3 =	sor.u32 s2, s5;
	v16 =	vshll.u32 v7, $0x10;
	v4 =	vmul.f32 v4, v19;
	v5 =	vmul.f32 v5, v14  }
0x3f8: {  	v7 =	vand.u32 $0xFFFF0000, v7;
	v19 =	vld [tilespmem:s3+$0x1900];
	v6 =	vadd.f32 v8, v6;
	v8 =	vmul.f32 v16, v23  }
0x3f9: {  	v27 =	vor.u32 $0x80, v22;
	v4 =	vadd.f32 v5, v4;
	v5 =	vmul.f32 v7, v23  }
0x3fa: {  	s2 =	sor.u32 s0, s2;
	v23 =	vld [tilespmem:s3+$0x1980];
	v14 =	vshll.u32 v15, $0x10;
	v7 =	vand.u32 $0xFFFF0000, v15;
	v6 =	vadd.f32 v8, v6  }
0x3fb: {  	s12 =	simm.s32 $0x40;
	v31 =	vld [tilespmem:s2+$0x1900];
	v8 =	vmul.f32 v14, v26;
	v4 =	vadd.f32 v5, v4;
	v5 =	vmul.f32 v7, v26  }
0x3fc: {  	s9 =	sand.u32 $0x3FFFFF00, s12;
	v28 =	vor.u32 $0x80, v24;
	v30 =	vadd.s32 $0x2000, v29;
	v7 =	vld [tilespmem:s3+$0x1A00];
	v14 =	vadd.s32 $0x1000, v29  }
0x3fd: {  	s12 =	sadd.s32 $0x7D00, s9;
	v16 =	vadd.f32 v8, v6;
	v15 =	vadd.f32 v5, v4;
	v5 =	vld [tilespmem:s2+$0x1980];
	v6 =	vshll.u32 v19, $0x1  }
0x3fe: {  	s5 =	sor.u32 s5, s12;
	v8 =	vld [tilespmem:s3+$0x1A80];
	v4 =	vadd.s32 $0x3000, v29;
	v19 =	vand.u32 $0x7F, v19;
	v6 =	vand.u32 $0xFFFFFF00, v6  }
0x3ff: {  	v34 =	vld [tilespmem:s5+$0x80];
	v24 =	vshll.u32 v23, $0x1;
	v26 =	vor.u32 v19, v6;
	v6 =	vand.u32 $0x7F, v23  }
0x400: {  	v22 =	vld [tilespmem:s2+$0x1A00];
	v23 =	vand.u32 $0xFFFFFF00, v24;
	v24 =	vshll.u32 v31, $0x1;
	v31 =	vand.u32 $0x7F, v31  }
0x401: {  	v19 =	vld [tilespmem:s2+$0x1A80];
	v53 =	vshll.u32 v7, $0x1;
	v33 =	vor.u32 v6, v23;
	v7 =	vand.u32 $0x7F, v7  }
0x402: {  	v6 =	vld [tilespmem:s5+$0x0];
	v24 =	vand.u32 $0xFFFFFF00, v24;
	v23 =	vand.u32 $0xFFFFFF00, v53;
	v54 =	vshll.u32 v5, $0x1  }
0x403: {  	v35 =	vor.u32 v7, v23;
	v7 =	vshll.u32 v8, $0x1;
	v8 =	vand.u32 $0x7F, v8  }
0x404: {  	v39 =	vld [tilespmem:s3+$0x4B80];
	v5 =	vand.u32 $0x7F, v5;
	v23 =	vand.u32 $0xFFFFFF00, v54;
	v7 =	vand.u32 $0xFFFFFF00, v7  }
0x405: {  	v36 =	vld.idx.msk [tilespmem:v26+s17+$0x0], $0xffff;
	v37 =	vor.u32 v8, v7;
	v7 =	vor.u32 v31, v24;
	v8 =	vshll.u32 v22, $0x1  }
0x406: {  	v31 =	vor.u32 v5, v23;
	v5 =	vand.u32 $0x7F, v22;
	v22 =	vshll.u32 v19, $0x1;
	v38 =	vld.idx.msk [tilespmem:v33+s17+$0x0], $0xffff  }
0x407: {  	v32 =	vld [tilespmem:s3+$0x4B00];
	v24 =	vand.u32 $0xFFFFFF80, v34;
	v8 =	vand.u32 $0xFFFFFF00, v8;
	v6 =	vshll.u32 v6, $0x7  }
0x408: {  	v23 =	vor.u32 v5, v8;
	v5 =	vand.u32 $0x7F, v34;
	v6 =	vadd.s32 v6, v24;
	v8 =	vld.idx.msk [tilespmem:v35+s17+$0x0], $0xffff  }
0x409: {  	v22 =	vand.u32 $0xFFFFFF00, v22;
	v34 =	vld [tilespmem:s3+$0x4C00];
	v24 =	vand.u32 $0x7F, v19;
	v40 =	vor.u32 v5, v6  }
0x40a: {  	v19 =	vor.u32 $0x80, v7;
	v24 =	vor.u32 v24, v22;
	v41 =	vadd.s32 $0x2000, v40;
	v6 =	vld.idx.msk [tilespmem:v37+s17+$0x0], $0xffff  }
0x40b: {  	s0 =	sor.u32 s0, s12;
	v42 =	vld [tilespmem:s3+$0x4C80];
	v22 =	vshll.u32 v36, $0x10;
	v36 =	vand.u32 $0xFFFF0000, v36;
	v43 =	vshll.u32 v38, $0x10  }
0x40c: {  	v60 =	vld [tilespmem:s0+$0x80];
	v38 =	vand.u32 $0xFFFF0000, v38;
	v22 =	vmul.f32 v22, v32;
	v43 =	vmul.f32 v43, v39  }
0x40d: {  	v44 =	vld.idx.msk [tilespmem:v7+s17+$0x0], $0xffff;
	v36 =	vmul.f32 v36, v32;
	v38 =	vmul.f32 v38, v39;
	v7 =	vshll.u32 v8, $0x10  }
0x40e: {  	v58 =	vld [tilespmem:s0+$0x0];
	v8 =	vand.u32 $0xFFFF0000, v8;
	v22 =	vadd.f32 v43, v22;
	v55 =	vmul.f32 v7, v34  }
0x40f: {  	v5 =	vld [tilespmem:s2+$0x4B00];
	v36 =	vadd.f32 v38, v36;
	v8 =	vmul.f32 v8, v34;
	v46 =	vshll.u32 v6, $0x10  }
0x410: {  	v45 =	vld.idx.msk [tilespmem:v31+s17+$0x0], $0xffff;
	v47 =	vand.u32 $0xFFFF0000, v6;
	v43 =	vadd.f32 v55, v22;
	v46 =	vmul.f32 v46, v42  }
0x411: {  	v26 =	vor.u32 $0x80, v26;
	v7 =	vld [tilespmem:s2+$0x4B80];
	v8 =	vadd.f32 v8, v36;
	v57 =	vmul.f32 v47, v42  }
0x412: {  	v53 =	vand.u32 $0xFFFFFF80, v60;
	v33 =	vor.u32 $0x80, v33;
	v56 =	vld.idx.msk [tilespmem:v23+s17+$0x0], $0xffff;
	v43 =	vadd.f32 v46, v43  }
0x413: {  	v54 =	vshll.u32 v58, $0x7;
	v35 =	vor.u32 $0x80, v35;
	v6 =	vld [tilespmem:s2+$0x4C00];
	v36 =	vadd.f32 v57, v8  }
0x414: {  	v37 =	vor.u32 $0x80, v37;
	v59 =	vshll.u32 v44, $0x10;
	v22 =	vor.u32 $0x80, v31;
	v31 =	vld.idx.msk [tilespmem:v24+s17+$0x0], $0xffff;
	[tilespmem:v40+s22+$0x0] =	vst.idx.msk $0xffff, v43  }
0x415: {  	v48 =	vshll.u32 v45, $0x10;
	v44 =	vand.u32 $0xFFFF0000, v44;
	v47 =	vmul.f32 v59, v5;
	v8 =	vld [tilespmem:s2+$0x4C80];
	[tilespmem:v41+s22+$0x0] =	vst.idx.msk $0xffff, v36  }
0x416: {  	v45 =	vand.u32 $0xFFFF0000, v45;
	v61 =	vmul.f32 v44, v5;
	v48 =	vmul.f32 v48, v7;
	v63 =	vld.idx.msk [tilespmem:v26+s17+$0x0], $0xffff  }
0x417: {  	[tilespmem:v29+s22+$0x0] =	vst.idx.msk $0xffff, v21;
	v55 =	vand.u32 $0x7F, v60;
	v49 =	vshll.u32 v56, $0x10;
	v62 =	vmul.f32 v45, v7;
	v33 =	vld.idx.msk [tilespmem:v33+s17+$0x0], $0xffff  }
0x418: {  	v38 =	vand.u32 $0xFFFF0000, v56;
	v50 =	vmul.f32 v49, v6;
	v26 =	vadd.f32 v48, v47;
	v35 =	vld.idx.msk [tilespmem:v35+s17+$0x0], $0xffff  }
0x419: {  	s31 =	simm.s32 $0x40;
	[tilespmem:v30+s22+$0x0] =	vst.idx.msk $0xffff, v25;
	v38 =	vmul.f32 v38, v6;
	v51 =	vshll.u32 v31, $0x10;
	v36 =	vadd.f32 v62, v61  }
0x41a: {  	s0 =	sand.u32 $0x60, s31;
	s5 =	simm.s32 $0x100;
	v31 =	vand.u32 $0xFFFF0000, v31;
	v37 =	vld.idx.msk [tilespmem:v37+s17+$0x0], $0xffff;
	v52 =	vmul.f32 v51, v8;
	v26 =	vadd.f32 v50, v26  }
0x41b: {  	s9 =	simm.s32 $0x80;
	v60 =	vadd.s32 v54, v53;
	s2 =	sand.u32 $0xFFFFFE00, s5;
	s5 =	sor.u32 $0x10, s0;
	v31 =	vmul.f32 v31, v8;
	v36 =	vadd.f32 v38, v36  }
0x41c: {  	v18 =	vld.idx.msk [tilespmem:v18+s17+$0x0], $0xffff;
	s3 =	sand.u32 $0x3FFFFF00, s9;
	s12 =	sor.u32 s2, s5;
	v26 =	vadd.f32 v52, v26;
	v56 =	vshll.u32 v63, $0x10;
	v57 =	vshll.u32 v33, $0x10  }
0x41d: {  	s3 =	sadd.s32 $0x7D00, s3;
	s2 =	sor.u32 s0, s2;
	v43 =	vld [tilespmem:s12+$0x1900];
	v44 =	vand.u32 $0xFFFF0000, v63;
	v21 =	vand.u32 $0xFFFF0000, v33;
	v25 =	vshll.u32 v35, $0x10  }
0x41e: {  	s5 =	sor.u32 s5, s3;
	v46 =	vld [tilespmem:s2+$0x1900];
	v59 =	vand.u32 $0xFFFF0000, v35;
	v29 =	vmul.f32 v56, v32;
	v58 =	vmul.f32 v57, v39  }
0x41f: {  	v51 =	vld [tilespmem:s5+$0x80];
	v61 =	vshll.u32 v37, $0x10;
	v30 =	vmul.f32 v44, v32;
	v21 =	vmul.f32 v21, v39  }
0x420: {  	v62 =	vand.u32 $0xFFFF0000, v37;
	v63 =	vld.idx.msk [tilespmem:v27+s17+$0x0], $0xffff;
	v27 =	vadd.f32 v31, v36;
	v25 =	vmul.f32 v25, v34  }
0x421: {  	v20 =	vld.idx.msk [tilespmem:v20+s17+$0x0], $0xffff;
	v29 =	vadd.f32 v58, v29;
	v21 =	vadd.f32 v21, v30;
	v30 =	vmul.f32 v59, v34  }
0x422: {  	v33 =	vand.u32 $0x7F, v43;
	v32 =	vmul.f32 v61, v42;
	v34 =	vmul.f32 v62, v42  }
0x423: {  	v42 =	vld.idx.msk [tilespmem:v28+s17+$0x0], $0xffff;
	v28 =	vor.u32 v55, v60;
	v25 =	vadd.f32 v25, v29;
	v21 =	vadd.f32 v30, v21  }
0x424: {  	[tilespmem:v12+s22+$0x0] =	vst.idx.msk $0xffff, v16;
	v35 =	vand.u32 $0x7F, v46;
	v54 =	vand.u32 $0xFFFFFF80, v51;
	v12 =	vadd.s32 $0x1000, v28  }
0x425: {  	v30 =	vadd.s32 $0x1000, v40;
	v32 =	vadd.f32 v32, v25;
	v31 =	vadd.f32 v34, v21  }
0x426: {  	v21 =	vshll.u32 v18, $0x10;
	v25 =	vshll.u32 v20, $0x10;
	v18 =	vand.u32 $0xFFFF0000, v18  }
0x427: {  	v20 =	vand.u32 $0xFFFF0000, v20;
	v21 =	vmul.f32 v21, v9;
	v25 =	vmul.f32 v25, v10  }
0x428: {  	v44 =	vshll.u32 v63, $0x10;
	v9 =	vmul.f32 v18, v9;
	v10 =	vmul.f32 v20, v10;
	v18 =	vld [tilespmem:s12+$0x1980]  }
0x429: {  	v20 =	vand.u32 $0xFFFF0000, v63;
	v21 =	vadd.f32 v25, v21;
	v25 =	vmul.f32 v44, v11  }
0x42a: {  	v47 =	vld [tilespmem:s12+$0x1A80];
	v9 =	vadd.f32 v10, v9;
	v11 =	vmul.f32 v20, v11;
	v10 =	vand.u32 $0xFFFF0000, v42  }
0x42b: {  	v45 =	vshll.u32 v42, $0x10;
	v20 =	vld [tilespmem:s12+$0x1A00];
	v10 =	vmul.f32 v10, v17;
	v21 =	vadd.f32 v25, v21  }
0x42c: {  	v25 =	vmul.f32 v45, v17;
	v17 =	vld [tilespmem:s2+$0x1980];
	v9 =	vadd.f32 v11, v9;
	v11 =	vshll.u32 v43, $0x1  }
0x42d: {  	v29 =	vadd.s32 $0x3000, v40;
	v11 =	vand.u32 $0xFFFFFF00, v11;
	v48 =	vshll.u32 v18, $0x1  }
0x42e: {  	v49 =	vld [tilespmem:s2+$0x1A00];
	v38 =	vor.u32 v33, v11;
	v11 =	vand.u32 $0x7F, v18;
	v18 =	vand.u32 $0xFFFFFF00, v48  }
0x42f: {  	v34 =	vand.u32 $0x7F, v47;
	v33 =	vadd.f32 v25, v21;
	v25 =	vld [tilespmem:s2+$0x1A80];
	v36 =	vor.u32 v11, v18  }
0x430: {  	v21 =	vld [tilespmem:s5+$0x0];
	v11 =	vshll.u32 v20, $0x1;
	v18 =	vshll.u32 v46, $0x1;
	v20 =	vand.u32 $0x7F, v20  }
0x431: {  	v37 =	vld [tilespmem:s12+$0x4B80];
	v11 =	vand.u32 $0xFFFFFF00, v11;
	v18 =	vand.u32 $0xFFFFFF00, v18;
	v50 =	vshll.u32 v17, $0x1  }
0x432: {  	v39 =	vld [tilespmem:s12+$0x4B00];
	v41 =	vor.u32 v20, v11;
	v11 =	vshll.u32 v47, $0x1;
	v17 =	vand.u32 $0x7F, v17  }
0x433: {  	v45 =	vld [tilespmem:s12+$0x4C00];
	v35 =	vor.u32 v35, v18;
	v20 =	vand.u32 $0xFFFFFF00, v50;
	v11 =	vand.u32 $0xFFFFFF00, v11  }
0x434: {  	v52 =	vld.idx.msk [tilespmem:v38+s17+$0x0], $0xffff;
	v34 =	vor.u32 v34, v11;
	v11 =	vshll.u32 v49, $0x1;
	v43 =	vor.u32 v17, v20  }
0x435: {  	s0 =	sor.u32 s0, s3;
	v17 =	vand.u32 $0x7F, v49;
	v53 =	vshll.u32 v25, $0x1;
	v55 =	vshll.u32 v21, $0x7;
	v18 =	vld.idx.msk [tilespmem:v36+s17+$0x0], $0xffff  }
0x436: {  	v25 =	vand.u32 $0x7F, v25;
	v20 =	vand.u32 $0xFFFFFF00, v11;
	v56 =	vadd.s32 v55, v54;
	v55 =	vld [tilespmem:s0+$0x0]  }
0x437: {  	v38 =	vor.u32 $0x80, v38;
	v21 =	vor.u32 v17, v20;
	v20 =	vand.u32 $0x7F, v51;
	v17 =	vld.idx.msk [tilespmem:v41+s17+$0x0], $0xffff  }
0x438: {  	v48 =	vld [tilespmem:s12+$0x4C80];
	v44 =	vand.u32 $0xFFFFFF00, v53;
	v36 =	vor.u32 $0x80, v36;
	v40 =	vor.u32 v20, v56  }
0x439: {  	v25 =	vor.u32 v25, v44;
	v62 =	vadd.s32 $0x2000, v40;
	v20 =	vld.idx.msk [tilespmem:v34+s17+$0x0], $0xffff;
	v57 =	vshll.u32 v52, $0x10  }
0x43a: {  	v42 =	vand.u32 $0xFFFF0000, v52;
	v59 =	vld.idx.msk [tilespmem:v43+s17+$0x0], $0xffff;
	v58 =	vshll.u32 v18, $0x10;
	v46 =	vmul.f32 v57, v39  }
0x43b: {  	v11 =	vld [tilespmem:s2+$0x4B00];
	v18 =	vand.u32 $0xFFFF0000, v18;
	v42 =	vmul.f32 v42, v39;
	v47 =	vmul.f32 v58, v37  }
0x43c: {  	[tilespmem:v13+s22+$0x0] =	vst.idx.msk $0xffff, v15;
	v49 =	vld.idx.msk [tilespmem:v35+s17+$0x0], $0xffff;
	v15 =	vshll.u32 v55, $0x7;
	v18 =	vmul.f32 v18, v37;
	v50 =	vshll.u32 v17, $0x10  }
0x43d: {  	v52 =	vld.idx.msk [tilespmem:v21+s17+$0x0], $0xffff;
	v51 =	vand.u32 $0xFFFF0000, v17;
	v46 =	vadd.f32 v47, v46;
	v60 =	vmul.f32 v50, v45  }
0x43e: {  	v53 =	vld.idx.msk [tilespmem:v25+s17+$0x0], $0xffff;
	v18 =	vadd.f32 v18, v42;
	v61 =	vmul.f32 v51, v45;
	v63 =	vshll.u32 v20, $0x10  }
0x43f: {  	v17 =	vld [tilespmem:s2+$0x4B80];
	v20 =	vand.u32 $0xFFFF0000, v20;
	v58 =	vshll.u32 v59, $0x10;
	v44 =	vand.u32 $0xFFFF0000, v59  }
0x440: {  	v46 =	vadd.f32 v60, v46;
	v56 =	vmul.f32 v63, v48;
	v42 =	vadd.f32 v61, v18  }
0x441: {  	v57 =	vmul.f32 v20, v48;
	v20 =	vshll.u32 v49, $0x10;
	v49 =	vand.u32 $0xFFFF0000, v49  }
0x442: {  	v18 =	vld [tilespmem:s2+$0x4C00];
	v54 =	vmul.f32 v20, v11;
	v49 =	vmul.f32 v49, v11;
	v59 =	vshll.u32 v52, $0x10  }
0x443: {  	v60 =	vld [tilespmem:s0+$0x80];
	v61 =	vand.u32 $0xFFFF0000, v52;
	v63 =	vshll.u32 v53, $0x10;
	v46 =	vadd.f32 v56, v46  }
0x444: {  	v20 =	vld [tilespmem:s2+$0x4C80];
	v52 =	vor.u32 $0x80, v24;
	v47 =	vmul.f32 v58, v17;
	v42 =	vadd.f32 v57, v42  }
0x445: {  	v44 =	vmul.f32 v44, v17;
	[tilespmem:v40+s22+$0x0] =	vst.idx.msk $0xffff, v46;
	v46 =	vor.u32 $0x80, v23;
	v23 =	vor.u32 $0x80, v41  }
0x446: {  	v24 =	vor.u32 $0x80, v34;
	v16 =	vand.u32 $0xFFFF0000, v53;
	v47 =	vadd.f32 v47, v54;
	[tilespmem:v62+s22+$0x0] =	vst.idx.msk $0xffff, v42  }
0x447: {  	v54 =	vadd.s32 $0x2000, v28;
	v44 =	vadd.f32 v44, v49;
	v51 =	vmul.f32 v59, v18;
	v38 =	vld.idx.msk [tilespmem:v38+s17+$0x0], $0xffff  }
0x448: {  	v41 =	vmul.f32 v61, v18;
	v13 =	vand.u32 $0xFFFFFF80, v60;
	v60 =	vand.u32 $0x7F, v60;
	v36 =	vld.idx.msk [tilespmem:v36+s17+$0x0], $0xffff  }
0x449: {  	[tilespmem:v30+s22+$0x0] =	vst.idx.msk $0xffff, v32;
	v56 =	vmul.f32 v63, v20;
	v57 =	vadd.s32 v15, v13;
	v13 =	vadd.s32 $0x3000, v28  }
0x44a: {  	v58 =	vmul.f32 v16, v20;
	v62 =	vadd.f32 v51, v47;
	v41 =	vadd.f32 v41, v44;
	v59 =	vld.idx.msk [tilespmem:v23+s17+$0x0], $0xffff  }
0x44b: {  	[tilespmem:v29+s22+$0x0] =	vst.idx.msk $0xffff, v31;
	v16 =	vor.u32 $0x80, v35;
	v15 =	vor.u32 $0x80, v43;
	v31 =	vld.idx.msk [tilespmem:v24+s17+$0x0], $0xffff;
	v24 =	vadd.s32 $0x1000, v40  }
0x44c: {  	v34 =	vadd.f32 v56, v62;
	v29 =	vadd.f32 v58, v41;
	v23 =	vadd.s32 $0x3000, v40  }
0x44d: {  	[tilespmem:v28+s22+$0x0] =	vst.idx.msk $0xffff, v26;
	v26 =	vshll.u32 v38, $0x10;
	v28 =	vshll.u32 v36, $0x10;
	v30 =	vand.u32 $0xFFFF0000, v38  }
0x44e: {  	[tilespmem:v54+s22+$0x0] =	vst.idx.msk $0xffff, v27;
	v27 =	vand.u32 $0xFFFF0000, v36;
	v61 =	vmul.f32 v26, v39;
	v28 =	vmul.f32 v28, v37  }
0x44f: {  	[tilespmem:v14+s22+$0x0] =	vst.idx.msk $0xffff, v33;
	v62 =	vmul.f32 v30, v39;
	v27 =	vmul.f32 v27, v37;
	v14 =	vshll.u32 v59, $0x10  }
0x450: {  	v26 =	vld.idx.msk [tilespmem:v19+s17+$0x0], $0xffff;
	v19 =	vand.u32 $0xFFFF0000, v59;
	v32 =	vadd.f32 v28, v61;
	v14 =	vmul.f32 v14, v45  }
0x451: {  	v30 =	vld.idx.msk [tilespmem:v22+s17+$0x0], $0xffff;
	v22 =	vshll.u32 v31, $0x10;
	v33 =	vadd.f32 v27, v62;
	v19 =	vmul.f32 v19, v45  }
0x452: {  	v63 =	vand.u32 $0xFFFF0000, v31;
	v28 =	vld.idx.msk [tilespmem:v46+s17+$0x0], $0xffff;
	v14 =	vadd.f32 v14, v32;
	v32 =	vmul.f32 v22, v48  }
0x453: {  	s0 =	simm.s32 $0x4;
	v27 =	vld.idx.msk [tilespmem:v52+s17+$0x0], $0xffff;
	v22 =	vor.u32 v60, v57;
	v31 =	vadd.f32 v19, v33;
	v33 =	vmul.f32 v63, v48  }
.LBB2_23:
0x454: {  	s0 =	sadd.s32 $0x2, s0;
	v35 =	vadd.s32 $0x2000, v22;
	v19 =	vor.u32 $0x80, v21;
	v21 =	vadd.f32 v32, v14;
	s31 =	sadd.s32 $0x20, s31  }
0x455: {  	v14 =	vor.u32 $0x80, v25;
	s12 =	sand.u32 $0x60, s31;
	s2 =	sshll.u32 s0, $0x6;
	v25 =	vadd.f32 v33, v31;
	v31 =	vshll.u32 v26, $0x10  }
0x456: {  	s3 =	sand.u32 $0xFFFFFE00, s2;
	s5 =	sor.u32 $0x10, s12;
	[tilespmem:v24+s22+$0x0] =	vst.idx.msk $0xffff, v21;
	v21 =	vshll.u32 v30, $0x10;
	v24 =	vand.u32 $0xFFFF0000, v26;
	v26 =	vand.u32 $0xFFFF0000, v30  }
0x457: {  	s2 =	sor.u32 s12, s3;
	s3 =	sor.u32 s3, s5;
	[tilespmem:v23+s22+$0x0] =	vst.idx.msk $0xffff, v25;
	v23 =	vshll.u32 v28, $0x10;
	v25 =	vmul.f32 v31, v5;
	v21 =	vmul.f32 v21, v7  }
0x458: {  	p0 =	slt.u32 s0, $0xC6;
	v28 =	vand.u32 $0xFFFF0000, v28;
	v31 =	vmul.f32 v24, v5;
	v32 =	vmul.f32 v26, v7;
	v30 =	vld [tilespmem:s3+$0x1900];
	[tilespmem:v22+s22+$0x0] =	vst.idx.msk $0xffff, v34  }
0x459: {  	v26 =	vshll.u32 v27, $0x10;
	v23 =	vmul.f32 v23, v6;
	v24 =	vld [tilespmem:s3+$0x1980];
	[tilespmem:v35+s22+$0x0] =	vst.idx.msk $0xffff, v29;
	v21 =	vadd.f32 v21, v25  }
0x45a: {  	v27 =	vand.u32 $0xFFFF0000, v27;
	v5 =	vmovc v11;
	v7 =	vmovc v17;
	v28 =	vmul.f32 v28, v6;
	v29 =	vadd.f32 v32, v31;
	v25 =	vld [tilespmem:s2+$0x1900]  }
0x45b: {  	v6 =	vmovc v18;
	v17 =	vld [tilespmem:s3+$0x1A00];
	v11 =	vadd.f32 v23, v21;
	v21 =	vmul.f32 v26, v8;
	v23 =	vmul.f32 v27, v8  }
0x45c: {  	v26 =	vadd.s32 $0x1000, v22;
	v27 =	vadd.f32 v10, v9;
	v9 =	vadd.f32 v28, v29;
	v8 =	vmovc v20;
	v18 =	vld [tilespmem:s2+$0x1980]  }
0x45d: {  	s9 =	sshll.u32 s0, $0x5;
	v22 =	vadd.s32 $0x3000, v22;
	v20 =	vld [tilespmem:s3+$0x1A80];
	v28 =	vshll.u32 v30, $0x1;
	v11 =	vadd.f32 v21, v11;
	v10 =	vmovc v23  }
0x45e: {  	s9 =	sand.u32 $0x3FFFFF00, s9;
	v23 =	vand.u32 $0x7F, v30;
	v21 =	vld [tilespmem:s2+$0x1A00];
	v28 =	vand.u32 $0xFFFFFF00, v28;
	v29 =	vshll.u32 v24, $0x1;
	[tilespmem:v4+s22+$0x0] =	vst.idx.msk $0xffff, v27;
	v4 =	vmovc v13;
	v13 =	vmovc v22  }
0x45f: {  	s9 =	sadd.s32 $0x7D00, s9;
	v22 =	vand.u32 $0x7F, v24;
	v27 =	vld [tilespmem:s2+$0x1A80];
	v23 =	vor.u32 v23, v28;
	v24 =	vand.u32 $0xFFFFFF00, v29;
	[tilespmem:v12+s22+$0x0] =	vst.idx.msk $0xffff, v11;
	v12 =	vmovc v26  }
0x460: {  	s12 =	sor.u32 s12, s9;
	s5 =	sor.u32 s5, s9;
	v26 =	vshll.u32 v25, $0x1;
	v11 =	vld [tilespmem:s2+$0x4B00];
	v24 =	vor.u32 v22, v24;
	v22 =	vshll.u32 v17, $0x1  }
0x461: {  	v17 =	vand.u32 $0x7F, v17;
	v28 =	vshll.u32 v18, $0x1;
	v29 =	vld [tilespmem:s5+$0x0];
	v22 =	vand.u32 $0xFFFFFF00, v22  }
0x462: {  	v26 =	vand.u32 $0xFFFFFF00, v26;
	v30 =	vld [tilespmem:s5+$0x80];
	v31 =	vor.u32 v17, v22;
	v17 =	vshll.u32 v20, $0x1  }
0x463: {  	v28 =	vand.u32 $0xFFFFFF00, v28;
	v20 =	vand.u32 $0x7F, v20;
	v22 =	vld [tilespmem:s3+$0x4B00];
	v17 =	vand.u32 $0xFFFFFF00, v17  }
0x464: {  	v25 =	vand.u32 $0x7F, v25;
	v18 =	vand.u32 $0x7F, v18;
	v32 =	vld.idx.msk [tilespmem:v23+s17+$0x0], $0xffff;
	v33 =	vor.u32 v20, v17  }
0x465: {  	v18 =	vor.u32 v18, v28;
	v17 =	vor.u32 v25, v26;
	v20 =	vshll.u32 v21, $0x1;
	v26 =	vld.idx.msk [tilespmem:v24+s17+$0x0], $0xffff  }
0x466: {  	v21 =	vand.u32 $0x7F, v21;
	v25 =	vshll.u32 v27, $0x1;
	v20 =	vand.u32 $0xFFFFFF00, v20;
	v35 =	vld [tilespmem:s3+$0x4B80]  }
0x467: {  	v21 =	vor.u32 v21, v20;
	v29 =	vshll.u32 v29, $0x7;
	v20 =	vld.idx.msk [tilespmem:v31+s17+$0x0], $0xffff;
	v28 =	vand.u32 $0xFFFFFF80, v30  }
0x468: {  	v25 =	vand.u32 $0xFFFFFF00, v25;
	v30 =	vand.u32 $0x7F, v30;
	v36 =	vld [tilespmem:s3+$0x4C00];
	v28 =	vadd.s32 v29, v28  }
0x469: {  	v27 =	vand.u32 $0x7F, v27;
	v29 =	vor.u32 $0x80, v17;
	v34 =	vld.idx.msk [tilespmem:v33+s17+$0x0], $0xffff;
	v37 =	vor.u32 v30, v28  }
0x46a: {  	v25 =	vor.u32 v27, v25;
	v27 =	vor.u32 $0x80, v18;
	v28 =	vld.idx.msk [tilespmem:v17+s17+$0x0], $0xffff;
	v30 =	vadd.s32 $0x2000, v37  }
0x46b: {  	v17 =	vshll.u32 v32, $0x10;
	v39 =	vshll.u32 v26, $0x10;
	v32 =	vand.u32 $0xFFFF0000, v32;
	v38 =	vld [tilespmem:s3+$0x4C80]  }
0x46c: {  	v39 =	vmul.f32 v39, v35;
	v40 =	vld.idx.msk [tilespmem:v18+s17+$0x0], $0xffff;
	v18 =	vand.u32 $0xFFFF0000, v26;
	v26 =	vmul.f32 v17, v22  }
0x46d: {  	v32 =	vmul.f32 v32, v22;
	v41 =	vshll.u32 v20, $0x10;
	v17 =	vld [tilespmem:s2+$0x4B80];
	v42 =	vmul.f32 v18, v35  }
0x46e: {  	v20 =	vand.u32 $0xFFFF0000, v20;
	v43 =	vld.idx.msk [tilespmem:v21+s17+$0x0], $0xffff;
	v26 =	vadd.f32 v39, v26;
	v39 =	vmul.f32 v41, v36  }
0x46f: {  	v20 =	vmul.f32 v20, v36;
	v41 =	vshll.u32 v34, $0x10;
	v18 =	vld [tilespmem:s2+$0x4C00];
	v32 =	vadd.f32 v42, v32  }
0x470: {  	v34 =	vand.u32 $0xFFFF0000, v34;
	v42 =	vld.idx.msk [tilespmem:v25+s17+$0x0], $0xffff;
	v26 =	vadd.f32 v39, v26;
	v39 =	vmul.f32 v41, v38  }
0x471: {  	v23 =	vor.u32 $0x80, v23;
	v34 =	vmul.f32 v34, v38;
	v41 =	vld [tilespmem:s12+$0x0];
	v32 =	vadd.f32 v20, v32  }
0x472: {  	v24 =	vor.u32 $0x80, v24;
	v45 =	vshll.u32 v28, $0x10;
	v44 =	vld [tilespmem:s12+$0x80];
	v26 =	vadd.f32 v39, v26  }
0x473: {  	v28 =	vand.u32 $0xFFFF0000, v28;
	v39 =	vshll.u32 v40, $0x10;
	v20 =	vld [tilespmem:s2+$0x4C80];
	v32 =	vadd.f32 v34, v32  }
0x474: {  	v31 =	vor.u32 $0x80, v31;
	v34 =	vand.u32 $0xFFFF0000, v40;
	v40 =	vmul.f32 v45, v11;
	[tilespmem:v37+s22+$0x0] =	vst.idx.msk $0xffff, v26;
	v26 =	vld.idx.msk [tilespmem:v16+s17+$0x0], $0xffff  }
0x475: {  	v28 =	vmul.f32 v28, v11;
	v45 =	vshll.u32 v43, $0x10;
	v39 =	vmul.f32 v39, v17;
	[tilespmem:v30+s22+$0x0] =	vst.idx.msk $0xffff, v32  }
0x476: {  	v16 =	vmovc v29;
	v30 =	vand.u32 $0xFFFF0000, v43;
	v32 =	vmul.f32 v34, v17;
	v43 =	vld.idx.msk [tilespmem:v23+s17+$0x0], $0xffff;
	v23 =	vor.u32 $0x80, v33  }
0x477: {  	v29 =	vadd.f32 v39, v40;
	v33 =	vmul.f32 v45, v18;
	v34 =	vmul.f32 v30, v18;
	v39 =	vld.idx.msk [tilespmem:v24+s17+$0x0], $0xffff  }
0x478: {  	v40 =	vand.u32 $0xFFFF0000, v42;
	v24 =	vshll.u32 v42, $0x10;
	v28 =	vadd.f32 v32, v28;
	v30 =	vld.idx.msk [tilespmem:v15+s17+$0x0], $0xffff;
	v15 =	vmovc v27  }
0x479: {  	v27 =	vadd.f32 v33, v29;
	v24 =	vmul.f32 v24, v20;
	v29 =	vmul.f32 v40, v20;
	v31 =	vld.idx.msk [tilespmem:v31+s17+$0x0], $0xffff  }
0x47a: {  	v33 =	vand.u32 $0xFFFFFF80, v44;
	v40 =	vshll.u32 v41, $0x7;
	v32 =	vadd.f32 v34, v28;
	v28 =	vld.idx.msk [tilespmem:v19+s17+$0x0], $0xffff  }
0x47b: {  	v33 =	vadd.s32 v40, v33;
	v34 =	vadd.f32 v24, v27;
	v19 =	vand.u32 $0x7F, v44;
	v40 =	vld.idx.msk [tilespmem:v23+s17+$0x0], $0xffff  }
0x47c: {  	v24 =	vadd.s32 $0x1000, v37;
	v29 =	vadd.f32 v29, v32;
	v23 =	vadd.s32 $0x3000, v37;
	v27 =	vld.idx.msk [tilespmem:v14+s17+$0x0], $0xffff  }
0x47d: {  	v37 =	vand.u32 $0xFFFF0000, v43;
	v14 =	vshll.u32 v43, $0x10;
	v32 =	vshll.u32 v39, $0x10  }
0x47e: {  	v39 =	vand.u32 $0xFFFF0000, v39;
	v14 =	vmul.f32 v14, v22;
	v32 =	vmul.f32 v32, v35  }
.Ltmp12:
0x47f: {  	v22 =	vmul.f32 v37, v22;
	v35 =	vmul.f32 v39, v35;
	v41 =	vshll.u32 v31, $0x10;
	(pc) =	sbr.rel @p0 .LBB2_23-.Ltmp12, $4  }
0x480: {  	v31 =	vand.u32 $0xFFFF0000, v31;
	v14 =	vadd.f32 v32, v14;
	v32 =	vmul.f32 v41, v36  }
0x481: {  	v35 =	vadd.f32 v35, v22;
	v31 =	vmul.f32 v31, v36;
	v37 =	vshll.u32 v40, $0x10  }
0x482: {  	v36 =	vand.u32 $0xFFFF0000, v40;
	v14 =	vadd.f32 v32, v14;
	v32 =	vmul.f32 v37, v38  }
0x483: {  	v22 =	vor.u32 v19, v33;
	v31 =	vadd.f32 v31, v35;
	v33 =	vmul.f32 v36, v38  }
0x484: {  	v19 =	vadd.s32 $0x2000, v22;
	_ =	sdelay $0x1  }
0x485: {  	v21 =	vor.u32 $0x80, v21  }
0x486: {  	v14 =	vadd.f32 v32, v14;
	v25 =	vor.u32 $0x80, v25;
	v37 =	vshll.u32 v26, $0x10  }
0x487: {  	v38 =	vshll.u32 v30, $0x10;
	v39 =	vand.u32 $0xFFFF0000, v26;
	[tilespmem:v22+s22+$0x0] =	vst.idx.msk $0xffff, v34;
	v31 =	vadd.f32 v33, v31  }
0x488: {  	v40 =	vand.u32 $0xFFFF0000, v30;
	v32 =	vmul.f32 v37, v5;
	v33 =	vmul.f32 v38, v7;
	[tilespmem:v19+s22+$0x0] =	vst.idx.msk $0xffff, v29  }
0x489: {  	v41 =	vshll.u32 v28, $0x10;
	v43 =	vand.u32 $0xFFFF0000, v28;
	v5 =	vmul.f32 v39, v5;
	v16 =	vld.idx.msk [tilespmem:v16+s17+$0x0], $0xffff  }
0x48a: {  	v42 =	vmul.f32 v40, v7;
	v44 =	vadd.f32 v33, v32;
	v19 =	vmul.f32 v41, v6;
	v15 =	vld.idx.msk [tilespmem:v15+s17+$0x0], $0xffff  }
0x48b: {  	v45 =	vshll.u32 v27, $0x10;
	v47 =	vand.u32 $0xFFFF0000, v27;
	v46 =	vmul.f32 v43, v6  }
0x48c: {  	v48 =	vmul.f32 v45, v8;
	v5 =	vadd.f32 v42, v5;
	v21 =	vld.idx.msk [tilespmem:v21+s17+$0x0], $0xffff;
	v19 =	vadd.f32 v19, v44  }
0x48d: {  	v49 =	vadd.s32 $0x1000, v22;
	v50 =	vadd.f32 v10, v9;
	v51 =	vadd.s32 $0x3000, v22  }
0x48e: {  	v7 =	vmul.f32 v47, v8;
	v5 =	vadd.f32 v46, v5;
	v53 =	vld.idx.msk [tilespmem:v25+s17+$0x0], $0xffff;
	v52 =	vadd.f32 v48, v19  }
0x48f: {  	v54 =	vshll.u32 v16, $0x10;
	v55 =	vshll.u32 v15, $0x10;
	v16 =	vand.u32 $0xFFFF0000, v16  }
0x490: {  	v15 =	vand.u32 $0xFFFF0000, v15;
	v22 =	vmul.f32 v54, v11;
	v25 =	vmul.f32 v55, v17  }
0x491: {  	v56 =	vshll.u32 v21, $0x10;
	v57 =	vmul.f32 v16, v11;
	v15 =	vmul.f32 v15, v17  }
0x492: {  	[tilespmem:v24+s22+$0x0] =	vst.idx.msk $0xffff, v14;
	v58 =	vand.u32 $0xFFFF0000, v21;
	v60 =	vmul.f32 v56, v18;
	v59 =	vadd.f32 v25, v22  }
0x493: {  	[tilespmem:v4+s22+$0x0] =	vst.idx.msk $0xffff, v50;
	v61 =	vshll.u32 v53, $0x10;
	v14 =	vmul.f32 v58, v18;
	v11 =	vadd.f32 v15, v57  }
0x494: {  	[tilespmem:v23+s22+$0x0] =	vst.idx.msk $0xffff, v31;
	v4 =	vand.u32 $0xFFFF0000, v53;
	v63 =	vmul.f32 v61, v20;
	v62 =	vadd.f32 v60, v59  }
0x495: {  	v5 =	vadd.f32 v7, v5;
	v4 =	vmul.f32 v4, v20;
	v11 =	vadd.f32 v14, v11  }
0x496: {  	s29 =	sadd.s32 $0x1, s29;
	[tilespmem:v12+s22+$0x0] =	vst.idx.msk $0xffff, v52;
	v6 =	vadd.f32 v63, v62  }
0x497: {  	p0 =	sne.s32 s29, $0x10;
	[tilespmem:v13+s22+$0x0] =	vst.idx.msk $0xffff, v5;
	v4 =	vadd.f32 v4, v11  }
.Ltmp13:
0x498: {  	s0 =	sshll.u32 s30, $0xA;
	[tilespmem:v49+s22+$0x0] =	vst.idx.msk $0xffff, v6;
	(pc) =	sbr.rel @p0 .LBB2_16-.Ltmp13, $4  }
0x499: {  	s0 =	sadd.s32 s0, s10;
	[tilespmem:v51+s22+$0x0] =	vst.idx.msk $0xffff, v4  }
0x49a: {  	[hbm4b:s0+s4] =	stream.linear.scatter [tilespmem:s22], [sflag:$0x4], $0x2000, $0x38;
	[tilespmem:$0x18E80] =	vst v63  }
0x49b: {  	s0 =	sadd.s32 $0x8000, s0  }
0x49c: {  	[hbm4b:s0+s4] =	stream.linear.scatter [tilespmem:s23], [sflag:$0x4], $0x2000, $0x38;
	[tilespmem:$0x18E80] =	vst v63  }
0x49d: {  	_ =	swait.ge [sflag:s24], $0x2000  }
0x49e: {  	[sflag:s24] =	ssyncset.done $0x0  }
0x49f: {  	[sflag:s24] =	ssyncadd.s32 $0xFFFFE000  }
0x4a0: {  	_ =	swait.ge [sflag:s24], $0x2000  }
0x4a1: {  	[sflag:s24] =	ssyncset.done $0x0  }
0x4a2: {  	s25 =	sadd.s32 $0x1, s25;
	[sflag:s24] =	ssyncadd.s32 $0xFFFFE000  }
0x4a3: {  	p0 =	sne.s32 s25, s11;
	_ =	swait.ge [sflag:s21], $0x2000  }
.Ltmp14:
0x4a4: {  	[sflag:s21] =	ssyncset.done $0x0;
	(pc) =	sbr.rel @p0 .LBB2_1-.Ltmp14, $4  }
0x4a5: {  	[sflag:s21] =	ssyncadd.s32 $0xFFFFE000  }
0x4a6: {  	_ =	swait.ge [sflag:s21], $0x2000  }
0x4a7: {  	[sflag:s21] =	ssyncset.done $0x0  }
0x4a8: {  	[sflag:s21] =	ssyncadd.s32 $0xFFFFE000  }
0x4a9: {  	_ =	sfence.sel $0x180000  }
0x4aa: {  	[bflag:$0x0] =	sbarrier.arrive $0xFFFF  }
0x4ab: {  	_ =	strace $0x90000047  }
0x4ac: {  	s0 =	stileid.u32;
	[bflag:$0x2] =	sbarrier.arrive $0xFFFF  }
0x4ad: {  	p0 =	sne.s32 s0, $0x0;
	s0 =	rddreg [dreg:$0x4]  }
0x4ae: {  	s0 =	sadd.s32 @!p0 $0x100000, s0  }
0x4af: {  	[sflag:s0] =	ssyncadd.tile.s32 @!p0 $0x1;
	_ =	shalt  }
.Lfunc_end2:
_tile_overlayer_lowered:
.L_overlay_start_2:
0x4b0: {  	(tag) =	ssettag $0x2  }
0x4b1: {  	s0 =	rddreg [dreg:$0x0];
	s2 =	stileid.u32  }
0x4b2: {  	s1 =	rddreg [dreg:$0x1];
	p0 =	sne.s32 s2, $0x0  }
0x4b3: {  	s3 =	rddreg [dreg:$0x2];
	[bflag:$0x3] =	sbarrier.arrive $0xFFFF;
	s2 =	simm.s32 @!p0 $0x1C05  }
0x4b4: {  	[timem:s3], [sflag:s2] =	dma.local @!p0 [hbm:s0], s1  }
0x4b5: {  	s0 =	simm.s32 @!p0 $0x5  }
0x4b6: {  	_ =	swait.ge @!p0 [sflag:s0], s1  }
0x4b7: {  	s1 =	ssub.s32 @!p0 $0x0, s1;
	[sflag:s0] =	ssyncset.done @!p0 $0x0  }
0x4b8: {  	[sflag:s0] =	ssyncadd.s32 @!p0 s1  }
0x4b9: {  	[bflag:$0x3] =	sbarrier.arrive $0xFFFF  }
0x4ba: {  	_ =	shalt  }

</sc_bundles>
